<compile_context>
chip_gen: v7x
topology: tpu7x:2x2x1
jax: 0.10.2.dev20260603
libtpu: 0.0.44.dev20260713+nightly
codegen_flags: <defaults>
</compile_context>

<pallas_src>
import jax
import jax.numpy as jnp
from jax import lax
from jax.experimental import pallas as pl
from jax.experimental.pallas import tpu as pltpu
from jax.experimental.pallas import tpu_sc as plsc

_B, _S, _D = 4, 4096, 1024
_NC, _NS = 2, 16
_NW = _NC * _NS
_SW = _S // _NW
_C = 16
_NCI = _SW // _C
_J = _NCI * _B
_NX = 5
_LANES = 16
_DL = _D // _LANES


def _sc_body(x_hbm, p_hbm, o_hbm, *args):
    pbufs, xbufs = args[0:2], args[2:2 + _NX]
    psems, xisems, xosems = args[7:9], args[9:9 + _NX], args[14:14 + _NX]
    wid = lax.axis_index("s") * _NC + lax.axis_index("c")
    s0 = wid * _SW

    def rows(ci):
        return pl.ds(s0 + ci * _C, _C)

    def start_p(ci):
        return pltpu.async_copy(p_hbm.at[rows(ci), :],
                                pbufs[ci % 2], psems[ci % 2])

    def start_in(j):
        ci, b = divmod(j, _B)
        return pltpu.async_copy(x_hbm.at[b, rows(ci), :],
                                xbufs[j % _NX], xisems[j % _NX])

    def start_out(j):
        ci, b = divmod(j, _B)
        return pltpu.async_copy(xbufs[j % _NX],
                                o_hbm.at[b, rows(ci), :],
                                xosems[j % _NX])

    p_d = [None] * _NCI
    in_d = [None] * _J
    out_d = [None] * _J
    out_waited = set()
    p_d[0] = start_p(0)
    for k in range(min(_NX, _J)):
        in_d[k] = start_in(k)

    for j in range(_J):
        ci, b = divmod(j, _B)
        if b == 0:
            if ci + 1 < _NCI:
                p_d[ci + 1] = start_p(ci + 1)
            p_d[ci].wait()
        in_d[j].wait()

        xb, pb = xbufs[j % _NX], pbufs[ci % 2]

        @plsc.parallel_loop(0, _C * _DL, unroll=8)
        def _add(i):
            r = i // _DL
            sl = pl.ds((i % _DL) * _LANES, _LANES)
            plsc.addupdate(xb.at[r, sl], pb[r, sl])

        out_d[j] = start_out(j)
        nj = j + 3
        if _NX <= nj < _J:
            out_d[nj - _NX].wait()
            out_waited.add(nj - _NX)
            in_d[nj] = start_in(nj)

    for j in range(_J):
        if j not in out_waited:
            out_d[j].wait()


def kernel(x, p_embeddings):
    b, s, d = x.shape
    run = pl.kernel(
        _sc_body,
        out_type=jax.ShapeDtypeStruct((b, s, d), x.dtype),
        mesh=plsc.VectorSubcoreMesh(core_axis_name="c", subcore_axis_name="s"),
        scratch_types=(
            [pltpu.VMEM((_C, _D), jnp.float32) for _ in range(2 + _NX)]
            + [pltpu.SemaphoreType.DMA for _ in range(2 + 2 * _NX)]
        ),
    )
    return run(x, p_embeddings)

# --- scband reference (transcript-rebuilt; emitter-appended) ---
"""Pipeline reference for scband-trainable-position-embedding-70188355551512 (READ-ONLY COPY).

The authoritative reference and input builder live on the scoring server;
editing this copy changes nothing except your own understanding.
"""

import jax, jax.numpy as jnp
import numpy as np

MAXLEN = 4096
P_DIM = 1024
B = 4
S = 4096

def setup_inputs(seed: int = 0) -> dict:
    key = jax.random.key(seed)
    kx, kp = jax.random.split(key)
    x = jax.random.normal(kx, (B, S, P_DIM), dtype=jnp.float32)
    p_embeddings = jax.random.normal(kp, (MAXLEN, P_DIM), dtype=jnp.float32) * 0.02
    return {"x": x, "p_embeddings": p_embeddings}

def reference(x, p_embeddings):
    # mode='add', cp=0 (single-tensor input path)
    b = x.shape[0]
    s = x.shape[1]
    pind = jnp.arange(s)
    pind = jnp.expand_dims(pind, 0)
    pind = jnp.tile(pind, (b, 1))
    pind = jnp.abs((pind - 0).astype(jnp.int32))
    pemb = jnp.take(p_embeddings, pind, axis=0)
    return x + pemb

if __name__ == "__main__":
    import jax
    _d = setup_inputs()
    print(jax.jit(kernel)(*tuple(_d.values())))

</pallas_src>

<mosaic_0001>
#map = affine_map<(d0, d1) -> (0, 0, 0)>
#map1 = affine_map<(d0, d1) -> (0, 0)>
module attributes {stable_mosaic.version = 14 : i64} {
  func.func @_sc_body(%arg0: i32, %arg1: i32, %arg2: memref<4x4096x1024xf32, #tpu.memory_space<hbm>>, %arg3: memref<4096x1024xf32, #tpu.memory_space<hbm>>, %arg4: memref<4x4096x1024xf32, #tpu.memory_space<hbm>>, %arg5: memref<16x1024xf32, #tpu.memory_space<vmem>>, %arg6: memref<16x1024xf32, #tpu.memory_space<vmem>>, %arg7: memref<16x1024xf32, #tpu.memory_space<vmem>>, %arg8: memref<16x1024xf32, #tpu.memory_space<vmem>>, %arg9: memref<16x1024xf32, #tpu.memory_space<vmem>>, %arg10: memref<16x1024xf32, #tpu.memory_space<vmem>>, %arg11: memref<16x1024xf32, #tpu.memory_space<vmem>>, %arg12: memref<!tpu.dma_semaphore, #tpu.memory_space<semaphore_mem>>, %arg13: memref<!tpu.dma_semaphore, #tpu.memory_space<semaphore_mem>>, %arg14: memref<!tpu.dma_semaphore, #tpu.memory_space<semaphore_mem>>, %arg15: memref<!tpu.dma_semaphore, #tpu.memory_space<semaphore_mem>>, %arg16: memref<!tpu.dma_semaphore, #tpu.memory_space<semaphore_mem>>, %arg17: memref<!tpu.dma_semaphore, #tpu.memory_space<semaphore_mem>>, %arg18: memref<!tpu.dma_semaphore, #tpu.memory_space<semaphore_mem>>, %arg19: memref<!tpu.dma_semaphore, #tpu.memory_space<semaphore_mem>>, %arg20: memref<!tpu.dma_semaphore, #tpu.memory_space<semaphore_mem>>, %arg21: memref<!tpu.dma_semaphore, #tpu.memory_space<semaphore_mem>>, %arg22: memref<!tpu.dma_semaphore, #tpu.memory_space<semaphore_mem>>, %arg23: memref<!tpu.dma_semaphore, #tpu.memory_space<semaphore_mem>>) attributes {dimension_semantics = [#tpu.dimension_semantics<core_parallel>, #tpu.dimension_semantics<subcore_parallel>], iteration_bounds = array<i64: 2, 16>, scalar_prefetch = 0 : i64, scratch_operands = 19 : i64, tpu.core_type = #tpu.core_type<sc_vector_subcore>, window_params = [{transform_indices = #map}, {transform_indices = #map1}, {transform_indices = #map}]} {
    %mul3A = arith.constant 2 : i32
    %mul3A_0 = arith.muli %arg1, %mul3A : i32
    %add3A = arith.addi %mul3A_0, %arg0 : i32
    %mul3A_1 = arith.constant 128 : i32
    %mul3A_2 = arith.muli %add3A, %mul3A_1 : i32
    %add3A_3 = arith.constant 0 : i32
    %add3A_4 = arith.addi %mul3A_2, %add3A_3 : i32
    %dma_start3A = arith.constant 0 : i32
    %dma_start3A_5 = tpu.memref_slice %arg3[%add3A_4, %dma_start3A] : memref<4096x1024xf32, #tpu.memory_space<hbm>> -> memref<16x1024xf32, #tpu.memory_space<hbm>>
    %dma_start3A_6 = arith.constant 0 : i32
    %dma_start3A_7 = tpu.memref_slice %arg3[%add3A_4, %dma_start3A_6] : memref<4096x1024xf32, #tpu.memory_space<hbm>> -> memref<16x1024xf32, #tpu.memory_space<hbm>>
    tpu.enqueue_dma source(%dma_start3A_7 : memref<16x1024xf32, #tpu.memory_space<hbm>>) target(%arg5 : memref<16x1024xf32, #tpu.memory_space<vmem>>) target_semaphore(%arg12 : memref<!tpu.dma_semaphore, #tpu.memory_space<semaphore_mem>>)
    %add3A_8 = arith.constant 0 : i32
    %add3A_9 = arith.addi %mul3A_2, %add3A_8 : i32
    %dma_start3A_10 = arith.constant 0 : i32
    %dma_start3A_11 = arith.constant 0 : i32
    %dma_start3A_12 = tpu.memref_slice %arg2[%dma_start3A_10, %add3A_9, %dma_start3A_11] : memref<4x4096x1024xf32, #tpu.memory_space<hbm>> -> memref<1x16x1024xf32, #tpu.memory_space<hbm>>
    %dma_start3A_13 = tpu.memref_squeeze %dma_start3A_12 : memref<1x16x1024xf32, #tpu.memory_space<hbm>> -> memref<16x1024xf32, #tpu.memory_space<hbm>>
    %dma_start3A_14 = arith.constant 0 : i32
    %dma_start3A_15 = tpu.memref_slice %arg2[%dma_start3A_10, %add3A_9, %dma_start3A_14] : memref<4x4096x1024xf32, #tpu.memory_space<hbm>> -> memref<1x16x1024xf32, #tpu.memory_space<hbm>>
    %dma_start3A_16 = tpu.memref_squeeze %dma_start3A_15 : memref<1x16x1024xf32, #tpu.memory_space<hbm>> -> memref<16x1024xf32, #tpu.memory_space<hbm>>
    tpu.enqueue_dma source(%dma_start3A_16 : memref<16x1024xf32, #tpu.memory_space<hbm>>) target(%arg7 : memref<16x1024xf32, #tpu.memory_space<vmem>>) target_semaphore(%arg14 : memref<!tpu.dma_semaphore, #tpu.memory_space<semaphore_mem>>)
    %add3A_17 = arith.constant 0 : i32
    %add3A_18 = arith.addi %mul3A_2, %add3A_17 : i32
    %dma_start3A_19 = arith.constant 1 : i32
    %dma_start3A_20 = arith.constant 0 : i32
    %dma_start3A_21 = tpu.memref_slice %arg2[%dma_start3A_19, %add3A_18, %dma_start3A_20] : memref<4x4096x1024xf32, #tpu.memory_space<hbm>> -> memref<1x16x1024xf32, #tpu.memory_space<hbm>>
    %dma_start3A_22 = tpu.memref_squeeze %dma_start3A_21 : memref<1x16x1024xf32, #tpu.memory_space<hbm>> -> memref<16x1024xf32, #tpu.memory_space<hbm>>
    %dma_start3A_23 = arith.constant 0 : i32
    %dma_start3A_24 = tpu.memref_slice %arg2[%dma_start3A_19, %add3A_18, %dma_start3A_23] : memref<4x4096x1024xf32, #tpu.memory_space<hbm>> -> memref<1x16x1024xf32, #tpu.memory_space<hbm>>
    %dma_start3A_25 = tpu.memref_squeeze %dma_start3A_24 : memref<1x16x1024xf32, #tpu.memory_space<hbm>> -> memref<16x1024xf32, #tpu.memory_space<hbm>>
    tpu.enqueue_dma source(%dma_start3A_25 : memref<16x1024xf32, #tpu.memory_space<hbm>>) target(%arg8 : memref<16x1024xf32, #tpu.memory_space<vmem>>) target_semaphore(%arg15 : memref<!tpu.dma_semaphore, #tpu.memory_space<semaphore_mem>>)
    %add3A_26 = arith.constant 0 : i32
    %add3A_27 = arith.addi %mul3A_2, %add3A_26 : i32
    %dma_start3A_28 = arith.constant 2 : i32
    %dma_start3A_29 = arith.constant 0 : i32
    %dma_start3A_30 = tpu.memref_slice %arg2[%dma_start3A_28, %add3A_27, %dma_start3A_29] : memref<4x4096x1024xf32, #tpu.memory_space<hbm>> -> memref<1x16x1024xf32, #tpu.memory_space<hbm>>
    %dma_start3A_31 = tpu.memref_squeeze %dma_start3A_30 : memref<1x16x1024xf32, #tpu.memory_space<hbm>> -> memref<16x1024xf32, #tpu.memory_space<hbm>>
    %dma_start3A_32 = arith.constant 0 : i32
    %dma_start3A_33 = tpu.memref_slice %arg2[%dma_start3A_28, %add3A_27, %dma_start3A_32] : memref<4x4096x1024xf32, #tpu.memory_space<hbm>> -> memref<1x16x1024xf32, #tpu.memory_space<hbm>>
    %dma_start3A_34 = tpu.memref_squeeze %dma_start3A_33 : memref<1x16x1024xf32, #tpu.memory_space<hbm>> -> memref<16x1024xf32, #tpu.memory_space<hbm>>
    tpu.enqueue_dma source(%dma_start3A_34 : memref<16x1024xf32, #tpu.memory_space<hbm>>) target(%arg9 : memref<16x1024xf32, #tpu.memory_space<vmem>>) target_semaphore(%arg16 : memref<!tpu.dma_semaphore, #tpu.memory_space<semaphore_mem>>)
    %add3A_35 = arith.constant 0 : i32
    %add3A_36 = arith.addi %mul3A_2, %add3A_35 : i32
    %dma_start3A_37 = arith.constant 3 : i32
    %dma_start3A_38 = arith.constant 0 : i32
    %dma_start3A_39 = tpu.memref_slice %arg2[%dma_start3A_37, %add3A_36, %dma_start3A_38] : memref<4x4096x1024xf32, #tpu.memory_space<hbm>> -> memref<1x16x1024xf32, #tpu.memory_space<hbm>>
    %dma_start3A_40 = tpu.memref_squeeze %dma_start3A_39 : memref<1x16x1024xf32, #tpu.memory_space<hbm>> -> memref<16x1024xf32, #tpu.memory_space<hbm>>
    %dma_start3A_41 = arith.constant 0 : i32
    %dma_start3A_42 = tpu.memref_slice %arg2[%dma_start3A_37, %add3A_36, %dma_start3A_41] : memref<4x4096x1024xf32, #tpu.memory_space<hbm>> -> memref<1x16x1024xf32, #tpu.memory_space<hbm>>
    %dma_start3A_43 = tpu.memref_squeeze %dma_start3A_42 : memref<1x16x1024xf32, #tpu.memory_space<hbm>> -> memref<16x1024xf32, #tpu.memory_space<hbm>>
    tpu.enqueue_dma source(%dma_start3A_43 : memref<16x1024xf32, #tpu.memory_space<hbm>>) target(%arg10 : memref<16x1024xf32, #tpu.memory_space<vmem>>) target_semaphore(%arg17 : memref<!tpu.dma_semaphore, #tpu.memory_space<semaphore_mem>>)
    %add3A_44 = arith.constant 16 : i32
    %add3A_45 = arith.addi %mul3A_2, %add3A_44 : i32
    %dma_start3A_46 = arith.constant 0 : i32
    %dma_start3A_47 = arith.constant 0 : i32
    %dma_start3A_48 = tpu.memref_slice %arg2[%dma_start3A_46, %add3A_45, %dma_start3A_47] : memref<4x4096x1024xf32, #tpu.memory_space<hbm>> -> memref<1x16x1024xf32, #tpu.memory_space<hbm>>
    %dma_start3A_49 = tpu.memref_squeeze %dma_start3A_48 : memref<1x16x1024xf32, #tpu.memory_space<hbm>> -> memref<16x1024xf32, #tpu.memory_space<hbm>>
    %dma_start3A_50 = arith.constant 0 : i32
    %dma_start3A_51 = tpu.memref_slice %arg2[%dma_start3A_46, %add3A_45, %dma_start3A_50] : memref<4x4096x1024xf32, #tpu.memory_space<hbm>> -> memref<1x16x1024xf32, #tpu.memory_space<hbm>>
    %dma_start3A_52 = tpu.memref_squeeze %dma_start3A_51 : memref<1x16x1024xf32, #tpu.memory_space<hbm>> -> memref<16x1024xf32, #tpu.memory_space<hbm>>
    tpu.enqueue_dma source(%dma_start3A_52 : memref<16x1024xf32, #tpu.memory_space<hbm>>) target(%arg11 : memref<16x1024xf32, #tpu.memory_space<vmem>>) target_semaphore(%arg18 : memref<!tpu.dma_semaphore, #tpu.memory_space<semaphore_mem>>)
    %add3A_53 = arith.constant 16 : i32
    %add3A_54 = arith.addi %mul3A_2, %add3A_53 : i32
    %dma_start3A_55 = arith.constant 0 : i32
    %dma_start3A_56 = tpu.memref_slice %arg3[%add3A_54, %dma_start3A_55] : memref<4096x1024xf32, #tpu.memory_space<hbm>> -> memref<16x1024xf32, #tpu.memory_space<hbm>>
    %dma_start3A_57 = arith.constant 0 : i32
    %dma_start3A_58 = tpu.memref_slice %arg3[%add3A_54, %dma_start3A_57] : memref<4096x1024xf32, #tpu.memory_space<hbm>> -> memref<16x1024xf32, #tpu.memory_space<hbm>>
    tpu.enqueue_dma source(%dma_start3A_58 : memref<16x1024xf32, #tpu.memory_space<hbm>>) target(%arg6 : memref<16x1024xf32, #tpu.memory_space<vmem>>) target_semaphore(%arg13 : memref<!tpu.dma_semaphore, #tpu.memory_space<semaphore_mem>>)
    %dma_wait3A = arith.constant 0 : i32
    %dma_wait3A_59 = tpu.memref_slice %arg3[%add3A_4, %dma_wait3A] : memref<4096x1024xf32, #tpu.memory_space<hbm>> -> memref<16x1024xf32, #tpu.memory_space<hbm>>
    %dma_wait3A_60 = arith.constant 0 : i32
    %dma_wait3A_61 = tpu.memref_slice %arg3[%add3A_4, %dma_wait3A_60] : memref<4096x1024xf32, #tpu.memory_space<hbm>> -> memref<16x1024xf32, #tpu.memory_space<hbm>>
    tpu.wait_dma2 semaphore(%arg12 : memref<!tpu.dma_semaphore, #tpu.memory_space<semaphore_mem>>) src(%dma_wait3A_61 : memref<16x1024xf32, #tpu.memory_space<hbm>>) dst(%arg5 : memref<16x1024xf32, #tpu.memory_space<vmem>>)
    %dma_wait3A_62 = arith.constant 0 : i32
    %dma_wait3A_63 = arith.constant 0 : i32
    %dma_wait3A_64 = tpu.memref_slice %arg2[%dma_wait3A_62, %add3A_9, %dma_wait3A_63] : memref<4x4096x1024xf32, #tpu.memory_space<hbm>> -> memref<1x16x1024xf32, #tpu.memory_space<hbm>>
    %dma_wait3A_65 = tpu.memref_squeeze %dma_wait3A_64 : memref<1x16x1024xf32, #tpu.memory_space<hbm>> -> memref<16x1024xf32, #tpu.memory_space<hbm>>
    %dma_wait3A_66 = arith.constant 0 : i32
    %dma_wait3A_67 = tpu.memref_slice %arg2[%dma_wait3A_62, %add3A_9, %dma_wait3A_66] : memref<4x4096x1024xf32, #tpu.memory_space<hbm>> -> memref<1x16x1024xf32, #tpu.memory_space<hbm>>
    %dma_wait3A_68 = tpu.memref_squeeze %dma_wait3A_67 : memref<1x16x1024xf32, #tpu.memory_space<hbm>> -> memref<16x1024xf32, #tpu.memory_space<hbm>>
    tpu.wait_dma2 semaphore(%arg14 : memref<!tpu.dma_semaphore, #tpu.memory_space<semaphore_mem>>) src(%dma_wait3A_68 : memref<16x1024xf32, #tpu.memory_space<hbm>>) dst(%arg7 : memref<16x1024xf32, #tpu.memory_space<vmem>>)
    %parallel_loop3A = arith.constant 0 : i32
    %parallel_loop3A_69 = arith.constant 1024 : i32
    %parallel_loop3A_70 = arith.constant 1 : i32
    scf.for %parallel_loop3A_1200 = %parallel_loop3A to %parallel_loop3A_69 step %parallel_loop3A_70  : i32 {
      %parallel_loop3A_1201 = arith.constant 64 : i32
      %parallel_loop3A_1202 = arith.divsi %parallel_loop3A_1200, %parallel_loop3A_1201 : i32
      %parallel_loop3A_1203 = arith.constant 0 : i32
      %parallel_loop3A_1204 = arith.cmpi sgt, %parallel_loop3A_1200, %parallel_loop3A_1203 : i32
      %parallel_loop3A_1205 = arith.extui %parallel_loop3A_1204 : i1 to i32
      %parallel_loop3A_1206 = arith.constant 0 : i32
      %parallel_loop3A_1207 = arith.cmpi slt, %parallel_loop3A_1200, %parallel_loop3A_1206 : i32
      %parallel_loop3A_1208 = arith.extui %parallel_loop3A_1207 : i1 to i32
      %parallel_loop3A_1209 = arith.subi %parallel_loop3A_1205, %parallel_loop3A_1208 : i32
      %parallel_loop3A_1210 = arith.constant 0 : i32
      %parallel_loop3A_1211 = arith.cmpi sgt, %parallel_loop3A_1201, %parallel_loop3A_1210 : i32
      %parallel_loop3A_1212 = arith.extui %parallel_loop3A_1211 : i1 to i32
      %parallel_loop3A_1213 = arith.constant 0 : i32
      %parallel_loop3A_1214 = arith.cmpi slt, %parallel_loop3A_1201, %parallel_loop3A_1213 : i32
      %parallel_loop3A_1215 = arith.extui %parallel_loop3A_1214 : i1 to i32
      %parallel_loop3A_1216 = arith.subi %parallel_loop3A_1212, %parallel_loop3A_1215 : i32
      %parallel_loop3A_1217 = arith.cmpi ne, %parallel_loop3A_1209, %parallel_loop3A_1216 : i32
      %parallel_loop3A_1218 = arith.remsi %parallel_loop3A_1200, %parallel_loop3A_1201 : i32
      %parallel_loop3A_1219 = arith.constant 0 : i32
      %parallel_loop3A_1220 = arith.cmpi ne, %parallel_loop3A_1218, %parallel_loop3A_1219 : i32
      %parallel_loop3A_1221 = arith.andi %parallel_loop3A_1217, %parallel_loop3A_1220 : i1
      %parallel_loop3A_1222 = arith.constant 1 : i32
      %parallel_loop3A_1223 = arith.subi %parallel_loop3A_1202, %parallel_loop3A_1222 : i32
      %parallel_loop3A_1224 = arith.select %parallel_loop3A_1221, %parallel_loop3A_1223, %parallel_loop3A_1202 : i32
      %parallel_loop3A_1225 = arith.constant 64 : i32
      %parallel_loop3A_1226 = arith.constant 0 : i32
      %parallel_loop3A_1227 = arith.cmpi eq, %parallel_loop3A_1225, %parallel_loop3A_1226 : i32
      %parallel_loop3A_1228 = arith.constant 1 : i32
      %parallel_loop3A_1229 = arith.select %parallel_loop3A_1227, %parallel_loop3A_1228, %parallel_loop3A_1225 : i32
      %parallel_loop3A_1230 = arith.remsi %parallel_loop3A_1200, %parallel_loop3A_1229 : i32
      %parallel_loop3A_1231 = arith.constant 0 : i32
      %parallel_loop3A_1232 = arith.cmpi ne, %parallel_loop3A_1230, %parallel_loop3A_1231 : i32
      %parallel_loop3A_1233 = arith.constant 0 : i32
      %parallel_loop3A_1234 = arith.cmpi slt, %parallel_loop3A_1230, %parallel_loop3A_1233 : i32
      %parallel_loop3A_1235 = arith.constant 0 : i32
      %parallel_loop3A_1236 = arith.cmpi slt, %parallel_loop3A_1229, %parallel_loop3A_1235 : i32
      %parallel_loop3A_1237 = arith.xori %parallel_loop3A_1234, %parallel_loop3A_1236 : i1
      %parallel_loop3A_1238 = arith.andi %parallel_loop3A_1237, %parallel_loop3A_1232 : i1
      %parallel_loop3A_1239 = arith.addi %parallel_loop3A_1230, %parallel_loop3A_1229 : i32
      %parallel_loop3A_1240 = arith.select %parallel_loop3A_1238, %parallel_loop3A_1239, %parallel_loop3A_1230 : i32
      %parallel_loop3A_1241 = arith.constant 16 : i32
      %parallel_loop3A_1242 = arith.muli %parallel_loop3A_1240, %parallel_loop3A_1241 : i32
      %parallel_loop3A_1243 = arith.index_cast %parallel_loop3A_1224 : i32 to index
      %parallel_loop3A_1244 = arith.index_cast %parallel_loop3A_1242 : i32 to index
      %parallel_loop3A_1245 = tpu.vector_load %arg5[%parallel_loop3A_1243, %parallel_loop3A_1244] {strides = array<i32>} : memref<16x1024xf32, #tpu.memory_space<vmem>>, vector<1x16xf32>,
      %parallel_loop3A_1246 = vector.shape_cast %parallel_loop3A_1245 : vector<1x16xf32> to vector<16xf32>
      %parallel_loop3A_1247 = arith.index_cast %parallel_loop3A_1224 : i32 to index
      %parallel_loop3A_1248 = arith.index_cast %parallel_loop3A_1242 : i32 to index
      %parallel_loop3A_1249 = tpu.vector_load %arg7[%parallel_loop3A_1247, %parallel_loop3A_1248] {strides = array<i32>} : memref<16x1024xf32, #tpu.memory_space<vmem>>, vector<1x16xf32>,
      %parallel_loop3A_1250 = vector.shape_cast %parallel_loop3A_1249 : vector<1x16xf32> to vector<16xf32>
      %parallel_loop3A_1251 = vector.shape_cast %parallel_loop3A_1246 : vector<16xf32> to vector<1x16xf32>
      tpu.vector_store %arg7[%parallel_loop3A_1247, %parallel_loop3A_1248], %parallel_loop3A_1251 {add = true, strides = array<i32>} : memref<16x1024xf32, #tpu.memory_space<vmem>>, vector<1x16xf32>,
    } {sc.loop_unroll_factor = 8 : i64, sc.parallel_access}
    %add3A_71 = arith.constant 0 : i32
    %add3A_72 = arith.addi %mul3A_2, %add3A_71 : i32
    %dma_start3A_73 = arith.constant 0 : i32
    %dma_start3A_74 = arith.constant 0 : i32
    %dma_start3A_75 = tpu.memref_slice %arg4[%dma_start3A_73, %add3A_72, %dma_start3A_74] : memref<4x4096x1024xf32, #tpu.memory_space<hbm>> -> memref<1x16x1024xf32, #tpu.memory_space<hbm>>
    %dma_start3A_76 = tpu.memref_squeeze %dma_start3A_75 : memref<1x16x1024xf32, #tpu.memory_space<hbm>> -> memref<16x1024xf32, #tpu.memory_space<hbm>>
    %dma_start3A_77 = arith.constant 0 : i32
    %dma_start3A_78 = tpu.memref_slice %arg4[%dma_start3A_73, %add3A_72, %dma_start3A_77] : memref<4x4096x1024xf32, #tpu.memory_space<hbm>> -> memref<1x16x1024xf32, #tpu.memory_space<hbm>>
    %dma_start3A_79 = tpu.memref_squeeze %dma_start3A_78 : memref<1x16x1024xf32, #tpu.memory_space<hbm>> -> memref<16x1024xf32, #tpu.memory_space<hbm>>
    tpu.enqueue_dma source(%arg7 : memref<16x1024xf32, #tpu.memory_space<vmem>>) target(%dma_start3A_79 : memref<16x1024xf32, #tpu.memory_space<hbm>>) target_semaphore(%arg19 : memref<!tpu.dma_semaphore, #tpu.memory_space<semaphore_mem>>)
    %dma_wait3A_80 = arith.constant 1 : i32
    %dma_wait3A_81 = arith.constant 0 : i32
    %dma_wait3A_82 = tpu.memref_slice %arg2[%dma_wait3A_80, %add3A_18, %dma_wait3A_81] : memref<4x4096x1024xf32, #tpu.memory_space<hbm>> -> memref<1x16x1024xf32, #tpu.memory_space<hbm>>
    %dma_wait3A_83 = tpu.memref_squeeze %dma_wait3A_82 : memref<1x16x1024xf32, #tpu.memory_space<hbm>> -> memref<16x1024xf32, #tpu.memory_space<hbm>>
    %dma_wait3A_84 = arith.constant 0 : i32
    %dma_wait3A_85 = tpu.memref_slice %arg2[%dma_wait3A_80, %add3A_18, %dma_wait3A_84] : memref<4x4096x1024xf32, #tpu.memory_space<hbm>> -> memref<1x16x1024xf32, #tpu.memory_space<hbm>>
    %dma_wait3A_86 = tpu.memref_squeeze %dma_wait3A_85 : memref<1x16x1024xf32, #tpu.memory_space<hbm>> -> memref<16x1024xf32, #tpu.memory_space<hbm>>
    tpu.wait_dma2 semaphore(%arg15 : memref<!tpu.dma_semaphore, #tpu.memory_space<semaphore_mem>>) src(%dma_wait3A_86 : memref<16x1024xf32, #tpu.memory_space<hbm>>) dst(%arg8 : memref<16x1024xf32, #tpu.memory_space<vmem>>)
    %parallel_loop3A_87 = arith.constant 0 : i32
    %parallel_loop3A_88 = arith.constant 1024 : i32
    %parallel_loop3A_89 = arith.constant 1 : i32
    scf.for %parallel_loop3A_1200 = %parallel_loop3A_87 to %parallel_loop3A_88 step %parallel_loop3A_89  : i32 {
      %parallel_loop3A_1201 = arith.constant 64 : i32
      %parallel_loop3A_1202 = arith.divsi %parallel_loop3A_1200, %parallel_loop3A_1201 : i32
      %parallel_loop3A_1203 = arith.constant 0 : i32
      %parallel_loop3A_1204 = arith.cmpi sgt, %parallel_loop3A_1200, %parallel_loop3A_1203 : i32
      %parallel_loop3A_1205 = arith.extui %parallel_loop3A_1204 : i1 to i32
      %parallel_loop3A_1206 = arith.constant 0 : i32
      %parallel_loop3A_1207 = arith.cmpi slt, %parallel_loop3A_1200, %parallel_loop3A_1206 : i32
      %parallel_loop3A_1208 = arith.extui %parallel_loop3A_1207 : i1 to i32
      %parallel_loop3A_1209 = arith.subi %parallel_loop3A_1205, %parallel_loop3A_1208 : i32
      %parallel_loop3A_1210 = arith.constant 0 : i32
      %parallel_loop3A_1211 = arith.cmpi sgt, %parallel_loop3A_1201, %parallel_loop3A_1210 : i32
      %parallel_loop3A_1212 = arith.extui %parallel_loop3A_1211 : i1 to i32
      %parallel_loop3A_1213 = arith.constant 0 : i32
      %parallel_loop3A_1214 = arith.cmpi slt, %parallel_loop3A_1201, %parallel_loop3A_1213 : i32
      %parallel_loop3A_1215 = arith.extui %parallel_loop3A_1214 : i1 to i32
      %parallel_loop3A_1216 = arith.subi %parallel_loop3A_1212, %parallel_loop3A_1215 : i32
      %parallel_loop3A_1217 = arith.cmpi ne, %parallel_loop3A_1209, %parallel_loop3A_1216 : i32
      %parallel_loop3A_1218 = arith.remsi %parallel_loop3A_1200, %parallel_loop3A_1201 : i32
      %parallel_loop3A_1219 = arith.constant 0 : i32
      %parallel_loop3A_1220 = arith.cmpi ne, %parallel_loop3A_1218, %parallel_loop3A_1219 : i32
      %parallel_loop3A_1221 = arith.andi %parallel_loop3A_1217, %parallel_loop3A_1220 : i1
      %parallel_loop3A_1222 = arith.constant 1 : i32
      %parallel_loop3A_1223 = arith.subi %parallel_loop3A_1202, %parallel_loop3A_1222 : i32
      %parallel_loop3A_1224 = arith.select %parallel_loop3A_1221, %parallel_loop3A_1223, %parallel_loop3A_1202 : i32
      %parallel_loop3A_1225 = arith.constant 64 : i32
      %parallel_loop3A_1226 = arith.constant 0 : i32
      %parallel_loop3A_1227 = arith.cmpi eq, %parallel_loop3A_1225, %parallel_loop3A_1226 : i32
      %parallel_loop3A_1228 = arith.constant 1 : i32
      %parallel_loop3A_1229 = arith.select %parallel_loop3A_1227, %parallel_loop3A_1228, %parallel_loop3A_1225 : i32
      %parallel_loop3A_1230 = arith.remsi %parallel_loop3A_1200, %parallel_loop3A_1229 : i32
      %parallel_loop3A_1231 = arith.constant 0 : i32
      %parallel_loop3A_1232 = arith.cmpi ne, %parallel_loop3A_1230, %parallel_loop3A_1231 : i32
      %parallel_loop3A_1233 = arith.constant 0 : i32
      %parallel_loop3A_1234 = arith.cmpi slt, %parallel_loop3A_1230, %parallel_loop3A_1233 : i32
      %parallel_loop3A_1235 = arith.constant 0 : i32
      %parallel_loop3A_1236 = arith.cmpi slt, %parallel_loop3A_1229, %parallel_loop3A_1235 : i32
      %parallel_loop3A_1237 = arith.xori %parallel_loop3A_1234, %parallel_loop3A_1236 : i1
      %parallel_loop3A_1238 = arith.andi %parallel_loop3A_1237, %parallel_loop3A_1232 : i1
      %parallel_loop3A_1239 = arith.addi %parallel_loop3A_1230, %parallel_loop3A_1229 : i32
      %parallel_loop3A_1240 = arith.select %parallel_loop3A_1238, %parallel_loop3A_1239, %parallel_loop3A_1230 : i32
      %parallel_loop3A_1241 = arith.constant 16 : i32
      %parallel_loop3A_1242 = arith.muli %parallel_loop3A_1240, %parallel_loop3A_1241 : i32
      %parallel_loop3A_1243 = arith.index_cast %parallel_loop3A_1224 : i32 to index
      %parallel_loop3A_1244 = arith.index_cast %parallel_loop3A_1242 : i32 to index
      %parallel_loop3A_1245 = tpu.vector_load %arg5[%parallel_loop3A_1243, %parallel_loop3A_1244] {strides = array<i32>} : memref<16x1024xf32, #tpu.memory_space<vmem>>, vector<1x16xf32>,
      %parallel_loop3A_1246 = vector.shape_cast %parallel_loop3A_1245 : vector<1x16xf32> to vector<16xf32>
      %parallel_loop3A_1247 = arith.index_cast %parallel_loop3A_1224 : i32 to index
      %parallel_loop3A_1248 = arith.index_cast %parallel_loop3A_1242 : i32 to index
      %parallel_loop3A_1249 = tpu.vector_load %arg8[%parallel_loop3A_1247, %parallel_loop3A_1248] {strides = array<i32>} : memref<16x1024xf32, #tpu.memory_space<vmem>>, vector<1x16xf32>,
      %parallel_loop3A_1250 = vector.shape_cast %parallel_loop3A_1249 : vector<1x16xf32> to vector<16xf32>
      %parallel_loop3A_1251 = vector.shape_cast %parallel_loop3A_1246 : vector<16xf32> to vector<1x16xf32>
      tpu.vector_store %arg8[%parallel_loop3A_1247, %parallel_loop3A_1248], %parallel_loop3A_1251 {add = true, strides = array<i32>} : memref<16x1024xf32, #tpu.memory_space<vmem>>, vector<1x16xf32>,
    } {sc.loop_unroll_factor = 8 : i64, sc.parallel_access}
    %add3A_90 = arith.constant 0 : i32
    %add3A_91 = arith.addi %mul3A_2, %add3A_90 : i32
    %dma_start3A_92 = arith.constant 1 : i32
    %dma_start3A_93 = arith.constant 0 : i32
    %dma_start3A_94 = tpu.memref_slice %arg4[%dma_start3A_92, %add3A_91, %dma_start3A_93] : memref<4x4096x1024xf32, #tpu.memory_space<hbm>> -> memref<1x16x1024xf32, #tpu.memory_space<hbm>>
    %dma_start3A_95 = tpu.memref_squeeze %dma_start3A_94 : memref<1x16x1024xf32, #tpu.memory_space<hbm>> -> memref<16x1024xf32, #tpu.memory_space<hbm>>
    %dma_start3A_96 = arith.constant 0 : i32
    %dma_start3A_97 = tpu.memref_slice %arg4[%dma_start3A_92, %add3A_91, %dma_start3A_96] : memref<4x4096x1024xf32, #tpu.memory_space<hbm>> -> memref<1x16x1024xf32, #tpu.memory_space<hbm>>
    %dma_start3A_98 = tpu.memref_squeeze %dma_start3A_97 : memref<1x16x1024xf32, #tpu.memory_space<hbm>> -> memref<16x1024xf32, #tpu.memory_space<hbm>>
    tpu.enqueue_dma source(%arg8 : memref<16x1024xf32, #tpu.memory_space<vmem>>) target(%dma_start3A_98 : memref<16x1024xf32, #tpu.memory_space<hbm>>) target_semaphore(%arg20 : memref<!tpu.dma_semaphore, #tpu.memory_space<semaphore_mem>>)
    %dma_wait3A_99 = arith.constant 2 : i32
    %dma_wait3A_100 = arith.constant 0 : i32
    %dma_wait3A_101 = tpu.memref_slice %arg2[%dma_wait3A_99, %add3A_27, %dma_wait3A_100] : memref<4x4096x1024xf32, #tpu.memory_space<hbm>> -> memref<1x16x1024xf32, #tpu.memory_space<hbm>>
    %dma_wait3A_102 = tpu.memref_squeeze %dma_wait3A_101 : memref<1x16x1024xf32, #tpu.memory_space<hbm>> -> memref<16x1024xf32, #tpu.memory_space<hbm>>
    %dma_wait3A_103 = arith.constant 0 : i32
    %dma_wait3A_104 = tpu.memref_slice %arg2[%dma_wait3A_99, %add3A_27, %dma_wait3A_103] : memref<4x4096x1024xf32, #tpu.memory_space<hbm>> -> memref<1x16x1024xf32, #tpu.memory_space<hbm>>
    %dma_wait3A_105 = tpu.memref_squeeze %dma_wait3A_104 : memref<1x16x1024xf32, #tpu.memory_space<hbm>> -> memref<16x1024xf32, #tpu.memory_space<hbm>>
    tpu.wait_dma2 semaphore(%arg16 : memref<!tpu.dma_semaphore, #tpu.memory_space<semaphore_mem>>) src(%dma_wait3A_105 : memref<16x1024xf32, #tpu.memory_space<hbm>>) dst(%arg9 : memref<16x1024xf32, #tpu.memory_space<vmem>>)
    %parallel_loop3A_106 = arith.constant 0 : i32
    %parallel_loop3A_107 = arith.constant 1024 : i32
    %parallel_loop3A_108 = arith.constant 1 : i32
    scf.for %parallel_loop3A_1200 = %parallel_loop3A_106 to %parallel_loop3A_107 step %parallel_loop3A_108  : i32 {
      %parallel_loop3A_1201 = arith.constant 64 : i32
      %parallel_loop3A_1202 = arith.divsi %parallel_loop3A_1200, %parallel_loop3A_1201 : i32
      %parallel_loop3A_1203 = arith.constant 0 : i32
      %parallel_loop3A_1204 = arith.cmpi sgt, %parallel_loop3A_1200, %parallel_loop3A_1203 : i32
      %parallel_loop3A_1205 = arith.extui %parallel_loop3A_1204 : i1 to i32
      %parallel_loop3A_1206 = arith.constant 0 : i32
      %parallel_loop3A_1207 = arith.cmpi slt, %parallel_loop3A_1200, %parallel_loop3A_1206 : i32
      %parallel_loop3A_1208 = arith.extui %parallel_loop3A_1207 : i1 to i32
      %parallel_loop3A_1209 = arith.subi %parallel_loop3A_1205, %parallel_loop3A_1208 : i32
      %parallel_loop3A_1210 = arith.constant 0 : i32
      %parallel_loop3A_1211 = arith.cmpi sgt, %parallel_loop3A_1201, %parallel_loop3A_1210 : i32
      %parallel_loop3A_1212 = arith.extui %parallel_loop3A_1211 : i1 to i32
      %parallel_loop3A_1213 = arith.constant 0 : i32
      %parallel_loop3A_1214 = arith.cmpi slt, %parallel_loop3A_1201, %parallel_loop3A_1213 : i32
      %parallel_loop3A_1215 = arith.extui %parallel_loop3A_1214 : i1 to i32
      %parallel_loop3A_1216 = arith.subi %parallel_loop3A_1212, %parallel_loop3A_1215 : i32
      %parallel_loop3A_1217 = arith.cmpi ne, %parallel_loop3A_1209, %parallel_loop3A_1216 : i32
      %parallel_loop3A_1218 = arith.remsi %parallel_loop3A_1200, %parallel_loop3A_1201 : i32
      %parallel_loop3A_1219 = arith.constant 0 : i32
      %parallel_loop3A_1220 = arith.cmpi ne, %parallel_loop3A_1218, %parallel_loop3A_1219 : i32
      %parallel_loop3A_1221 = arith.andi %parallel_loop3A_1217, %parallel_loop3A_1220 : i1
      %parallel_loop3A_1222 = arith.constant 1 : i32
      %parallel_loop3A_1223 = arith.subi %parallel_loop3A_1202, %parallel_loop3A_1222 : i32
      %parallel_loop3A_1224 = arith.select %parallel_loop3A_1221, %parallel_loop3A_1223, %parallel_loop3A_1202 : i32
      %parallel_loop3A_1225 = arith.constant 64 : i32
      %parallel_loop3A_1226 = arith.constant 0 : i32
      %parallel_loop3A_1227 = arith.cmpi eq, %parallel_loop3A_1225, %parallel_loop3A_1226 : i32
      %parallel_loop3A_1228 = arith.constant 1 : i32
      %parallel_loop3A_1229 = arith.select %parallel_loop3A_1227, %parallel_loop3A_1228, %parallel_loop3A_1225 : i32
      %parallel_loop3A_1230 = arith.remsi %parallel_loop3A_1200, %parallel_loop3A_1229 : i32
      %parallel_loop3A_1231 = arith.constant 0 : i32
      %parallel_loop3A_1232 = arith.cmpi ne, %parallel_loop3A_1230, %parallel_loop3A_1231 : i32
      %parallel_loop3A_1233 = arith.constant 0 : i32
      %parallel_loop3A_1234 = arith.cmpi slt, %parallel_loop3A_1230, %parallel_loop3A_1233 : i32
      %parallel_loop3A_1235 = arith.constant 0 : i32
      %parallel_loop3A_1236 = arith.cmpi slt, %parallel_loop3A_1229, %parallel_loop3A_1235 : i32
      %parallel_loop3A_1237 = arith.xori %parallel_loop3A_1234, %parallel_loop3A_1236 : i1
      %parallel_loop3A_1238 = arith.andi %parallel_loop3A_1237, %parallel_loop3A_1232 : i1
      %parallel_loop3A_1239 = arith.addi %parallel_loop3A_1230, %parallel_loop3A_1229 : i32
      %parallel_loop3A_1240 = arith.select %parallel_loop3A_1238, %parallel_loop3A_1239, %parallel_loop3A_1230 : i32
      %parallel_loop3A_1241 = arith.constant 16 : i32
      %parallel_loop3A_1242 = arith.muli %parallel_loop3A_1240, %parallel_loop3A_1241 : i32
      %parallel_loop3A_1243 = arith.index_cast %parallel_loop3A_1224 : i32 to index
      %parallel_loop3A_1244 = arith.index_cast %parallel_loop3A_1242 : i32 to index
      %parallel_loop3A_1245 = tpu.vector_load %arg5[%parallel_loop3A_1243, %parallel_loop3A_1244] {strides = array<i32>} : memref<16x1024xf32, #tpu.memory_space<vmem>>, vector<1x16xf32>,
      %parallel_loop3A_1246 = vector.shape_cast %parallel_loop3A_1245 : vector<1x16xf32> to vector<16xf32>
      %parallel_loop3A_1247 = arith.index_cast %parallel_loop3A_1224 : i32 to index
      %parallel_loop3A_1248 = arith.index_cast %parallel_loop3A_1242 : i32 to index
      %parallel_loop3A_1249 = tpu.vector_load %arg9[%parallel_loop3A_1247, %parallel_loop3A_1248] {strides = array<i32>} : memref<16x1024xf32, #tpu.memory_space<vmem>>, vector<1x16xf32>,
      %parallel_loop3A_1250 = vector.shape_cast %parallel_loop3A_1249 : vector<1x16xf32> to vector<16xf32>
      %parallel_loop3A_1251 = vector.shape_cast %parallel_loop3A_1246 : vector<16xf32> to vector<1x16xf32>
      tpu.vector_store %arg9[%parallel_loop3A_1247, %parallel_loop3A_1248], %parallel_loop3A_1251 {add = true, strides = array<i32>} : memref<16x1024xf32, #tpu.memory_space<vmem>>, vector<1x16xf32>,
    } {sc.loop_unroll_factor = 8 : i64, sc.parallel_access}
    %add3A_109 = arith.constant 0 : i32
    %add3A_110 = arith.addi %mul3A_2, %add3A_109 : i32
    %dma_start3A_111 = arith.constant 2 : i32
    %dma_start3A_112 = arith.constant 0 : i32
    %dma_start3A_113 = tpu.memref_slice %arg4[%dma_start3A_111, %add3A_110, %dma_start3A_112] : memref<4x4096x1024xf32, #tpu.memory_space<hbm>> -> memref<1x16x1024xf32, #tpu.memory_space<hbm>>
    %dma_start3A_114 = tpu.memref_squeeze %dma_start3A_113 : memref<1x16x1024xf32, #tpu.memory_space<hbm>> -> memref<16x1024xf32, #tpu.memory_space<hbm>>
    %dma_start3A_115 = arith.constant 0 : i32
    %dma_start3A_116 = tpu.memref_slice %arg4[%dma_start3A_111, %add3A_110, %dma_start3A_115] : memref<4x4096x1024xf32, #tpu.memory_space<hbm>> -> memref<1x16x1024xf32, #tpu.memory_space<hbm>>
    %dma_start3A_117 = tpu.memref_squeeze %dma_start3A_116 : memref<1x16x1024xf32, #tpu.memory_space<hbm>> -> memref<16x1024xf32, #tpu.memory_space<hbm>>
    tpu.enqueue_dma source(%arg9 : memref<16x1024xf32, #tpu.memory_space<vmem>>) target(%dma_start3A_117 : memref<16x1024xf32, #tpu.memory_space<hbm>>) target_semaphore(%arg21 : memref<!tpu.dma_semaphore, #tpu.memory_space<semaphore_mem>>)
    %dma_wait3A_118 = arith.constant 0 : i32
    %dma_wait3A_119 = arith.constant 0 : i32
    %dma_wait3A_120 = tpu.memref_slice %arg4[%dma_wait3A_118, %add3A_72, %dma_wait3A_119] : memref<4x4096x1024xf32, #tpu.memory_space<hbm>> -> memref<1x16x1024xf32, #tpu.memory_space<hbm>>
    %dma_wait3A_121 = tpu.memref_squeeze %dma_wait3A_120 : memref<1x16x1024xf32, #tpu.memory_space<hbm>> -> memref<16x1024xf32, #tpu.memory_space<hbm>>
    %dma_wait3A_122 = arith.constant 0 : i32
    %dma_wait3A_123 = tpu.memref_slice %arg4[%dma_wait3A_118, %add3A_72, %dma_wait3A_122] : memref<4x4096x1024xf32, #tpu.memory_space<hbm>> -> memref<1x16x1024xf32, #tpu.memory_space<hbm>>
    %dma_wait3A_124 = tpu.memref_squeeze %dma_wait3A_123 : memref<1x16x1024xf32, #tpu.memory_space<hbm>> -> memref<16x1024xf32, #tpu.memory_space<hbm>>
    tpu.wait_dma2 semaphore(%arg19 : memref<!tpu.dma_semaphore, #tpu.memory_space<semaphore_mem>>) src(%arg7 : memref<16x1024xf32, #tpu.memory_space<vmem>>) dst(%dma_wait3A_124 : memref<16x1024xf32, #tpu.memory_space<hbm>>)
    %add3A_125 = arith.constant 16 : i32
    %add3A_126 = arith.addi %mul3A_2, %add3A_125 : i32
    %dma_start3A_127 = arith.constant 1 : i32
    %dma_start3A_128 = arith.constant 0 : i32
    %dma_start3A_129 = tpu.memref_slice %arg2[%dma_start3A_127, %add3A_126, %dma_start3A_128] : memref<4x4096x1024xf32, #tpu.memory_space<hbm>> -> memref<1x16x1024xf32, #tpu.memory_space<hbm>>
    %dma_start3A_130 = tpu.memref_squeeze %dma_start3A_129 : memref<1x16x1024xf32, #tpu.memory_space<hbm>> -> memref<16x1024xf32, #tpu.memory_space<hbm>>
    %dma_start3A_131 = arith.constant 0 : i32
    %dma_start3A_132 = tpu.memref_slice %arg2[%dma_start3A_127, %add3A_126, %dma_start3A_131] : memref<4x4096x1024xf32, #tpu.memory_space<hbm>> -> memref<1x16x1024xf32, #tpu.memory_space<hbm>>
    %dma_start3A_133 = tpu.memref_squeeze %dma_start3A_132 : memref<1x16x1024xf32, #tpu.memory_space<hbm>> -> memref<16x1024xf32, #tpu.memory_space<hbm>>
    tpu.enqueue_dma source(%dma_start3A_133 : memref<16x1024xf32, #tpu.memory_space<hbm>>) target(%arg7 : memref<16x1024xf32, #tpu.memory_space<vmem>>) target_semaphore(%arg14 : memref<!tpu.dma_semaphore, #tpu.memory_space<semaphore_mem>>)
    %dma_wait3A_134 = arith.constant 3 : i32
    %dma_wait3A_135 = arith.constant 0 : i32
    %dma_wait3A_136 = tpu.memref_slice %arg2[%dma_wait3A_134, %add3A_36, %dma_wait3A_135] : memref<4x4096x1024xf32, #tpu.memory_space<hbm>> -> memref<1x16x1024xf32, #tpu.memory_space<hbm>>
    %dma_wait3A_137 = tpu.memref_squeeze %dma_wait3A_136 : memref<1x16x1024xf32, #tpu.memory_space<hbm>> -> memref<16x1024xf32, #tpu.memory_space<hbm>>
    %dma_wait3A_138 = arith.constant 0 : i32
    %dma_wait3A_139 = tpu.memref_slice %arg2[%dma_wait3A_134, %add3A_36, %dma_wait3A_138] : memref<4x4096x1024xf32, #tpu.memory_space<hbm>> -> memref<1x16x1024xf32, #tpu.memory_space<hbm>>
    %dma_wait3A_140 = tpu.memref_squeeze %dma_wait3A_139 : memref<1x16x1024xf32, #tpu.memory_space<hbm>> -> memref<16x1024xf32, #tpu.memory_space<hbm>>
    tpu.wait_dma2 semaphore(%arg17 : memref<!tpu.dma_semaphore, #tpu.memory_space<semaphore_mem>>) src(%dma_wait3A_140 : memref<16x1024xf32, #tpu.memory_space<hbm>>) dst(%arg10 : memref<16x1024xf32, #tpu.memory_space<vmem>>)
    %parallel_loop3A_141 = arith.constant 0 : i32
    %parallel_loop3A_142 = arith.constant 1024 : i32
    %parallel_loop3A_143 = arith.constant 1 : i32
    scf.for %parallel_loop3A_1200 = %parallel_loop3A_141 to %parallel_loop3A_142 step %parallel_loop3A_143  : i32 {
      %parallel_loop3A_1201 = arith.constant 64 : i32
      %parallel_loop3A_1202 = arith.divsi %parallel_loop3A_1200, %parallel_loop3A_1201 : i32
      %parallel_loop3A_1203 = arith.constant 0 : i32
      %parallel_loop3A_1204 = arith.cmpi sgt, %parallel_loop3A_1200, %parallel_loop3A_1203 : i32
      %parallel_loop3A_1205 = arith.extui %parallel_loop3A_1204 : i1 to i32
      %parallel_loop3A_1206 = arith.constant 0 : i32
      %parallel_loop3A_1207 = arith.cmpi slt, %parallel_loop3A_1200, %parallel_loop3A_1206 : i32
      %parallel_loop3A_1208 = arith.extui %parallel_loop3A_1207 : i1 to i32
      %parallel_loop3A_1209 = arith.subi %parallel_loop3A_1205, %parallel_loop3A_1208 : i32
      %parallel_loop3A_1210 = arith.constant 0 : i32
      %parallel_loop3A_1211 = arith.cmpi sgt, %parallel_loop3A_1201, %parallel_loop3A_1210 : i32
      %parallel_loop3A_1212 = arith.extui %parallel_loop3A_1211 : i1 to i32
      %parallel_loop3A_1213 = arith.constant 0 : i32
      %parallel_loop3A_1214 = arith.cmpi slt, %parallel_loop3A_1201, %parallel_loop3A_1213 : i32
      %parallel_loop3A_1215 = arith.extui %parallel_loop3A_1214 : i1 to i32
      %parallel_loop3A_1216 = arith.subi %parallel_loop3A_1212, %parallel_loop3A_1215 : i32
      %parallel_loop3A_1217 = arith.cmpi ne, %parallel_loop3A_1209, %parallel_loop3A_1216 : i32
      %parallel_loop3A_1218 = arith.remsi %parallel_loop3A_1200, %parallel_loop3A_1201 : i32
      %parallel_loop3A_1219 = arith.constant 0 : i32
      %parallel_loop3A_1220 = arith.cmpi ne, %parallel_loop3A_1218, %parallel_loop3A_1219 : i32
      %parallel_loop3A_1221 = arith.andi %parallel_loop3A_1217, %parallel_loop3A_1220 : i1
      %parallel_loop3A_1222 = arith.constant 1 : i32
      %parallel_loop3A_1223 = arith.subi %parallel_loop3A_1202, %parallel_loop3A_1222 : i32
      %parallel_loop3A_1224 = arith.select %parallel_loop3A_1221, %parallel_loop3A_1223, %parallel_loop3A_1202 : i32
      %parallel_loop3A_1225 = arith.constant 64 : i32
      %parallel_loop3A_1226 = arith.constant 0 : i32
      %parallel_loop3A_1227 = arith.cmpi eq, %parallel_loop3A_1225, %parallel_loop3A_1226 : i32
      %parallel_loop3A_1228 = arith.constant 1 : i32
      %parallel_loop3A_1229 = arith.select %parallel_loop3A_1227, %parallel_loop3A_1228, %parallel_loop3A_1225 : i32
      %parallel_loop3A_1230 = arith.remsi %parallel_loop3A_1200, %parallel_loop3A_1229 : i32
      %parallel_loop3A_1231 = arith.constant 0 : i32
      %parallel_loop3A_1232 = arith.cmpi ne, %parallel_loop3A_1230, %parallel_loop3A_1231 : i32
      %parallel_loop3A_1233 = arith.constant 0 : i32
      %parallel_loop3A_1234 = arith.cmpi slt, %parallel_loop3A_1230, %parallel_loop3A_1233 : i32
      %parallel_loop3A_1235 = arith.constant 0 : i32
      %parallel_loop3A_1236 = arith.cmpi slt, %parallel_loop3A_1229, %parallel_loop3A_1235 : i32
      %parallel_loop3A_1237 = arith.xori %parallel_loop3A_1234, %parallel_loop3A_1236 : i1
      %parallel_loop3A_1238 = arith.andi %parallel_loop3A_1237, %parallel_loop3A_1232 : i1
      %parallel_loop3A_1239 = arith.addi %parallel_loop3A_1230, %parallel_loop3A_1229 : i32
      %parallel_loop3A_1240 = arith.select %parallel_loop3A_1238, %parallel_loop3A_1239, %parallel_loop3A_1230 : i32
      %parallel_loop3A_1241 = arith.constant 16 : i32
      %parallel_loop3A_1242 = arith.muli %parallel_loop3A_1240, %parallel_loop3A_1241 : i32
      %parallel_loop3A_1243 = arith.index_cast %parallel_loop3A_1224 : i32 to index
      %parallel_loop3A_1244 = arith.index_cast %parallel_loop3A_1242 : i32 to index
      %parallel_loop3A_1245 = tpu.vector_load %arg5[%parallel_loop3A_1243, %parallel_loop3A_1244] {strides = array<i32>} : memref<16x1024xf32, #tpu.memory_space<vmem>>, vector<1x16xf32>,
      %parallel_loop3A_1246 = vector.shape_cast %parallel_loop3A_1245 : vector<1x16xf32> to vector<16xf32>
      %parallel_loop3A_1247 = arith.index_cast %parallel_loop3A_1224 : i32 to index
      %parallel_loop3A_1248 = arith.index_cast %parallel_loop3A_1242 : i32 to index
      %parallel_loop3A_1249 = tpu.vector_load %arg10[%parallel_loop3A_1247, %parallel_loop3A_1248] {strides = array<i32>} : memref<16x1024xf32, #tpu.memory_space<vmem>>, vector<1x16xf32>,
      %parallel_loop3A_1250 = vector.shape_cast %parallel_loop3A_1249 : vector<1x16xf32> to vector<16xf32>
      %parallel_loop3A_1251 = vector.shape_cast %parallel_loop3A_1246 : vector<16xf32> to vector<1x16xf32>
      tpu.vector_store %arg10[%parallel_loop3A_1247, %parallel_loop3A_1248], %parallel_loop3A_1251 {add = true, strides = array<i32>} : memref<16x1024xf32, #tpu.memory_space<vmem>>, vector<1x16xf32>,
    } {sc.loop_unroll_factor = 8 : i64, sc.parallel_access}
    %add3A_144 = arith.constant 0 : i32
    %add3A_145 = arith.addi %mul3A_2, %add3A_144 : i32
    %dma_start3A_146 = arith.constant 3 : i32
    %dma_start3A_147 = arith.constant 0 : i32
    %dma_start3A_148 = tpu.memref_slice %arg4[%dma_start3A_146, %add3A_145, %dma_start3A_147] : memref<4x4096x1024xf32, #tpu.memory_space<hbm>> -> memref<1x16x1024xf32, #tpu.memory_space<hbm>>
    %dma_start3A_149 = tpu.memref_squeeze %dma_start3A_148 : memref<1x16x1024xf32, #tpu.memory_space<hbm>> -> memref<16x1024xf32, #tpu.memory_space<hbm>>
    %dma_start3A_150 = arith.constant 0 : i32
    %dma_start3A_151 = tpu.memref_slice %arg4[%dma_start3A_146, %add3A_145, %dma_start3A_150] : memref<4x4096x1024xf32, #tpu.memory_space<hbm>> -> memref<1x16x1024xf32, #tpu.memory_space<hbm>>
    %dma_start3A_152 = tpu.memref_squeeze %dma_start3A_151 : memref<1x16x1024xf32, #tpu.memory_space<hbm>> -> memref<16x1024xf32, #tpu.memory_space<hbm>>
    tpu.enqueue_dma source(%arg10 : memref<16x1024xf32, #tpu.memory_space<vmem>>) target(%dma_start3A_152 : memref<16x1024xf32, #tpu.memory_space<hbm>>) target_semaphore(%arg22 : memref<!tpu.dma_semaphore, #tpu.memory_space<semaphore_mem>>)
    %dma_wait3A_153 = arith.constant 1 : i32
    %dma_wait3A_154 = arith.constant 0 : i32
    %dma_wait3A_155 = tpu.memref_slice %arg4[%dma_wait3A_153, %add3A_91, %dma_wait3A_154] : memref<4x4096x1024xf32, #tpu.memory_space<hbm>> -> memref<1x16x1024xf32, #tpu.memory_space<hbm>>
    %dma_wait3A_156 = tpu.memref_squeeze %dma_wait3A_155 : memref<1x16x1024xf32, #tpu.memory_space<hbm>> -> memref<16x1024xf32, #tpu.memory_space<hbm>>
    %dma_wait3A_157 = arith.constant 0 : i32
    %dma_wait3A_158 = tpu.memref_slice %arg4[%dma_wait3A_153, %add3A_91, %dma_wait3A_157] : memref<4x4096x1024xf32, #tpu.memory_space<hbm>> -> memref<1x16x1024xf32, #tpu.memory_space<hbm>>
    %dma_wait3A_159 = tpu.memref_squeeze %dma_wait3A_158 : memref<1x16x1024xf32, #tpu.memory_space<hbm>> -> memref<16x1024xf32, #tpu.memory_space<hbm>>
    tpu.wait_dma2 semaphore(%arg20 : memref<!tpu.dma_semaphore, #tpu.memory_space<semaphore_mem>>) src(%arg8 : memref<16x1024xf32, #tpu.memory_space<vmem>>) dst(%dma_wait3A_159 : memref<16x1024xf32, #tpu.memory_space<hbm>>)
    %add3A_160 = arith.constant 16 : i32
    %add3A_161 = arith.addi %mul3A_2, %add3A_160 : i32
    %dma_start3A_162 = arith.constant 2 : i32
    %dma_start3A_163 = arith.constant 0 : i32
    %dma_start3A_164 = tpu.memref_slice %arg2[%dma_start3A_162, %add3A_161, %dma_start3A_163] : memref<4x4096x1024xf32, #tpu.memory_space<hbm>> -> memref<1x16x1024xf32, #tpu.memory_space<hbm>>
    %dma_start3A_165 = tpu.memref_squeeze %dma_start3A_164 : memref<1x16x1024xf32, #tpu.memory_space<hbm>> -> memref<16x1024xf32, #tpu.memory_space<hbm>>
    %dma_start3A_166 = arith.constant 0 : i32
    %dma_start3A_167 = tpu.memref_slice %arg2[%dma_start3A_162, %add3A_161, %dma_start3A_166] : memref<4x4096x1024xf32, #tpu.memory_space<hbm>> -> memref<1x16x1024xf32, #tpu.memory_space<hbm>>
    %dma_start3A_168 = tpu.memref_squeeze %dma_start3A_167 : memref<1x16x1024xf32, #tpu.memory_space<hbm>> -> memref<16x1024xf32, #tpu.memory_space<hbm>>
    tpu.enqueue_dma source(%dma_start3A_168 : memref<16x1024xf32, #tpu.memory_space<hbm>>) target(%arg8 : memref<16x1024xf32, #tpu.memory_space<vmem>>) target_semaphore(%arg15 : memref<!tpu.dma_semaphore, #tpu.memory_space<semaphore_mem>>)
    %add3A_169 = arith.constant 32 : i32
    %add3A_170 = arith.addi %mul3A_2, %add3A_169 : i32
    %dma_start3A_171 = arith.constant 0 : i32
    %dma_start3A_172 = tpu.memref_slice %arg3[%add3A_170, %dma_start3A_171] : memref<4096x1024xf32, #tpu.memory_space<hbm>> -> memref<16x1024xf32, #tpu.memory_space<hbm>>
    %dma_start3A_173 = arith.constant 0 : i32
    %dma_start3A_174 = tpu.memref_slice %arg3[%add3A_170, %dma_start3A_173] : memref<4096x1024xf32, #tpu.memory_space<hbm>> -> memref<16x1024xf32, #tpu.memory_space<hbm>>
    tpu.enqueue_dma source(%dma_start3A_174 : memref<16x1024xf32, #tpu.memory_space<hbm>>) target(%arg5 : memref<16x1024xf32, #tpu.memory_space<vmem>>) target_semaphore(%arg12 : memref<!tpu.dma_semaphore, #tpu.memory_space<semaphore_mem>>)
    %dma_wait3A_175 = arith.constant 0 : i32
    %dma_wait3A_176 = tpu.memref_slice %arg3[%add3A_54, %dma_wait3A_175] : memref<4096x1024xf32, #tpu.memory_space<hbm>> -> memref<16x1024xf32, #tpu.memory_space<hbm>>
    %dma_wait3A_177 = arith.constant 0 : i32
    %dma_wait3A_178 = tpu.memref_slice %arg3[%add3A_54, %dma_wait3A_177] : memref<4096x1024xf32, #tpu.memory_space<hbm>> -> memref<16x1024xf32, #tpu.memory_space<hbm>>
    tpu.wait_dma2 semaphore(%arg13 : memref<!tpu.dma_semaphore, #tpu.memory_space<semaphore_mem>>) src(%dma_wait3A_178 : memref<16x1024xf32, #tpu.memory_space<hbm>>) dst(%arg6 : memref<16x1024xf32, #tpu.memory_space<vmem>>)
    %dma_wait3A_179 = arith.constant 0 : i32
    %dma_wait3A_180 = arith.constant 0 : i32
    %dma_wait3A_181 = tpu.memref_slice %arg2[%dma_wait3A_179, %add3A_45, %dma_wait3A_180] : memref<4x4096x1024xf32, #tpu.memory_space<hbm>> -> memref<1x16x1024xf32, #tpu.memory_space<hbm>>
    %dma_wait3A_182 = tpu.memref_squeeze %dma_wait3A_181 : memref<1x16x1024xf32, #tpu.memory_space<hbm>> -> memref<16x1024xf32, #tpu.memory_space<hbm>>
    %dma_wait3A_183 = arith.constant 0 : i32
    %dma_wait3A_184 = tpu.memref_slice %arg2[%dma_wait3A_179, %add3A_45, %dma_wait3A_183] : memref<4x4096x1024xf32, #tpu.memory_space<hbm>> -> memref<1x16x1024xf32, #tpu.memory_space<hbm>>
    %dma_wait3A_185 = tpu.memref_squeeze %dma_wait3A_184 : memref<1x16x1024xf32, #tpu.memory_space<hbm>> -> memref<16x1024xf32, #tpu.memory_space<hbm>>
    tpu.wait_dma2 semaphore(%arg18 : memref<!tpu.dma_semaphore, #tpu.memory_space<semaphore_mem>>) src(%dma_wait3A_185 : memref<16x1024xf32, #tpu.memory_space<hbm>>) dst(%arg11 : memref<16x1024xf32, #tpu.memory_space<vmem>>)
    %parallel_loop3A_186 = arith.constant 0 : i32
    %parallel_loop3A_187 = arith.constant 1024 : i32
    %parallel_loop3A_188 = arith.constant 1 : i32
    scf.for %parallel_loop3A_1200 = %parallel_loop3A_186 to %parallel_loop3A_187 step %parallel_loop3A_188  : i32 {
      %parallel_loop3A_1201 = arith.constant 64 : i32
      %parallel_loop3A_1202 = arith.divsi %parallel_loop3A_1200, %parallel_loop3A_1201 : i32
      %parallel_loop3A_1203 = arith.constant 0 : i32
      %parallel_loop3A_1204 = arith.cmpi sgt, %parallel_loop3A_1200, %parallel_loop3A_1203 : i32
      %parallel_loop3A_1205 = arith.extui %parallel_loop3A_1204 : i1 to i32
      %parallel_loop3A_1206 = arith.constant 0 : i32
      %parallel_loop3A_1207 = arith.cmpi slt, %parallel_loop3A_1200, %parallel_loop3A_1206 : i32
      %parallel_loop3A_1208 = arith.extui %parallel_loop3A_1207 : i1 to i32
      %parallel_loop3A_1209 = arith.subi %parallel_loop3A_1205, %parallel_loop3A_1208 : i32
      %parallel_loop3A_1210 = arith.constant 0 : i32
      %parallel_loop3A_1211 = arith.cmpi sgt, %parallel_loop3A_1201, %parallel_loop3A_1210 : i32
      %parallel_loop3A_1212 = arith.extui %parallel_loop3A_1211 : i1 to i32
      %parallel_loop3A_1213 = arith.constant 0 : i32
      %parallel_loop3A_1214 = arith.cmpi slt, %parallel_loop3A_1201, %parallel_loop3A_1213 : i32
      %parallel_loop3A_1215 = arith.extui %parallel_loop3A_1214 : i1 to i32
      %parallel_loop3A_1216 = arith.subi %parallel_loop3A_1212, %parallel_loop3A_1215 : i32
      %parallel_loop3A_1217 = arith.cmpi ne, %parallel_loop3A_1209, %parallel_loop3A_1216 : i32
      %parallel_loop3A_1218 = arith.remsi %parallel_loop3A_1200, %parallel_loop3A_1201 : i32
      %parallel_loop3A_1219 = arith.constant 0 : i32
      %parallel_loop3A_1220 = arith.cmpi ne, %parallel_loop3A_1218, %parallel_loop3A_1219 : i32
      %parallel_loop3A_1221 = arith.andi %parallel_loop3A_1217, %parallel_loop3A_1220 : i1
      %parallel_loop3A_1222 = arith.constant 1 : i32
      %parallel_loop3A_1223 = arith.subi %parallel_loop3A_1202, %parallel_loop3A_1222 : i32
      %parallel_loop3A_1224 = arith.select %parallel_loop3A_1221, %parallel_loop3A_1223, %parallel_loop3A_1202 : i32
      %parallel_loop3A_1225 = arith.constant 64 : i32
      %parallel_loop3A_1226 = arith.constant 0 : i32
      %parallel_loop3A_1227 = arith.cmpi eq, %parallel_loop3A_1225, %parallel_loop3A_1226 : i32
      %parallel_loop3A_1228 = arith.constant 1 : i32
      %parallel_loop3A_1229 = arith.select %parallel_loop3A_1227, %parallel_loop3A_1228, %parallel_loop3A_1225 : i32
      %parallel_loop3A_1230 = arith.remsi %parallel_loop3A_1200, %parallel_loop3A_1229 : i32
      %parallel_loop3A_1231 = arith.constant 0 : i32
      %parallel_loop3A_1232 = arith.cmpi ne, %parallel_loop3A_1230, %parallel_loop3A_1231 : i32
      %parallel_loop3A_1233 = arith.constant 0 : i32
      %parallel_loop3A_1234 = arith.cmpi slt, %parallel_loop3A_1230, %parallel_loop3A_1233 : i32
      %parallel_loop3A_1235 = arith.constant 0 : i32
      %parallel_loop3A_1236 = arith.cmpi slt, %parallel_loop3A_1229, %parallel_loop3A_1235 : i32
      %parallel_loop3A_1237 = arith.xori %parallel_loop3A_1234, %parallel_loop3A_1236 : i1
      %parallel_loop3A_1238 = arith.andi %parallel_loop3A_1237, %parallel_loop3A_1232 : i1
      %parallel_loop3A_1239 = arith.addi %parallel_loop3A_1230, %parallel_loop3A_1229 : i32
      %parallel_loop3A_1240 = arith.select %parallel_loop3A_1238, %parallel_loop3A_1239, %parallel_loop3A_1230 : i32
      %parallel_loop3A_1241 = arith.constant 16 : i32
      %parallel_loop3A_1242 = arith.muli %parallel_loop3A_1240, %parallel_loop3A_1241 : i32
      %parallel_loop3A_1243 = arith.index_cast %parallel_loop3A_1224 : i32 to index
      %parallel_loop3A_1244 = arith.index_cast %parallel_loop3A_1242 : i32 to index
      %parallel_loop3A_1245 = tpu.vector_load %arg6[%parallel_loop3A_1243, %parallel_loop3A_1244] {strides = array<i32>} : memref<16x1024xf32, #tpu.memory_space<vmem>>, vector<1x16xf32>,
      %parallel_loop3A_1246 = vector.shape_cast %parallel_loop3A_1245 : vector<1x16xf32> to vector<16xf32>
      %parallel_loop3A_1247 = arith.index_cast %parallel_loop3A_1224 : i32 to index
      %parallel_loop3A_1248 = arith.index_cast %parallel_loop3A_1242 : i32 to index
      %parallel_loop3A_1249 = tpu.vector_load %arg11[%parallel_loop3A_1247, %parallel_loop3A_1248] {strides = array<i32>} : memref<16x1024xf32, #tpu.memory_space<vmem>>, vector<1x16xf32>,
      %parallel_loop3A_1250 = vector.shape_cast %parallel_loop3A_1249 : vector<1x16xf32> to vector<16xf32>
      %parallel_loop3A_1251 = vector.shape_cast %parallel_loop3A_1246 : vector<16xf32> to vector<1x16xf32>
      tpu.vector_store %arg11[%parallel_loop3A_1247, %parallel_loop3A_1248], %parallel_loop3A_1251 {add = true, strides = array<i32>} : memref<16x1024xf32, #tpu.memory_space<vmem>>, vector<1x16xf32>,
    } {sc.loop_unroll_factor = 8 : i64, sc.parallel_access}
    %add3A_189 = arith.constant 16 : i32
    %add3A_190 = arith.addi %mul3A_2, %add3A_189 : i32
    %dma_start3A_191 = arith.constant 0 : i32
    %dma_start3A_192 = arith.constant 0 : i32
    %dma_start3A_193 = tpu.memref_slice %arg4[%dma_start3A_191, %add3A_190, %dma_start3A_192] : memref<4x4096x1024xf32, #tpu.memory_space<hbm>> -> memref<1x16x1024xf32, #tpu.memory_space<hbm>>
    %dma_start3A_194 = tpu.memref_squeeze %dma_start3A_193 : memref<1x16x1024xf32, #tpu.memory_space<hbm>> -> memref<16x1024xf32, #tpu.memory_space<hbm>>
    %dma_start3A_195 = arith.constant 0 : i32
    %dma_start3A_196 = tpu.memref_slice %arg4[%dma_start3A_191, %add3A_190, %dma_start3A_195] : memref<4x4096x1024xf32, #tpu.memory_space<hbm>> -> memref<1x16x1024xf32, #tpu.memory_space<hbm>>
    %dma_start3A_197 = tpu.memref_squeeze %dma_start3A_196 : memref<1x16x1024xf32, #tpu.memory_space<hbm>> -> memref<16x1024xf32, #tpu.memory_space<hbm>>
    tpu.enqueue_dma source(%arg11 : memref<16x1024xf32, #tpu.memory_space<vmem>>) target(%dma_start3A_197 : memref<16x1024xf32, #tpu.memory_space<hbm>>) target_semaphore(%arg23 : memref<!tpu.dma_semaphore, #tpu.memory_space<semaphore_mem>>)
    %dma_wait3A_198 = arith.constant 2 : i32
    %dma_wait3A_199 = arith.constant 0 : i32
    %dma_wait3A_200 = tpu.memref_slice %arg4[%dma_wait3A_198, %add3A_110, %dma_wait3A_199] : memref<4x4096x1024xf32, #tpu.memory_space<hbm>> -> memref<1x16x1024xf32, #tpu.memory_space<hbm>>
    %dma_wait3A_201 = tpu.memref_squeeze %dma_wait3A_200 : memref<1x16x1024xf32, #tpu.memory_space<hbm>> -> memref<16x1024xf32, #tpu.memory_space<hbm>>
    %dma_wait3A_202 = arith.constant 0 : i32
    %dma_wait3A_203 = tpu.memref_slice %arg4[%dma_wait3A_198, %add3A_110, %dma_wait3A_202] : memref<4x4096x1024xf32, #tpu.memory_space<hbm>> -> memref<1x16x1024xf32, #tpu.memory_space<hbm>>
    %dma_wait3A_204 = tpu.memref_squeeze %dma_wait3A_203 : memref<1x16x1024xf32, #tpu.memory_space<hbm>> -> memref<16x1024xf32, #tpu.memory_space<hbm>>
    tpu.wait_dma2 semaphore(%arg21 : memref<!tpu.dma_semaphore, #tpu.memory_space<semaphore_mem>>) src(%arg9 : memref<16x1024xf32, #tpu.memory_space<vmem>>) dst(%dma_wait3A_204 : memref<16x1024xf32, #tpu.memory_space<hbm>>)
    %add3A_205 = arith.constant 16 : i32
    %add3A_206 = arith.addi %mul3A_2, %add3A_205 : i32
    %dma_start3A_207 = arith.constant 3 : i32
    %dma_start3A_208 = arith.constant 0 : i32
    %dma_start3A_209 = tpu.memref_slice %arg2[%dma_start3A_207, %add3A_206, %dma_start3A_208] : memref<4x4096x1024xf32, #tpu.memory_space<hbm>> -> memref<1x16x1024xf32, #tpu.memory_space<hbm>>
    %dma_start3A_210 = tpu.memref_squeeze %dma_start3A_209 : memref<1x16x1024xf32, #tpu.memory_space<hbm>> -> memref<16x1024xf32, #tpu.memory_space<hbm>>
    %dma_start3A_211 = arith.constant 0 : i32
    %dma_start3A_212 = tpu.memref_slice %arg2[%dma_start3A_207, %add3A_206, %dma_start3A_211] : memref<4x4096x1024xf32, #tpu.memory_space<hbm>> -> memref<1x16x1024xf32, #tpu.memory_space<hbm>>
    %dma_start3A_213 = tpu.memref_squeeze %dma_start3A_212 : memref<1x16x1024xf32, #tpu.memory_space<hbm>> -> memref<16x1024xf32, #tpu.memory_space<hbm>>
    tpu.enqueue_dma source(%dma_start3A_213 : memref<16x1024xf32, #tpu.memory_space<hbm>>) target(%arg9 : memref<16x1024xf32, #tpu.memory_space<vmem>>) target_semaphore(%arg16 : memref<!tpu.dma_semaphore, #tpu.memory_space<semaphore_mem>>)
    %dma_wait3A_214 = arith.constant 1 : i32
    %dma_wait3A_215 = arith.constant 0 : i32
    %dma_wait3A_216 = tpu.memref_slice %arg2[%dma_wait3A_214, %add3A_126, %dma_wait3A_215] : memref<4x4096x1024xf32, #tpu.memory_space<hbm>> -> memref<1x16x1024xf32, #tpu.memory_space<hbm>>
    %dma_wait3A_217 = tpu.memref_squeeze %dma_wait3A_216 : memref<1x16x1024xf32, #tpu.memory_space<hbm>> -> memref<16x1024xf32, #tpu.memory_space<hbm>>
    %dma_wait3A_218 = arith.constant 0 : i32
    %dma_wait3A_219 = tpu.memref_slice %arg2[%dma_wait3A_214, %add3A_126, %dma_wait3A_218] : memref<4x4096x1024xf32, #tpu.memory_space<hbm>> -> memref<1x16x1024xf32, #tpu.memory_space<hbm>>
    %dma_wait3A_220 = tpu.memref_squeeze %dma_wait3A_219 : memref<1x16x1024xf32, #tpu.memory_space<hbm>> -> memref<16x1024xf32, #tpu.memory_space<hbm>>
    tpu.wait_dma2 semaphore(%arg14 : memref<!tpu.dma_semaphore, #tpu.memory_space<semaphore_mem>>) src(%dma_wait3A_220 : memref<16x1024xf32, #tpu.memory_space<hbm>>) dst(%arg7 : memref<16x1024xf32, #tpu.memory_space<vmem>>)
    %parallel_loop3A_221 = arith.constant 0 : i32
    %parallel_loop3A_222 = arith.constant 1024 : i32
    %parallel_loop3A_223 = arith.constant 1 : i32
    scf.for %parallel_loop3A_1200 = %parallel_loop3A_221 to %parallel_loop3A_222 step %parallel_loop3A_223  : i32 {
      %parallel_loop3A_1201 = arith.constant 64 : i32
      %parallel_loop3A_1202 = arith.divsi %parallel_loop3A_1200, %parallel_loop3A_1201 : i32
      %parallel_loop3A_1203 = arith.constant 0 : i32
      %parallel_loop3A_1204 = arith.cmpi sgt, %parallel_loop3A_1200, %parallel_loop3A_1203 : i32
      %parallel_loop3A_1205 = arith.extui %parallel_loop3A_1204 : i1 to i32
      %parallel_loop3A_1206 = arith.constant 0 : i32
      %parallel_loop3A_1207 = arith.cmpi slt, %parallel_loop3A_1200, %parallel_loop3A_1206 : i32
      %parallel_loop3A_1208 = arith.extui %parallel_loop3A_1207 : i1 to i32
      %parallel_loop3A_1209 = arith.subi %parallel_loop3A_1205, %parallel_loop3A_1208 : i32
      %parallel_loop3A_1210 = arith.constant 0 : i32
      %parallel_loop3A_1211 = arith.cmpi sgt, %parallel_loop3A_1201, %parallel_loop3A_1210 : i32
      %parallel_loop3A_1212 = arith.extui %parallel_loop3A_1211 : i1 to i32
      %parallel_loop3A_1213 = arith.constant 0 : i32
      %parallel_loop3A_1214 = arith.cmpi slt, %parallel_loop3A_1201, %parallel_loop3A_1213 : i32
      %parallel_loop3A_1215 = arith.extui %parallel_loop3A_1214 : i1 to i32
      %parallel_loop3A_1216 = arith.subi %parallel_loop3A_1212, %parallel_loop3A_1215 : i32
      %parallel_loop3A_1217 = arith.cmpi ne, %parallel_loop3A_1209, %parallel_loop3A_1216 : i32
      %parallel_loop3A_1218 = arith.remsi %parallel_loop3A_1200, %parallel_loop3A_1201 : i32
      %parallel_loop3A_1219 = arith.constant 0 : i32
      %parallel_loop3A_1220 = arith.cmpi ne, %parallel_loop3A_1218, %parallel_loop3A_1219 : i32
      %parallel_loop3A_1221 = arith.andi %parallel_loop3A_1217, %parallel_loop3A_1220 : i1
      %parallel_loop3A_1222 = arith.constant 1 : i32
      %parallel_loop3A_1223 = arith.subi %parallel_loop3A_1202, %parallel_loop3A_1222 : i32
      %parallel_loop3A_1224 = arith.select %parallel_loop3A_1221, %parallel_loop3A_1223, %parallel_loop3A_1202 : i32
      %parallel_loop3A_1225 = arith.constant 64 : i32
      %parallel_loop3A_1226 = arith.constant 0 : i32
      %parallel_loop3A_1227 = arith.cmpi eq, %parallel_loop3A_1225, %parallel_loop3A_1226 : i32
      %parallel_loop3A_1228 = arith.constant 1 : i32
      %parallel_loop3A_1229 = arith.select %parallel_loop3A_1227, %parallel_loop3A_1228, %parallel_loop3A_1225 : i32
      %parallel_loop3A_1230 = arith.remsi %parallel_loop3A_1200, %parallel_loop3A_1229 : i32
      %parallel_loop3A_1231 = arith.constant 0 : i32
      %parallel_loop3A_1232 = arith.cmpi ne, %parallel_loop3A_1230, %parallel_loop3A_1231 : i32
      %parallel_loop3A_1233 = arith.constant 0 : i32
      %parallel_loop3A_1234 = arith.cmpi slt, %parallel_loop3A_1230, %parallel_loop3A_1233 : i32
      %parallel_loop3A_1235 = arith.constant 0 : i32
      %parallel_loop3A_1236 = arith.cmpi slt, %parallel_loop3A_1229, %parallel_loop3A_1235 : i32
      %parallel_loop3A_1237 = arith.xori %parallel_loop3A_1234, %parallel_loop3A_1236 : i1
      %parallel_loop3A_1238 = arith.andi %parallel_loop3A_1237, %parallel_loop3A_1232 : i1
      %parallel_loop3A_1239 = arith.addi %parallel_loop3A_1230, %parallel_loop3A_1229 : i32
      %parallel_loop3A_1240 = arith.select %parallel_loop3A_1238, %parallel_loop3A_1239, %parallel_loop3A_1230 : i32
      %parallel_loop3A_1241 = arith.constant 16 : i32
      %parallel_loop3A_1242 = arith.muli %parallel_loop3A_1240, %parallel_loop3A_1241 : i32
      %parallel_loop3A_1243 = arith.index_cast %parallel_loop3A_1224 : i32 to index
      %parallel_loop3A_1244 = arith.index_cast %parallel_loop3A_1242 : i32 to index
      %parallel_loop3A_1245 = tpu.vector_load %arg6[%parallel_loop3A_1243, %parallel_loop3A_1244] {strides = array<i32>} : memref<16x1024xf32, #tpu.memory_space<vmem>>, vector<1x16xf32>,
      %parallel_loop3A_1246 = vector.shape_cast %parallel_loop3A_1245 : vector<1x16xf32> to vector<16xf32>
      %parallel_loop3A_1247 = arith.index_cast %parallel_loop3A_1224 : i32 to index
      %parallel_loop3A_1248 = arith.index_cast %parallel_loop3A_1242 : i32 to index
      %parallel_loop3A_1249 = tpu.vector_load %arg7[%parallel_loop3A_1247, %parallel_loop3A_1248] {strides = array<i32>} : memref<16x1024xf32, #tpu.memory_space<vmem>>, vector<1x16xf32>,
      %parallel_loop3A_1250 = vector.shape_cast %parallel_loop3A_1249 : vector<1x16xf32> to vector<16xf32>
      %parallel_loop3A_1251 = vector.shape_cast %parallel_loop3A_1246 : vector<16xf32> to vector<1x16xf32>
      tpu.vector_store %arg7[%parallel_loop3A_1247, %parallel_loop3A_1248], %parallel_loop3A_1251 {add = true, strides = array<i32>} : memref<16x1024xf32, #tpu.memory_space<vmem>>, vector<1x16xf32>,
    } {sc.loop_unroll_factor = 8 : i64, sc.parallel_access}
    %add3A_224 = arith.constant 16 : i32
    %add3A_225 = arith.addi %mul3A_2, %add3A_224 : i32
    %dma_start3A_226 = arith.constant 1 : i32
    %dma_start3A_227 = arith.constant 0 : i32
    %dma_start3A_228 = tpu.memref_slice %arg4[%dma_start3A_226, %add3A_225, %dma_start3A_227] : memref<4x4096x1024xf32, #tpu.memory_space<hbm>> -> memref<1x16x1024xf32, #tpu.memory_space<hbm>>
    %dma_start3A_229 = tpu.memref_squeeze %dma_start3A_228 : memref<1x16x1024xf32, #tpu.memory_space<hbm>> -> memref<16x1024xf32, #tpu.memory_space<hbm>>
    %dma_start3A_230 = arith.constant 0 : i32
    %dma_start3A_231 = tpu.memref_slice %arg4[%dma_start3A_226, %add3A_225, %dma_start3A_230] : memref<4x4096x1024xf32, #tpu.memory_space<hbm>> -> memref<1x16x1024xf32, #tpu.memory_space<hbm>>
    %dma_start3A_232 = tpu.memref_squeeze %dma_start3A_231 : memref<1x16x1024xf32, #tpu.memory_space<hbm>> -> memref<16x1024xf32, #tpu.memory_space<hbm>>
    tpu.enqueue_dma source(%arg7 : memref<16x1024xf32, #tpu.memory_space<vmem>>) target(%dma_start3A_232 : memref<16x1024xf32, #tpu.memory_space<hbm>>) target_semaphore(%arg19 : memref<!tpu.dma_semaphore, #tpu.memory_space<semaphore_mem>>)
    %dma_wait3A_233 = arith.constant 3 : i32
    %dma_wait3A_234 = arith.constant 0 : i32
    %dma_wait3A_235 = tpu.memref_slice %arg4[%dma_wait3A_233, %add3A_145, %dma_wait3A_234] : memref<4x4096x1024xf32, #tpu.memory_space<hbm>> -> memref<1x16x1024xf32, #tpu.memory_space<hbm>>
    %dma_wait3A_236 = tpu.memref_squeeze %dma_wait3A_235 : memref<1x16x1024xf32, #tpu.memory_space<hbm>> -> memref<16x1024xf32, #tpu.memory_space<hbm>>
    %dma_wait3A_237 = arith.constant 0 : i32
    %dma_wait3A_238 = tpu.memref_slice %arg4[%dma_wait3A_233, %add3A_145, %dma_wait3A_237] : memref<4x4096x1024xf32, #tpu.memory_space<hbm>> -> memref<1x16x1024xf32, #tpu.memory_space<hbm>>
    %dma_wait3A_239 = tpu.memref_squeeze %dma_wait3A_238 : memref<1x16x1024xf32, #tpu.memory_space<hbm>> -> memref<16x1024xf32, #tpu.memory_space<hbm>>
    tpu.wait_dma2 semaphore(%arg22 : memref<!tpu.dma_semaphore, #tpu.memory_space<semaphore_mem>>) src(%arg10 : memref<16x1024xf32, #tpu.memory_space<vmem>>) dst(%dma_wait3A_239 : memref<16x1024xf32, #tpu.memory_space<hbm>>)
    %add3A_240 = arith.constant 32 : i32
    %add3A_241 = arith.addi %mul3A_2, %add3A_240 : i32
    %dma_start3A_242 = arith.constant 0 : i32
    %dma_start3A_243 = arith.constant 0 : i32
    %dma_start3A_244 = tpu.memref_slice %arg2[%dma_start3A_242, %add3A_241, %dma_start3A_243] : memref<4x4096x1024xf32, #tpu.memory_space<hbm>> -> memref<1x16x1024xf32, #tpu.memory_space<hbm>>
    %dma_start3A_245 = tpu.memref_squeeze %dma_start3A_244 : memref<1x16x1024xf32, #tpu.memory_space<hbm>> -> memref<16x1024xf32, #tpu.memory_space<hbm>>
    %dma_start3A_246 = arith.constant 0 : i32
    %dma_start3A_247 = tpu.memref_slice %arg2[%dma_start3A_242, %add3A_241, %dma_start3A_246] : memref<4x4096x1024xf32, #tpu.memory_space<hbm>> -> memref<1x16x1024xf32, #tpu.memory_space<hbm>>
    %dma_start3A_248 = tpu.memref_squeeze %dma_start3A_247 : memref<1x16x1024xf32, #tpu.memory_space<hbm>> -> memref<16x1024xf32, #tpu.memory_space<hbm>>
    tpu.enqueue_dma source(%dma_start3A_248 : memref<16x1024xf32, #tpu.memory_space<hbm>>) target(%arg10 : memref<16x1024xf32, #tpu.memory_space<vmem>>) target_semaphore(%arg17 : memref<!tpu.dma_semaphore, #tpu.memory_space<semaphore_mem>>)
    %dma_wait3A_249 = arith.constant 2 : i32
    %dma_wait3A_250 = arith.constant 0 : i32
    %dma_wait3A_251 = tpu.memref_slice %arg2[%dma_wait3A_249, %add3A_161, %dma_wait3A_250] : memref<4x4096x1024xf32, #tpu.memory_space<hbm>> -> memref<1x16x1024xf32, #tpu.memory_space<hbm>>
    %dma_wait3A_252 = tpu.memref_squeeze %dma_wait3A_251 : memref<1x16x1024xf32, #tpu.memory_space<hbm>> -> memref<16x1024xf32, #tpu.memory_space<hbm>>
    %dma_wait3A_253 = arith.constant 0 : i32
    %dma_wait3A_254 = tpu.memref_slice %arg2[%dma_wait3A_249, %add3A_161, %dma_wait3A_253] : memref<4x4096x1024xf32, #tpu.memory_space<hbm>> -> memref<1x16x1024xf32, #tpu.memory_space<hbm>>
    %dma_wait3A_255 = tpu.memref_squeeze %dma_wait3A_254 : memref<1x16x1024xf32, #tpu.memory_space<hbm>> -> memref<16x1024xf32, #tpu.memory_space<hbm>>
    tpu.wait_dma2 semaphore(%arg15 : memref<!tpu.dma_semaphore, #tpu.memory_space<semaphore_mem>>) src(%dma_wait3A_255 : memref<16x1024xf32, #tpu.memory_space<hbm>>) dst(%arg8 : memref<16x1024xf32, #tpu.memory_space<vmem>>)
    %parallel_loop3A_256 = arith.constant 0 : i32
    %parallel_loop3A_257 = arith.constant 1024 : i32
    %parallel_loop3A_258 = arith.constant 1 : i32
    scf.for %parallel_loop3A_1200 = %parallel_loop3A_256 to %parallel_loop3A_257 step %parallel_loop3A_258  : i32 {
      %parallel_loop3A_1201 = arith.constant 64 : i32
      %parallel_loop3A_1202 = arith.divsi %parallel_loop3A_1200, %parallel_loop3A_1201 : i32
      %parallel_loop3A_1203 = arith.constant 0 : i32
      %parallel_loop3A_1204 = arith.cmpi sgt, %parallel_loop3A_1200, %parallel_loop3A_1203 : i32
      %parallel_loop3A_1205 = arith.extui %parallel_loop3A_1204 : i1 to i32
      %parallel_loop3A_1206 = arith.constant 0 : i32
      %parallel_loop3A_1207 = arith.cmpi slt, %parallel_loop3A_1200, %parallel_loop3A_1206 : i32
      %parallel_loop3A_1208 = arith.extui %parallel_loop3A_1207 : i1 to i32
      %parallel_loop3A_1209 = arith.subi %parallel_loop3A_1205, %parallel_loop3A_1208 : i32
      %parallel_loop3A_1210 = arith.constant 0 : i32
      %parallel_loop3A_1211 = arith.cmpi sgt, %parallel_loop3A_1201, %parallel_loop3A_1210 : i32
      %parallel_loop3A_1212 = arith.extui %parallel_loop3A_1211 : i1 to i32
      %parallel_loop3A_1213 = arith.constant 0 : i32
      %parallel_loop3A_1214 = arith.cmpi slt, %parallel_loop3A_1201, %parallel_loop3A_1213 : i32
      %parallel_loop3A_1215 = arith.extui %parallel_loop3A_1214 : i1 to i32
      %parallel_loop3A_1216 = arith.subi %parallel_loop3A_1212, %parallel_loop3A_1215 : i32
      %parallel_loop3A_1217 = arith.cmpi ne, %parallel_loop3A_1209, %parallel_loop3A_1216 : i32
      %parallel_loop3A_1218 = arith.remsi %parallel_loop3A_1200, %parallel_loop3A_1201 : i32
      %parallel_loop3A_1219 = arith.constant 0 : i32
      %parallel_loop3A_1220 = arith.cmpi ne, %parallel_loop3A_1218, %parallel_loop3A_1219 : i32
      %parallel_loop3A_1221 = arith.andi %parallel_loop3A_1217, %parallel_loop3A_1220 : i1
      %parallel_loop3A_1222 = arith.constant 1 : i32
      %parallel_loop3A_1223 = arith.subi %parallel_loop3A_1202, %parallel_loop3A_1222 : i32
      %parallel_loop3A_1224 = arith.select %parallel_loop3A_1221, %parallel_loop3A_1223, %parallel_loop3A_1202 : i32
      %parallel_loop3A_1225 = arith.constant 64 : i32
      %parallel_loop3A_1226 = arith.constant 0 : i32
      %parallel_loop3A_1227 = arith.cmpi eq, %parallel_loop3A_1225, %parallel_loop3A_1226 : i32
      %parallel_loop3A_1228 = arith.constant 1 : i32
      %parallel_loop3A_1229 = arith.select %parallel_loop3A_1227, %parallel_loop3A_1228, %parallel_loop3A_1225 : i32
      %parallel_loop3A_1230 = arith.remsi %parallel_loop3A_1200, %parallel_loop3A_1229 : i32
      %parallel_loop3A_1231 = arith.constant 0 : i32
      %parallel_loop3A_1232 = arith.cmpi ne, %parallel_loop3A_1230, %parallel_loop3A_1231 : i32
      %parallel_loop3A_1233 = arith.constant 0 : i32
      %parallel_loop3A_1234 = arith.cmpi slt, %parallel_loop3A_1230, %parallel_loop3A_1233 : i32
      %parallel_loop3A_1235 = arith.constant 0 : i32
      %parallel_loop3A_1236 = arith.cmpi slt, %parallel_loop3A_1229, %parallel_loop3A_1235 : i32
      %parallel_loop3A_1237 = arith.xori %parallel_loop3A_1234, %parallel_loop3A_1236 : i1
      %parallel_loop3A_1238 = arith.andi %parallel_loop3A_1237, %parallel_loop3A_1232 : i1
      %parallel_loop3A_1239 = arith.addi %parallel_loop3A_1230, %parallel_loop3A_1229 : i32
      %parallel_loop3A_1240 = arith.select %parallel_loop3A_1238, %parallel_loop3A_1239, %parallel_loop3A_1230 : i32
      %parallel_loop3A_1241 = arith.constant 16 : i32
      %parallel_loop3A_1242 = arith.muli %parallel_loop3A_1240, %parallel_loop3A_1241 : i32
      %parallel_loop3A_1243 = arith.index_cast %parallel_loop3A_1224 : i32 to index
      %parallel_loop3A_1244 = arith.index_cast %parallel_loop3A_1242 : i32 to index
      %parallel_loop3A_1245 = tpu.vector_load %arg6[%parallel_loop3A_1243, %parallel_loop3A_1244] {strides = array<i32>} : memref<16x1024xf32, #tpu.memory_space<vmem>>, vector<1x16xf32>,
      %parallel_loop3A_1246 = vector.shape_cast %parallel_loop3A_1245 : vector<1x16xf32> to vector<16xf32>
      %parallel_loop3A_1247 = arith.index_cast %parallel_loop3A_1224 : i32 to index
      %parallel_loop3A_1248 = arith.index_cast %parallel_loop3A_1242 : i32 to index
      %parallel_loop3A_1249 = tpu.vector_load %arg8[%parallel_loop3A_1247, %parallel_loop3A_1248] {strides = array<i32>} : memref<16x1024xf32, #tpu.memory_space<vmem>>, vector<1x16xf32>,
      %parallel_loop3A_1250 = vector.shape_cast %parallel_loop3A_1249 : vector<1x16xf32> to vector<16xf32>
      %parallel_loop3A_1251 = vector.shape_cast %parallel_loop3A_1246 : vector<16xf32> to vector<1x16xf32>
      tpu.vector_store %arg8[%parallel_loop3A_1247, %parallel_loop3A_1248], %parallel_loop3A_1251 {add = true, strides = array<i32>} : memref<16x1024xf32, #tpu.memory_space<vmem>>, vector<1x16xf32>,
    } {sc.loop_unroll_factor = 8 : i64, sc.parallel_access}
    %add3A_259 = arith.constant 16 : i32
    %add3A_260 = arith.addi %mul3A_2, %add3A_259 : i32
    %dma_start3A_261 = arith.constant 2 : i32
    %dma_start3A_262 = arith.constant 0 : i32
    %dma_start3A_263 = tpu.memref_slice %arg4[%dma_start3A_261, %add3A_260, %dma_start3A_262] : memref<4x4096x1024xf32, #tpu.memory_space<hbm>> -> memref<1x16x1024xf32, #tpu.memory_space<hbm>>
    %dma_start3A_264 = tpu.memref_squeeze %dma_start3A_263 : memref<1x16x1024xf32, #tpu.memory_space<hbm>> -> memref<16x1024xf32, #tpu.memory_space<hbm>>
    %dma_start3A_265 = arith.constant 0 : i32
    %dma_start3A_266 = tpu.memref_slice %arg4[%dma_start3A_261, %add3A_260, %dma_start3A_265] : memref<4x4096x1024xf32, #tpu.memory_space<hbm>> -> memref<1x16x1024xf32, #tpu.memory_space<hbm>>
    %dma_start3A_267 = tpu.memref_squeeze %dma_start3A_266 : memref<1x16x1024xf32, #tpu.memory_space<hbm>> -> memref<16x1024xf32, #tpu.memory_space<hbm>>
    tpu.enqueue_dma source(%arg8 : memref<16x1024xf32, #tpu.memory_space<vmem>>) target(%dma_start3A_267 : memref<16x1024xf32, #tpu.memory_space<hbm>>) target_semaphore(%arg20 : memref<!tpu.dma_semaphore, #tpu.memory_space<semaphore_mem>>)
    %dma_wait3A_268 = arith.constant 0 : i32
    %dma_wait3A_269 = arith.constant 0 : i32
    %dma_wait3A_270 = tpu.memref_slice %arg4[%dma_wait3A_268, %add3A_190, %dma_wait3A_269] : memref<4x4096x1024xf32, #tpu.memory_space<hbm>> -> memref<1x16x1024xf32, #tpu.memory_space<hbm>>
    %dma_wait3A_271 = tpu.memref_squeeze %dma_wait3A_270 : memref<1x16x1024xf32, #tpu.memory_space<hbm>> -> memref<16x1024xf32, #tpu.memory_space<hbm>>
    %dma_wait3A_272 = arith.constant 0 : i32
    %dma_wait3A_273 = tpu.memref_slice %arg4[%dma_wait3A_268, %add3A_190, %dma_wait3A_272] : memref<4x4096x1024xf32, #tpu.memory_space<hbm>> -> memref<1x16x1024xf32, #tpu.memory_space<hbm>>
    %dma_wait3A_274 = tpu.memref_squeeze %dma_wait3A_273 : memref<1x16x1024xf32, #tpu.memory_space<hbm>> -> memref<16x1024xf32, #tpu.memory_space<hbm>>
    tpu.wait_dma2 semaphore(%arg23 : memref<!tpu.dma_semaphore, #tpu.memory_space<semaphore_mem>>) src(%arg11 : memref<16x1024xf32, #tpu.memory_space<vmem>>) dst(%dma_wait3A_274 : memref<16x1024xf32, #tpu.memory_space<hbm>>)
    %add3A_275 = arith.constant 32 : i32
    %add3A_276 = arith.addi %mul3A_2, %add3A_275 : i32
    %dma_start3A_277 = arith.constant 1 : i32
    %dma_start3A_278 = arith.constant 0 : i32
    %dma_start3A_279 = tpu.memref_slice %arg2[%dma_start3A_277, %add3A_276, %dma_start3A_278] : memref<4x4096x1024xf32, #tpu.memory_space<hbm>> -> memref<1x16x1024xf32, #tpu.memory_space<hbm>>
    %dma_start3A_280 = tpu.memref_squeeze %dma_start3A_279 : memref<1x16x1024xf32, #tpu.memory_space<hbm>> -> memref<16x1024xf32, #tpu.memory_space<hbm>>
    %dma_start3A_281 = arith.constant 0 : i32
    %dma_start3A_282 = tpu.memref_slice %arg2[%dma_start3A_277, %add3A_276, %dma_start3A_281] : memref<4x4096x1024xf32, #tpu.memory_space<hbm>> -> memref<1x16x1024xf32, #tpu.memory_space<hbm>>
    %dma_start3A_283 = tpu.memref_squeeze %dma_start3A_282 : memref<1x16x1024xf32, #tpu.memory_space<hbm>> -> memref<16x1024xf32, #tpu.memory_space<hbm>>
    tpu.enqueue_dma source(%dma_start3A_283 : memref<16x1024xf32, #tpu.memory_space<hbm>>) target(%arg11 : memref<16x1024xf32, #tpu.memory_space<vmem>>) target_semaphore(%arg18 : memref<!tpu.dma_semaphore, #tpu.memory_space<semaphore_mem>>)
    %dma_wait3A_284 = arith.constant 3 : i32
    %dma_wait3A_285 = arith.constant 0 : i32
    %dma_wait3A_286 = tpu.memref_slice %arg2[%dma_wait3A_284, %add3A_206, %dma_wait3A_285] : memref<4x4096x1024xf32, #tpu.memory_space<hbm>> -> memref<1x16x1024xf32, #tpu.memory_space<hbm>>
    %dma_wait3A_287 = tpu.memref_squeeze %dma_wait3A_286 : memref<1x16x1024xf32, #tpu.memory_space<hbm>> -> memref<16x1024xf32, #tpu.memory_space<hbm>>
    %dma_wait3A_288 = arith.constant 0 : i32
    %dma_wait3A_289 = tpu.memref_slice %arg2[%dma_wait3A_284, %add3A_206, %dma_wait3A_288] : memref<4x4096x1024xf32, #tpu.memory_space<hbm>> -> memref<1x16x1024xf32, #tpu.memory_space<hbm>>
    %dma_wait3A_290 = tpu.memref_squeeze %dma_wait3A_289 : memref<1x16x1024xf32, #tpu.memory_space<hbm>> -> memref<16x1024xf32, #tpu.memory_space<hbm>>
    tpu.wait_dma2 semaphore(%arg16 : memref<!tpu.dma_semaphore, #tpu.memory_space<semaphore_mem>>) src(%dma_wait3A_290 : memref<16x1024xf32, #tpu.memory_space<hbm>>) dst(%arg9 : memref<16x1024xf32, #tpu.memory_space<vmem>>)
    %parallel_loop3A_291 = arith.constant 0 : i32
    %parallel_loop3A_292 = arith.constant 1024 : i32
    %parallel_loop3A_293 = arith.constant 1 : i32
    scf.for %parallel_loop3A_1200 = %parallel_loop3A_291 to %parallel_loop3A_292 step %parallel_loop3A_293  : i32 {
      %parallel_loop3A_1201 = arith.constant 64 : i32
      %parallel_loop3A_1202 = arith.divsi %parallel_loop3A_1200, %parallel_loop3A_1201 : i32
      %parallel_loop3A_1203 = arith.constant 0 : i32
      %parallel_loop3A_1204 = arith.cmpi sgt, %parallel_loop3A_1200, %parallel_loop3A_1203 : i32
      %parallel_loop3A_1205 = arith.extui %parallel_loop3A_1204 : i1 to i32
      %parallel_loop3A_1206 = arith.constant 0 : i32
      %parallel_loop3A_1207 = arith.cmpi slt, %parallel_loop3A_1200, %parallel_loop3A_1206 : i32
      %parallel_loop3A_1208 = arith.extui %parallel_loop3A_1207 : i1 to i32
      %parallel_loop3A_1209 = arith.subi %parallel_loop3A_1205, %parallel_loop3A_1208 : i32
      %parallel_loop3A_1210 = arith.constant 0 : i32
      %parallel_loop3A_1211 = arith.cmpi sgt, %parallel_loop3A_1201, %parallel_loop3A_1210 : i32
      %parallel_loop3A_1212 = arith.extui %parallel_loop3A_1211 : i1 to i32
      %parallel_loop3A_1213 = arith.constant 0 : i32
      %parallel_loop3A_1214 = arith.cmpi slt, %parallel_loop3A_1201, %parallel_loop3A_1213 : i32
      %parallel_loop3A_1215 = arith.extui %parallel_loop3A_1214 : i1 to i32
      %parallel_loop3A_1216 = arith.subi %parallel_loop3A_1212, %parallel_loop3A_1215 : i32
      %parallel_loop3A_1217 = arith.cmpi ne, %parallel_loop3A_1209, %parallel_loop3A_1216 : i32
      %parallel_loop3A_1218 = arith.remsi %parallel_loop3A_1200, %parallel_loop3A_1201 : i32
      %parallel_loop3A_1219 = arith.constant 0 : i32
      %parallel_loop3A_1220 = arith.cmpi ne, %parallel_loop3A_1218, %parallel_loop3A_1219 : i32
      %parallel_loop3A_1221 = arith.andi %parallel_loop3A_1217, %parallel_loop3A_1220 : i1
      %parallel_loop3A_1222 = arith.constant 1 : i32
      %parallel_loop3A_1223 = arith.subi %parallel_loop3A_1202, %parallel_loop3A_1222 : i32
      %parallel_loop3A_1224 = arith.select %parallel_loop3A_1221, %parallel_loop3A_1223, %parallel_loop3A_1202 : i32
      %parallel_loop3A_1225 = arith.constant 64 : i32
      %parallel_loop3A_1226 = arith.constant 0 : i32
      %parallel_loop3A_1227 = arith.cmpi eq, %parallel_loop3A_1225, %parallel_loop3A_1226 : i32
      %parallel_loop3A_1228 = arith.constant 1 : i32
      %parallel_loop3A_1229 = arith.select %parallel_loop3A_1227, %parallel_loop3A_1228, %parallel_loop3A_1225 : i32
      %parallel_loop3A_1230 = arith.remsi %parallel_loop3A_1200, %parallel_loop3A_1229 : i32
      %parallel_loop3A_1231 = arith.constant 0 : i32
      %parallel_loop3A_1232 = arith.cmpi ne, %parallel_loop3A_1230, %parallel_loop3A_1231 : i32
      %parallel_loop3A_1233 = arith.constant 0 : i32
      %parallel_loop3A_1234 = arith.cmpi slt, %parallel_loop3A_1230, %parallel_loop3A_1233 : i32
      %parallel_loop3A_1235 = arith.constant 0 : i32
      %parallel_loop3A_1236 = arith.cmpi slt, %parallel_loop3A_1229, %parallel_loop3A_1235 : i32
      %parallel_loop3A_1237 = arith.xori %parallel_loop3A_1234, %parallel_loop3A_1236 : i1
      %parallel_loop3A_1238 = arith.andi %parallel_loop3A_1237, %parallel_loop3A_1232 : i1
      %parallel_loop3A_1239 = arith.addi %parallel_loop3A_1230, %parallel_loop3A_1229 : i32
      %parallel_loop3A_1240 = arith.select %parallel_loop3A_1238, %parallel_loop3A_1239, %parallel_loop3A_1230 : i32
      %parallel_loop3A_1241 = arith.constant 16 : i32
      %parallel_loop3A_1242 = arith.muli %parallel_loop3A_1240, %parallel_loop3A_1241 : i32
      %parallel_loop3A_1243 = arith.index_cast %parallel_loop3A_1224 : i32 to index
      %parallel_loop3A_1244 = arith.index_cast %parallel_loop3A_1242 : i32 to index
      %parallel_loop3A_1245 = tpu.vector_load %arg6[%parallel_loop3A_1243, %parallel_loop3A_1244] {strides = array<i32>} : memref<16x1024xf32, #tpu.memory_space<vmem>>, vector<1x16xf32>,
      %parallel_loop3A_1246 = vector.shape_cast %parallel_loop3A_1245 : vector<1x16xf32> to vector<16xf32>
      %parallel_loop3A_1247 = arith.index_cast %parallel_loop3A_1224 : i32 to index
      %parallel_loop3A_1248 = arith.index_cast %parallel_loop3A_1242 : i32 to index
      %parallel_loop3A_1249 = tpu.vector_load %arg9[%parallel_loop3A_1247, %parallel_loop3A_1248] {strides = array<i32>} : memref<16x1024xf32, #tpu.memory_space<vmem>>, vector<1x16xf32>,
      %parallel_loop3A_1250 = vector.shape_cast %parallel_loop3A_1249 : vector<1x16xf32> to vector<16xf32>
      %parallel_loop3A_1251 = vector.shape_cast %parallel_loop3A_1246 : vector<16xf32> to vector<1x16xf32>
      tpu.vector_store %arg9[%parallel_loop3A_1247, %parallel_loop3A_1248], %parallel_loop3A_1251 {add = true, strides = array<i32>} : memref<16x1024xf32, #tpu.memory_space<vmem>>, vector<1x16xf32>,
    } {sc.loop_unroll_factor = 8 : i64, sc.parallel_access}
    %add3A_294 = arith.constant 16 : i32
    %add3A_295 = arith.addi %mul3A_2, %add3A_294 : i32
    %dma_start3A_296 = arith.constant 3 : i32
    %dma_start3A_297 = arith.constant 0 : i32
    %dma_start3A_298 = tpu.memref_slice %arg4[%dma_start3A_296, %add3A_295, %dma_start3A_297] : memref<4x4096x1024xf32, #tpu.memory_space<hbm>> -> memref<1x16x1024xf32, #tpu.memory_space<hbm>>
    %dma_start3A_299 = tpu.memref_squeeze %dma_start3A_298 : memref<1x16x1024xf32, #tpu.memory_space<hbm>> -> memref<16x1024xf32, #tpu.memory_space<hbm>>
    %dma_start3A_300 = arith.constant 0 : i32
    %dma_start3A_301 = tpu.memref_slice %arg4[%dma_start3A_296, %add3A_295, %dma_start3A_300] : memref<4x4096x1024xf32, #tpu.memory_space<hbm>> -> memref<1x16x1024xf32, #tpu.memory_space<hbm>>
    %dma_start3A_302 = tpu.memref_squeeze %dma_start3A_301 : memref<1x16x1024xf32, #tpu.memory_space<hbm>> -> memref<16x1024xf32, #tpu.memory_space<hbm>>
    tpu.enqueue_dma source(%arg9 : memref<16x1024xf32, #tpu.memory_space<vmem>>) target(%dma_start3A_302 : memref<16x1024xf32, #tpu.memory_space<hbm>>) target_semaphore(%arg21 : memref<!tpu.dma_semaphore, #tpu.memory_space<semaphore_mem>>)
    %dma_wait3A_303 = arith.constant 1 : i32
    %dma_wait3A_304 = arith.constant 0 : i32
    %dma_wait3A_305 = tpu.memref_slice %arg4[%dma_wait3A_303, %add3A_225, %dma_wait3A_304] : memref<4x4096x1024xf32, #tpu.memory_space<hbm>> -> memref<1x16x1024xf32, #tpu.memory_space<hbm>>
    %dma_wait3A_306 = tpu.memref_squeeze %dma_wait3A_305 : memref<1x16x1024xf32, #tpu.memory_space<hbm>> -> memref<16x1024xf32, #tpu.memory_space<hbm>>
    %dma_wait3A_307 = arith.constant 0 : i32
    %dma_wait3A_308 = tpu.memref_slice %arg4[%dma_wait3A_303, %add3A_225, %dma_wait3A_307] : memref<4x4096x1024xf32, #tpu.memory_space<hbm>> -> memref<1x16x1024xf32, #tpu.memory_space<hbm>>
    %dma_wait3A_309 = tpu.memref_squeeze %dma_wait3A_308 : memref<1x16x1024xf32, #tpu.memory_space<hbm>> -> memref<16x1024xf32, #tpu.memory_space<hbm>>
    tpu.wait_dma2 semaphore(%arg19 : memref<!tpu.dma_semaphore, #tpu.memory_space<semaphore_mem>>) src(%arg7 : memref<16x1024xf32, #tpu.memory_space<vmem>>) dst(%dma_wait3A_309 : memref<16x1024xf32, #tpu.memory_space<hbm>>)
    %add3A_310 = arith.constant 32 : i32
    %add3A_311 = arith.addi %mul3A_2, %add3A_310 : i32
    %dma_start3A_312 = arith.constant 2 : i32
    %dma_start3A_313 = arith.constant 0 : i32
    %dma_start3A_314 = tpu.memref_slice %arg2[%dma_start3A_312, %add3A_311, %dma_start3A_313] : memref<4x4096x1024xf32, #tpu.memory_space<hbm>> -> memref<1x16x1024xf32, #tpu.memory_space<hbm>>
    %dma_start3A_315 = tpu.memref_squeeze %dma_start3A_314 : memref<1x16x1024xf32, #tpu.memory_space<hbm>> -> memref<16x1024xf32, #tpu.memory_space<hbm>>
    %dma_start3A_316 = arith.constant 0 : i32
    %dma_start3A_317 = tpu.memref_slice %arg2[%dma_start3A_312, %add3A_311, %dma_start3A_316] : memref<4x4096x1024xf32, #tpu.memory_space<hbm>> -> memref<1x16x1024xf32, #tpu.memory_space<hbm>>
    %dma_start3A_318 = tpu.memref_squeeze %dma_start3A_317 : memref<1x16x1024xf32, #tpu.memory_space<hbm>> -> memref<16x1024xf32, #tpu.memory_space<hbm>>
    tpu.enqueue_dma source(%dma_start3A_318 : memref<16x1024xf32, #tpu.memory_space<hbm>>) target(%arg7 : memref<16x1024xf32, #tpu.memory_space<vmem>>) target_semaphore(%arg14 : memref<!tpu.dma_semaphore, #tpu.memory_space<semaphore_mem>>)
    %add3A_319 = arith.constant 48 : i32
    %add3A_320 = arith.addi %mul3A_2, %add3A_319 : i32
    %dma_start3A_321 = arith.constant 0 : i32
    %dma_start3A_322 = tpu.memref_slice %arg3[%add3A_320, %dma_start3A_321] : memref<4096x1024xf32, #tpu.memory_space<hbm>> -> memref<16x1024xf32, #tpu.memory_space<hbm>>
    %dma_start3A_323 = arith.constant 0 : i32
    %dma_start3A_324 = tpu.memref_slice %arg3[%add3A_320, %dma_start3A_323] : memref<4096x1024xf32, #tpu.memory_space<hbm>> -> memref<16x1024xf32, #tpu.memory_space<hbm>>
    tpu.enqueue_dma source(%dma_start3A_324 : memref<16x1024xf32, #tpu.memory_space<hbm>>) target(%arg6 : memref<16x1024xf32, #tpu.memory_space<vmem>>) target_semaphore(%arg13 : memref<!tpu.dma_semaphore, #tpu.memory_space<semaphore_mem>>)
    %dma_wait3A_325 = arith.constant 0 : i32
    %dma_wait3A_326 = tpu.memref_slice %arg3[%add3A_170, %dma_wait3A_325] : memref<4096x1024xf32, #tpu.memory_space<hbm>> -> memref<16x1024xf32, #tpu.memory_space<hbm>>
    %dma_wait3A_327 = arith.constant 0 : i32
    %dma_wait3A_328 = tpu.memref_slice %arg3[%add3A_170, %dma_wait3A_327] : memref<4096x1024xf32, #tpu.memory_space<hbm>> -> memref<16x1024xf32, #tpu.memory_space<hbm>>
    tpu.wait_dma2 semaphore(%arg12 : memref<!tpu.dma_semaphore, #tpu.memory_space<semaphore_mem>>) src(%dma_wait3A_328 : memref<16x1024xf32, #tpu.memory_space<hbm>>) dst(%arg5 : memref<16x1024xf32, #tpu.memory_space<vmem>>)
    %dma_wait3A_329 = arith.constant 0 : i32
    %dma_wait3A_330 = arith.constant 0 : i32
    %dma_wait3A_331 = tpu.memref_slice %arg2[%dma_wait3A_329, %add3A_241, %dma_wait3A_330] : memref<4x4096x1024xf32, #tpu.memory_space<hbm>> -> memref<1x16x1024xf32, #tpu.memory_space<hbm>>
    %dma_wait3A_332 = tpu.memref_squeeze %dma_wait3A_331 : memref<1x16x1024xf32, #tpu.memory_space<hbm>> -> memref<16x1024xf32, #tpu.memory_space<hbm>>
    %dma_wait3A_333 = arith.constant 0 : i32
    %dma_wait3A_334 = tpu.memref_slice %arg2[%dma_wait3A_329, %add3A_241, %dma_wait3A_333] : memref<4x4096x1024xf32, #tpu.memory_space<hbm>> -> memref<1x16x1024xf32, #tpu.memory_space<hbm>>
    %dma_wait3A_335 = tpu.memref_squeeze %dma_wait3A_334 : memref<1x16x1024xf32, #tpu.memory_space<hbm>> -> memref<16x1024xf32, #tpu.memory_space<hbm>>
    tpu.wait_dma2 semaphore(%arg17 : memref<!tpu.dma_semaphore, #tpu.memory_space<semaphore_mem>>) src(%dma_wait3A_335 : memref<16x1024xf32, #tpu.memory_space<hbm>>) dst(%arg10 : memref<16x1024xf32, #tpu.memory_space<vmem>>)
    %parallel_loop3A_336 = arith.constant 0 : i32
    %parallel_loop3A_337 = arith.constant 1024 : i32
    %parallel_loop3A_338 = arith.constant 1 : i32
    scf.for %parallel_loop3A_1200 = %parallel_loop3A_336 to %parallel_loop3A_337 step %parallel_loop3A_338  : i32 {
      %parallel_loop3A_1201 = arith.constant 64 : i32
      %parallel_loop3A_1202 = arith.divsi %parallel_loop3A_1200, %parallel_loop3A_1201 : i32
      %parallel_loop3A_1203 = arith.constant 0 : i32
      %parallel_loop3A_1204 = arith.cmpi sgt, %parallel_loop3A_1200, %parallel_loop3A_1203 : i32
      %parallel_loop3A_1205 = arith.extui %parallel_loop3A_1204 : i1 to i32
      %parallel_loop3A_1206 = arith.constant 0 : i32
      %parallel_loop3A_1207 = arith.cmpi slt, %parallel_loop3A_1200, %parallel_loop3A_1206 : i32
      %parallel_loop3A_1208 = arith.extui %parallel_loop3A_1207 : i1 to i32
      %parallel_loop3A_1209 = arith.subi %parallel_loop3A_1205, %parallel_loop3A_1208 : i32
      %parallel_loop3A_1210 = arith.constant 0 : i32
      %parallel_loop3A_1211 = arith.cmpi sgt, %parallel_loop3A_1201, %parallel_loop3A_1210 : i32
      %parallel_loop3A_1212 = arith.extui %parallel_loop3A_1211 : i1 to i32
      %parallel_loop3A_1213 = arith.constant 0 : i32
      %parallel_loop3A_1214 = arith.cmpi slt, %parallel_loop3A_1201, %parallel_loop3A_1213 : i32
      %parallel_loop3A_1215 = arith.extui %parallel_loop3A_1214 : i1 to i32
      %parallel_loop3A_1216 = arith.subi %parallel_loop3A_1212, %parallel_loop3A_1215 : i32
      %parallel_loop3A_1217 = arith.cmpi ne, %parallel_loop3A_1209, %parallel_loop3A_1216 : i32
      %parallel_loop3A_1218 = arith.remsi %parallel_loop3A_1200, %parallel_loop3A_1201 : i32
      %parallel_loop3A_1219 = arith.constant 0 : i32
      %parallel_loop3A_1220 = arith.cmpi ne, %parallel_loop3A_1218, %parallel_loop3A_1219 : i32
      %parallel_loop3A_1221 = arith.andi %parallel_loop3A_1217, %parallel_loop3A_1220 : i1
      %parallel_loop3A_1222 = arith.constant 1 : i32
      %parallel_loop3A_1223 = arith.subi %parallel_loop3A_1202, %parallel_loop3A_1222 : i32
      %parallel_loop3A_1224 = arith.select %parallel_loop3A_1221, %parallel_loop3A_1223, %parallel_loop3A_1202 : i32
      %parallel_loop3A_1225 = arith.constant 64 : i32
      %parallel_loop3A_1226 = arith.constant 0 : i32
      %parallel_loop3A_1227 = arith.cmpi eq, %parallel_loop3A_1225, %parallel_loop3A_1226 : i32
      %parallel_loop3A_1228 = arith.constant 1 : i32
      %parallel_loop3A_1229 = arith.select %parallel_loop3A_1227, %parallel_loop3A_1228, %parallel_loop3A_1225 : i32
      %parallel_loop3A_1230 = arith.remsi %parallel_loop3A_1200, %parallel_loop3A_1229 : i32
      %parallel_loop3A_1231 = arith.constant 0 : i32
      %parallel_loop3A_1232 = arith.cmpi ne, %parallel_loop3A_1230, %parallel_loop3A_1231 : i32
      %parallel_loop3A_1233 = arith.constant 0 : i32
      %parallel_loop3A_1234 = arith.cmpi slt, %parallel_loop3A_1230, %parallel_loop3A_1233 : i32
      %parallel_loop3A_1235 = arith.constant 0 : i32
      %parallel_loop3A_1236 = arith.cmpi slt, %parallel_loop3A_1229, %parallel_loop3A_1235 : i32
      %parallel_loop3A_1237 = arith.xori %parallel_loop3A_1234, %parallel_loop3A_1236 : i1
      %parallel_loop3A_1238 = arith.andi %parallel_loop3A_1237, %parallel_loop3A_1232 : i1
      %parallel_loop3A_1239 = arith.addi %parallel_loop3A_1230, %parallel_loop3A_1229 : i32
      %parallel_loop3A_1240 = arith.select %parallel_loop3A_1238, %parallel_loop3A_1239, %parallel_loop3A_1230 : i32
      %parallel_loop3A_1241 = arith.constant 16 : i32
      %parallel_loop3A_1242 = arith.muli %parallel_loop3A_1240, %parallel_loop3A_1241 : i32
      %parallel_loop3A_1243 = arith.index_cast %parallel_loop3A_1224 : i32 to index
      %parallel_loop3A_1244 = arith.index_cast %parallel_loop3A_1242 : i32 to index
      %parallel_loop3A_1245 = tpu.vector_load %arg5[%parallel_loop3A_1243, %parallel_loop3A_1244] {strides = array<i32>} : memref<16x1024xf32, #tpu.memory_space<vmem>>, vector<1x16xf32>,
      %parallel_loop3A_1246 = vector.shape_cast %parallel_loop3A_1245 : vector<1x16xf32> to vector<16xf32>
      %parallel_loop3A_1247 = arith.index_cast %parallel_loop3A_1224 : i32 to index
      %parallel_loop3A_1248 = arith.index_cast %parallel_loop3A_1242 : i32 to index
      %parallel_loop3A_1249 = tpu.vector_load %arg10[%parallel_loop3A_1247, %parallel_loop3A_1248] {strides = array<i32>} : memref<16x1024xf32, #tpu.memory_space<vmem>>, vector<1x16xf32>,
      %parallel_loop3A_1250 = vector.shape_cast %parallel_loop3A_1249 : vector<1x16xf32> to vector<16xf32>
      %parallel_loop3A_1251 = vector.shape_cast %parallel_loop3A_1246 : vector<16xf32> to vector<1x16xf32>
      tpu.vector_store %arg10[%parallel_loop3A_1247, %parallel_loop3A_1248], %parallel_loop3A_1251 {add = true, strides = array<i32>} : memref<16x1024xf32, #tpu.memory_space<vmem>>, vector<1x16xf32>,
    } {sc.loop_unroll_factor = 8 : i64, sc.parallel_access}
    %add3A_339 = arith.constant 32 : i32
    %add3A_340 = arith.addi %mul3A_2, %add3A_339 : i32
    %dma_start3A_341 = arith.constant 0 : i32
    %dma_start3A_342 = arith.constant 0 : i32
    %dma_start3A_343 = tpu.memref_slice %arg4[%dma_start3A_341, %add3A_340, %dma_start3A_342] : memref<4x4096x1024xf32, #tpu.memory_space<hbm>> -> memref<1x16x1024xf32, #tpu.memory_space<hbm>>
    %dma_start3A_344 = tpu.memref_squeeze %dma_start3A_343 : memref<1x16x1024xf32, #tpu.memory_space<hbm>> -> memref<16x1024xf32, #tpu.memory_space<hbm>>
    %dma_start3A_345 = arith.constant 0 : i32
    %dma_start3A_346 = tpu.memref_slice %arg4[%dma_start3A_341, %add3A_340, %dma_start3A_345] : memref<4x4096x1024xf32, #tpu.memory_space<hbm>> -> memref<1x16x1024xf32, #tpu.memory_space<hbm>>
    %dma_start3A_347 = tpu.memref_squeeze %dma_start3A_346 : memref<1x16x1024xf32, #tpu.memory_space<hbm>> -> memref<16x1024xf32, #tpu.memory_space<hbm>>
    tpu.enqueue_dma source(%arg10 : memref<16x1024xf32, #tpu.memory_space<vmem>>) target(%dma_start3A_347 : memref<16x1024xf32, #tpu.memory_space<hbm>>) target_semaphore(%arg22 : memref<!tpu.dma_semaphore, #tpu.memory_space<semaphore_mem>>)
    %dma_wait3A_348 = arith.constant 2 : i32
    %dma_wait3A_349 = arith.constant 0 : i32
    %dma_wait3A_350 = tpu.memref_slice %arg4[%dma_wait3A_348, %add3A_260, %dma_wait3A_349] : memref<4x4096x1024xf32, #tpu.memory_space<hbm>> -> memref<1x16x1024xf32, #tpu.memory_space<hbm>>
    %dma_wait3A_351 = tpu.memref_squeeze %dma_wait3A_350 : memref<1x16x1024xf32, #tpu.memory_space<hbm>> -> memref<16x1024xf32, #tpu.memory_space<hbm>>
    %dma_wait3A_352 = arith.constant 0 : i32
    %dma_wait3A_353 = tpu.memref_slice %arg4[%dma_wait3A_348, %add3A_260, %dma_wait3A_352] : memref<4x4096x1024xf32, #tpu.memory_space<hbm>> -> memref<1x16x1024xf32, #tpu.memory_space<hbm>>
    %dma_wait3A_354 = tpu.memref_squeeze %dma_wait3A_353 : memref<1x16x1024xf32, #tpu.memory_space<hbm>> -> memref<16x1024xf32, #tpu.memory_space<hbm>>
    tpu.wait_dma2 semaphore(%arg20 : memref<!tpu.dma_semaphore, #tpu.memory_space<semaphore_mem>>) src(%arg8 : memref<16x1024xf32, #tpu.memory_space<vmem>>) dst(%dma_wait3A_354 : memref<16x1024xf32, #tpu.memory_space<hbm>>)
    %add3A_355 = arith.constant 32 : i32
    %add3A_356 = arith.addi %mul3A_2, %add3A_355 : i32
    %dma_start3A_357 = arith.constant 3 : i32
    %dma_start3A_358 = arith.constant 0 : i32
    %dma_start3A_359 = tpu.memref_slice %arg2[%dma_start3A_357, %add3A_356, %dma_start3A_358] : memref<4x4096x1024xf32, #tpu.memory_space<hbm>> -> memref<1x16x1024xf32, #tpu.memory_space<hbm>>
    %dma_start3A_360 = tpu.memref_squeeze %dma_start3A_359 : memref<1x16x1024xf32, #tpu.memory_space<hbm>> -> memref<16x1024xf32, #tpu.memory_space<hbm>>
    %dma_start3A_361 = arith.constant 0 : i32
    %dma_start3A_362 = tpu.memref_slice %arg2[%dma_start3A_357, %add3A_356, %dma_start3A_361] : memref<4x4096x1024xf32, #tpu.memory_space<hbm>> -> memref<1x16x1024xf32, #tpu.memory_space<hbm>>
    %dma_start3A_363 = tpu.memref_squeeze %dma_start3A_362 : memref<1x16x1024xf32, #tpu.memory_space<hbm>> -> memref<16x1024xf32, #tpu.memory_space<hbm>>
    tpu.enqueue_dma source(%dma_start3A_363 : memref<16x1024xf32, #tpu.memory_space<hbm>>) target(%arg8 : memref<16x1024xf32, #tpu.memory_space<vmem>>) target_semaphore(%arg15 : memref<!tpu.dma_semaphore, #tpu.memory_space<semaphore_mem>>)
    %dma_wait3A_364 = arith.constant 1 : i32
    %dma_wait3A_365 = arith.constant 0 : i32
    %dma_wait3A_366 = tpu.memref_slice %arg2[%dma_wait3A_364, %add3A_276, %dma_wait3A_365] : memref<4x4096x1024xf32, #tpu.memory_space<hbm>> -> memref<1x16x1024xf32, #tpu.memory_space<hbm>>
    %dma_wait3A_367 = tpu.memref_squeeze %dma_wait3A_366 : memref<1x16x1024xf32, #tpu.memory_space<hbm>> -> memref<16x1024xf32, #tpu.memory_space<hbm>>
    %dma_wait3A_368 = arith.constant 0 : i32
    %dma_wait3A_369 = tpu.memref_slice %arg2[%dma_wait3A_364, %add3A_276, %dma_wait3A_368] : memref<4x4096x1024xf32, #tpu.memory_space<hbm>> -> memref<1x16x1024xf32, #tpu.memory_space<hbm>>
    %dma_wait3A_370 = tpu.memref_squeeze %dma_wait3A_369 : memref<1x16x1024xf32, #tpu.memory_space<hbm>> -> memref<16x1024xf32, #tpu.memory_space<hbm>>
    tpu.wait_dma2 semaphore(%arg18 : memref<!tpu.dma_semaphore, #tpu.memory_space<semaphore_mem>>) src(%dma_wait3A_370 : memref<16x1024xf32, #tpu.memory_space<hbm>>) dst(%arg11 : memref<16x1024xf32, #tpu.memory_space<vmem>>)
    %parallel_loop3A_371 = arith.constant 0 : i32
    %parallel_loop3A_372 = arith.constant 1024 : i32
    %parallel_loop3A_373 = arith.constant 1 : i32
    scf.for %parallel_loop3A_1200 = %parallel_loop3A_371 to %parallel_loop3A_372 step %parallel_loop3A_373  : i32 {
      %parallel_loop3A_1201 = arith.constant 64 : i32
      %parallel_loop3A_1202 = arith.divsi %parallel_loop3A_1200, %parallel_loop3A_1201 : i32
      %parallel_loop3A_1203 = arith.constant 0 : i32
      %parallel_loop3A_1204 = arith.cmpi sgt, %parallel_loop3A_1200, %parallel_loop3A_1203 : i32
      %parallel_loop3A_1205 = arith.extui %parallel_loop3A_1204 : i1 to i32
      %parallel_loop3A_1206 = arith.constant 0 : i32
      %parallel_loop3A_1207 = arith.cmpi slt, %parallel_loop3A_1200, %parallel_loop3A_1206 : i32
      %parallel_loop3A_1208 = arith.extui %parallel_loop3A_1207 : i1 to i32
      %parallel_loop3A_1209 = arith.subi %parallel_loop3A_1205, %parallel_loop3A_1208 : i32
      %parallel_loop3A_1210 = arith.constant 0 : i32
      %parallel_loop3A_1211 = arith.cmpi sgt, %parallel_loop3A_1201, %parallel_loop3A_1210 : i32
      %parallel_loop3A_1212 = arith.extui %parallel_loop3A_1211 : i1 to i32
      %parallel_loop3A_1213 = arith.constant 0 : i32
      %parallel_loop3A_1214 = arith.cmpi slt, %parallel_loop3A_1201, %parallel_loop3A_1213 : i32
      %parallel_loop3A_1215 = arith.extui %parallel_loop3A_1214 : i1 to i32
      %parallel_loop3A_1216 = arith.subi %parallel_loop3A_1212, %parallel_loop3A_1215 : i32
      %parallel_loop3A_1217 = arith.cmpi ne, %parallel_loop3A_1209, %parallel_loop3A_1216 : i32
      %parallel_loop3A_1218 = arith.remsi %parallel_loop3A_1200, %parallel_loop3A_1201 : i32
      %parallel_loop3A_1219 = arith.constant 0 : i32
      %parallel_loop3A_1220 = arith.cmpi ne, %parallel_loop3A_1218, %parallel_loop3A_1219 : i32
      %parallel_loop3A_1221 = arith.andi %parallel_loop3A_1217, %parallel_loop3A_1220 : i1
      %parallel_loop3A_1222 = arith.constant 1 : i32
      %parallel_loop3A_1223 = arith.subi %parallel_loop3A_1202, %parallel_loop3A_1222 : i32
      %parallel_loop3A_1224 = arith.select %parallel_loop3A_1221, %parallel_loop3A_1223, %parallel_loop3A_1202 : i32
      %parallel_loop3A_1225 = arith.constant 64 : i32
      %parallel_loop3A_1226 = arith.constant 0 : i32
      %parallel_loop3A_1227 = arith.cmpi eq, %parallel_loop3A_1225, %parallel_loop3A_1226 : i32
      %parallel_loop3A_1228 = arith.constant 1 : i32
      %parallel_loop3A_1229 = arith.select %parallel_loop3A_1227, %parallel_loop3A_1228, %parallel_loop3A_1225 : i32
      %parallel_loop3A_1230 = arith.remsi %parallel_loop3A_1200, %parallel_loop3A_1229 : i32
      %parallel_loop3A_1231 = arith.constant 0 : i32
      %parallel_loop3A_1232 = arith.cmpi ne, %parallel_loop3A_1230, %parallel_loop3A_1231 : i32
      %parallel_loop3A_1233 = arith.constant 0 : i32
      %parallel_loop3A_1234 = arith.cmpi slt, %parallel_loop3A_1230, %parallel_loop3A_1233 : i32
      %parallel_loop3A_1235 = arith.constant 0 : i32
      %parallel_loop3A_1236 = arith.cmpi slt, %parallel_loop3A_1229, %parallel_loop3A_1235 : i32
      %parallel_loop3A_1237 = arith.xori %parallel_loop3A_1234, %parallel_loop3A_1236 : i1
      %parallel_loop3A_1238 = arith.andi %parallel_loop3A_1237, %parallel_loop3A_1232 : i1
      %parallel_loop3A_1239 = arith.addi %parallel_loop3A_1230, %parallel_loop3A_1229 : i32
      %parallel_loop3A_1240 = arith.select %parallel_loop3A_1238, %parallel_loop3A_1239, %parallel_loop3A_1230 : i32
      %parallel_loop3A_1241 = arith.constant 16 : i32
      %parallel_loop3A_1242 = arith.muli %parallel_loop3A_1240, %parallel_loop3A_1241 : i32
      %parallel_loop3A_1243 = arith.index_cast %parallel_loop3A_1224 : i32 to index
      %parallel_loop3A_1244 = arith.index_cast %parallel_loop3A_1242 : i32 to index
      %parallel_loop3A_1245 = tpu.vector_load %arg5[%parallel_loop3A_1243, %parallel_loop3A_1244] {strides = array<i32>} : memref<16x1024xf32, #tpu.memory_space<vmem>>, vector<1x16xf32>,
      %parallel_loop3A_1246 = vector.shape_cast %parallel_loop3A_1245 : vector<1x16xf32> to vector<16xf32>
      %parallel_loop3A_1247 = arith.index_cast %parallel_loop3A_1224 : i32 to index
      %parallel_loop3A_1248 = arith.index_cast %parallel_loop3A_1242 : i32 to index
      %parallel_loop3A_1249 = tpu.vector_load %arg11[%parallel_loop3A_1247, %parallel_loop3A_1248] {strides = array<i32>} : memref<16x1024xf32, #tpu.memory_space<vmem>>, vector<1x16xf32>,
      %parallel_loop3A_1250 = vector.shape_cast %parallel_loop3A_1249 : vector<1x16xf32> to vector<16xf32>
      %parallel_loop3A_1251 = vector.shape_cast %parallel_loop3A_1246 : vector<16xf32> to vector<1x16xf32>
      tpu.vector_store %arg11[%parallel_loop3A_1247, %parallel_loop3A_1248], %parallel_loop3A_1251 {add = true, strides = array<i32>} : memref<16x1024xf32, #tpu.memory_space<vmem>>, vector<1x16xf32>,
    } {sc.loop_unroll_factor = 8 : i64, sc.parallel_access}
    %add3A_374 = arith.constant 32 : i32
    %add3A_375 = arith.addi %mul3A_2, %add3A_374 : i32
    %dma_start3A_376 = arith.constant 1 : i32
    %dma_start3A_377 = arith.constant 0 : i32
    %dma_start3A_378 = tpu.memref_slice %arg4[%dma_start3A_376, %add3A_375, %dma_start3A_377] : memref<4x4096x1024xf32, #tpu.memory_space<hbm>> -> memref<1x16x1024xf32, #tpu.memory_space<hbm>>
    %dma_start3A_379 = tpu.memref_squeeze %dma_start3A_378 : memref<1x16x1024xf32, #tpu.memory_space<hbm>> -> memref<16x1024xf32, #tpu.memory_space<hbm>>
    %dma_start3A_380 = arith.constant 0 : i32
    %dma_start3A_381 = tpu.memref_slice %arg4[%dma_start3A_376, %add3A_375, %dma_start3A_380] : memref<4x4096x1024xf32, #tpu.memory_space<hbm>> -> memref<1x16x1024xf32, #tpu.memory_space<hbm>>
    %dma_start3A_382 = tpu.memref_squeeze %dma_start3A_381 : memref<1x16x1024xf32, #tpu.memory_space<hbm>> -> memref<16x1024xf32, #tpu.memory_space<hbm>>
    tpu.enqueue_dma source(%arg11 : memref<16x1024xf32, #tpu.memory_space<vmem>>) target(%dma_start3A_382 : memref<16x1024xf32, #tpu.memory_space<hbm>>) target_semaphore(%arg23 : memref<!tpu.dma_semaphore, #tpu.memory_space<semaphore_mem>>)
    %dma_wait3A_383 = arith.constant 3 : i32
    %dma_wait3A_384 = arith.constant 0 : i32
    %dma_wait3A_385 = tpu.memref_slice %arg4[%dma_wait3A_383, %add3A_295, %dma_wait3A_384] : memref<4x4096x1024xf32, #tpu.memory_space<hbm>> -> memref<1x16x1024xf32, #tpu.memory_space<hbm>>
    %dma_wait3A_386 = tpu.memref_squeeze %dma_wait3A_385 : memref<1x16x1024xf32, #tpu.memory_space<hbm>> -> memref<16x1024xf32, #tpu.memory_space<hbm>>
    %dma_wait3A_387 = arith.constant 0 : i32
    %dma_wait3A_388 = tpu.memref_slice %arg4[%dma_wait3A_383, %add3A_295, %dma_wait3A_387] : memref<4x4096x1024xf32, #tpu.memory_space<hbm>> -> memref<1x16x1024xf32, #tpu.memory_space<hbm>>
    %dma_wait3A_389 = tpu.memref_squeeze %dma_wait3A_388 : memref<1x16x1024xf32, #tpu.memory_space<hbm>> -> memref<16x1024xf32, #tpu.memory_space<hbm>>
    tpu.wait_dma2 semaphore(%arg21 : memref<!tpu.dma_semaphore, #tpu.memory_space<semaphore_mem>>) src(%arg9 : memref<16x1024xf32, #tpu.memory_space<vmem>>) dst(%dma_wait3A_389 : memref<16x1024xf32, #tpu.memory_space<hbm>>)
    %add3A_390 = arith.constant 48 : i32
    %add3A_391 = arith.addi %mul3A_2, %add3A_390 : i32
    %dma_start3A_392 = arith.constant 0 : i32
    %dma_start3A_393 = arith.constant 0 : i32
    %dma_start3A_394 = tpu.memref_slice %arg2[%dma_start3A_392, %add3A_391, %dma_start3A_393] : memref<4x4096x1024xf32, #tpu.memory_space<hbm>> -> memref<1x16x1024xf32, #tpu.memory_space<hbm>>
    %dma_start3A_395 = tpu.memref_squeeze %dma_start3A_394 : memref<1x16x1024xf32, #tpu.memory_space<hbm>> -> memref<16x1024xf32, #tpu.memory_space<hbm>>
    %dma_start3A_396 = arith.constant 0 : i32
    %dma_start3A_397 = tpu.memref_slice %arg2[%dma_start3A_392, %add3A_391, %dma_start3A_396] : memref<4x4096x1024xf32, #tpu.memory_space<hbm>> -> memref<1x16x1024xf32, #tpu.memory_space<hbm>>
    %dma_start3A_398 = tpu.memref_squeeze %dma_start3A_397 : memref<1x16x1024xf32, #tpu.memory_space<hbm>> -> memref<16x1024xf32, #tpu.memory_space<hbm>>
    tpu.enqueue_dma source(%dma_start3A_398 : memref<16x1024xf32, #tpu.memory_space<hbm>>) target(%arg9 : memref<16x1024xf32, #tpu.memory_space<vmem>>) target_semaphore(%arg16 : memref<!tpu.dma_semaphore, #tpu.memory_space<semaphore_mem>>)
    %dma_wait3A_399 = arith.constant 2 : i32
    %dma_wait3A_400 = arith.constant 0 : i32
    %dma_wait3A_401 = tpu.memref_slice %arg2[%dma_wait3A_399, %add3A_311, %dma_wait3A_400] : memref<4x4096x1024xf32, #tpu.memory_space<hbm>> -> memref<1x16x1024xf32, #tpu.memory_space<hbm>>
    %dma_wait3A_402 = tpu.memref_squeeze %dma_wait3A_401 : memref<1x16x1024xf32, #tpu.memory_space<hbm>> -> memref<16x1024xf32, #tpu.memory_space<hbm>>
    %dma_wait3A_403 = arith.constant 0 : i32
    %dma_wait3A_404 = tpu.memref_slice %arg2[%dma_wait3A_399, %add3A_311, %dma_wait3A_403] : memref<4x4096x1024xf32, #tpu.memory_space<hbm>> -> memref<1x16x1024xf32, #tpu.memory_space<hbm>>
    %dma_wait3A_405 = tpu.memref_squeeze %dma_wait3A_404 : memref<1x16x1024xf32, #tpu.memory_space<hbm>> -> memref<16x1024xf32, #tpu.memory_space<hbm>>
    tpu.wait_dma2 semaphore(%arg14 : memref<!tpu.dma_semaphore, #tpu.memory_space<semaphore_mem>>) src(%dma_wait3A_405 : memref<16x1024xf32, #tpu.memory_space<hbm>>) dst(%arg7 : memref<16x1024xf32, #tpu.memory_space<vmem>>)
    %parallel_loop3A_406 = arith.constant 0 : i32
    %parallel_loop3A_407 = arith.constant 1024 : i32
    %parallel_loop3A_408 = arith.constant 1 : i32
    scf.for %parallel_loop3A_1200 = %parallel_loop3A_406 to %parallel_loop3A_407 step %parallel_loop3A_408  : i32 {
      %parallel_loop3A_1201 = arith.constant 64 : i32
      %parallel_loop3A_1202 = arith.divsi %parallel_loop3A_1200, %parallel_loop3A_1201 : i32
      %parallel_loop3A_1203 = arith.constant 0 : i32
      %parallel_loop3A_1204 = arith.cmpi sgt, %parallel_loop3A_1200, %parallel_loop3A_1203 : i32
      %parallel_loop3A_1205 = arith.extui %parallel_loop3A_1204 : i1 to i32
      %parallel_loop3A_1206 = arith.constant 0 : i32
      %parallel_loop3A_1207 = arith.cmpi slt, %parallel_loop3A_1200, %parallel_loop3A_1206 : i32
      %parallel_loop3A_1208 = arith.extui %parallel_loop3A_1207 : i1 to i32
      %parallel_loop3A_1209 = arith.subi %parallel_loop3A_1205, %parallel_loop3A_1208 : i32
      %parallel_loop3A_1210 = arith.constant 0 : i32
      %parallel_loop3A_1211 = arith.cmpi sgt, %parallel_loop3A_1201, %parallel_loop3A_1210 : i32
      %parallel_loop3A_1212 = arith.extui %parallel_loop3A_1211 : i1 to i32
      %parallel_loop3A_1213 = arith.constant 0 : i32
      %parallel_loop3A_1214 = arith.cmpi slt, %parallel_loop3A_1201, %parallel_loop3A_1213 : i32
      %parallel_loop3A_1215 = arith.extui %parallel_loop3A_1214 : i1 to i32
      %parallel_loop3A_1216 = arith.subi %parallel_loop3A_1212, %parallel_loop3A_1215 : i32
      %parallel_loop3A_1217 = arith.cmpi ne, %parallel_loop3A_1209, %parallel_loop3A_1216 : i32
      %parallel_loop3A_1218 = arith.remsi %parallel_loop3A_1200, %parallel_loop3A_1201 : i32
      %parallel_loop3A_1219 = arith.constant 0 : i32
      %parallel_loop3A_1220 = arith.cmpi ne, %parallel_loop3A_1218, %parallel_loop3A_1219 : i32
      %parallel_loop3A_1221 = arith.andi %parallel_loop3A_1217, %parallel_loop3A_1220 : i1
      %parallel_loop3A_1222 = arith.constant 1 : i32
      %parallel_loop3A_1223 = arith.subi %parallel_loop3A_1202, %parallel_loop3A_1222 : i32
      %parallel_loop3A_1224 = arith.select %parallel_loop3A_1221, %parallel_loop3A_1223, %parallel_loop3A_1202 : i32
      %parallel_loop3A_1225 = arith.constant 64 : i32
      %parallel_loop3A_1226 = arith.constant 0 : i32
      %parallel_loop3A_1227 = arith.cmpi eq, %parallel_loop3A_1225, %parallel_loop3A_1226 : i32
      %parallel_loop3A_1228 = arith.constant 1 : i32
      %parallel_loop3A_1229 = arith.select %parallel_loop3A_1227, %parallel_loop3A_1228, %parallel_loop3A_1225 : i32
      %parallel_loop3A_1230 = arith.remsi %parallel_loop3A_1200, %parallel_loop3A_1229 : i32
      %parallel_loop3A_1231 = arith.constant 0 : i32
      %parallel_loop3A_1232 = arith.cmpi ne, %parallel_loop3A_1230, %parallel_loop3A_1231 : i32
      %parallel_loop3A_1233 = arith.constant 0 : i32
      %parallel_loop3A_1234 = arith.cmpi slt, %parallel_loop3A_1230, %parallel_loop3A_1233 : i32
      %parallel_loop3A_1235 = arith.constant 0 : i32
      %parallel_loop3A_1236 = arith.cmpi slt, %parallel_loop3A_1229, %parallel_loop3A_1235 : i32
      %parallel_loop3A_1237 = arith.xori %parallel_loop3A_1234, %parallel_loop3A_1236 : i1
      %parallel_loop3A_1238 = arith.andi %parallel_loop3A_1237, %parallel_loop3A_1232 : i1
      %parallel_loop3A_1239 = arith.addi %parallel_loop3A_1230, %parallel_loop3A_1229 : i32
      %parallel_loop3A_1240 = arith.select %parallel_loop3A_1238, %parallel_loop3A_1239, %parallel_loop3A_1230 : i32
      %parallel_loop3A_1241 = arith.constant 16 : i32
      %parallel_loop3A_1242 = arith.muli %parallel_loop3A_1240, %parallel_loop3A_1241 : i32
      %parallel_loop3A_1243 = arith.index_cast %parallel_loop3A_1224 : i32 to index
      %parallel_loop3A_1244 = arith.index_cast %parallel_loop3A_1242 : i32 to index
      %parallel_loop3A_1245 = tpu.vector_load %arg5[%parallel_loop3A_1243, %parallel_loop3A_1244] {strides = array<i32>} : memref<16x1024xf32, #tpu.memory_space<vmem>>, vector<1x16xf32>,
      %parallel_loop3A_1246 = vector.shape_cast %parallel_loop3A_1245 : vector<1x16xf32> to vector<16xf32>
      %parallel_loop3A_1247 = arith.index_cast %parallel_loop3A_1224 : i32 to index
      %parallel_loop3A_1248 = arith.index_cast %parallel_loop3A_1242 : i32 to index
      %parallel_loop3A_1249 = tpu.vector_load %arg7[%parallel_loop3A_1247, %parallel_loop3A_1248] {strides = array<i32>} : memref<16x1024xf32, #tpu.memory_space<vmem>>, vector<1x16xf32>,
      %parallel_loop3A_1250 = vector.shape_cast %parallel_loop3A_1249 : vector<1x16xf32> to vector<16xf32>
      %parallel_loop3A_1251 = vector.shape_cast %parallel_loop3A_1246 : vector<16xf32> to vector<1x16xf32>
      tpu.vector_store %arg7[%parallel_loop3A_1247, %parallel_loop3A_1248], %parallel_loop3A_1251 {add = true, strides = array<i32>} : memref<16x1024xf32, #tpu.memory_space<vmem>>, vector<1x16xf32>,
    } {sc.loop_unroll_factor = 8 : i64, sc.parallel_access}
    %add3A_409 = arith.constant 32 : i32
    %add3A_410 = arith.addi %mul3A_2, %add3A_409 : i32
    %dma_start3A_411 = arith.constant 2 : i32
    %dma_start3A_412 = arith.constant 0 : i32
    %dma_start3A_413 = tpu.memref_slice %arg4[%dma_start3A_411, %add3A_410, %dma_start3A_412] : memref<4x4096x1024xf32, #tpu.memory_space<hbm>> -> memref<1x16x1024xf32, #tpu.memory_space<hbm>>
    %dma_start3A_414 = tpu.memref_squeeze %dma_start3A_413 : memref<1x16x1024xf32, #tpu.memory_space<hbm>> -> memref<16x1024xf32, #tpu.memory_space<hbm>>
    %dma_start3A_415 = arith.constant 0 : i32
    %dma_start3A_416 = tpu.memref_slice %arg4[%dma_start3A_411, %add3A_410, %dma_start3A_415] : memref<4x4096x1024xf32, #tpu.memory_space<hbm>> -> memref<1x16x1024xf32, #tpu.memory_space<hbm>>
    %dma_start3A_417 = tpu.memref_squeeze %dma_start3A_416 : memref<1x16x1024xf32, #tpu.memory_space<hbm>> -> memref<16x1024xf32, #tpu.memory_space<hbm>>
    tpu.enqueue_dma source(%arg7 : memref<16x1024xf32, #tpu.memory_space<vmem>>) target(%dma_start3A_417 : memref<16x1024xf32, #tpu.memory_space<hbm>>) target_semaphore(%arg19 : memref<!tpu.dma_semaphore, #tpu.memory_space<semaphore_mem>>)
    %dma_wait3A_418 = arith.constant 0 : i32
    %dma_wait3A_419 = arith.constant 0 : i32
    %dma_wait3A_420 = tpu.memref_slice %arg4[%dma_wait3A_418, %add3A_340, %dma_wait3A_419] : memref<4x4096x1024xf32, #tpu.memory_space<hbm>> -> memref<1x16x1024xf32, #tpu.memory_space<hbm>>
    %dma_wait3A_421 = tpu.memref_squeeze %dma_wait3A_420 : memref<1x16x1024xf32, #tpu.memory_space<hbm>> -> memref<16x1024xf32, #tpu.memory_space<hbm>>
    %dma_wait3A_422 = arith.constant 0 : i32
    %dma_wait3A_423 = tpu.memref_slice %arg4[%dma_wait3A_418, %add3A_340, %dma_wait3A_422] : memref<4x4096x1024xf32, #tpu.memory_space<hbm>> -> memref<1x16x1024xf32, #tpu.memory_space<hbm>>
    %dma_wait3A_424 = tpu.memref_squeeze %dma_wait3A_423 : memref<1x16x1024xf32, #tpu.memory_space<hbm>> -> memref<16x1024xf32, #tpu.memory_space<hbm>>
    tpu.wait_dma2 semaphore(%arg22 : memref<!tpu.dma_semaphore, #tpu.memory_space<semaphore_mem>>) src(%arg10 : memref<16x1024xf32, #tpu.memory_space<vmem>>) dst(%dma_wait3A_424 : memref<16x1024xf32, #tpu.memory_space<hbm>>)
    %add3A_425 = arith.constant 48 : i32
    %add3A_426 = arith.addi %mul3A_2, %add3A_425 : i32
    %dma_start3A_427 = arith.constant 1 : i32
    %dma_start3A_428 = arith.constant 0 : i32
    %dma_start3A_429 = tpu.memref_slice %arg2[%dma_start3A_427, %add3A_426, %dma_start3A_428] : memref<4x4096x1024xf32, #tpu.memory_space<hbm>> -> memref<1x16x1024xf32, #tpu.memory_space<hbm>>
    %dma_start3A_430 = tpu.memref_squeeze %dma_start3A_429 : memref<1x16x1024xf32, #tpu.memory_space<hbm>> -> memref<16x1024xf32, #tpu.memory_space<hbm>>
    %dma_start3A_431 = arith.constant 0 : i32
    %dma_start3A_432 = tpu.memref_slice %arg2[%dma_start3A_427, %add3A_426, %dma_start3A_431] : memref<4x4096x1024xf32, #tpu.memory_space<hbm>> -> memref<1x16x1024xf32, #tpu.memory_space<hbm>>
    %dma_start3A_433 = tpu.memref_squeeze %dma_start3A_432 : memref<1x16x1024xf32, #tpu.memory_space<hbm>> -> memref<16x1024xf32, #tpu.memory_space<hbm>>
    tpu.enqueue_dma source(%dma_start3A_433 : memref<16x1024xf32, #tpu.memory_space<hbm>>) target(%arg10 : memref<16x1024xf32, #tpu.memory_space<vmem>>) target_semaphore(%arg17 : memref<!tpu.dma_semaphore, #tpu.memory_space<semaphore_mem>>)
    %dma_wait3A_434 = arith.constant 3 : i32
    %dma_wait3A_435 = arith.constant 0 : i32
    %dma_wait3A_436 = tpu.memref_slice %arg2[%dma_wait3A_434, %add3A_356, %dma_wait3A_435] : memref<4x4096x1024xf32, #tpu.memory_space<hbm>> -> memref<1x16x1024xf32, #tpu.memory_space<hbm>>
    %dma_wait3A_437 = tpu.memref_squeeze %dma_wait3A_436 : memref<1x16x1024xf32, #tpu.memory_space<hbm>> -> memref<16x1024xf32, #tpu.memory_space<hbm>>
    %dma_wait3A_438 = arith.constant 0 : i32
    %dma_wait3A_439 = tpu.memref_slice %arg2[%dma_wait3A_434, %add3A_356, %dma_wait3A_438] : memref<4x4096x1024xf32, #tpu.memory_space<hbm>> -> memref<1x16x1024xf32, #tpu.memory_space<hbm>>
    %dma_wait3A_440 = tpu.memref_squeeze %dma_wait3A_439 : memref<1x16x1024xf32, #tpu.memory_space<hbm>> -> memref<16x1024xf32, #tpu.memory_space<hbm>>
    tpu.wait_dma2 semaphore(%arg15 : memref<!tpu.dma_semaphore, #tpu.memory_space<semaphore_mem>>) src(%dma_wait3A_440 : memref<16x1024xf32, #tpu.memory_space<hbm>>) dst(%arg8 : memref<16x1024xf32, #tpu.memory_space<vmem>>)
    %parallel_loop3A_441 = arith.constant 0 : i32
    %parallel_loop3A_442 = arith.constant 1024 : i32
    %parallel_loop3A_443 = arith.constant 1 : i32
    scf.for %parallel_loop3A_1200 = %parallel_loop3A_441 to %parallel_loop3A_442 step %parallel_loop3A_443  : i32 {
      %parallel_loop3A_1201 = arith.constant 64 : i32
      %parallel_loop3A_1202 = arith.divsi %parallel_loop3A_1200, %parallel_loop3A_1201 : i32
      %parallel_loop3A_1203 = arith.constant 0 : i32
      %parallel_loop3A_1204 = arith.cmpi sgt, %parallel_loop3A_1200, %parallel_loop3A_1203 : i32
      %parallel_loop3A_1205 = arith.extui %parallel_loop3A_1204 : i1 to i32
      %parallel_loop3A_1206 = arith.constant 0 : i32
      %parallel_loop3A_1207 = arith.cmpi slt, %parallel_loop3A_1200, %parallel_loop3A_1206 : i32
      %parallel_loop3A_1208 = arith.extui %parallel_loop3A_1207 : i1 to i32
      %parallel_loop3A_1209 = arith.subi %parallel_loop3A_1205, %parallel_loop3A_1208 : i32
      %parallel_loop3A_1210 = arith.constant 0 : i32
      %parallel_loop3A_1211 = arith.cmpi sgt, %parallel_loop3A_1201, %parallel_loop3A_1210 : i32
      %parallel_loop3A_1212 = arith.extui %parallel_loop3A_1211 : i1 to i32
      %parallel_loop3A_1213 = arith.constant 0 : i32
      %parallel_loop3A_1214 = arith.cmpi slt, %parallel_loop3A_1201, %parallel_loop3A_1213 : i32
      %parallel_loop3A_1215 = arith.extui %parallel_loop3A_1214 : i1 to i32
      %parallel_loop3A_1216 = arith.subi %parallel_loop3A_1212, %parallel_loop3A_1215 : i32
      %parallel_loop3A_1217 = arith.cmpi ne, %parallel_loop3A_1209, %parallel_loop3A_1216 : i32
      %parallel_loop3A_1218 = arith.remsi %parallel_loop3A_1200, %parallel_loop3A_1201 : i32
      %parallel_loop3A_1219 = arith.constant 0 : i32
      %parallel_loop3A_1220 = arith.cmpi ne, %parallel_loop3A_1218, %parallel_loop3A_1219 : i32
      %parallel_loop3A_1221 = arith.andi %parallel_loop3A_1217, %parallel_loop3A_1220 : i1
      %parallel_loop3A_1222 = arith.constant 1 : i32
      %parallel_loop3A_1223 = arith.subi %parallel_loop3A_1202, %parallel_loop3A_1222 : i32
      %parallel_loop3A_1224 = arith.select %parallel_loop3A_1221, %parallel_loop3A_1223, %parallel_loop3A_1202 : i32
      %parallel_loop3A_1225 = arith.constant 64 : i32
      %parallel_loop3A_1226 = arith.constant 0 : i32
      %parallel_loop3A_1227 = arith.cmpi eq, %parallel_loop3A_1225, %parallel_loop3A_1226 : i32
      %parallel_loop3A_1228 = arith.constant 1 : i32
      %parallel_loop3A_1229 = arith.select %parallel_loop3A_1227, %parallel_loop3A_1228, %parallel_loop3A_1225 : i32
      %parallel_loop3A_1230 = arith.remsi %parallel_loop3A_1200, %parallel_loop3A_1229 : i32
      %parallel_loop3A_1231 = arith.constant 0 : i32
      %parallel_loop3A_1232 = arith.cmpi ne, %parallel_loop3A_1230, %parallel_loop3A_1231 : i32
      %parallel_loop3A_1233 = arith.constant 0 : i32
      %parallel_loop3A_1234 = arith.cmpi slt, %parallel_loop3A_1230, %parallel_loop3A_1233 : i32
      %parallel_loop3A_1235 = arith.constant 0 : i32
      %parallel_loop3A_1236 = arith.cmpi slt, %parallel_loop3A_1229, %parallel_loop3A_1235 : i32
      %parallel_loop3A_1237 = arith.xori %parallel_loop3A_1234, %parallel_loop3A_1236 : i1
      %parallel_loop3A_1238 = arith.andi %parallel_loop3A_1237, %parallel_loop3A_1232 : i1
      %parallel_loop3A_1239 = arith.addi %parallel_loop3A_1230, %parallel_loop3A_1229 : i32
      %parallel_loop3A_1240 = arith.select %parallel_loop3A_1238, %parallel_loop3A_1239, %parallel_loop3A_1230 : i32
      %parallel_loop3A_1241 = arith.constant 16 : i32
      %parallel_loop3A_1242 = arith.muli %parallel_loop3A_1240, %parallel_loop3A_1241 : i32
      %parallel_loop3A_1243 = arith.index_cast %parallel_loop3A_1224 : i32 to index
      %parallel_loop3A_1244 = arith.index_cast %parallel_loop3A_1242 : i32 to index
      %parallel_loop3A_1245 = tpu.vector_load %arg5[%parallel_loop3A_1243, %parallel_loop3A_1244] {strides = array<i32>} : memref<16x1024xf32, #tpu.memory_space<vmem>>, vector<1x16xf32>,
      %parallel_loop3A_1246 = vector.shape_cast %parallel_loop3A_1245 : vector<1x16xf32> to vector<16xf32>
      %parallel_loop3A_1247 = arith.index_cast %parallel_loop3A_1224 : i32 to index
      %parallel_loop3A_1248 = arith.index_cast %parallel_loop3A_1242 : i32 to index
      %parallel_loop3A_1249 = tpu.vector_load %arg8[%parallel_loop3A_1247, %parallel_loop3A_1248] {strides = array<i32>} : memref<16x1024xf32, #tpu.memory_space<vmem>>, vector<1x16xf32>,
      %parallel_loop3A_1250 = vector.shape_cast %parallel_loop3A_1249 : vector<1x16xf32> to vector<16xf32>
      %parallel_loop3A_1251 = vector.shape_cast %parallel_loop3A_1246 : vector<16xf32> to vector<1x16xf32>
      tpu.vector_store %arg8[%parallel_loop3A_1247, %parallel_loop3A_1248], %parallel_loop3A_1251 {add = true, strides = array<i32>} : memref<16x1024xf32, #tpu.memory_space<vmem>>, vector<1x16xf32>,
    } {sc.loop_unroll_factor = 8 : i64, sc.parallel_access}
    %add3A_444 = arith.constant 32 : i32
    %add3A_445 = arith.addi %mul3A_2, %add3A_444 : i32
    %dma_start3A_446 = arith.constant 3 : i32
    %dma_start3A_447 = arith.constant 0 : i32
    %dma_start3A_448 = tpu.memref_slice %arg4[%dma_start3A_446, %add3A_445, %dma_start3A_447] : memref<4x4096x1024xf32, #tpu.memory_space<hbm>> -> memref<1x16x1024xf32, #tpu.memory_space<hbm>>
    %dma_start3A_449 = tpu.memref_squeeze %dma_start3A_448 : memref<1x16x1024xf32, #tpu.memory_space<hbm>> -> memref<16x1024xf32, #tpu.memory_space<hbm>>
    %dma_start3A_450 = arith.constant 0 : i32
    %dma_start3A_451 = tpu.memref_slice %arg4[%dma_start3A_446, %add3A_445, %dma_start3A_450] : memref<4x4096x1024xf32, #tpu.memory_space<hbm>> -> memref<1x16x1024xf32, #tpu.memory_space<hbm>>
    %dma_start3A_452 = tpu.memref_squeeze %dma_start3A_451 : memref<1x16x1024xf32, #tpu.memory_space<hbm>> -> memref<16x1024xf32, #tpu.memory_space<hbm>>
    tpu.enqueue_dma source(%arg8 : memref<16x1024xf32, #tpu.memory_space<vmem>>) target(%dma_start3A_452 : memref<16x1024xf32, #tpu.memory_space<hbm>>) target_semaphore(%arg20 : memref<!tpu.dma_semaphore, #tpu.memory_space<semaphore_mem>>)
    %dma_wait3A_453 = arith.constant 1 : i32
    %dma_wait3A_454 = arith.constant 0 : i32
    %dma_wait3A_455 = tpu.memref_slice %arg4[%dma_wait3A_453, %add3A_375, %dma_wait3A_454] : memref<4x4096x1024xf32, #tpu.memory_space<hbm>> -> memref<1x16x1024xf32, #tpu.memory_space<hbm>>
    %dma_wait3A_456 = tpu.memref_squeeze %dma_wait3A_455 : memref<1x16x1024xf32, #tpu.memory_space<hbm>> -> memref<16x1024xf32, #tpu.memory_space<hbm>>
    %dma_wait3A_457 = arith.constant 0 : i32
    %dma_wait3A_458 = tpu.memref_slice %arg4[%dma_wait3A_453, %add3A_375, %dma_wait3A_457] : memref<4x4096x1024xf32, #tpu.memory_space<hbm>> -> memref<1x16x1024xf32, #tpu.memory_space<hbm>>
    %dma_wait3A_459 = tpu.memref_squeeze %dma_wait3A_458 : memref<1x16x1024xf32, #tpu.memory_space<hbm>> -> memref<16x1024xf32, #tpu.memory_space<hbm>>
    tpu.wait_dma2 semaphore(%arg23 : memref<!tpu.dma_semaphore, #tpu.memory_space<semaphore_mem>>) src(%arg11 : memref<16x1024xf32, #tpu.memory_space<vmem>>) dst(%dma_wait3A_459 : memref<16x1024xf32, #tpu.memory_space<hbm>>)
    %add3A_460 = arith.constant 48 : i32
    %add3A_461 = arith.addi %mul3A_2, %add3A_460 : i32
    %dma_start3A_462 = arith.constant 2 : i32
    %dma_start3A_463 = arith.constant 0 : i32
    %dma_start3A_464 = tpu.memref_slice %arg2[%dma_start3A_462, %add3A_461, %dma_start3A_463] : memref<4x4096x1024xf32, #tpu.memory_space<hbm>> -> memref<1x16x1024xf32, #tpu.memory_space<hbm>>
    %dma_start3A_465 = tpu.memref_squeeze %dma_start3A_464 : memref<1x16x1024xf32, #tpu.memory_space<hbm>> -> memref<16x1024xf32, #tpu.memory_space<hbm>>
    %dma_start3A_466 = arith.constant 0 : i32
    %dma_start3A_467 = tpu.memref_slice %arg2[%dma_start3A_462, %add3A_461, %dma_start3A_466] : memref<4x4096x1024xf32, #tpu.memory_space<hbm>> -> memref<1x16x1024xf32, #tpu.memory_space<hbm>>
    %dma_start3A_468 = tpu.memref_squeeze %dma_start3A_467 : memref<1x16x1024xf32, #tpu.memory_space<hbm>> -> memref<16x1024xf32, #tpu.memory_space<hbm>>
    tpu.enqueue_dma source(%dma_start3A_468 : memref<16x1024xf32, #tpu.memory_space<hbm>>) target(%arg11 : memref<16x1024xf32, #tpu.memory_space<vmem>>) target_semaphore(%arg18 : memref<!tpu.dma_semaphore, #tpu.memory_space<semaphore_mem>>)
    %add3A_469 = arith.constant 64 : i32
    %add3A_470 = arith.addi %mul3A_2, %add3A_469 : i32
    %dma_start3A_471 = arith.constant 0 : i32
    %dma_start3A_472 = tpu.memref_slice %arg3[%add3A_470, %dma_start3A_471] : memref<4096x1024xf32, #tpu.memory_space<hbm>> -> memref<16x1024xf32, #tpu.memory_space<hbm>>
    %dma_start3A_473 = arith.constant 0 : i32
    %dma_start3A_474 = tpu.memref_slice %arg3[%add3A_470, %dma_start3A_473] : memref<4096x1024xf32, #tpu.memory_space<hbm>> -> memref<16x1024xf32, #tpu.memory_space<hbm>>
    tpu.enqueue_dma source(%dma_start3A_474 : memref<16x1024xf32, #tpu.memory_space<hbm>>) target(%arg5 : memref<16x1024xf32, #tpu.memory_space<vmem>>) target_semaphore(%arg12 : memref<!tpu.dma_semaphore, #tpu.memory_space<semaphore_mem>>)
    %dma_wait3A_475 = arith.constant 0 : i32
    %dma_wait3A_476 = tpu.memref_slice %arg3[%add3A_320, %dma_wait3A_475] : memref<4096x1024xf32, #tpu.memory_space<hbm>> -> memref<16x1024xf32, #tpu.memory_space<hbm>>
    %dma_wait3A_477 = arith.constant 0 : i32
    %dma_wait3A_478 = tpu.memref_slice %arg3[%add3A_320, %dma_wait3A_477] : memref<4096x1024xf32, #tpu.memory_space<hbm>> -> memref<16x1024xf32, #tpu.memory_space<hbm>>
    tpu.wait_dma2 semaphore(%arg13 : memref<!tpu.dma_semaphore, #tpu.memory_space<semaphore_mem>>) src(%dma_wait3A_478 : memref<16x1024xf32, #tpu.memory_space<hbm>>) dst(%arg6 : memref<16x1024xf32, #tpu.memory_space<vmem>>)
    %dma_wait3A_479 = arith.constant 0 : i32
    %dma_wait3A_480 = arith.constant 0 : i32
    %dma_wait3A_481 = tpu.memref_slice %arg2[%dma_wait3A_479, %add3A_391, %dma_wait3A_480] : memref<4x4096x1024xf32, #tpu.memory_space<hbm>> -> memref<1x16x1024xf32, #tpu.memory_space<hbm>>
    %dma_wait3A_482 = tpu.memref_squeeze %dma_wait3A_481 : memref<1x16x1024xf32, #tpu.memory_space<hbm>> -> memref<16x1024xf32, #tpu.memory_space<hbm>>
    %dma_wait3A_483 = arith.constant 0 : i32
    %dma_wait3A_484 = tpu.memref_slice %arg2[%dma_wait3A_479, %add3A_391, %dma_wait3A_483] : memref<4x4096x1024xf32, #tpu.memory_space<hbm>> -> memref<1x16x1024xf32, #tpu.memory_space<hbm>>
    %dma_wait3A_485 = tpu.memref_squeeze %dma_wait3A_484 : memref<1x16x1024xf32, #tpu.memory_space<hbm>> -> memref<16x1024xf32, #tpu.memory_space<hbm>>
    tpu.wait_dma2 semaphore(%arg16 : memref<!tpu.dma_semaphore, #tpu.memory_space<semaphore_mem>>) src(%dma_wait3A_485 : memref<16x1024xf32, #tpu.memory_space<hbm>>) dst(%arg9 : memref<16x1024xf32, #tpu.memory_space<vmem>>)
    %parallel_loop3A_486 = arith.constant 0 : i32
    %parallel_loop3A_487 = arith.constant 1024 : i32
    %parallel_loop3A_488 = arith.constant 1 : i32
    scf.for %parallel_loop3A_1200 = %parallel_loop3A_486 to %parallel_loop3A_487 step %parallel_loop3A_488  : i32 {
      %parallel_loop3A_1201 = arith.constant 64 : i32
      %parallel_loop3A_1202 = arith.divsi %parallel_loop3A_1200, %parallel_loop3A_1201 : i32
      %parallel_loop3A_1203 = arith.constant 0 : i32
      %parallel_loop3A_1204 = arith.cmpi sgt, %parallel_loop3A_1200, %parallel_loop3A_1203 : i32
      %parallel_loop3A_1205 = arith.extui %parallel_loop3A_1204 : i1 to i32
      %parallel_loop3A_1206 = arith.constant 0 : i32
      %parallel_loop3A_1207 = arith.cmpi slt, %parallel_loop3A_1200, %parallel_loop3A_1206 : i32
      %parallel_loop3A_1208 = arith.extui %parallel_loop3A_1207 : i1 to i32
      %parallel_loop3A_1209 = arith.subi %parallel_loop3A_1205, %parallel_loop3A_1208 : i32
      %parallel_loop3A_1210 = arith.constant 0 : i32
      %parallel_loop3A_1211 = arith.cmpi sgt, %parallel_loop3A_1201, %parallel_loop3A_1210 : i32
      %parallel_loop3A_1212 = arith.extui %parallel_loop3A_1211 : i1 to i32
      %parallel_loop3A_1213 = arith.constant 0 : i32
      %parallel_loop3A_1214 = arith.cmpi slt, %parallel_loop3A_1201, %parallel_loop3A_1213 : i32
      %parallel_loop3A_1215 = arith.extui %parallel_loop3A_1214 : i1 to i32
      %parallel_loop3A_1216 = arith.subi %parallel_loop3A_1212, %parallel_loop3A_1215 : i32
      %parallel_loop3A_1217 = arith.cmpi ne, %parallel_loop3A_1209, %parallel_loop3A_1216 : i32
      %parallel_loop3A_1218 = arith.remsi %parallel_loop3A_1200, %parallel_loop3A_1201 : i32
      %parallel_loop3A_1219 = arith.constant 0 : i32
      %parallel_loop3A_1220 = arith.cmpi ne, %parallel_loop3A_1218, %parallel_loop3A_1219 : i32
      %parallel_loop3A_1221 = arith.andi %parallel_loop3A_1217, %parallel_loop3A_1220 : i1
      %parallel_loop3A_1222 = arith.constant 1 : i32
      %parallel_loop3A_1223 = arith.subi %parallel_loop3A_1202, %parallel_loop3A_1222 : i32
      %parallel_loop3A_1224 = arith.select %parallel_loop3A_1221, %parallel_loop3A_1223, %parallel_loop3A_1202 : i32
      %parallel_loop3A_1225 = arith.constant 64 : i32
      %parallel_loop3A_1226 = arith.constant 0 : i32
      %parallel_loop3A_1227 = arith.cmpi eq, %parallel_loop3A_1225, %parallel_loop3A_1226 : i32
      %parallel_loop3A_1228 = arith.constant 1 : i32
      %parallel_loop3A_1229 = arith.select %parallel_loop3A_1227, %parallel_loop3A_1228, %parallel_loop3A_1225 : i32
      %parallel_loop3A_1230 = arith.remsi %parallel_loop3A_1200, %parallel_loop3A_1229 : i32
      %parallel_loop3A_1231 = arith.constant 0 : i32
      %parallel_loop3A_1232 = arith.cmpi ne, %parallel_loop3A_1230, %parallel_loop3A_1231 : i32
      %parallel_loop3A_1233 = arith.constant 0 : i32
      %parallel_loop3A_1234 = arith.cmpi slt, %parallel_loop3A_1230, %parallel_loop3A_1233 : i32
      %parallel_loop3A_1235 = arith.constant 0 : i32
      %parallel_loop3A_1236 = arith.cmpi slt, %parallel_loop3A_1229, %parallel_loop3A_1235 : i32
      %parallel_loop3A_1237 = arith.xori %parallel_loop3A_1234, %parallel_loop3A_1236 : i1
      %parallel_loop3A_1238 = arith.andi %parallel_loop3A_1237, %parallel_loop3A_1232 : i1
      %parallel_loop3A_1239 = arith.addi %parallel_loop3A_1230, %parallel_loop3A_1229 : i32
      %parallel_loop3A_1240 = arith.select %parallel_loop3A_1238, %parallel_loop3A_1239, %parallel_loop3A_1230 : i32
      %parallel_loop3A_1241 = arith.constant 16 : i32
      %parallel_loop3A_1242 = arith.muli %parallel_loop3A_1240, %parallel_loop3A_1241 : i32
      %parallel_loop3A_1243 = arith.index_cast %parallel_loop3A_1224 : i32 to index
      %parallel_loop3A_1244 = arith.index_cast %parallel_loop3A_1242 : i32 to index
      %parallel_loop3A_1245 = tpu.vector_load %arg6[%parallel_loop3A_1243, %parallel_loop3A_1244] {strides = array<i32>} : memref<16x1024xf32, #tpu.memory_space<vmem>>, vector<1x16xf32>,
      %parallel_loop3A_1246 = vector.shape_cast %parallel_loop3A_1245 : vector<1x16xf32> to vector<16xf32>
      %parallel_loop3A_1247 = arith.index_cast %parallel_loop3A_1224 : i32 to index
      %parallel_loop3A_1248 = arith.index_cast %parallel_loop3A_1242 : i32 to index
      %parallel_loop3A_1249 = tpu.vector_load %arg9[%parallel_loop3A_1247, %parallel_loop3A_1248] {strides = array<i32>} : memref<16x1024xf32, #tpu.memory_space<vmem>>, vector<1x16xf32>,
      %parallel_loop3A_1250 = vector.shape_cast %parallel_loop3A_1249 : vector<1x16xf32> to vector<16xf32>
      %parallel_loop3A_1251 = vector.shape_cast %parallel_loop3A_1246 : vector<16xf32> to vector<1x16xf32>
      tpu.vector_store %arg9[%parallel_loop3A_1247, %parallel_loop3A_1248], %parallel_loop3A_1251 {add = true, strides = array<i32>} : memref<16x1024xf32, #tpu.memory_space<vmem>>, vector<1x16xf32>,
    } {sc.loop_unroll_factor = 8 : i64, sc.parallel_access}
    %add3A_489 = arith.constant 48 : i32
    %add3A_490 = arith.addi %mul3A_2, %add3A_489 : i32
    %dma_start3A_491 = arith.constant 0 : i32
    %dma_start3A_492 = arith.constant 0 : i32
    %dma_start3A_493 = tpu.memref_slice %arg4[%dma_start3A_491, %add3A_490, %dma_start3A_492] : memref<4x4096x1024xf32, #tpu.memory_space<hbm>> -> memref<1x16x1024xf32, #tpu.memory_space<hbm>>
    %dma_start3A_494 = tpu.memref_squeeze %dma_start3A_493 : memref<1x16x1024xf32, #tpu.memory_space<hbm>> -> memref<16x1024xf32, #tpu.memory_space<hbm>>
    %dma_start3A_495 = arith.constant 0 : i32
    %dma_start3A_496 = tpu.memref_slice %arg4[%dma_start3A_491, %add3A_490, %dma_start3A_495] : memref<4x4096x1024xf32, #tpu.memory_space<hbm>> -> memref<1x16x1024xf32, #tpu.memory_space<hbm>>
    %dma_start3A_497 = tpu.memref_squeeze %dma_start3A_496 : memref<1x16x1024xf32, #tpu.memory_space<hbm>> -> memref<16x1024xf32, #tpu.memory_space<hbm>>
    tpu.enqueue_dma source(%arg9 : memref<16x1024xf32, #tpu.memory_space<vmem>>) target(%dma_start3A_497 : memref<16x1024xf32, #tpu.memory_space<hbm>>) target_semaphore(%arg21 : memref<!tpu.dma_semaphore, #tpu.memory_space<semaphore_mem>>)
    %dma_wait3A_498 = arith.constant 2 : i32
    %dma_wait3A_499 = arith.constant 0 : i32
    %dma_wait3A_500 = tpu.memref_slice %arg4[%dma_wait3A_498, %add3A_410, %dma_wait3A_499] : memref<4x4096x1024xf32, #tpu.memory_space<hbm>> -> memref<1x16x1024xf32, #tpu.memory_space<hbm>>
    %dma_wait3A_501 = tpu.memref_squeeze %dma_wait3A_500 : memref<1x16x1024xf32, #tpu.memory_space<hbm>> -> memref<16x1024xf32, #tpu.memory_space<hbm>>
    %dma_wait3A_502 = arith.constant 0 : i32
    %dma_wait3A_503 = tpu.memref_slice %arg4[%dma_wait3A_498, %add3A_410, %dma_wait3A_502] : memref<4x4096x1024xf32, #tpu.memory_space<hbm>> -> memref<1x16x1024xf32, #tpu.memory_space<hbm>>
    %dma_wait3A_504 = tpu.memref_squeeze %dma_wait3A_503 : memref<1x16x1024xf32, #tpu.memory_space<hbm>> -> memref<16x1024xf32, #tpu.memory_space<hbm>>
    tpu.wait_dma2 semaphore(%arg19 : memref<!tpu.dma_semaphore, #tpu.memory_space<semaphore_mem>>) src(%arg7 : memref<16x1024xf32, #tpu.memory_space<vmem>>) dst(%dma_wait3A_504 : memref<16x1024xf32, #tpu.memory_space<hbm>>)
    %add3A_505 = arith.constant 48 : i32
    %add3A_506 = arith.addi %mul3A_2, %add3A_505 : i32
    %dma_start3A_507 = arith.constant 3 : i32
    %dma_start3A_508 = arith.constant 0 : i32
    %dma_start3A_509 = tpu.memref_slice %arg2[%dma_start3A_507, %add3A_506, %dma_start3A_508] : memref<4x4096x1024xf32, #tpu.memory_space<hbm>> -> memref<1x16x1024xf32, #tpu.memory_space<hbm>>
    %dma_start3A_510 = tpu.memref_squeeze %dma_start3A_509 : memref<1x16x1024xf32, #tpu.memory_space<hbm>> -> memref<16x1024xf32, #tpu.memory_space<hbm>>
    %dma_start3A_511 = arith.constant 0 : i32
    %dma_start3A_512 = tpu.memref_slice %arg2[%dma_start3A_507, %add3A_506, %dma_start3A_511] : memref<4x4096x1024xf32, #tpu.memory_space<hbm>> -> memref<1x16x1024xf32, #tpu.memory_space<hbm>>
    %dma_start3A_513 = tpu.memref_squeeze %dma_start3A_512 : memref<1x16x1024xf32, #tpu.memory_space<hbm>> -> memref<16x1024xf32, #tpu.memory_space<hbm>>
    tpu.enqueue_dma source(%dma_start3A_513 : memref<16x1024xf32, #tpu.memory_space<hbm>>) target(%arg7 : memref<16x1024xf32, #tpu.memory_space<vmem>>) target_semaphore(%arg14 : memref<!tpu.dma_semaphore, #tpu.memory_space<semaphore_mem>>)
    %dma_wait3A_514 = arith.constant 1 : i32
    %dma_wait3A_515 = arith.constant 0 : i32
    %dma_wait3A_516 = tpu.memref_slice %arg2[%dma_wait3A_514, %add3A_426, %dma_wait3A_515] : memref<4x4096x1024xf32, #tpu.memory_space<hbm>> -> memref<1x16x1024xf32, #tpu.memory_space<hbm>>
    %dma_wait3A_517 = tpu.memref_squeeze %dma_wait3A_516 : memref<1x16x1024xf32, #tpu.memory_space<hbm>> -> memref<16x1024xf32, #tpu.memory_space<hbm>>
    %dma_wait3A_518 = arith.constant 0 : i32
    %dma_wait3A_519 = tpu.memref_slice %arg2[%dma_wait3A_514, %add3A_426, %dma_wait3A_518] : memref<4x4096x1024xf32, #tpu.memory_space<hbm>> -> memref<1x16x1024xf32, #tpu.memory_space<hbm>>
    %dma_wait3A_520 = tpu.memref_squeeze %dma_wait3A_519 : memref<1x16x1024xf32, #tpu.memory_space<hbm>> -> memref<16x1024xf32, #tpu.memory_space<hbm>>
    tpu.wait_dma2 semaphore(%arg17 : memref<!tpu.dma_semaphore, #tpu.memory_space<semaphore_mem>>) src(%dma_wait3A_520 : memref<16x1024xf32, #tpu.memory_space<hbm>>) dst(%arg10 : memref<16x1024xf32, #tpu.memory_space<vmem>>)
    %parallel_loop3A_521 = arith.constant 0 : i32
    %parallel_loop3A_522 = arith.constant 1024 : i32
    %parallel_loop3A_523 = arith.constant 1 : i32
    scf.for %parallel_loop3A_1200 = %parallel_loop3A_521 to %parallel_loop3A_522 step %parallel_loop3A_523  : i32 {
      %parallel_loop3A_1201 = arith.constant 64 : i32
      %parallel_loop3A_1202 = arith.divsi %parallel_loop3A_1200, %parallel_loop3A_1201 : i32
      %parallel_loop3A_1203 = arith.constant 0 : i32
      %parallel_loop3A_1204 = arith.cmpi sgt, %parallel_loop3A_1200, %parallel_loop3A_1203 : i32
      %parallel_loop3A_1205 = arith.extui %parallel_loop3A_1204 : i1 to i32
      %parallel_loop3A_1206 = arith.constant 0 : i32
      %parallel_loop3A_1207 = arith.cmpi slt, %parallel_loop3A_1200, %parallel_loop3A_1206 : i32
      %parallel_loop3A_1208 = arith.extui %parallel_loop3A_1207 : i1 to i32
      %parallel_loop3A_1209 = arith.subi %parallel_loop3A_1205, %parallel_loop3A_1208 : i32
      %parallel_loop3A_1210 = arith.constant 0 : i32
      %parallel_loop3A_1211 = arith.cmpi sgt, %parallel_loop3A_1201, %parallel_loop3A_1210 : i32
      %parallel_loop3A_1212 = arith.extui %parallel_loop3A_1211 : i1 to i32
      %parallel_loop3A_1213 = arith.constant 0 : i32
      %parallel_loop3A_1214 = arith.cmpi slt, %parallel_loop3A_1201, %parallel_loop3A_1213 : i32
      %parallel_loop3A_1215 = arith.extui %parallel_loop3A_1214 : i1 to i32
      %parallel_loop3A_1216 = arith.subi %parallel_loop3A_1212, %parallel_loop3A_1215 : i32
      %parallel_loop3A_1217 = arith.cmpi ne, %parallel_loop3A_1209, %parallel_loop3A_1216 : i32
      %parallel_loop3A_1218 = arith.remsi %parallel_loop3A_1200, %parallel_loop3A_1201 : i32
      %parallel_loop3A_1219 = arith.constant 0 : i32
      %parallel_loop3A_1220 = arith.cmpi ne, %parallel_loop3A_1218, %parallel_loop3A_1219 : i32
      %parallel_loop3A_1221 = arith.andi %parallel_loop3A_1217, %parallel_loop3A_1220 : i1
      %parallel_loop3A_1222 = arith.constant 1 : i32
      %parallel_loop3A_1223 = arith.subi %parallel_loop3A_1202, %parallel_loop3A_1222 : i32
      %parallel_loop3A_1224 = arith.select %parallel_loop3A_1221, %parallel_loop3A_1223, %parallel_loop3A_1202 : i32
      %parallel_loop3A_1225 = arith.constant 64 : i32
      %parallel_loop3A_1226 = arith.constant 0 : i32
      %parallel_loop3A_1227 = arith.cmpi eq, %parallel_loop3A_1225, %parallel_loop3A_1226 : i32
      %parallel_loop3A_1228 = arith.constant 1 : i32
      %parallel_loop3A_1229 = arith.select %parallel_loop3A_1227, %parallel_loop3A_1228, %parallel_loop3A_1225 : i32
      %parallel_loop3A_1230 = arith.remsi %parallel_loop3A_1200, %parallel_loop3A_1229 : i32
      %parallel_loop3A_1231 = arith.constant 0 : i32
      %parallel_loop3A_1232 = arith.cmpi ne, %parallel_loop3A_1230, %parallel_loop3A_1231 : i32
      %parallel_loop3A_1233 = arith.constant 0 : i32
      %parallel_loop3A_1234 = arith.cmpi slt, %parallel_loop3A_1230, %parallel_loop3A_1233 : i32
      %parallel_loop3A_1235 = arith.constant 0 : i32
      %parallel_loop3A_1236 = arith.cmpi slt, %parallel_loop3A_1229, %parallel_loop3A_1235 : i32
      %parallel_loop3A_1237 = arith.xori %parallel_loop3A_1234, %parallel_loop3A_1236 : i1
      %parallel_loop3A_1238 = arith.andi %parallel_loop3A_1237, %parallel_loop3A_1232 : i1
      %parallel_loop3A_1239 = arith.addi %parallel_loop3A_1230, %parallel_loop3A_1229 : i32
      %parallel_loop3A_1240 = arith.select %parallel_loop3A_1238, %parallel_loop3A_1239, %parallel_loop3A_1230 : i32
      %parallel_loop3A_1241 = arith.constant 16 : i32
      %parallel_loop3A_1242 = arith.muli %parallel_loop3A_1240, %parallel_loop3A_1241 : i32
      %parallel_loop3A_1243 = arith.index_cast %parallel_loop3A_1224 : i32 to index
      %parallel_loop3A_1244 = arith.index_cast %parallel_loop3A_1242 : i32 to index
      %parallel_loop3A_1245 = tpu.vector_load %arg6[%parallel_loop3A_1243, %parallel_loop3A_1244] {strides = array<i32>} : memref<16x1024xf32, #tpu.memory_space<vmem>>, vector<1x16xf32>,
      %parallel_loop3A_1246 = vector.shape_cast %parallel_loop3A_1245 : vector<1x16xf32> to vector<16xf32>
      %parallel_loop3A_1247 = arith.index_cast %parallel_loop3A_1224 : i32 to index
      %parallel_loop3A_1248 = arith.index_cast %parallel_loop3A_1242 : i32 to index
      %parallel_loop3A_1249 = tpu.vector_load %arg10[%parallel_loop3A_1247, %parallel_loop3A_1248] {strides = array<i32>} : memref<16x1024xf32, #tpu.memory_space<vmem>>, vector<1x16xf32>,
      %parallel_loop3A_1250 = vector.shape_cast %parallel_loop3A_1249 : vector<1x16xf32> to vector<16xf32>
      %parallel_loop3A_1251 = vector.shape_cast %parallel_loop3A_1246 : vector<16xf32> to vector<1x16xf32>
      tpu.vector_store %arg10[%parallel_loop3A_1247, %parallel_loop3A_1248], %parallel_loop3A_1251 {add = true, strides = array<i32>} : memref<16x1024xf32, #tpu.memory_space<vmem>>, vector<1x16xf32>,
    } {sc.loop_unroll_factor = 8 : i64, sc.parallel_access}
    %add3A_524 = arith.constant 48 : i32
    %add3A_525 = arith.addi %mul3A_2, %add3A_524 : i32
    %dma_start3A_526 = arith.constant 1 : i32
    %dma_start3A_527 = arith.constant 0 : i32
    %dma_start3A_528 = tpu.memref_slice %arg4[%dma_start3A_526, %add3A_525, %dma_start3A_527] : memref<4x4096x1024xf32, #tpu.memory_space<hbm>> -> memref<1x16x1024xf32, #tpu.memory_space<hbm>>
    %dma_start3A_529 = tpu.memref_squeeze %dma_start3A_528 : memref<1x16x1024xf32, #tpu.memory_space<hbm>> -> memref<16x1024xf32, #tpu.memory_space<hbm>>
    %dma_start3A_530 = arith.constant 0 : i32
    %dma_start3A_531 = tpu.memref_slice %arg4[%dma_start3A_526, %add3A_525, %dma_start3A_530] : memref<4x4096x1024xf32, #tpu.memory_space<hbm>> -> memref<1x16x1024xf32, #tpu.memory_space<hbm>>
    %dma_start3A_532 = tpu.memref_squeeze %dma_start3A_531 : memref<1x16x1024xf32, #tpu.memory_space<hbm>> -> memref<16x1024xf32, #tpu.memory_space<hbm>>
    tpu.enqueue_dma source(%arg10 : memref<16x1024xf32, #tpu.memory_space<vmem>>) target(%dma_start3A_532 : memref<16x1024xf32, #tpu.memory_space<hbm>>) target_semaphore(%arg22 : memref<!tpu.dma_semaphore, #tpu.memory_space<semaphore_mem>>)
    %dma_wait3A_533 = arith.constant 3 : i32
    %dma_wait3A_534 = arith.constant 0 : i32
    %dma_wait3A_535 = tpu.memref_slice %arg4[%dma_wait3A_533, %add3A_445, %dma_wait3A_534] : memref<4x4096x1024xf32, #tpu.memory_space<hbm>> -> memref<1x16x1024xf32, #tpu.memory_space<hbm>>
    %dma_wait3A_536 = tpu.memref_squeeze %dma_wait3A_535 : memref<1x16x1024xf32, #tpu.memory_space<hbm>> -> memref<16x1024xf32, #tpu.memory_space<hbm>>
    %dma_wait3A_537 = arith.constant 0 : i32
    %dma_wait3A_538 = tpu.memref_slice %arg4[%dma_wait3A_533, %add3A_445, %dma_wait3A_537] : memref<4x4096x1024xf32, #tpu.memory_space<hbm>> -> memref<1x16x1024xf32, #tpu.memory_space<hbm>>
    %dma_wait3A_539 = tpu.memref_squeeze %dma_wait3A_538 : memref<1x16x1024xf32, #tpu.memory_space<hbm>> -> memref<16x1024xf32, #tpu.memory_space<hbm>>
    tpu.wait_dma2 semaphore(%arg20 : memref<!tpu.dma_semaphore, #tpu.memory_space<semaphore_mem>>) src(%arg8 : memref<16x1024xf32, #tpu.memory_space<vmem>>) dst(%dma_wait3A_539 : memref<16x1024xf32, #tpu.memory_space<hbm>>)
    %add3A_540 = arith.constant 64 : i32
    %add3A_541 = arith.addi %mul3A_2, %add3A_540 : i32
    %dma_start3A_542 = arith.constant 0 : i32
    %dma_start3A_543 = arith.constant 0 : i32
    %dma_start3A_544 = tpu.memref_slice %arg2[%dma_start3A_542, %add3A_541, %dma_start3A_543] : memref<4x4096x1024xf32, #tpu.memory_space<hbm>> -> memref<1x16x1024xf32, #tpu.memory_space<hbm>>
    %dma_start3A_545 = tpu.memref_squeeze %dma_start3A_544 : memref<1x16x1024xf32, #tpu.memory_space<hbm>> -> memref<16x1024xf32, #tpu.memory_space<hbm>>
    %dma_start3A_546 = arith.constant 0 : i32
    %dma_start3A_547 = tpu.memref_slice %arg2[%dma_start3A_542, %add3A_541, %dma_start3A_546] : memref<4x4096x1024xf32, #tpu.memory_space<hbm>> -> memref<1x16x1024xf32, #tpu.memory_space<hbm>>
    %dma_start3A_548 = tpu.memref_squeeze %dma_start3A_547 : memref<1x16x1024xf32, #tpu.memory_space<hbm>> -> memref<16x1024xf32, #tpu.memory_space<hbm>>
    tpu.enqueue_dma source(%dma_start3A_548 : memref<16x1024xf32, #tpu.memory_space<hbm>>) target(%arg8 : memref<16x1024xf32, #tpu.memory_space<vmem>>) target_semaphore(%arg15 : memref<!tpu.dma_semaphore, #tpu.memory_space<semaphore_mem>>)
    %dma_wait3A_549 = arith.constant 2 : i32
    %dma_wait3A_550 = arith.constant 0 : i32
    %dma_wait3A_551 = tpu.memref_slice %arg2[%dma_wait3A_549, %add3A_461, %dma_wait3A_550] : memref<4x4096x1024xf32, #tpu.memory_space<hbm>> -> memref<1x16x1024xf32, #tpu.memory_space<hbm>>
    %dma_wait3A_552 = tpu.memref_squeeze %dma_wait3A_551 : memref<1x16x1024xf32, #tpu.memory_space<hbm>> -> memref<16x1024xf32, #tpu.memory_space<hbm>>
    %dma_wait3A_553 = arith.constant 0 : i32
    %dma_wait3A_554 = tpu.memref_slice %arg2[%dma_wait3A_549, %add3A_461, %dma_wait3A_553] : memref<4x4096x1024xf32, #tpu.memory_space<hbm>> -> memref<1x16x1024xf32, #tpu.memory_space<hbm>>
    %dma_wait3A_555 = tpu.memref_squeeze %dma_wait3A_554 : memref<1x16x1024xf32, #tpu.memory_space<hbm>> -> memref<16x1024xf32, #tpu.memory_space<hbm>>
    tpu.wait_dma2 semaphore(%arg18 : memref<!tpu.dma_semaphore, #tpu.memory_space<semaphore_mem>>) src(%dma_wait3A_555 : memref<16x1024xf32, #tpu.memory_space<hbm>>) dst(%arg11 : memref<16x1024xf32, #tpu.memory_space<vmem>>)
    %parallel_loop3A_556 = arith.constant 0 : i32
    %parallel_loop3A_557 = arith.constant 1024 : i32
    %parallel_loop3A_558 = arith.constant 1 : i32
    scf.for %parallel_loop3A_1200 = %parallel_loop3A_556 to %parallel_loop3A_557 step %parallel_loop3A_558  : i32 {
      %parallel_loop3A_1201 = arith.constant 64 : i32
      %parallel_loop3A_1202 = arith.divsi %parallel_loop3A_1200, %parallel_loop3A_1201 : i32
      %parallel_loop3A_1203 = arith.constant 0 : i32
      %parallel_loop3A_1204 = arith.cmpi sgt, %parallel_loop3A_1200, %parallel_loop3A_1203 : i32
      %parallel_loop3A_1205 = arith.extui %parallel_loop3A_1204 : i1 to i32
      %parallel_loop3A_1206 = arith.constant 0 : i32
      %parallel_loop3A_1207 = arith.cmpi slt, %parallel_loop3A_1200, %parallel_loop3A_1206 : i32
      %parallel_loop3A_1208 = arith.extui %parallel_loop3A_1207 : i1 to i32
      %parallel_loop3A_1209 = arith.subi %parallel_loop3A_1205, %parallel_loop3A_1208 : i32
      %parallel_loop3A_1210 = arith.constant 0 : i32
      %parallel_loop3A_1211 = arith.cmpi sgt, %parallel_loop3A_1201, %parallel_loop3A_1210 : i32
      %parallel_loop3A_1212 = arith.extui %parallel_loop3A_1211 : i1 to i32
      %parallel_loop3A_1213 = arith.constant 0 : i32
      %parallel_loop3A_1214 = arith.cmpi slt, %parallel_loop3A_1201, %parallel_loop3A_1213 : i32
      %parallel_loop3A_1215 = arith.extui %parallel_loop3A_1214 : i1 to i32
      %parallel_loop3A_1216 = arith.subi %parallel_loop3A_1212, %parallel_loop3A_1215 : i32
      %parallel_loop3A_1217 = arith.cmpi ne, %parallel_loop3A_1209, %parallel_loop3A_1216 : i32
      %parallel_loop3A_1218 = arith.remsi %parallel_loop3A_1200, %parallel_loop3A_1201 : i32
      %parallel_loop3A_1219 = arith.constant 0 : i32
      %parallel_loop3A_1220 = arith.cmpi ne, %parallel_loop3A_1218, %parallel_loop3A_1219 : i32
      %parallel_loop3A_1221 = arith.andi %parallel_loop3A_1217, %parallel_loop3A_1220 : i1
      %parallel_loop3A_1222 = arith.constant 1 : i32
      %parallel_loop3A_1223 = arith.subi %parallel_loop3A_1202, %parallel_loop3A_1222 : i32
      %parallel_loop3A_1224 = arith.select %parallel_loop3A_1221, %parallel_loop3A_1223, %parallel_loop3A_1202 : i32
      %parallel_loop3A_1225 = arith.constant 64 : i32
      %parallel_loop3A_1226 = arith.constant 0 : i32
      %parallel_loop3A_1227 = arith.cmpi eq, %parallel_loop3A_1225, %parallel_loop3A_1226 : i32
      %parallel_loop3A_1228 = arith.constant 1 : i32
      %parallel_loop3A_1229 = arith.select %parallel_loop3A_1227, %parallel_loop3A_1228, %parallel_loop3A_1225 : i32
      %parallel_loop3A_1230 = arith.remsi %parallel_loop3A_1200, %parallel_loop3A_1229 : i32
      %parallel_loop3A_1231 = arith.constant 0 : i32
      %parallel_loop3A_1232 = arith.cmpi ne, %parallel_loop3A_1230, %parallel_loop3A_1231 : i32
      %parallel_loop3A_1233 = arith.constant 0 : i32
      %parallel_loop3A_1234 = arith.cmpi slt, %parallel_loop3A_1230, %parallel_loop3A_1233 : i32
      %parallel_loop3A_1235 = arith.constant 0 : i32
      %parallel_loop3A_1236 = arith.cmpi slt, %parallel_loop3A_1229, %parallel_loop3A_1235 : i32
      %parallel_loop3A_1237 = arith.xori %parallel_loop3A_1234, %parallel_loop3A_1236 : i1
      %parallel_loop3A_1238 = arith.andi %parallel_loop3A_1237, %parallel_loop3A_1232 : i1
      %parallel_loop3A_1239 = arith.addi %parallel_loop3A_1230, %parallel_loop3A_1229 : i32
      %parallel_loop3A_1240 = arith.select %parallel_loop3A_1238, %parallel_loop3A_1239, %parallel_loop3A_1230 : i32
      %parallel_loop3A_1241 = arith.constant 16 : i32
      %parallel_loop3A_1242 = arith.muli %parallel_loop3A_1240, %parallel_loop3A_1241 : i32
      %parallel_loop3A_1243 = arith.index_cast %parallel_loop3A_1224 : i32 to index
      %parallel_loop3A_1244 = arith.index_cast %parallel_loop3A_1242 : i32 to index
      %parallel_loop3A_1245 = tpu.vector_load %arg6[%parallel_loop3A_1243, %parallel_loop3A_1244] {strides = array<i32>} : memref<16x1024xf32, #tpu.memory_space<vmem>>, vector<1x16xf32>,
      %parallel_loop3A_1246 = vector.shape_cast %parallel_loop3A_1245 : vector<1x16xf32> to vector<16xf32>
      %parallel_loop3A_1247 = arith.index_cast %parallel_loop3A_1224 : i32 to index
      %parallel_loop3A_1248 = arith.index_cast %parallel_loop3A_1242 : i32 to index
      %parallel_loop3A_1249 = tpu.vector_load %arg11[%parallel_loop3A_1247, %parallel_loop3A_1248] {strides = array<i32>} : memref<16x1024xf32, #tpu.memory_space<vmem>>, vector<1x16xf32>,
      %parallel_loop3A_1250 = vector.shape_cast %parallel_loop3A_1249 : vector<1x16xf32> to vector<16xf32>
      %parallel_loop3A_1251 = vector.shape_cast %parallel_loop3A_1246 : vector<16xf32> to vector<1x16xf32>
      tpu.vector_store %arg11[%parallel_loop3A_1247, %parallel_loop3A_1248], %parallel_loop3A_1251 {add = true, strides = array<i32>} : memref<16x1024xf32, #tpu.memory_space<vmem>>, vector<1x16xf32>,
    } {sc.loop_unroll_factor = 8 : i64, sc.parallel_access}
    %add3A_559 = arith.constant 48 : i32
    %add3A_560 = arith.addi %mul3A_2, %add3A_559 : i32
    %dma_start3A_561 = arith.constant 2 : i32
    %dma_start3A_562 = arith.constant 0 : i32
    %dma_start3A_563 = tpu.memref_slice %arg4[%dma_start3A_561, %add3A_560, %dma_start3A_562] : memref<4x4096x1024xf32, #tpu.memory_space<hbm>> -> memref<1x16x1024xf32, #tpu.memory_space<hbm>>
    %dma_start3A_564 = tpu.memref_squeeze %dma_start3A_563 : memref<1x16x1024xf32, #tpu.memory_space<hbm>> -> memref<16x1024xf32, #tpu.memory_space<hbm>>
    %dma_start3A_565 = arith.constant 0 : i32
    %dma_start3A_566 = tpu.memref_slice %arg4[%dma_start3A_561, %add3A_560, %dma_start3A_565] : memref<4x4096x1024xf32, #tpu.memory_space<hbm>> -> memref<1x16x1024xf32, #tpu.memory_space<hbm>>
    %dma_start3A_567 = tpu.memref_squeeze %dma_start3A_566 : memref<1x16x1024xf32, #tpu.memory_space<hbm>> -> memref<16x1024xf32, #tpu.memory_space<hbm>>
    tpu.enqueue_dma source(%arg11 : memref<16x1024xf32, #tpu.memory_space<vmem>>) target(%dma_start3A_567 : memref<16x1024xf32, #tpu.memory_space<hbm>>) target_semaphore(%arg23 : memref<!tpu.dma_semaphore, #tpu.memory_space<semaphore_mem>>)
    %dma_wait3A_568 = arith.constant 0 : i32
    %dma_wait3A_569 = arith.constant 0 : i32
    %dma_wait3A_570 = tpu.memref_slice %arg4[%dma_wait3A_568, %add3A_490, %dma_wait3A_569] : memref<4x4096x1024xf32, #tpu.memory_space<hbm>> -> memref<1x16x1024xf32, #tpu.memory_space<hbm>>
    %dma_wait3A_571 = tpu.memref_squeeze %dma_wait3A_570 : memref<1x16x1024xf32, #tpu.memory_space<hbm>> -> memref<16x1024xf32, #tpu.memory_space<hbm>>
    %dma_wait3A_572 = arith.constant 0 : i32
    %dma_wait3A_573 = tpu.memref_slice %arg4[%dma_wait3A_568, %add3A_490, %dma_wait3A_572] : memref<4x4096x1024xf32, #tpu.memory_space<hbm>> -> memref<1x16x1024xf32, #tpu.memory_space<hbm>>
    %dma_wait3A_574 = tpu.memref_squeeze %dma_wait3A_573 : memref<1x16x1024xf32, #tpu.memory_space<hbm>> -> memref<16x1024xf32, #tpu.memory_space<hbm>>
    tpu.wait_dma2 semaphore(%arg21 : memref<!tpu.dma_semaphore, #tpu.memory_space<semaphore_mem>>) src(%arg9 : memref<16x1024xf32, #tpu.memory_space<vmem>>) dst(%dma_wait3A_574 : memref<16x1024xf32, #tpu.memory_space<hbm>>)
    %add3A_575 = arith.constant 64 : i32
    %add3A_576 = arith.addi %mul3A_2, %add3A_575 : i32
    %dma_start3A_577 = arith.constant 1 : i32
    %dma_start3A_578 = arith.constant 0 : i32
    %dma_start3A_579 = tpu.memref_slice %arg2[%dma_start3A_577, %add3A_576, %dma_start3A_578] : memref<4x4096x1024xf32, #tpu.memory_space<hbm>> -> memref<1x16x1024xf32, #tpu.memory_space<hbm>>
    %dma_start3A_580 = tpu.memref_squeeze %dma_start3A_579 : memref<1x16x1024xf32, #tpu.memory_space<hbm>> -> memref<16x1024xf32, #tpu.memory_space<hbm>>
    %dma_start3A_581 = arith.constant 0 : i32
    %dma_start3A_582 = tpu.memref_slice %arg2[%dma_start3A_577, %add3A_576, %dma_start3A_581] : memref<4x4096x1024xf32, #tpu.memory_space<hbm>> -> memref<1x16x1024xf32, #tpu.memory_space<hbm>>
    %dma_start3A_583 = tpu.memref_squeeze %dma_start3A_582 : memref<1x16x1024xf32, #tpu.memory_space<hbm>> -> memref<16x1024xf32, #tpu.memory_space<hbm>>
    tpu.enqueue_dma source(%dma_start3A_583 : memref<16x1024xf32, #tpu.memory_space<hbm>>) target(%arg9 : memref<16x1024xf32, #tpu.memory_space<vmem>>) target_semaphore(%arg16 : memref<!tpu.dma_semaphore, #tpu.memory_space<semaphore_mem>>)
    %dma_wait3A_584 = arith.constant 3 : i32
    %dma_wait3A_585 = arith.constant 0 : i32
    %dma_wait3A_586 = tpu.memref_slice %arg2[%dma_wait3A_584, %add3A_506, %dma_wait3A_585] : memref<4x4096x1024xf32, #tpu.memory_space<hbm>> -> memref<1x16x1024xf32, #tpu.memory_space<hbm>>
    %dma_wait3A_587 = tpu.memref_squeeze %dma_wait3A_586 : memref<1x16x1024xf32, #tpu.memory_space<hbm>> -> memref<16x1024xf32, #tpu.memory_space<hbm>>
    %dma_wait3A_588 = arith.constant 0 : i32
    %dma_wait3A_589 = tpu.memref_slice %arg2[%dma_wait3A_584, %add3A_506, %dma_wait3A_588] : memref<4x4096x1024xf32, #tpu.memory_space<hbm>> -> memref<1x16x1024xf32, #tpu.memory_space<hbm>>
    %dma_wait3A_590 = tpu.memref_squeeze %dma_wait3A_589 : memref<1x16x1024xf32, #tpu.memory_space<hbm>> -> memref<16x1024xf32, #tpu.memory_space<hbm>>
    tpu.wait_dma2 semaphore(%arg14 : memref<!tpu.dma_semaphore, #tpu.memory_space<semaphore_mem>>) src(%dma_wait3A_590 : memref<16x1024xf32, #tpu.memory_space<hbm>>) dst(%arg7 : memref<16x1024xf32, #tpu.memory_space<vmem>>)
    %parallel_loop3A_591 = arith.constant 0 : i32
    %parallel_loop3A_592 = arith.constant 1024 : i32
    %parallel_loop3A_593 = arith.constant 1 : i32
    scf.for %parallel_loop3A_1200 = %parallel_loop3A_591 to %parallel_loop3A_592 step %parallel_loop3A_593  : i32 {
      %parallel_loop3A_1201 = arith.constant 64 : i32
      %parallel_loop3A_1202 = arith.divsi %parallel_loop3A_1200, %parallel_loop3A_1201 : i32
      %parallel_loop3A_1203 = arith.constant 0 : i32
      %parallel_loop3A_1204 = arith.cmpi sgt, %parallel_loop3A_1200, %parallel_loop3A_1203 : i32
      %parallel_loop3A_1205 = arith.extui %parallel_loop3A_1204 : i1 to i32
      %parallel_loop3A_1206 = arith.constant 0 : i32
      %parallel_loop3A_1207 = arith.cmpi slt, %parallel_loop3A_1200, %parallel_loop3A_1206 : i32
      %parallel_loop3A_1208 = arith.extui %parallel_loop3A_1207 : i1 to i32
      %parallel_loop3A_1209 = arith.subi %parallel_loop3A_1205, %parallel_loop3A_1208 : i32
      %parallel_loop3A_1210 = arith.constant 0 : i32
      %parallel_loop3A_1211 = arith.cmpi sgt, %parallel_loop3A_1201, %parallel_loop3A_1210 : i32
      %parallel_loop3A_1212 = arith.extui %parallel_loop3A_1211 : i1 to i32
      %parallel_loop3A_1213 = arith.constant 0 : i32
      %parallel_loop3A_1214 = arith.cmpi slt, %parallel_loop3A_1201, %parallel_loop3A_1213 : i32
      %parallel_loop3A_1215 = arith.extui %parallel_loop3A_1214 : i1 to i32
      %parallel_loop3A_1216 = arith.subi %parallel_loop3A_1212, %parallel_loop3A_1215 : i32
      %parallel_loop3A_1217 = arith.cmpi ne, %parallel_loop3A_1209, %parallel_loop3A_1216 : i32
      %parallel_loop3A_1218 = arith.remsi %parallel_loop3A_1200, %parallel_loop3A_1201 : i32
      %parallel_loop3A_1219 = arith.constant 0 : i32
      %parallel_loop3A_1220 = arith.cmpi ne, %parallel_loop3A_1218, %parallel_loop3A_1219 : i32
      %parallel_loop3A_1221 = arith.andi %parallel_loop3A_1217, %parallel_loop3A_1220 : i1
      %parallel_loop3A_1222 = arith.constant 1 : i32
      %parallel_loop3A_1223 = arith.subi %parallel_loop3A_1202, %parallel_loop3A_1222 : i32
      %parallel_loop3A_1224 = arith.select %parallel_loop3A_1221, %parallel_loop3A_1223, %parallel_loop3A_1202 : i32
      %parallel_loop3A_1225 = arith.constant 64 : i32
      %parallel_loop3A_1226 = arith.constant 0 : i32
      %parallel_loop3A_1227 = arith.cmpi eq, %parallel_loop3A_1225, %parallel_loop3A_1226 : i32
      %parallel_loop3A_1228 = arith.constant 1 : i32
      %parallel_loop3A_1229 = arith.select %parallel_loop3A_1227, %parallel_loop3A_1228, %parallel_loop3A_1225 : i32
      %parallel_loop3A_1230 = arith.remsi %parallel_loop3A_1200, %parallel_loop3A_1229 : i32
      %parallel_loop3A_1231 = arith.constant 0 : i32
      %parallel_loop3A_1232 = arith.cmpi ne, %parallel_loop3A_1230, %parallel_loop3A_1231 : i32
      %parallel_loop3A_1233 = arith.constant 0 : i32
      %parallel_loop3A_1234 = arith.cmpi slt, %parallel_loop3A_1230, %parallel_loop3A_1233 : i32
      %parallel_loop3A_1235 = arith.constant 0 : i32
      %parallel_loop3A_1236 = arith.cmpi slt, %parallel_loop3A_1229, %parallel_loop3A_1235 : i32
      %parallel_loop3A_1237 = arith.xori %parallel_loop3A_1234, %parallel_loop3A_1236 : i1
      %parallel_loop3A_1238 = arith.andi %parallel_loop3A_1237, %parallel_loop3A_1232 : i1
      %parallel_loop3A_1239 = arith.addi %parallel_loop3A_1230, %parallel_loop3A_1229 : i32
      %parallel_loop3A_1240 = arith.select %parallel_loop3A_1238, %parallel_loop3A_1239, %parallel_loop3A_1230 : i32
      %parallel_loop3A_1241 = arith.constant 16 : i32
      %parallel_loop3A_1242 = arith.muli %parallel_loop3A_1240, %parallel_loop3A_1241 : i32
      %parallel_loop3A_1243 = arith.index_cast %parallel_loop3A_1224 : i32 to index
      %parallel_loop3A_1244 = arith.index_cast %parallel_loop3A_1242 : i32 to index
      %parallel_loop3A_1245 = tpu.vector_load %arg6[%parallel_loop3A_1243, %parallel_loop3A_1244] {strides = array<i32>} : memref<16x1024xf32, #tpu.memory_space<vmem>>, vector<1x16xf32>,
      %parallel_loop3A_1246 = vector.shape_cast %parallel_loop3A_1245 : vector<1x16xf32> to vector<16xf32>
      %parallel_loop3A_1247 = arith.index_cast %parallel_loop3A_1224 : i32 to index
      %parallel_loop3A_1248 = arith.index_cast %parallel_loop3A_1242 : i32 to index
      %parallel_loop3A_1249 = tpu.vector_load %arg7[%parallel_loop3A_1247, %parallel_loop3A_1248] {strides = array<i32>} : memref<16x1024xf32, #tpu.memory_space<vmem>>, vector<1x16xf32>,
      %parallel_loop3A_1250 = vector.shape_cast %parallel_loop3A_1249 : vector<1x16xf32> to vector<16xf32>
      %parallel_loop3A_1251 = vector.shape_cast %parallel_loop3A_1246 : vector<16xf32> to vector<1x16xf32>
      tpu.vector_store %arg7[%parallel_loop3A_1247, %parallel_loop3A_1248], %parallel_loop3A_1251 {add = true, strides = array<i32>} : memref<16x1024xf32, #tpu.memory_space<vmem>>, vector<1x16xf32>,
    } {sc.loop_unroll_factor = 8 : i64, sc.parallel_access}
    %add3A_594 = arith.constant 48 : i32
    %add3A_595 = arith.addi %mul3A_2, %add3A_594 : i32
    %dma_start3A_596 = arith.constant 3 : i32
    %dma_start3A_597 = arith.constant 0 : i32
    %dma_start3A_598 = tpu.memref_slice %arg4[%dma_start3A_596, %add3A_595, %dma_start3A_597] : memref<4x4096x1024xf32, #tpu.memory_space<hbm>> -> memref<1x16x1024xf32, #tpu.memory_space<hbm>>
    %dma_start3A_599 = tpu.memref_squeeze %dma_start3A_598 : memref<1x16x1024xf32, #tpu.memory_space<hbm>> -> memref<16x1024xf32, #tpu.memory_space<hbm>>
    %dma_start3A_600 = arith.constant 0 : i32
    %dma_start3A_601 = tpu.memref_slice %arg4[%dma_start3A_596, %add3A_595, %dma_start3A_600] : memref<4x4096x1024xf32, #tpu.memory_space<hbm>> -> memref<1x16x1024xf32, #tpu.memory_space<hbm>>
    %dma_start3A_602 = tpu.memref_squeeze %dma_start3A_601 : memref<1x16x1024xf32, #tpu.memory_space<hbm>> -> memref<16x1024xf32, #tpu.memory_space<hbm>>
    tpu.enqueue_dma source(%arg7 : memref<16x1024xf32, #tpu.memory_space<vmem>>) target(%dma_start3A_602 : memref<16x1024xf32, #tpu.memory_space<hbm>>) target_semaphore(%arg19 : memref<!tpu.dma_semaphore, #tpu.memory_space<semaphore_mem>>)
    %dma_wait3A_603 = arith.constant 1 : i32
    %dma_wait3A_604 = arith.constant 0 : i32
    %dma_wait3A_605 = tpu.memref_slice %arg4[%dma_wait3A_603, %add3A_525, %dma_wait3A_604] : memref<4x4096x1024xf32, #tpu.memory_space<hbm>> -> memref<1x16x1024xf32, #tpu.memory_space<hbm>>
    %dma_wait3A_606 = tpu.memref_squeeze %dma_wait3A_605 : memref<1x16x1024xf32, #tpu.memory_space<hbm>> -> memref<16x1024xf32, #tpu.memory_space<hbm>>
    %dma_wait3A_607 = arith.constant 0 : i32
    %dma_wait3A_608 = tpu.memref_slice %arg4[%dma_wait3A_603, %add3A_525, %dma_wait3A_607] : memref<4x4096x1024xf32, #tpu.memory_space<hbm>> -> memref<1x16x1024xf32, #tpu.memory_space<hbm>>
    %dma_wait3A_609 = tpu.memref_squeeze %dma_wait3A_608 : memref<1x16x1024xf32, #tpu.memory_space<hbm>> -> memref<16x1024xf32, #tpu.memory_space<hbm>>
    tpu.wait_dma2 semaphore(%arg22 : memref<!tpu.dma_semaphore, #tpu.memory_space<semaphore_mem>>) src(%arg10 : memref<16x1024xf32, #tpu.memory_space<vmem>>) dst(%dma_wait3A_609 : memref<16x1024xf32, #tpu.memory_space<hbm>>)
    %add3A_610 = arith.constant 64 : i32
    %add3A_611 = arith.addi %mul3A_2, %add3A_610 : i32
    %dma_start3A_612 = arith.constant 2 : i32
    %dma_start3A_613 = arith.constant 0 : i32
    %dma_start3A_614 = tpu.memref_slice %arg2[%dma_start3A_612, %add3A_611, %dma_start3A_613] : memref<4x4096x1024xf32, #tpu.memory_space<hbm>> -> memref<1x16x1024xf32, #tpu.memory_space<hbm>>
    %dma_start3A_615 = tpu.memref_squeeze %dma_start3A_614 : memref<1x16x1024xf32, #tpu.memory_space<hbm>> -> memref<16x1024xf32, #tpu.memory_space<hbm>>
    %dma_start3A_616 = arith.constant 0 : i32
    %dma_start3A_617 = tpu.memref_slice %arg2[%dma_start3A_612, %add3A_611, %dma_start3A_616] : memref<4x4096x1024xf32, #tpu.memory_space<hbm>> -> memref<1x16x1024xf32, #tpu.memory_space<hbm>>
    %dma_start3A_618 = tpu.memref_squeeze %dma_start3A_617 : memref<1x16x1024xf32, #tpu.memory_space<hbm>> -> memref<16x1024xf32, #tpu.memory_space<hbm>>
    tpu.enqueue_dma source(%dma_start3A_618 : memref<16x1024xf32, #tpu.memory_space<hbm>>) target(%arg10 : memref<16x1024xf32, #tpu.memory_space<vmem>>) target_semaphore(%arg17 : memref<!tpu.dma_semaphore, #tpu.memory_space<semaphore_mem>>)
    %add3A_619 = arith.constant 80 : i32
    %add3A_620 = arith.addi %mul3A_2, %add3A_619 : i32
    %dma_start3A_621 = arith.constant 0 : i32
    %dma_start3A_622 = tpu.memref_slice %arg3[%add3A_620, %dma_start3A_621] : memref<4096x1024xf32, #tpu.memory_space<hbm>> -> memref<16x1024xf32, #tpu.memory_space<hbm>>
    %dma_start3A_623 = arith.constant 0 : i32
    %dma_start3A_624 = tpu.memref_slice %arg3[%add3A_620, %dma_start3A_623] : memref<4096x1024xf32, #tpu.memory_space<hbm>> -> memref<16x1024xf32, #tpu.memory_space<hbm>>
    tpu.enqueue_dma source(%dma_start3A_624 : memref<16x1024xf32, #tpu.memory_space<hbm>>) target(%arg6 : memref<16x1024xf32, #tpu.memory_space<vmem>>) target_semaphore(%arg13 : memref<!tpu.dma_semaphore, #tpu.memory_space<semaphore_mem>>)
    %dma_wait3A_625 = arith.constant 0 : i32
    %dma_wait3A_626 = tpu.memref_slice %arg3[%add3A_470, %dma_wait3A_625] : memref<4096x1024xf32, #tpu.memory_space<hbm>> -> memref<16x1024xf32, #tpu.memory_space<hbm>>
    %dma_wait3A_627 = arith.constant 0 : i32
    %dma_wait3A_628 = tpu.memref_slice %arg3[%add3A_470, %dma_wait3A_627] : memref<4096x1024xf32, #tpu.memory_space<hbm>> -> memref<16x1024xf32, #tpu.memory_space<hbm>>
    tpu.wait_dma2 semaphore(%arg12 : memref<!tpu.dma_semaphore, #tpu.memory_space<semaphore_mem>>) src(%dma_wait3A_628 : memref<16x1024xf32, #tpu.memory_space<hbm>>) dst(%arg5 : memref<16x1024xf32, #tpu.memory_space<vmem>>)
    %dma_wait3A_629 = arith.constant 0 : i32
    %dma_wait3A_630 = arith.constant 0 : i32
    %dma_wait3A_631 = tpu.memref_slice %arg2[%dma_wait3A_629, %add3A_541, %dma_wait3A_630] : memref<4x4096x1024xf32, #tpu.memory_space<hbm>> -> memref<1x16x1024xf32, #tpu.memory_space<hbm>>
    %dma_wait3A_632 = tpu.memref_squeeze %dma_wait3A_631 : memref<1x16x1024xf32, #tpu.memory_space<hbm>> -> memref<16x1024xf32, #tpu.memory_space<hbm>>
    %dma_wait3A_633 = arith.constant 0 : i32
    %dma_wait3A_634 = tpu.memref_slice %arg2[%dma_wait3A_629, %add3A_541, %dma_wait3A_633] : memref<4x4096x1024xf32, #tpu.memory_space<hbm>> -> memref<1x16x1024xf32, #tpu.memory_space<hbm>>
    %dma_wait3A_635 = tpu.memref_squeeze %dma_wait3A_634 : memref<1x16x1024xf32, #tpu.memory_space<hbm>> -> memref<16x1024xf32, #tpu.memory_space<hbm>>
    tpu.wait_dma2 semaphore(%arg15 : memref<!tpu.dma_semaphore, #tpu.memory_space<semaphore_mem>>) src(%dma_wait3A_635 : memref<16x1024xf32, #tpu.memory_space<hbm>>) dst(%arg8 : memref<16x1024xf32, #tpu.memory_space<vmem>>)
    %parallel_loop3A_636 = arith.constant 0 : i32
    %parallel_loop3A_637 = arith.constant 1024 : i32
    %parallel_loop3A_638 = arith.constant 1 : i32
    scf.for %parallel_loop3A_1200 = %parallel_loop3A_636 to %parallel_loop3A_637 step %parallel_loop3A_638  : i32 {
      %parallel_loop3A_1201 = arith.constant 64 : i32
      %parallel_loop3A_1202 = arith.divsi %parallel_loop3A_1200, %parallel_loop3A_1201 : i32
      %parallel_loop3A_1203 = arith.constant 0 : i32
      %parallel_loop3A_1204 = arith.cmpi sgt, %parallel_loop3A_1200, %parallel_loop3A_1203 : i32
      %parallel_loop3A_1205 = arith.extui %parallel_loop3A_1204 : i1 to i32
      %parallel_loop3A_1206 = arith.constant 0 : i32
      %parallel_loop3A_1207 = arith.cmpi slt, %parallel_loop3A_1200, %parallel_loop3A_1206 : i32
      %parallel_loop3A_1208 = arith.extui %parallel_loop3A_1207 : i1 to i32
      %parallel_loop3A_1209 = arith.subi %parallel_loop3A_1205, %parallel_loop3A_1208 : i32
      %parallel_loop3A_1210 = arith.constant 0 : i32
      %parallel_loop3A_1211 = arith.cmpi sgt, %parallel_loop3A_1201, %parallel_loop3A_1210 : i32
      %parallel_loop3A_1212 = arith.extui %parallel_loop3A_1211 : i1 to i32
      %parallel_loop3A_1213 = arith.constant 0 : i32
      %parallel_loop3A_1214 = arith.cmpi slt, %parallel_loop3A_1201, %parallel_loop3A_1213 : i32
      %parallel_loop3A_1215 = arith.extui %parallel_loop3A_1214 : i1 to i32
      %parallel_loop3A_1216 = arith.subi %parallel_loop3A_1212, %parallel_loop3A_1215 : i32
      %parallel_loop3A_1217 = arith.cmpi ne, %parallel_loop3A_1209, %parallel_loop3A_1216 : i32
      %parallel_loop3A_1218 = arith.remsi %parallel_loop3A_1200, %parallel_loop3A_1201 : i32
      %parallel_loop3A_1219 = arith.constant 0 : i32
      %parallel_loop3A_1220 = arith.cmpi ne, %parallel_loop3A_1218, %parallel_loop3A_1219 : i32
      %parallel_loop3A_1221 = arith.andi %parallel_loop3A_1217, %parallel_loop3A_1220 : i1
      %parallel_loop3A_1222 = arith.constant 1 : i32
      %parallel_loop3A_1223 = arith.subi %parallel_loop3A_1202, %parallel_loop3A_1222 : i32
      %parallel_loop3A_1224 = arith.select %parallel_loop3A_1221, %parallel_loop3A_1223, %parallel_loop3A_1202 : i32
      %parallel_loop3A_1225 = arith.constant 64 : i32
      %parallel_loop3A_1226 = arith.constant 0 : i32
      %parallel_loop3A_1227 = arith.cmpi eq, %parallel_loop3A_1225, %parallel_loop3A_1226 : i32
      %parallel_loop3A_1228 = arith.constant 1 : i32
      %parallel_loop3A_1229 = arith.select %parallel_loop3A_1227, %parallel_loop3A_1228, %parallel_loop3A_1225 : i32
      %parallel_loop3A_1230 = arith.remsi %parallel_loop3A_1200, %parallel_loop3A_1229 : i32
      %parallel_loop3A_1231 = arith.constant 0 : i32
      %parallel_loop3A_1232 = arith.cmpi ne, %parallel_loop3A_1230, %parallel_loop3A_1231 : i32
      %parallel_loop3A_1233 = arith.constant 0 : i32
      %parallel_loop3A_1234 = arith.cmpi slt, %parallel_loop3A_1230, %parallel_loop3A_1233 : i32
      %parallel_loop3A_1235 = arith.constant 0 : i32
      %parallel_loop3A_1236 = arith.cmpi slt, %parallel_loop3A_1229, %parallel_loop3A_1235 : i32
      %parallel_loop3A_1237 = arith.xori %parallel_loop3A_1234, %parallel_loop3A_1236 : i1
      %parallel_loop3A_1238 = arith.andi %parallel_loop3A_1237, %parallel_loop3A_1232 : i1
      %parallel_loop3A_1239 = arith.addi %parallel_loop3A_1230, %parallel_loop3A_1229 : i32
      %parallel_loop3A_1240 = arith.select %parallel_loop3A_1238, %parallel_loop3A_1239, %parallel_loop3A_1230 : i32
      %parallel_loop3A_1241 = arith.constant 16 : i32
      %parallel_loop3A_1242 = arith.muli %parallel_loop3A_1240, %parallel_loop3A_1241 : i32
      %parallel_loop3A_1243 = arith.index_cast %parallel_loop3A_1224 : i32 to index
      %parallel_loop3A_1244 = arith.index_cast %parallel_loop3A_1242 : i32 to index
      %parallel_loop3A_1245 = tpu.vector_load %arg5[%parallel_loop3A_1243, %parallel_loop3A_1244] {strides = array<i32>} : memref<16x1024xf32, #tpu.memory_space<vmem>>, vector<1x16xf32>,
      %parallel_loop3A_1246 = vector.shape_cast %parallel_loop3A_1245 : vector<1x16xf32> to vector<16xf32>
      %parallel_loop3A_1247 = arith.index_cast %parallel_loop3A_1224 : i32 to index
      %parallel_loop3A_1248 = arith.index_cast %parallel_loop3A_1242 : i32 to index
      %parallel_loop3A_1249 = tpu.vector_load %arg8[%parallel_loop3A_1247, %parallel_loop3A_1248] {strides = array<i32>} : memref<16x1024xf32, #tpu.memory_space<vmem>>, vector<1x16xf32>,
      %parallel_loop3A_1250 = vector.shape_cast %parallel_loop3A_1249 : vector<1x16xf32> to vector<16xf32>
      %parallel_loop3A_1251 = vector.shape_cast %parallel_loop3A_1246 : vector<16xf32> to vector<1x16xf32>
      tpu.vector_store %arg8[%parallel_loop3A_1247, %parallel_loop3A_1248], %parallel_loop3A_1251 {add = true, strides = array<i32>} : memref<16x1024xf32, #tpu.memory_space<vmem>>, vector<1x16xf32>,
    } {sc.loop_unroll_factor = 8 : i64, sc.parallel_access}
    %add3A_639 = arith.constant 64 : i32
    %add3A_640 = arith.addi %mul3A_2, %add3A_639 : i32
    %dma_start3A_641 = arith.constant 0 : i32
    %dma_start3A_642 = arith.constant 0 : i32
    %dma_start3A_643 = tpu.memref_slice %arg4[%dma_start3A_641, %add3A_640, %dma_start3A_642] : memref<4x4096x1024xf32, #tpu.memory_space<hbm>> -> memref<1x16x1024xf32, #tpu.memory_space<hbm>>
    %dma_start3A_644 = tpu.memref_squeeze %dma_start3A_643 : memref<1x16x1024xf32, #tpu.memory_space<hbm>> -> memref<16x1024xf32, #tpu.memory_space<hbm>>
    %dma_start3A_645 = arith.constant 0 : i32
    %dma_start3A_646 = tpu.memref_slice %arg4[%dma_start3A_641, %add3A_640, %dma_start3A_645] : memref<4x4096x1024xf32, #tpu.memory_space<hbm>> -> memref<1x16x1024xf32, #tpu.memory_space<hbm>>
    %dma_start3A_647 = tpu.memref_squeeze %dma_start3A_646 : memref<1x16x1024xf32, #tpu.memory_space<hbm>> -> memref<16x1024xf32, #tpu.memory_space<hbm>>
    tpu.enqueue_dma source(%arg8 : memref<16x1024xf32, #tpu.memory_space<vmem>>) target(%dma_start3A_647 : memref<16x1024xf32, #tpu.memory_space<hbm>>) target_semaphore(%arg20 : memref<!tpu.dma_semaphore, #tpu.memory_space<semaphore_mem>>)
    %dma_wait3A_648 = arith.constant 2 : i32
    %dma_wait3A_649 = arith.constant 0 : i32
    %dma_wait3A_650 = tpu.memref_slice %arg4[%dma_wait3A_648, %add3A_560, %dma_wait3A_649] : memref<4x4096x1024xf32, #tpu.memory_space<hbm>> -> memref<1x16x1024xf32, #tpu.memory_space<hbm>>
    %dma_wait3A_651 = tpu.memref_squeeze %dma_wait3A_650 : memref<1x16x1024xf32, #tpu.memory_space<hbm>> -> memref<16x1024xf32, #tpu.memory_space<hbm>>
    %dma_wait3A_652 = arith.constant 0 : i32
    %dma_wait3A_653 = tpu.memref_slice %arg4[%dma_wait3A_648, %add3A_560, %dma_wait3A_652] : memref<4x4096x1024xf32, #tpu.memory_space<hbm>> -> memref<1x16x1024xf32, #tpu.memory_space<hbm>>
    %dma_wait3A_654 = tpu.memref_squeeze %dma_wait3A_653 : memref<1x16x1024xf32, #tpu.memory_space<hbm>> -> memref<16x1024xf32, #tpu.memory_space<hbm>>
    tpu.wait_dma2 semaphore(%arg23 : memref<!tpu.dma_semaphore, #tpu.memory_space<semaphore_mem>>) src(%arg11 : memref<16x1024xf32, #tpu.memory_space<vmem>>) dst(%dma_wait3A_654 : memref<16x1024xf32, #tpu.memory_space<hbm>>)
    %add3A_655 = arith.constant 64 : i32
    %add3A_656 = arith.addi %mul3A_2, %add3A_655 : i32
    %dma_start3A_657 = arith.constant 3 : i32
    %dma_start3A_658 = arith.constant 0 : i32
    %dma_start3A_659 = tpu.memref_slice %arg2[%dma_start3A_657, %add3A_656, %dma_start3A_658] : memref<4x4096x1024xf32, #tpu.memory_space<hbm>> -> memref<1x16x1024xf32, #tpu.memory_space<hbm>>
    %dma_start3A_660 = tpu.memref_squeeze %dma_start3A_659 : memref<1x16x1024xf32, #tpu.memory_space<hbm>> -> memref<16x1024xf32, #tpu.memory_space<hbm>>
    %dma_start3A_661 = arith.constant 0 : i32
    %dma_start3A_662 = tpu.memref_slice %arg2[%dma_start3A_657, %add3A_656, %dma_start3A_661] : memref<4x4096x1024xf32, #tpu.memory_space<hbm>> -> memref<1x16x1024xf32, #tpu.memory_space<hbm>>
    %dma_start3A_663 = tpu.memref_squeeze %dma_start3A_662 : memref<1x16x1024xf32, #tpu.memory_space<hbm>> -> memref<16x1024xf32, #tpu.memory_space<hbm>>
    tpu.enqueue_dma source(%dma_start3A_663 : memref<16x1024xf32, #tpu.memory_space<hbm>>) target(%arg11 : memref<16x1024xf32, #tpu.memory_space<vmem>>) target_semaphore(%arg18 : memref<!tpu.dma_semaphore, #tpu.memory_space<semaphore_mem>>)
    %dma_wait3A_664 = arith.constant 1 : i32
    %dma_wait3A_665 = arith.constant 0 : i32
    %dma_wait3A_666 = tpu.memref_slice %arg2[%dma_wait3A_664, %add3A_576, %dma_wait3A_665] : memref<4x4096x1024xf32, #tpu.memory_space<hbm>> -> memref<1x16x1024xf32, #tpu.memory_space<hbm>>
    %dma_wait3A_667 = tpu.memref_squeeze %dma_wait3A_666 : memref<1x16x1024xf32, #tpu.memory_space<hbm>> -> memref<16x1024xf32, #tpu.memory_space<hbm>>
    %dma_wait3A_668 = arith.constant 0 : i32
    %dma_wait3A_669 = tpu.memref_slice %arg2[%dma_wait3A_664, %add3A_576, %dma_wait3A_668] : memref<4x4096x1024xf32, #tpu.memory_space<hbm>> -> memref<1x16x1024xf32, #tpu.memory_space<hbm>>
    %dma_wait3A_670 = tpu.memref_squeeze %dma_wait3A_669 : memref<1x16x1024xf32, #tpu.memory_space<hbm>> -> memref<16x1024xf32, #tpu.memory_space<hbm>>
    tpu.wait_dma2 semaphore(%arg16 : memref<!tpu.dma_semaphore, #tpu.memory_space<semaphore_mem>>) src(%dma_wait3A_670 : memref<16x1024xf32, #tpu.memory_space<hbm>>) dst(%arg9 : memref<16x1024xf32, #tpu.memory_space<vmem>>)
    %parallel_loop3A_671 = arith.constant 0 : i32
    %parallel_loop3A_672 = arith.constant 1024 : i32
    %parallel_loop3A_673 = arith.constant 1 : i32
    scf.for %parallel_loop3A_1200 = %parallel_loop3A_671 to %parallel_loop3A_672 step %parallel_loop3A_673  : i32 {
      %parallel_loop3A_1201 = arith.constant 64 : i32
      %parallel_loop3A_1202 = arith.divsi %parallel_loop3A_1200, %parallel_loop3A_1201 : i32
      %parallel_loop3A_1203 = arith.constant 0 : i32
      %parallel_loop3A_1204 = arith.cmpi sgt, %parallel_loop3A_1200, %parallel_loop3A_1203 : i32
      %parallel_loop3A_1205 = arith.extui %parallel_loop3A_1204 : i1 to i32
      %parallel_loop3A_1206 = arith.constant 0 : i32
      %parallel_loop3A_1207 = arith.cmpi slt, %parallel_loop3A_1200, %parallel_loop3A_1206 : i32
      %parallel_loop3A_1208 = arith.extui %parallel_loop3A_1207 : i1 to i32
      %parallel_loop3A_1209 = arith.subi %parallel_loop3A_1205, %parallel_loop3A_1208 : i32
      %parallel_loop3A_1210 = arith.constant 0 : i32
      %parallel_loop3A_1211 = arith.cmpi sgt, %parallel_loop3A_1201, %parallel_loop3A_1210 : i32
      %parallel_loop3A_1212 = arith.extui %parallel_loop3A_1211 : i1 to i32
      %parallel_loop3A_1213 = arith.constant 0 : i32
      %parallel_loop3A_1214 = arith.cmpi slt, %parallel_loop3A_1201, %parallel_loop3A_1213 : i32
      %parallel_loop3A_1215 = arith.extui %parallel_loop3A_1214 : i1 to i32
      %parallel_loop3A_1216 = arith.subi %parallel_loop3A_1212, %parallel_loop3A_1215 : i32
      %parallel_loop3A_1217 = arith.cmpi ne, %parallel_loop3A_1209, %parallel_loop3A_1216 : i32
      %parallel_loop3A_1218 = arith.remsi %parallel_loop3A_1200, %parallel_loop3A_1201 : i32
      %parallel_loop3A_1219 = arith.constant 0 : i32
      %parallel_loop3A_1220 = arith.cmpi ne, %parallel_loop3A_1218, %parallel_loop3A_1219 : i32
      %parallel_loop3A_1221 = arith.andi %parallel_loop3A_1217, %parallel_loop3A_1220 : i1
      %parallel_loop3A_1222 = arith.constant 1 : i32
      %parallel_loop3A_1223 = arith.subi %parallel_loop3A_1202, %parallel_loop3A_1222 : i32
      %parallel_loop3A_1224 = arith.select %parallel_loop3A_1221, %parallel_loop3A_1223, %parallel_loop3A_1202 : i32
      %parallel_loop3A_1225 = arith.constant 64 : i32
      %parallel_loop3A_1226 = arith.constant 0 : i32
      %parallel_loop3A_1227 = arith.cmpi eq, %parallel_loop3A_1225, %parallel_loop3A_1226 : i32
      %parallel_loop3A_1228 = arith.constant 1 : i32
      %parallel_loop3A_1229 = arith.select %parallel_loop3A_1227, %parallel_loop3A_1228, %parallel_loop3A_1225 : i32
      %parallel_loop3A_1230 = arith.remsi %parallel_loop3A_1200, %parallel_loop3A_1229 : i32
      %parallel_loop3A_1231 = arith.constant 0 : i32
      %parallel_loop3A_1232 = arith.cmpi ne, %parallel_loop3A_1230, %parallel_loop3A_1231 : i32
      %parallel_loop3A_1233 = arith.constant 0 : i32
      %parallel_loop3A_1234 = arith.cmpi slt, %parallel_loop3A_1230, %parallel_loop3A_1233 : i32
      %parallel_loop3A_1235 = arith.constant 0 : i32
      %parallel_loop3A_1236 = arith.cmpi slt, %parallel_loop3A_1229, %parallel_loop3A_1235 : i32
      %parallel_loop3A_1237 = arith.xori %parallel_loop3A_1234, %parallel_loop3A_1236 : i1
      %parallel_loop3A_1238 = arith.andi %parallel_loop3A_1237, %parallel_loop3A_1232 : i1
      %parallel_loop3A_1239 = arith.addi %parallel_loop3A_1230, %parallel_loop3A_1229 : i32
      %parallel_loop3A_1240 = arith.select %parallel_loop3A_1238, %parallel_loop3A_1239, %parallel_loop3A_1230 : i32
      %parallel_loop3A_1241 = arith.constant 16 : i32
      %parallel_loop3A_1242 = arith.muli %parallel_loop3A_1240, %parallel_loop3A_1241 : i32
      %parallel_loop3A_1243 = arith.index_cast %parallel_loop3A_1224 : i32 to index
      %parallel_loop3A_1244 = arith.index_cast %parallel_loop3A_1242 : i32 to index
      %parallel_loop3A_1245 = tpu.vector_load %arg5[%parallel_loop3A_1243, %parallel_loop3A_1244] {strides = array<i32>} : memref<16x1024xf32, #tpu.memory_space<vmem>>, vector<1x16xf32>,
      %parallel_loop3A_1246 = vector.shape_cast %parallel_loop3A_1245 : vector<1x16xf32> to vector<16xf32>
      %parallel_loop3A_1247 = arith.index_cast %parallel_loop3A_1224 : i32 to index
      %parallel_loop3A_1248 = arith.index_cast %parallel_loop3A_1242 : i32 to index
      %parallel_loop3A_1249 = tpu.vector_load %arg9[%parallel_loop3A_1247, %parallel_loop3A_1248] {strides = array<i32>} : memref<16x1024xf32, #tpu.memory_space<vmem>>, vector<1x16xf32>,
      %parallel_loop3A_1250 = vector.shape_cast %parallel_loop3A_1249 : vector<1x16xf32> to vector<16xf32>
      %parallel_loop3A_1251 = vector.shape_cast %parallel_loop3A_1246 : vector<16xf32> to vector<1x16xf32>
      tpu.vector_store %arg9[%parallel_loop3A_1247, %parallel_loop3A_1248], %parallel_loop3A_1251 {add = true, strides = array<i32>} : memref<16x1024xf32, #tpu.memory_space<vmem>>, vector<1x16xf32>,
    } {sc.loop_unroll_factor = 8 : i64, sc.parallel_access}
    %add3A_674 = arith.constant 64 : i32
    %add3A_675 = arith.addi %mul3A_2, %add3A_674 : i32
    %dma_start3A_676 = arith.constant 1 : i32
    %dma_start3A_677 = arith.constant 0 : i32
    %dma_start3A_678 = tpu.memref_slice %arg4[%dma_start3A_676, %add3A_675, %dma_start3A_677] : memref<4x4096x1024xf32, #tpu.memory_space<hbm>> -> memref<1x16x1024xf32, #tpu.memory_space<hbm>>
    %dma_start3A_679 = tpu.memref_squeeze %dma_start3A_678 : memref<1x16x1024xf32, #tpu.memory_space<hbm>> -> memref<16x1024xf32, #tpu.memory_space<hbm>>
    %dma_start3A_680 = arith.constant 0 : i32
    %dma_start3A_681 = tpu.memref_slice %arg4[%dma_start3A_676, %add3A_675, %dma_start3A_680] : memref<4x4096x1024xf32, #tpu.memory_space<hbm>> -> memref<1x16x1024xf32, #tpu.memory_space<hbm>>
    %dma_start3A_682 = tpu.memref_squeeze %dma_start3A_681 : memref<1x16x1024xf32, #tpu.memory_space<hbm>> -> memref<16x1024xf32, #tpu.memory_space<hbm>>
    tpu.enqueue_dma source(%arg9 : memref<16x1024xf32, #tpu.memory_space<vmem>>) target(%dma_start3A_682 : memref<16x1024xf32, #tpu.memory_space<hbm>>) target_semaphore(%arg21 : memref<!tpu.dma_semaphore, #tpu.memory_space<semaphore_mem>>)
    %dma_wait3A_683 = arith.constant 3 : i32
    %dma_wait3A_684 = arith.constant 0 : i32
    %dma_wait3A_685 = tpu.memref_slice %arg4[%dma_wait3A_683, %add3A_595, %dma_wait3A_684] : memref<4x4096x1024xf32, #tpu.memory_space<hbm>> -> memref<1x16x1024xf32, #tpu.memory_space<hbm>>
    %dma_wait3A_686 = tpu.memref_squeeze %dma_wait3A_685 : memref<1x16x1024xf32, #tpu.memory_space<hbm>> -> memref<16x1024xf32, #tpu.memory_space<hbm>>
    %dma_wait3A_687 = arith.constant 0 : i32
    %dma_wait3A_688 = tpu.memref_slice %arg4[%dma_wait3A_683, %add3A_595, %dma_wait3A_687] : memref<4x4096x1024xf32, #tpu.memory_space<hbm>> -> memref<1x16x1024xf32, #tpu.memory_space<hbm>>
    %dma_wait3A_689 = tpu.memref_squeeze %dma_wait3A_688 : memref<1x16x1024xf32, #tpu.memory_space<hbm>> -> memref<16x1024xf32, #tpu.memory_space<hbm>>
    tpu.wait_dma2 semaphore(%arg19 : memref<!tpu.dma_semaphore, #tpu.memory_space<semaphore_mem>>) src(%arg7 : memref<16x1024xf32, #tpu.memory_space<vmem>>) dst(%dma_wait3A_689 : memref<16x1024xf32, #tpu.memory_space<hbm>>)
    %add3A_690 = arith.constant 80 : i32
    %add3A_691 = arith.addi %mul3A_2, %add3A_690 : i32
    %dma_start3A_692 = arith.constant 0 : i32
    %dma_start3A_693 = arith.constant 0 : i32
    %dma_start3A_694 = tpu.memref_slice %arg2[%dma_start3A_692, %add3A_691, %dma_start3A_693] : memref<4x4096x1024xf32, #tpu.memory_space<hbm>> -> memref<1x16x1024xf32, #tpu.memory_space<hbm>>
    %dma_start3A_695 = tpu.memref_squeeze %dma_start3A_694 : memref<1x16x1024xf32, #tpu.memory_space<hbm>> -> memref<16x1024xf32, #tpu.memory_space<hbm>>
    %dma_start3A_696 = arith.constant 0 : i32
    %dma_start3A_697 = tpu.memref_slice %arg2[%dma_start3A_692, %add3A_691, %dma_start3A_696] : memref<4x4096x1024xf32, #tpu.memory_space<hbm>> -> memref<1x16x1024xf32, #tpu.memory_space<hbm>>
    %dma_start3A_698 = tpu.memref_squeeze %dma_start3A_697 : memref<1x16x1024xf32, #tpu.memory_space<hbm>> -> memref<16x1024xf32, #tpu.memory_space<hbm>>
    tpu.enqueue_dma source(%dma_start3A_698 : memref<16x1024xf32, #tpu.memory_space<hbm>>) target(%arg7 : memref<16x1024xf32, #tpu.memory_space<vmem>>) target_semaphore(%arg14 : memref<!tpu.dma_semaphore, #tpu.memory_space<semaphore_mem>>)
    %dma_wait3A_699 = arith.constant 2 : i32
    %dma_wait3A_700 = arith.constant 0 : i32
    %dma_wait3A_701 = tpu.memref_slice %arg2[%dma_wait3A_699, %add3A_611, %dma_wait3A_700] : memref<4x4096x1024xf32, #tpu.memory_space<hbm>> -> memref<1x16x1024xf32, #tpu.memory_space<hbm>>
    %dma_wait3A_702 = tpu.memref_squeeze %dma_wait3A_701 : memref<1x16x1024xf32, #tpu.memory_space<hbm>> -> memref<16x1024xf32, #tpu.memory_space<hbm>>
    %dma_wait3A_703 = arith.constant 0 : i32
    %dma_wait3A_704 = tpu.memref_slice %arg2[%dma_wait3A_699, %add3A_611, %dma_wait3A_703] : memref<4x4096x1024xf32, #tpu.memory_space<hbm>> -> memref<1x16x1024xf32, #tpu.memory_space<hbm>>
    %dma_wait3A_705 = tpu.memref_squeeze %dma_wait3A_704 : memref<1x16x1024xf32, #tpu.memory_space<hbm>> -> memref<16x1024xf32, #tpu.memory_space<hbm>>
    tpu.wait_dma2 semaphore(%arg17 : memref<!tpu.dma_semaphore, #tpu.memory_space<semaphore_mem>>) src(%dma_wait3A_705 : memref<16x1024xf32, #tpu.memory_space<hbm>>) dst(%arg10 : memref<16x1024xf32, #tpu.memory_space<vmem>>)
    %parallel_loop3A_706 = arith.constant 0 : i32
    %parallel_loop3A_707 = arith.constant 1024 : i32
    %parallel_loop3A_708 = arith.constant 1 : i32
    scf.for %parallel_loop3A_1200 = %parallel_loop3A_706 to %parallel_loop3A_707 step %parallel_loop3A_708  : i32 {
      %parallel_loop3A_1201 = arith.constant 64 : i32
      %parallel_loop3A_1202 = arith.divsi %parallel_loop3A_1200, %parallel_loop3A_1201 : i32
      %parallel_loop3A_1203 = arith.constant 0 : i32
      %parallel_loop3A_1204 = arith.cmpi sgt, %parallel_loop3A_1200, %parallel_loop3A_1203 : i32
      %parallel_loop3A_1205 = arith.extui %parallel_loop3A_1204 : i1 to i32
      %parallel_loop3A_1206 = arith.constant 0 : i32
      %parallel_loop3A_1207 = arith.cmpi slt, %parallel_loop3A_1200, %parallel_loop3A_1206 : i32
      %parallel_loop3A_1208 = arith.extui %parallel_loop3A_1207 : i1 to i32
      %parallel_loop3A_1209 = arith.subi %parallel_loop3A_1205, %parallel_loop3A_1208 : i32
      %parallel_loop3A_1210 = arith.constant 0 : i32
      %parallel_loop3A_1211 = arith.cmpi sgt, %parallel_loop3A_1201, %parallel_loop3A_1210 : i32
      %parallel_loop3A_1212 = arith.extui %parallel_loop3A_1211 : i1 to i32
      %parallel_loop3A_1213 = arith.constant 0 : i32
      %parallel_loop3A_1214 = arith.cmpi slt, %parallel_loop3A_1201, %parallel_loop3A_1213 : i32
      %parallel_loop3A_1215 = arith.extui %parallel_loop3A_1214 : i1 to i32
      %parallel_loop3A_1216 = arith.subi %parallel_loop3A_1212, %parallel_loop3A_1215 : i32
      %parallel_loop3A_1217 = arith.cmpi ne, %parallel_loop3A_1209, %parallel_loop3A_1216 : i32
      %parallel_loop3A_1218 = arith.remsi %parallel_loop3A_1200, %parallel_loop3A_1201 : i32
      %parallel_loop3A_1219 = arith.constant 0 : i32
      %parallel_loop3A_1220 = arith.cmpi ne, %parallel_loop3A_1218, %parallel_loop3A_1219 : i32
      %parallel_loop3A_1221 = arith.andi %parallel_loop3A_1217, %parallel_loop3A_1220 : i1
      %parallel_loop3A_1222 = arith.constant 1 : i32
      %parallel_loop3A_1223 = arith.subi %parallel_loop3A_1202, %parallel_loop3A_1222 : i32
      %parallel_loop3A_1224 = arith.select %parallel_loop3A_1221, %parallel_loop3A_1223, %parallel_loop3A_1202 : i32
      %parallel_loop3A_1225 = arith.constant 64 : i32
      %parallel_loop3A_1226 = arith.constant 0 : i32
      %parallel_loop3A_1227 = arith.cmpi eq, %parallel_loop3A_1225, %parallel_loop3A_1226 : i32
      %parallel_loop3A_1228 = arith.constant 1 : i32
      %parallel_loop3A_1229 = arith.select %parallel_loop3A_1227, %parallel_loop3A_1228, %parallel_loop3A_1225 : i32
      %parallel_loop3A_1230 = arith.remsi %parallel_loop3A_1200, %parallel_loop3A_1229 : i32
      %parallel_loop3A_1231 = arith.constant 0 : i32
      %parallel_loop3A_1232 = arith.cmpi ne, %parallel_loop3A_1230, %parallel_loop3A_1231 : i32
      %parallel_loop3A_1233 = arith.constant 0 : i32
      %parallel_loop3A_1234 = arith.cmpi slt, %parallel_loop3A_1230, %parallel_loop3A_1233 : i32
      %parallel_loop3A_1235 = arith.constant 0 : i32
      %parallel_loop3A_1236 = arith.cmpi slt, %parallel_loop3A_1229, %parallel_loop3A_1235 : i32
      %parallel_loop3A_1237 = arith.xori %parallel_loop3A_1234, %parallel_loop3A_1236 : i1
      %parallel_loop3A_1238 = arith.andi %parallel_loop3A_1237, %parallel_loop3A_1232 : i1
      %parallel_loop3A_1239 = arith.addi %parallel_loop3A_1230, %parallel_loop3A_1229 : i32
      %parallel_loop3A_1240 = arith.select %parallel_loop3A_1238, %parallel_loop3A_1239, %parallel_loop3A_1230 : i32
      %parallel_loop3A_1241 = arith.constant 16 : i32
      %parallel_loop3A_1242 = arith.muli %parallel_loop3A_1240, %parallel_loop3A_1241 : i32
      %parallel_loop3A_1243 = arith.index_cast %parallel_loop3A_1224 : i32 to index
      %parallel_loop3A_1244 = arith.index_cast %parallel_loop3A_1242 : i32 to index
      %parallel_loop3A_1245 = tpu.vector_load %arg5[%parallel_loop3A_1243, %parallel_loop3A_1244] {strides = array<i32>} : memref<16x1024xf32, #tpu.memory_space<vmem>>, vector<1x16xf32>,
      %parallel_loop3A_1246 = vector.shape_cast %parallel_loop3A_1245 : vector<1x16xf32> to vector<16xf32>
      %parallel_loop3A_1247 = arith.index_cast %parallel_loop3A_1224 : i32 to index
      %parallel_loop3A_1248 = arith.index_cast %parallel_loop3A_1242 : i32 to index
      %parallel_loop3A_1249 = tpu.vector_load %arg10[%parallel_loop3A_1247, %parallel_loop3A_1248] {strides = array<i32>} : memref<16x1024xf32, #tpu.memory_space<vmem>>, vector<1x16xf32>,
      %parallel_loop3A_1250 = vector.shape_cast %parallel_loop3A_1249 : vector<1x16xf32> to vector<16xf32>
      %parallel_loop3A_1251 = vector.shape_cast %parallel_loop3A_1246 : vector<16xf32> to vector<1x16xf32>
      tpu.vector_store %arg10[%parallel_loop3A_1247, %parallel_loop3A_1248], %parallel_loop3A_1251 {add = true, strides = array<i32>} : memref<16x1024xf32, #tpu.memory_space<vmem>>, vector<1x16xf32>,
    } {sc.loop_unroll_factor = 8 : i64, sc.parallel_access}
    %add3A_709 = arith.constant 64 : i32
    %add3A_710 = arith.addi %mul3A_2, %add3A_709 : i32
    %dma_start3A_711 = arith.constant 2 : i32
    %dma_start3A_712 = arith.constant 0 : i32
    %dma_start3A_713 = tpu.memref_slice %arg4[%dma_start3A_711, %add3A_710, %dma_start3A_712] : memref<4x4096x1024xf32, #tpu.memory_space<hbm>> -> memref<1x16x1024xf32, #tpu.memory_space<hbm>>
    %dma_start3A_714 = tpu.memref_squeeze %dma_start3A_713 : memref<1x16x1024xf32, #tpu.memory_space<hbm>> -> memref<16x1024xf32, #tpu.memory_space<hbm>>
    %dma_start3A_715 = arith.constant 0 : i32
    %dma_start3A_716 = tpu.memref_slice %arg4[%dma_start3A_711, %add3A_710, %dma_start3A_715] : memref<4x4096x1024xf32, #tpu.memory_space<hbm>> -> memref<1x16x1024xf32, #tpu.memory_space<hbm>>
    %dma_start3A_717 = tpu.memref_squeeze %dma_start3A_716 : memref<1x16x1024xf32, #tpu.memory_space<hbm>> -> memref<16x1024xf32, #tpu.memory_space<hbm>>
    tpu.enqueue_dma source(%arg10 : memref<16x1024xf32, #tpu.memory_space<vmem>>) target(%dma_start3A_717 : memref<16x1024xf32, #tpu.memory_space<hbm>>) target_semaphore(%arg22 : memref<!tpu.dma_semaphore, #tpu.memory_space<semaphore_mem>>)
    %dma_wait3A_718 = arith.constant 0 : i32
    %dma_wait3A_719 = arith.constant 0 : i32
    %dma_wait3A_720 = tpu.memref_slice %arg4[%dma_wait3A_718, %add3A_640, %dma_wait3A_719] : memref<4x4096x1024xf32, #tpu.memory_space<hbm>> -> memref<1x16x1024xf32, #tpu.memory_space<hbm>>
    %dma_wait3A_721 = tpu.memref_squeeze %dma_wait3A_720 : memref<1x16x1024xf32, #tpu.memory_space<hbm>> -> memref<16x1024xf32, #tpu.memory_space<hbm>>
    %dma_wait3A_722 = arith.constant 0 : i32
    %dma_wait3A_723 = tpu.memref_slice %arg4[%dma_wait3A_718, %add3A_640, %dma_wait3A_722] : memref<4x4096x1024xf32, #tpu.memory_space<hbm>> -> memref<1x16x1024xf32, #tpu.memory_space<hbm>>
    %dma_wait3A_724 = tpu.memref_squeeze %dma_wait3A_723 : memref<1x16x1024xf32, #tpu.memory_space<hbm>> -> memref<16x1024xf32, #tpu.memory_space<hbm>>
    tpu.wait_dma2 semaphore(%arg20 : memref<!tpu.dma_semaphore, #tpu.memory_space<semaphore_mem>>) src(%arg8 : memref<16x1024xf32, #tpu.memory_space<vmem>>) dst(%dma_wait3A_724 : memref<16x1024xf32, #tpu.memory_space<hbm>>)
    %add3A_725 = arith.constant 80 : i32
    %add3A_726 = arith.addi %mul3A_2, %add3A_725 : i32
    %dma_start3A_727 = arith.constant 1 : i32
    %dma_start3A_728 = arith.constant 0 : i32
    %dma_start3A_729 = tpu.memref_slice %arg2[%dma_start3A_727, %add3A_726, %dma_start3A_728] : memref<4x4096x1024xf32, #tpu.memory_space<hbm>> -> memref<1x16x1024xf32, #tpu.memory_space<hbm>>
    %dma_start3A_730 = tpu.memref_squeeze %dma_start3A_729 : memref<1x16x1024xf32, #tpu.memory_space<hbm>> -> memref<16x1024xf32, #tpu.memory_space<hbm>>
    %dma_start3A_731 = arith.constant 0 : i32
    %dma_start3A_732 = tpu.memref_slice %arg2[%dma_start3A_727, %add3A_726, %dma_start3A_731] : memref<4x4096x1024xf32, #tpu.memory_space<hbm>> -> memref<1x16x1024xf32, #tpu.memory_space<hbm>>
    %dma_start3A_733 = tpu.memref_squeeze %dma_start3A_732 : memref<1x16x1024xf32, #tpu.memory_space<hbm>> -> memref<16x1024xf32, #tpu.memory_space<hbm>>
    tpu.enqueue_dma source(%dma_start3A_733 : memref<16x1024xf32, #tpu.memory_space<hbm>>) target(%arg8 : memref<16x1024xf32, #tpu.memory_space<vmem>>) target_semaphore(%arg15 : memref<!tpu.dma_semaphore, #tpu.memory_space<semaphore_mem>>)
    %dma_wait3A_734 = arith.constant 3 : i32
    %dma_wait3A_735 = arith.constant 0 : i32
    %dma_wait3A_736 = tpu.memref_slice %arg2[%dma_wait3A_734, %add3A_656, %dma_wait3A_735] : memref<4x4096x1024xf32, #tpu.memory_space<hbm>> -> memref<1x16x1024xf32, #tpu.memory_space<hbm>>
    %dma_wait3A_737 = tpu.memref_squeeze %dma_wait3A_736 : memref<1x16x1024xf32, #tpu.memory_space<hbm>> -> memref<16x1024xf32, #tpu.memory_space<hbm>>
    %dma_wait3A_738 = arith.constant 0 : i32
    %dma_wait3A_739 = tpu.memref_slice %arg2[%dma_wait3A_734, %add3A_656, %dma_wait3A_738] : memref<4x4096x1024xf32, #tpu.memory_space<hbm>> -> memref<1x16x1024xf32, #tpu.memory_space<hbm>>
    %dma_wait3A_740 = tpu.memref_squeeze %dma_wait3A_739 : memref<1x16x1024xf32, #tpu.memory_space<hbm>> -> memref<16x1024xf32, #tpu.memory_space<hbm>>
    tpu.wait_dma2 semaphore(%arg18 : memref<!tpu.dma_semaphore, #tpu.memory_space<semaphore_mem>>) src(%dma_wait3A_740 : memref<16x1024xf32, #tpu.memory_space<hbm>>) dst(%arg11 : memref<16x1024xf32, #tpu.memory_space<vmem>>)
    %parallel_loop3A_741 = arith.constant 0 : i32
    %parallel_loop3A_742 = arith.constant 1024 : i32
    %parallel_loop3A_743 = arith.constant 1 : i32
    scf.for %parallel_loop3A_1200 = %parallel_loop3A_741 to %parallel_loop3A_742 step %parallel_loop3A_743  : i32 {
      %parallel_loop3A_1201 = arith.constant 64 : i32
      %parallel_loop3A_1202 = arith.divsi %parallel_loop3A_1200, %parallel_loop3A_1201 : i32
      %parallel_loop3A_1203 = arith.constant 0 : i32
      %parallel_loop3A_1204 = arith.cmpi sgt, %parallel_loop3A_1200, %parallel_loop3A_1203 : i32
      %parallel_loop3A_1205 = arith.extui %parallel_loop3A_1204 : i1 to i32
      %parallel_loop3A_1206 = arith.constant 0 : i32
      %parallel_loop3A_1207 = arith.cmpi slt, %parallel_loop3A_1200, %parallel_loop3A_1206 : i32
      %parallel_loop3A_1208 = arith.extui %parallel_loop3A_1207 : i1 to i32
      %parallel_loop3A_1209 = arith.subi %parallel_loop3A_1205, %parallel_loop3A_1208 : i32
      %parallel_loop3A_1210 = arith.constant 0 : i32
      %parallel_loop3A_1211 = arith.cmpi sgt, %parallel_loop3A_1201, %parallel_loop3A_1210 : i32
      %parallel_loop3A_1212 = arith.extui %parallel_loop3A_1211 : i1 to i32
      %parallel_loop3A_1213 = arith.constant 0 : i32
      %parallel_loop3A_1214 = arith.cmpi slt, %parallel_loop3A_1201, %parallel_loop3A_1213 : i32
      %parallel_loop3A_1215 = arith.extui %parallel_loop3A_1214 : i1 to i32
      %parallel_loop3A_1216 = arith.subi %parallel_loop3A_1212, %parallel_loop3A_1215 : i32
      %parallel_loop3A_1217 = arith.cmpi ne, %parallel_loop3A_1209, %parallel_loop3A_1216 : i32
      %parallel_loop3A_1218 = arith.remsi %parallel_loop3A_1200, %parallel_loop3A_1201 : i32
      %parallel_loop3A_1219 = arith.constant 0 : i32
      %parallel_loop3A_1220 = arith.cmpi ne, %parallel_loop3A_1218, %parallel_loop3A_1219 : i32
      %parallel_loop3A_1221 = arith.andi %parallel_loop3A_1217, %parallel_loop3A_1220 : i1
      %parallel_loop3A_1222 = arith.constant 1 : i32
      %parallel_loop3A_1223 = arith.subi %parallel_loop3A_1202, %parallel_loop3A_1222 : i32
      %parallel_loop3A_1224 = arith.select %parallel_loop3A_1221, %parallel_loop3A_1223, %parallel_loop3A_1202 : i32
      %parallel_loop3A_1225 = arith.constant 64 : i32
      %parallel_loop3A_1226 = arith.constant 0 : i32
      %parallel_loop3A_1227 = arith.cmpi eq, %parallel_loop3A_1225, %parallel_loop3A_1226 : i32
      %parallel_loop3A_1228 = arith.constant 1 : i32
      %parallel_loop3A_1229 = arith.select %parallel_loop3A_1227, %parallel_loop3A_1228, %parallel_loop3A_1225 : i32
      %parallel_loop3A_1230 = arith.remsi %parallel_loop3A_1200, %parallel_loop3A_1229 : i32
      %parallel_loop3A_1231 = arith.constant 0 : i32
      %parallel_loop3A_1232 = arith.cmpi ne, %parallel_loop3A_1230, %parallel_loop3A_1231 : i32
      %parallel_loop3A_1233 = arith.constant 0 : i32
      %parallel_loop3A_1234 = arith.cmpi slt, %parallel_loop3A_1230, %parallel_loop3A_1233 : i32
      %parallel_loop3A_1235 = arith.constant 0 : i32
      %parallel_loop3A_1236 = arith.cmpi slt, %parallel_loop3A_1229, %parallel_loop3A_1235 : i32
      %parallel_loop3A_1237 = arith.xori %parallel_loop3A_1234, %parallel_loop3A_1236 : i1
      %parallel_loop3A_1238 = arith.andi %parallel_loop3A_1237, %parallel_loop3A_1232 : i1
      %parallel_loop3A_1239 = arith.addi %parallel_loop3A_1230, %parallel_loop3A_1229 : i32
      %parallel_loop3A_1240 = arith.select %parallel_loop3A_1238, %parallel_loop3A_1239, %parallel_loop3A_1230 : i32
      %parallel_loop3A_1241 = arith.constant 16 : i32
      %parallel_loop3A_1242 = arith.muli %parallel_loop3A_1240, %parallel_loop3A_1241 : i32
      %parallel_loop3A_1243 = arith.index_cast %parallel_loop3A_1224 : i32 to index
      %parallel_loop3A_1244 = arith.index_cast %parallel_loop3A_1242 : i32 to index
      %parallel_loop3A_1245 = tpu.vector_load %arg5[%parallel_loop3A_1243, %parallel_loop3A_1244] {strides = array<i32>} : memref<16x1024xf32, #tpu.memory_space<vmem>>, vector<1x16xf32>,
      %parallel_loop3A_1246 = vector.shape_cast %parallel_loop3A_1245 : vector<1x16xf32> to vector<16xf32>
      %parallel_loop3A_1247 = arith.index_cast %parallel_loop3A_1224 : i32 to index
      %parallel_loop3A_1248 = arith.index_cast %parallel_loop3A_1242 : i32 to index
      %parallel_loop3A_1249 = tpu.vector_load %arg11[%parallel_loop3A_1247, %parallel_loop3A_1248] {strides = array<i32>} : memref<16x1024xf32, #tpu.memory_space<vmem>>, vector<1x16xf32>,
      %parallel_loop3A_1250 = vector.shape_cast %parallel_loop3A_1249 : vector<1x16xf32> to vector<16xf32>
      %parallel_loop3A_1251 = vector.shape_cast %parallel_loop3A_1246 : vector<16xf32> to vector<1x16xf32>
      tpu.vector_store %arg11[%parallel_loop3A_1247, %parallel_loop3A_1248], %parallel_loop3A_1251 {add = true, strides = array<i32>} : memref<16x1024xf32, #tpu.memory_space<vmem>>, vector<1x16xf32>,
    } {sc.loop_unroll_factor = 8 : i64, sc.parallel_access}
    %add3A_744 = arith.constant 64 : i32
    %add3A_745 = arith.addi %mul3A_2, %add3A_744 : i32
    %dma_start3A_746 = arith.constant 3 : i32
    %dma_start3A_747 = arith.constant 0 : i32
    %dma_start3A_748 = tpu.memref_slice %arg4[%dma_start3A_746, %add3A_745, %dma_start3A_747] : memref<4x4096x1024xf32, #tpu.memory_space<hbm>> -> memref<1x16x1024xf32, #tpu.memory_space<hbm>>
    %dma_start3A_749 = tpu.memref_squeeze %dma_start3A_748 : memref<1x16x1024xf32, #tpu.memory_space<hbm>> -> memref<16x1024xf32, #tpu.memory_space<hbm>>
    %dma_start3A_750 = arith.constant 0 : i32
    %dma_start3A_751 = tpu.memref_slice %arg4[%dma_start3A_746, %add3A_745, %dma_start3A_750] : memref<4x4096x1024xf32, #tpu.memory_space<hbm>> -> memref<1x16x1024xf32, #tpu.memory_space<hbm>>
    %dma_start3A_752 = tpu.memref_squeeze %dma_start3A_751 : memref<1x16x1024xf32, #tpu.memory_space<hbm>> -> memref<16x1024xf32, #tpu.memory_space<hbm>>
    tpu.enqueue_dma source(%arg11 : memref<16x1024xf32, #tpu.memory_space<vmem>>) target(%dma_start3A_752 : memref<16x1024xf32, #tpu.memory_space<hbm>>) target_semaphore(%arg23 : memref<!tpu.dma_semaphore, #tpu.memory_space<semaphore_mem>>)
    %dma_wait3A_753 = arith.constant 1 : i32
    %dma_wait3A_754 = arith.constant 0 : i32
    %dma_wait3A_755 = tpu.memref_slice %arg4[%dma_wait3A_753, %add3A_675, %dma_wait3A_754] : memref<4x4096x1024xf32, #tpu.memory_space<hbm>> -> memref<1x16x1024xf32, #tpu.memory_space<hbm>>
    %dma_wait3A_756 = tpu.memref_squeeze %dma_wait3A_755 : memref<1x16x1024xf32, #tpu.memory_space<hbm>> -> memref<16x1024xf32, #tpu.memory_space<hbm>>
    %dma_wait3A_757 = arith.constant 0 : i32
    %dma_wait3A_758 = tpu.memref_slice %arg4[%dma_wait3A_753, %add3A_675, %dma_wait3A_757] : memref<4x4096x1024xf32, #tpu.memory_space<hbm>> -> memref<1x16x1024xf32, #tpu.memory_space<hbm>>
    %dma_wait3A_759 = tpu.memref_squeeze %dma_wait3A_758 : memref<1x16x1024xf32, #tpu.memory_space<hbm>> -> memref<16x1024xf32, #tpu.memory_space<hbm>>
    tpu.wait_dma2 semaphore(%arg21 : memref<!tpu.dma_semaphore, #tpu.memory_space<semaphore_mem>>) src(%arg9 : memref<16x1024xf32, #tpu.memory_space<vmem>>) dst(%dma_wait3A_759 : memref<16x1024xf32, #tpu.memory_space<hbm>>)
    %add3A_760 = arith.constant 80 : i32
    %add3A_761 = arith.addi %mul3A_2, %add3A_760 : i32
    %dma_start3A_762 = arith.constant 2 : i32
    %dma_start3A_763 = arith.constant 0 : i32
    %dma_start3A_764 = tpu.memref_slice %arg2[%dma_start3A_762, %add3A_761, %dma_start3A_763] : memref<4x4096x1024xf32, #tpu.memory_space<hbm>> -> memref<1x16x1024xf32, #tpu.memory_space<hbm>>
    %dma_start3A_765 = tpu.memref_squeeze %dma_start3A_764 : memref<1x16x1024xf32, #tpu.memory_space<hbm>> -> memref<16x1024xf32, #tpu.memory_space<hbm>>
    %dma_start3A_766 = arith.constant 0 : i32
    %dma_start3A_767 = tpu.memref_slice %arg2[%dma_start3A_762, %add3A_761, %dma_start3A_766] : memref<4x4096x1024xf32, #tpu.memory_space<hbm>> -> memref<1x16x1024xf32, #tpu.memory_space<hbm>>
    %dma_start3A_768 = tpu.memref_squeeze %dma_start3A_767 : memref<1x16x1024xf32, #tpu.memory_space<hbm>> -> memref<16x1024xf32, #tpu.memory_space<hbm>>
    tpu.enqueue_dma source(%dma_start3A_768 : memref<16x1024xf32, #tpu.memory_space<hbm>>) target(%arg9 : memref<16x1024xf32, #tpu.memory_space<vmem>>) target_semaphore(%arg16 : memref<!tpu.dma_semaphore, #tpu.memory_space<semaphore_mem>>)
    %add3A_769 = arith.constant 96 : i32
    %add3A_770 = arith.addi %mul3A_2, %add3A_769 : i32
    %dma_start3A_771 = arith.constant 0 : i32
    %dma_start3A_772 = tpu.memref_slice %arg3[%add3A_770, %dma_start3A_771] : memref<4096x1024xf32, #tpu.memory_space<hbm>> -> memref<16x1024xf32, #tpu.memory_space<hbm>>
    %dma_start3A_773 = arith.constant 0 : i32
    %dma_start3A_774 = tpu.memref_slice %arg3[%add3A_770, %dma_start3A_773] : memref<4096x1024xf32, #tpu.memory_space<hbm>> -> memref<16x1024xf32, #tpu.memory_space<hbm>>
    tpu.enqueue_dma source(%dma_start3A_774 : memref<16x1024xf32, #tpu.memory_space<hbm>>) target(%arg5 : memref<16x1024xf32, #tpu.memory_space<vmem>>) target_semaphore(%arg12 : memref<!tpu.dma_semaphore, #tpu.memory_space<semaphore_mem>>)
    %dma_wait3A_775 = arith.constant 0 : i32
    %dma_wait3A_776 = tpu.memref_slice %arg3[%add3A_620, %dma_wait3A_775] : memref<4096x1024xf32, #tpu.memory_space<hbm>> -> memref<16x1024xf32, #tpu.memory_space<hbm>>
    %dma_wait3A_777 = arith.constant 0 : i32
    %dma_wait3A_778 = tpu.memref_slice %arg3[%add3A_620, %dma_wait3A_777] : memref<4096x1024xf32, #tpu.memory_space<hbm>> -> memref<16x1024xf32, #tpu.memory_space<hbm>>
    tpu.wait_dma2 semaphore(%arg13 : memref<!tpu.dma_semaphore, #tpu.memory_space<semaphore_mem>>) src(%dma_wait3A_778 : memref<16x1024xf32, #tpu.memory_space<hbm>>) dst(%arg6 : memref<16x1024xf32, #tpu.memory_space<vmem>>)
    %dma_wait3A_779 = arith.constant 0 : i32
    %dma_wait3A_780 = arith.constant 0 : i32
    %dma_wait3A_781 = tpu.memref_slice %arg2[%dma_wait3A_779, %add3A_691, %dma_wait3A_780] : memref<4x4096x1024xf32, #tpu.memory_space<hbm>> -> memref<1x16x1024xf32, #tpu.memory_space<hbm>>
    %dma_wait3A_782 = tpu.memref_squeeze %dma_wait3A_781 : memref<1x16x1024xf32, #tpu.memory_space<hbm>> -> memref<16x1024xf32, #tpu.memory_space<hbm>>
    %dma_wait3A_783 = arith.constant 0 : i32
    %dma_wait3A_784 = tpu.memref_slice %arg2[%dma_wait3A_779, %add3A_691, %dma_wait3A_783] : memref<4x4096x1024xf32, #tpu.memory_space<hbm>> -> memref<1x16x1024xf32, #tpu.memory_space<hbm>>
    %dma_wait3A_785 = tpu.memref_squeeze %dma_wait3A_784 : memref<1x16x1024xf32, #tpu.memory_space<hbm>> -> memref<16x1024xf32, #tpu.memory_space<hbm>>
    tpu.wait_dma2 semaphore(%arg14 : memref<!tpu.dma_semaphore, #tpu.memory_space<semaphore_mem>>) src(%dma_wait3A_785 : memref<16x1024xf32, #tpu.memory_space<hbm>>) dst(%arg7 : memref<16x1024xf32, #tpu.memory_space<vmem>>)
    %parallel_loop3A_786 = arith.constant 0 : i32
    %parallel_loop3A_787 = arith.constant 1024 : i32
    %parallel_loop3A_788 = arith.constant 1 : i32
    scf.for %parallel_loop3A_1200 = %parallel_loop3A_786 to %parallel_loop3A_787 step %parallel_loop3A_788  : i32 {
      %parallel_loop3A_1201 = arith.constant 64 : i32
      %parallel_loop3A_1202 = arith.divsi %parallel_loop3A_1200, %parallel_loop3A_1201 : i32
      %parallel_loop3A_1203 = arith.constant 0 : i32
      %parallel_loop3A_1204 = arith.cmpi sgt, %parallel_loop3A_1200, %parallel_loop3A_1203 : i32
      %parallel_loop3A_1205 = arith.extui %parallel_loop3A_1204 : i1 to i32
      %parallel_loop3A_1206 = arith.constant 0 : i32
      %parallel_loop3A_1207 = arith.cmpi slt, %parallel_loop3A_1200, %parallel_loop3A_1206 : i32
      %parallel_loop3A_1208 = arith.extui %parallel_loop3A_1207 : i1 to i32
      %parallel_loop3A_1209 = arith.subi %parallel_loop3A_1205, %parallel_loop3A_1208 : i32
      %parallel_loop3A_1210 = arith.constant 0 : i32
      %parallel_loop3A_1211 = arith.cmpi sgt, %parallel_loop3A_1201, %parallel_loop3A_1210 : i32
      %parallel_loop3A_1212 = arith.extui %parallel_loop3A_1211 : i1 to i32
      %parallel_loop3A_1213 = arith.constant 0 : i32
      %parallel_loop3A_1214 = arith.cmpi slt, %parallel_loop3A_1201, %parallel_loop3A_1213 : i32
      %parallel_loop3A_1215 = arith.extui %parallel_loop3A_1214 : i1 to i32
      %parallel_loop3A_1216 = arith.subi %parallel_loop3A_1212, %parallel_loop3A_1215 : i32
      %parallel_loop3A_1217 = arith.cmpi ne, %parallel_loop3A_1209, %parallel_loop3A_1216 : i32
      %parallel_loop3A_1218 = arith.remsi %parallel_loop3A_1200, %parallel_loop3A_1201 : i32
      %parallel_loop3A_1219 = arith.constant 0 : i32
      %parallel_loop3A_1220 = arith.cmpi ne, %parallel_loop3A_1218, %parallel_loop3A_1219 : i32
      %parallel_loop3A_1221 = arith.andi %parallel_loop3A_1217, %parallel_loop3A_1220 : i1
      %parallel_loop3A_1222 = arith.constant 1 : i32
      %parallel_loop3A_1223 = arith.subi %parallel_loop3A_1202, %parallel_loop3A_1222 : i32
      %parallel_loop3A_1224 = arith.select %parallel_loop3A_1221, %parallel_loop3A_1223, %parallel_loop3A_1202 : i32
      %parallel_loop3A_1225 = arith.constant 64 : i32
      %parallel_loop3A_1226 = arith.constant 0 : i32
      %parallel_loop3A_1227 = arith.cmpi eq, %parallel_loop3A_1225, %parallel_loop3A_1226 : i32
      %parallel_loop3A_1228 = arith.constant 1 : i32
      %parallel_loop3A_1229 = arith.select %parallel_loop3A_1227, %parallel_loop3A_1228, %parallel_loop3A_1225 : i32
      %parallel_loop3A_1230 = arith.remsi %parallel_loop3A_1200, %parallel_loop3A_1229 : i32
      %parallel_loop3A_1231 = arith.constant 0 : i32
      %parallel_loop3A_1232 = arith.cmpi ne, %parallel_loop3A_1230, %parallel_loop3A_1231 : i32
      %parallel_loop3A_1233 = arith.constant 0 : i32
      %parallel_loop3A_1234 = arith.cmpi slt, %parallel_loop3A_1230, %parallel_loop3A_1233 : i32
      %parallel_loop3A_1235 = arith.constant 0 : i32
      %parallel_loop3A_1236 = arith.cmpi slt, %parallel_loop3A_1229, %parallel_loop3A_1235 : i32
      %parallel_loop3A_1237 = arith.xori %parallel_loop3A_1234, %parallel_loop3A_1236 : i1
      %parallel_loop3A_1238 = arith.andi %parallel_loop3A_1237, %parallel_loop3A_1232 : i1
      %parallel_loop3A_1239 = arith.addi %parallel_loop3A_1230, %parallel_loop3A_1229 : i32
      %parallel_loop3A_1240 = arith.select %parallel_loop3A_1238, %parallel_loop3A_1239, %parallel_loop3A_1230 : i32
      %parallel_loop3A_1241 = arith.constant 16 : i32
      %parallel_loop3A_1242 = arith.muli %parallel_loop3A_1240, %parallel_loop3A_1241 : i32
      %parallel_loop3A_1243 = arith.index_cast %parallel_loop3A_1224 : i32 to index
      %parallel_loop3A_1244 = arith.index_cast %parallel_loop3A_1242 : i32 to index
      %parallel_loop3A_1245 = tpu.vector_load %arg6[%parallel_loop3A_1243, %parallel_loop3A_1244] {strides = array<i32>} : memref<16x1024xf32, #tpu.memory_space<vmem>>, vector<1x16xf32>,
      %parallel_loop3A_1246 = vector.shape_cast %parallel_loop3A_1245 : vector<1x16xf32> to vector<16xf32>
      %parallel_loop3A_1247 = arith.index_cast %parallel_loop3A_1224 : i32 to index
      %parallel_loop3A_1248 = arith.index_cast %parallel_loop3A_1242 : i32 to index
      %parallel_loop3A_1249 = tpu.vector_load %arg7[%parallel_loop3A_1247, %parallel_loop3A_1248] {strides = array<i32>} : memref<16x1024xf32, #tpu.memory_space<vmem>>, vector<1x16xf32>,
      %parallel_loop3A_1250 = vector.shape_cast %parallel_loop3A_1249 : vector<1x16xf32> to vector<16xf32>
      %parallel_loop3A_1251 = vector.shape_cast %parallel_loop3A_1246 : vector<16xf32> to vector<1x16xf32>
      tpu.vector_store %arg7[%parallel_loop3A_1247, %parallel_loop3A_1248], %parallel_loop3A_1251 {add = true, strides = array<i32>} : memref<16x1024xf32, #tpu.memory_space<vmem>>, vector<1x16xf32>,
    } {sc.loop_unroll_factor = 8 : i64, sc.parallel_access}
    %add3A_789 = arith.constant 80 : i32
    %add3A_790 = arith.addi %mul3A_2, %add3A_789 : i32
    %dma_start3A_791 = arith.constant 0 : i32
    %dma_start3A_792 = arith.constant 0 : i32
    %dma_start3A_793 = tpu.memref_slice %arg4[%dma_start3A_791, %add3A_790, %dma_start3A_792] : memref<4x4096x1024xf32, #tpu.memory_space<hbm>> -> memref<1x16x1024xf32, #tpu.memory_space<hbm>>
    %dma_start3A_794 = tpu.memref_squeeze %dma_start3A_793 : memref<1x16x1024xf32, #tpu.memory_space<hbm>> -> memref<16x1024xf32, #tpu.memory_space<hbm>>
    %dma_start3A_795 = arith.constant 0 : i32
    %dma_start3A_796 = tpu.memref_slice %arg4[%dma_start3A_791, %add3A_790, %dma_start3A_795] : memref<4x4096x1024xf32, #tpu.memory_space<hbm>> -> memref<1x16x1024xf32, #tpu.memory_space<hbm>>
    %dma_start3A_797 = tpu.memref_squeeze %dma_start3A_796 : memref<1x16x1024xf32, #tpu.memory_space<hbm>> -> memref<16x1024xf32, #tpu.memory_space<hbm>>
    tpu.enqueue_dma source(%arg7 : memref<16x1024xf32, #tpu.memory_space<vmem>>) target(%dma_start3A_797 : memref<16x1024xf32, #tpu.memory_space<hbm>>) target_semaphore(%arg19 : memref<!tpu.dma_semaphore, #tpu.memory_space<semaphore_mem>>)
    %dma_wait3A_798 = arith.constant 2 : i32
    %dma_wait3A_799 = arith.constant 0 : i32
    %dma_wait3A_800 = tpu.memref_slice %arg4[%dma_wait3A_798, %add3A_710, %dma_wait3A_799] : memref<4x4096x1024xf32, #tpu.memory_space<hbm>> -> memref<1x16x1024xf32, #tpu.memory_space<hbm>>
    %dma_wait3A_801 = tpu.memref_squeeze %dma_wait3A_800 : memref<1x16x1024xf32, #tpu.memory_space<hbm>> -> memref<16x1024xf32, #tpu.memory_space<hbm>>
    %dma_wait3A_802 = arith.constant 0 : i32
    %dma_wait3A_803 = tpu.memref_slice %arg4[%dma_wait3A_798, %add3A_710, %dma_wait3A_802] : memref<4x4096x1024xf32, #tpu.memory_space<hbm>> -> memref<1x16x1024xf32, #tpu.memory_space<hbm>>
    %dma_wait3A_804 = tpu.memref_squeeze %dma_wait3A_803 : memref<1x16x1024xf32, #tpu.memory_space<hbm>> -> memref<16x1024xf32, #tpu.memory_space<hbm>>
    tpu.wait_dma2 semaphore(%arg22 : memref<!tpu.dma_semaphore, #tpu.memory_space<semaphore_mem>>) src(%arg10 : memref<16x1024xf32, #tpu.memory_space<vmem>>) dst(%dma_wait3A_804 : memref<16x1024xf32, #tpu.memory_space<hbm>>)
    %add3A_805 = arith.constant 80 : i32
    %add3A_806 = arith.addi %mul3A_2, %add3A_805 : i32
    %dma_start3A_807 = arith.constant 3 : i32
    %dma_start3A_808 = arith.constant 0 : i32
    %dma_start3A_809 = tpu.memref_slice %arg2[%dma_start3A_807, %add3A_806, %dma_start3A_808] : memref<4x4096x1024xf32, #tpu.memory_space<hbm>> -> memref<1x16x1024xf32, #tpu.memory_space<hbm>>
    %dma_start3A_810 = tpu.memref_squeeze %dma_start3A_809 : memref<1x16x1024xf32, #tpu.memory_space<hbm>> -> memref<16x1024xf32, #tpu.memory_space<hbm>>
    %dma_start3A_811 = arith.constant 0 : i32
    %dma_start3A_812 = tpu.memref_slice %arg2[%dma_start3A_807, %add3A_806, %dma_start3A_811] : memref<4x4096x1024xf32, #tpu.memory_space<hbm>> -> memref<1x16x1024xf32, #tpu.memory_space<hbm>>
    %dma_start3A_813 = tpu.memref_squeeze %dma_start3A_812 : memref<1x16x1024xf32, #tpu.memory_space<hbm>> -> memref<16x1024xf32, #tpu.memory_space<hbm>>
    tpu.enqueue_dma source(%dma_start3A_813 : memref<16x1024xf32, #tpu.memory_space<hbm>>) target(%arg10 : memref<16x1024xf32, #tpu.memory_space<vmem>>) target_semaphore(%arg17 : memref<!tpu.dma_semaphore, #tpu.memory_space<semaphore_mem>>)
    %dma_wait3A_814 = arith.constant 1 : i32
    %dma_wait3A_815 = arith.constant 0 : i32
    %dma_wait3A_816 = tpu.memref_slice %arg2[%dma_wait3A_814, %add3A_726, %dma_wait3A_815] : memref<4x4096x1024xf32, #tpu.memory_space<hbm>> -> memref<1x16x1024xf32, #tpu.memory_space<hbm>>
    %dma_wait3A_817 = tpu.memref_squeeze %dma_wait3A_816 : memref<1x16x1024xf32, #tpu.memory_space<hbm>> -> memref<16x1024xf32, #tpu.memory_space<hbm>>
    %dma_wait3A_818 = arith.constant 0 : i32
    %dma_wait3A_819 = tpu.memref_slice %arg2[%dma_wait3A_814, %add3A_726, %dma_wait3A_818] : memref<4x4096x1024xf32, #tpu.memory_space<hbm>> -> memref<1x16x1024xf32, #tpu.memory_space<hbm>>
    %dma_wait3A_820 = tpu.memref_squeeze %dma_wait3A_819 : memref<1x16x1024xf32, #tpu.memory_space<hbm>> -> memref<16x1024xf32, #tpu.memory_space<hbm>>
    tpu.wait_dma2 semaphore(%arg15 : memref<!tpu.dma_semaphore, #tpu.memory_space<semaphore_mem>>) src(%dma_wait3A_820 : memref<16x1024xf32, #tpu.memory_space<hbm>>) dst(%arg8 : memref<16x1024xf32, #tpu.memory_space<vmem>>)
    %parallel_loop3A_821 = arith.constant 0 : i32
    %parallel_loop3A_822 = arith.constant 1024 : i32
    %parallel_loop3A_823 = arith.constant 1 : i32
    scf.for %parallel_loop3A_1200 = %parallel_loop3A_821 to %parallel_loop3A_822 step %parallel_loop3A_823  : i32 {
      %parallel_loop3A_1201 = arith.constant 64 : i32
      %parallel_loop3A_1202 = arith.divsi %parallel_loop3A_1200, %parallel_loop3A_1201 : i32
      %parallel_loop3A_1203 = arith.constant 0 : i32
      %parallel_loop3A_1204 = arith.cmpi sgt, %parallel_loop3A_1200, %parallel_loop3A_1203 : i32
      %parallel_loop3A_1205 = arith.extui %parallel_loop3A_1204 : i1 to i32
      %parallel_loop3A_1206 = arith.constant 0 : i32
      %parallel_loop3A_1207 = arith.cmpi slt, %parallel_loop3A_1200, %parallel_loop3A_1206 : i32
      %parallel_loop3A_1208 = arith.extui %parallel_loop3A_1207 : i1 to i32
      %parallel_loop3A_1209 = arith.subi %parallel_loop3A_1205, %parallel_loop3A_1208 : i32
      %parallel_loop3A_1210 = arith.constant 0 : i32
      %parallel_loop3A_1211 = arith.cmpi sgt, %parallel_loop3A_1201, %parallel_loop3A_1210 : i32
      %parallel_loop3A_1212 = arith.extui %parallel_loop3A_1211 : i1 to i32
      %parallel_loop3A_1213 = arith.constant 0 : i32
      %parallel_loop3A_1214 = arith.cmpi slt, %parallel_loop3A_1201, %parallel_loop3A_1213 : i32
      %parallel_loop3A_1215 = arith.extui %parallel_loop3A_1214 : i1 to i32
      %parallel_loop3A_1216 = arith.subi %parallel_loop3A_1212, %parallel_loop3A_1215 : i32
      %parallel_loop3A_1217 = arith.cmpi ne, %parallel_loop3A_1209, %parallel_loop3A_1216 : i32
      %parallel_loop3A_1218 = arith.remsi %parallel_loop3A_1200, %parallel_loop3A_1201 : i32
      %parallel_loop3A_1219 = arith.constant 0 : i32
      %parallel_loop3A_1220 = arith.cmpi ne, %parallel_loop3A_1218, %parallel_loop3A_1219 : i32
      %parallel_loop3A_1221 = arith.andi %parallel_loop3A_1217, %parallel_loop3A_1220 : i1
      %parallel_loop3A_1222 = arith.constant 1 : i32
      %parallel_loop3A_1223 = arith.subi %parallel_loop3A_1202, %parallel_loop3A_1222 : i32
      %parallel_loop3A_1224 = arith.select %parallel_loop3A_1221, %parallel_loop3A_1223, %parallel_loop3A_1202 : i32
      %parallel_loop3A_1225 = arith.constant 64 : i32
      %parallel_loop3A_1226 = arith.constant 0 : i32
      %parallel_loop3A_1227 = arith.cmpi eq, %parallel_loop3A_1225, %parallel_loop3A_1226 : i32
      %parallel_loop3A_1228 = arith.constant 1 : i32
      %parallel_loop3A_1229 = arith.select %parallel_loop3A_1227, %parallel_loop3A_1228, %parallel_loop3A_1225 : i32
      %parallel_loop3A_1230 = arith.remsi %parallel_loop3A_1200, %parallel_loop3A_1229 : i32
      %parallel_loop3A_1231 = arith.constant 0 : i32
      %parallel_loop3A_1232 = arith.cmpi ne, %parallel_loop3A_1230, %parallel_loop3A_1231 : i32
      %parallel_loop3A_1233 = arith.constant 0 : i32
      %parallel_loop3A_1234 = arith.cmpi slt, %parallel_loop3A_1230, %parallel_loop3A_1233 : i32
      %parallel_loop3A_1235 = arith.constant 0 : i32
      %parallel_loop3A_1236 = arith.cmpi slt, %parallel_loop3A_1229, %parallel_loop3A_1235 : i32
      %parallel_loop3A_1237 = arith.xori %parallel_loop3A_1234, %parallel_loop3A_1236 : i1
      %parallel_loop3A_1238 = arith.andi %parallel_loop3A_1237, %parallel_loop3A_1232 : i1
      %parallel_loop3A_1239 = arith.addi %parallel_loop3A_1230, %parallel_loop3A_1229 : i32
      %parallel_loop3A_1240 = arith.select %parallel_loop3A_1238, %parallel_loop3A_1239, %parallel_loop3A_1230 : i32
      %parallel_loop3A_1241 = arith.constant 16 : i32
      %parallel_loop3A_1242 = arith.muli %parallel_loop3A_1240, %parallel_loop3A_1241 : i32
      %parallel_loop3A_1243 = arith.index_cast %parallel_loop3A_1224 : i32 to index
      %parallel_loop3A_1244 = arith.index_cast %parallel_loop3A_1242 : i32 to index
      %parallel_loop3A_1245 = tpu.vector_load %arg6[%parallel_loop3A_1243, %parallel_loop3A_1244] {strides = array<i32>} : memref<16x1024xf32, #tpu.memory_space<vmem>>, vector<1x16xf32>,
      %parallel_loop3A_1246 = vector.shape_cast %parallel_loop3A_1245 : vector<1x16xf32> to vector<16xf32>
      %parallel_loop3A_1247 = arith.index_cast %parallel_loop3A_1224 : i32 to index
      %parallel_loop3A_1248 = arith.index_cast %parallel_loop3A_1242 : i32 to index
      %parallel_loop3A_1249 = tpu.vector_load %arg8[%parallel_loop3A_1247, %parallel_loop3A_1248] {strides = array<i32>} : memref<16x1024xf32, #tpu.memory_space<vmem>>, vector<1x16xf32>,
      %parallel_loop3A_1250 = vector.shape_cast %parallel_loop3A_1249 : vector<1x16xf32> to vector<16xf32>
      %parallel_loop3A_1251 = vector.shape_cast %parallel_loop3A_1246 : vector<16xf32> to vector<1x16xf32>
      tpu.vector_store %arg8[%parallel_loop3A_1247, %parallel_loop3A_1248], %parallel_loop3A_1251 {add = true, strides = array<i32>} : memref<16x1024xf32, #tpu.memory_space<vmem>>, vector<1x16xf32>,
    } {sc.loop_unroll_factor = 8 : i64, sc.parallel_access}
    %add3A_824 = arith.constant 80 : i32
    %add3A_825 = arith.addi %mul3A_2, %add3A_824 : i32
    %dma_start3A_826 = arith.constant 1 : i32
    %dma_start3A_827 = arith.constant 0 : i32
    %dma_start3A_828 = tpu.memref_slice %arg4[%dma_start3A_826, %add3A_825, %dma_start3A_827] : memref<4x4096x1024xf32, #tpu.memory_space<hbm>> -> memref<1x16x1024xf32, #tpu.memory_space<hbm>>
    %dma_start3A_829 = tpu.memref_squeeze %dma_start3A_828 : memref<1x16x1024xf32, #tpu.memory_space<hbm>> -> memref<16x1024xf32, #tpu.memory_space<hbm>>
    %dma_start3A_830 = arith.constant 0 : i32
    %dma_start3A_831 = tpu.memref_slice %arg4[%dma_start3A_826, %add3A_825, %dma_start3A_830] : memref<4x4096x1024xf32, #tpu.memory_space<hbm>> -> memref<1x16x1024xf32, #tpu.memory_space<hbm>>
    %dma_start3A_832 = tpu.memref_squeeze %dma_start3A_831 : memref<1x16x1024xf32, #tpu.memory_space<hbm>> -> memref<16x1024xf32, #tpu.memory_space<hbm>>
    tpu.enqueue_dma source(%arg8 : memref<16x1024xf32, #tpu.memory_space<vmem>>) target(%dma_start3A_832 : memref<16x1024xf32, #tpu.memory_space<hbm>>) target_semaphore(%arg20 : memref<!tpu.dma_semaphore, #tpu.memory_space<semaphore_mem>>)
    %dma_wait3A_833 = arith.constant 3 : i32
    %dma_wait3A_834 = arith.constant 0 : i32
    %dma_wait3A_835 = tpu.memref_slice %arg4[%dma_wait3A_833, %add3A_745, %dma_wait3A_834] : memref<4x4096x1024xf32, #tpu.memory_space<hbm>> -> memref<1x16x1024xf32, #tpu.memory_space<hbm>>
    %dma_wait3A_836 = tpu.memref_squeeze %dma_wait3A_835 : memref<1x16x1024xf32, #tpu.memory_space<hbm>> -> memref<16x1024xf32, #tpu.memory_space<hbm>>
    %dma_wait3A_837 = arith.constant 0 : i32
    %dma_wait3A_838 = tpu.memref_slice %arg4[%dma_wait3A_833, %add3A_745, %dma_wait3A_837] : memref<4x4096x1024xf32, #tpu.memory_space<hbm>> -> memref<1x16x1024xf32, #tpu.memory_space<hbm>>
    %dma_wait3A_839 = tpu.memref_squeeze %dma_wait3A_838 : memref<1x16x1024xf32, #tpu.memory_space<hbm>> -> memref<16x1024xf32, #tpu.memory_space<hbm>>
    tpu.wait_dma2 semaphore(%arg23 : memref<!tpu.dma_semaphore, #tpu.memory_space<semaphore_mem>>) src(%arg11 : memref<16x1024xf32, #tpu.memory_space<vmem>>) dst(%dma_wait3A_839 : memref<16x1024xf32, #tpu.memory_space<hbm>>)
    %add3A_840 = arith.constant 96 : i32
    %add3A_841 = arith.addi %mul3A_2, %add3A_840 : i32
    %dma_start3A_842 = arith.constant 0 : i32
    %dma_start3A_843 = arith.constant 0 : i32
    %dma_start3A_844 = tpu.memref_slice %arg2[%dma_start3A_842, %add3A_841, %dma_start3A_843] : memref<4x4096x1024xf32, #tpu.memory_space<hbm>> -> memref<1x16x1024xf32, #tpu.memory_space<hbm>>
    %dma_start3A_845 = tpu.memref_squeeze %dma_start3A_844 : memref<1x16x1024xf32, #tpu.memory_space<hbm>> -> memref<16x1024xf32, #tpu.memory_space<hbm>>
    %dma_start3A_846 = arith.constant 0 : i32
    %dma_start3A_847 = tpu.memref_slice %arg2[%dma_start3A_842, %add3A_841, %dma_start3A_846] : memref<4x4096x1024xf32, #tpu.memory_space<hbm>> -> memref<1x16x1024xf32, #tpu.memory_space<hbm>>
    %dma_start3A_848 = tpu.memref_squeeze %dma_start3A_847 : memref<1x16x1024xf32, #tpu.memory_space<hbm>> -> memref<16x1024xf32, #tpu.memory_space<hbm>>
    tpu.enqueue_dma source(%dma_start3A_848 : memref<16x1024xf32, #tpu.memory_space<hbm>>) target(%arg11 : memref<16x1024xf32, #tpu.memory_space<vmem>>) target_semaphore(%arg18 : memref<!tpu.dma_semaphore, #tpu.memory_space<semaphore_mem>>)
    %dma_wait3A_849 = arith.constant 2 : i32
    %dma_wait3A_850 = arith.constant 0 : i32
    %dma_wait3A_851 = tpu.memref_slice %arg2[%dma_wait3A_849, %add3A_761, %dma_wait3A_850] : memref<4x4096x1024xf32, #tpu.memory_space<hbm>> -> memref<1x16x1024xf32, #tpu.memory_space<hbm>>
    %dma_wait3A_852 = tpu.memref_squeeze %dma_wait3A_851 : memref<1x16x1024xf32, #tpu.memory_space<hbm>> -> memref<16x1024xf32, #tpu.memory_space<hbm>>
    %dma_wait3A_853 = arith.constant 0 : i32
    %dma_wait3A_854 = tpu.memref_slice %arg2[%dma_wait3A_849, %add3A_761, %dma_wait3A_853] : memref<4x4096x1024xf32, #tpu.memory_space<hbm>> -> memref<1x16x1024xf32, #tpu.memory_space<hbm>>
    %dma_wait3A_855 = tpu.memref_squeeze %dma_wait3A_854 : memref<1x16x1024xf32, #tpu.memory_space<hbm>> -> memref<16x1024xf32, #tpu.memory_space<hbm>>
    tpu.wait_dma2 semaphore(%arg16 : memref<!tpu.dma_semaphore, #tpu.memory_space<semaphore_mem>>) src(%dma_wait3A_855 : memref<16x1024xf32, #tpu.memory_space<hbm>>) dst(%arg9 : memref<16x1024xf32, #tpu.memory_space<vmem>>)
    %parallel_loop3A_856 = arith.constant 0 : i32
    %parallel_loop3A_857 = arith.constant 1024 : i32
    %parallel_loop3A_858 = arith.constant 1 : i32
    scf.for %parallel_loop3A_1200 = %parallel_loop3A_856 to %parallel_loop3A_857 step %parallel_loop3A_858  : i32 {
      %parallel_loop3A_1201 = arith.constant 64 : i32
      %parallel_loop3A_1202 = arith.divsi %parallel_loop3A_1200, %parallel_loop3A_1201 : i32
      %parallel_loop3A_1203 = arith.constant 0 : i32
      %parallel_loop3A_1204 = arith.cmpi sgt, %parallel_loop3A_1200, %parallel_loop3A_1203 : i32
      %parallel_loop3A_1205 = arith.extui %parallel_loop3A_1204 : i1 to i32
      %parallel_loop3A_1206 = arith.constant 0 : i32
      %parallel_loop3A_1207 = arith.cmpi slt, %parallel_loop3A_1200, %parallel_loop3A_1206 : i32
      %parallel_loop3A_1208 = arith.extui %parallel_loop3A_1207 : i1 to i32
      %parallel_loop3A_1209 = arith.subi %parallel_loop3A_1205, %parallel_loop3A_1208 : i32
      %parallel_loop3A_1210 = arith.constant 0 : i32
      %parallel_loop3A_1211 = arith.cmpi sgt, %parallel_loop3A_1201, %parallel_loop3A_1210 : i32
      %parallel_loop3A_1212 = arith.extui %parallel_loop3A_1211 : i1 to i32
      %parallel_loop3A_1213 = arith.constant 0 : i32
      %parallel_loop3A_1214 = arith.cmpi slt, %parallel_loop3A_1201, %parallel_loop3A_1213 : i32
      %parallel_loop3A_1215 = arith.extui %parallel_loop3A_1214 : i1 to i32
      %parallel_loop3A_1216 = arith.subi %parallel_loop3A_1212, %parallel_loop3A_1215 : i32
      %parallel_loop3A_1217 = arith.cmpi ne, %parallel_loop3A_1209, %parallel_loop3A_1216 : i32
      %parallel_loop3A_1218 = arith.remsi %parallel_loop3A_1200, %parallel_loop3A_1201 : i32
      %parallel_loop3A_1219 = arith.constant 0 : i32
      %parallel_loop3A_1220 = arith.cmpi ne, %parallel_loop3A_1218, %parallel_loop3A_1219 : i32
      %parallel_loop3A_1221 = arith.andi %parallel_loop3A_1217, %parallel_loop3A_1220 : i1
      %parallel_loop3A_1222 = arith.constant 1 : i32
      %parallel_loop3A_1223 = arith.subi %parallel_loop3A_1202, %parallel_loop3A_1222 : i32
      %parallel_loop3A_1224 = arith.select %parallel_loop3A_1221, %parallel_loop3A_1223, %parallel_loop3A_1202 : i32
      %parallel_loop3A_1225 = arith.constant 64 : i32
      %parallel_loop3A_1226 = arith.constant 0 : i32
      %parallel_loop3A_1227 = arith.cmpi eq, %parallel_loop3A_1225, %parallel_loop3A_1226 : i32
      %parallel_loop3A_1228 = arith.constant 1 : i32
      %parallel_loop3A_1229 = arith.select %parallel_loop3A_1227, %parallel_loop3A_1228, %parallel_loop3A_1225 : i32
      %parallel_loop3A_1230 = arith.remsi %parallel_loop3A_1200, %parallel_loop3A_1229 : i32
      %parallel_loop3A_1231 = arith.constant 0 : i32
      %parallel_loop3A_1232 = arith.cmpi ne, %parallel_loop3A_1230, %parallel_loop3A_1231 : i32
      %parallel_loop3A_1233 = arith.constant 0 : i32
      %parallel_loop3A_1234 = arith.cmpi slt, %parallel_loop3A_1230, %parallel_loop3A_1233 : i32
      %parallel_loop3A_1235 = arith.constant 0 : i32
      %parallel_loop3A_1236 = arith.cmpi slt, %parallel_loop3A_1229, %parallel_loop3A_1235 : i32
      %parallel_loop3A_1237 = arith.xori %parallel_loop3A_1234, %parallel_loop3A_1236 : i1
      %parallel_loop3A_1238 = arith.andi %parallel_loop3A_1237, %parallel_loop3A_1232 : i1
      %parallel_loop3A_1239 = arith.addi %parallel_loop3A_1230, %parallel_loop3A_1229 : i32
      %parallel_loop3A_1240 = arith.select %parallel_loop3A_1238, %parallel_loop3A_1239, %parallel_loop3A_1230 : i32
      %parallel_loop3A_1241 = arith.constant 16 : i32
      %parallel_loop3A_1242 = arith.muli %parallel_loop3A_1240, %parallel_loop3A_1241 : i32
      %parallel_loop3A_1243 = arith.index_cast %parallel_loop3A_1224 : i32 to index
      %parallel_loop3A_1244 = arith.index_cast %parallel_loop3A_1242 : i32 to index
      %parallel_loop3A_1245 = tpu.vector_load %arg6[%parallel_loop3A_1243, %parallel_loop3A_1244] {strides = array<i32>} : memref<16x1024xf32, #tpu.memory_space<vmem>>, vector<1x16xf32>,
      %parallel_loop3A_1246 = vector.shape_cast %parallel_loop3A_1245 : vector<1x16xf32> to vector<16xf32>
      %parallel_loop3A_1247 = arith.index_cast %parallel_loop3A_1224 : i32 to index
      %parallel_loop3A_1248 = arith.index_cast %parallel_loop3A_1242 : i32 to index
      %parallel_loop3A_1249 = tpu.vector_load %arg9[%parallel_loop3A_1247, %parallel_loop3A_1248] {strides = array<i32>} : memref<16x1024xf32, #tpu.memory_space<vmem>>, vector<1x16xf32>,
      %parallel_loop3A_1250 = vector.shape_cast %parallel_loop3A_1249 : vector<1x16xf32> to vector<16xf32>
      %parallel_loop3A_1251 = vector.shape_cast %parallel_loop3A_1246 : vector<16xf32> to vector<1x16xf32>
      tpu.vector_store %arg9[%parallel_loop3A_1247, %parallel_loop3A_1248], %parallel_loop3A_1251 {add = true, strides = array<i32>} : memref<16x1024xf32, #tpu.memory_space<vmem>>, vector<1x16xf32>,
    } {sc.loop_unroll_factor = 8 : i64, sc.parallel_access}
    %add3A_859 = arith.constant 80 : i32
    %add3A_860 = arith.addi %mul3A_2, %add3A_859 : i32
    %dma_start3A_861 = arith.constant 2 : i32
    %dma_start3A_862 = arith.constant 0 : i32
    %dma_start3A_863 = tpu.memref_slice %arg4[%dma_start3A_861, %add3A_860, %dma_start3A_862] : memref<4x4096x1024xf32, #tpu.memory_space<hbm>> -> memref<1x16x1024xf32, #tpu.memory_space<hbm>>
    %dma_start3A_864 = tpu.memref_squeeze %dma_start3A_863 : memref<1x16x1024xf32, #tpu.memory_space<hbm>> -> memref<16x1024xf32, #tpu.memory_space<hbm>>
    %dma_start3A_865 = arith.constant 0 : i32
    %dma_start3A_866 = tpu.memref_slice %arg4[%dma_start3A_861, %add3A_860, %dma_start3A_865] : memref<4x4096x1024xf32, #tpu.memory_space<hbm>> -> memref<1x16x1024xf32, #tpu.memory_space<hbm>>
    %dma_start3A_867 = tpu.memref_squeeze %dma_start3A_866 : memref<1x16x1024xf32, #tpu.memory_space<hbm>> -> memref<16x1024xf32, #tpu.memory_space<hbm>>
    tpu.enqueue_dma source(%arg9 : memref<16x1024xf32, #tpu.memory_space<vmem>>) target(%dma_start3A_867 : memref<16x1024xf32, #tpu.memory_space<hbm>>) target_semaphore(%arg21 : memref<!tpu.dma_semaphore, #tpu.memory_space<semaphore_mem>>)
    %dma_wait3A_868 = arith.constant 0 : i32
    %dma_wait3A_869 = arith.constant 0 : i32
    %dma_wait3A_870 = tpu.memref_slice %arg4[%dma_wait3A_868, %add3A_790, %dma_wait3A_869] : memref<4x4096x1024xf32, #tpu.memory_space<hbm>> -> memref<1x16x1024xf32, #tpu.memory_space<hbm>>
    %dma_wait3A_871 = tpu.memref_squeeze %dma_wait3A_870 : memref<1x16x1024xf32, #tpu.memory_space<hbm>> -> memref<16x1024xf32, #tpu.memory_space<hbm>>
    %dma_wait3A_872 = arith.constant 0 : i32
    %dma_wait3A_873 = tpu.memref_slice %arg4[%dma_wait3A_868, %add3A_790, %dma_wait3A_872] : memref<4x4096x1024xf32, #tpu.memory_space<hbm>> -> memref<1x16x1024xf32, #tpu.memory_space<hbm>>
    %dma_wait3A_874 = tpu.memref_squeeze %dma_wait3A_873 : memref<1x16x1024xf32, #tpu.memory_space<hbm>> -> memref<16x1024xf32, #tpu.memory_space<hbm>>
    tpu.wait_dma2 semaphore(%arg19 : memref<!tpu.dma_semaphore, #tpu.memory_space<semaphore_mem>>) src(%arg7 : memref<16x1024xf32, #tpu.memory_space<vmem>>) dst(%dma_wait3A_874 : memref<16x1024xf32, #tpu.memory_space<hbm>>)
    %add3A_875 = arith.constant 96 : i32
    %add3A_876 = arith.addi %mul3A_2, %add3A_875 : i32
    %dma_start3A_877 = arith.constant 1 : i32
    %dma_start3A_878 = arith.constant 0 : i32
    %dma_start3A_879 = tpu.memref_slice %arg2[%dma_start3A_877, %add3A_876, %dma_start3A_878] : memref<4x4096x1024xf32, #tpu.memory_space<hbm>> -> memref<1x16x1024xf32, #tpu.memory_space<hbm>>
    %dma_start3A_880 = tpu.memref_squeeze %dma_start3A_879 : memref<1x16x1024xf32, #tpu.memory_space<hbm>> -> memref<16x1024xf32, #tpu.memory_space<hbm>>
    %dma_start3A_881 = arith.constant 0 : i32
    %dma_start3A_882 = tpu.memref_slice %arg2[%dma_start3A_877, %add3A_876, %dma_start3A_881] : memref<4x4096x1024xf32, #tpu.memory_space<hbm>> -> memref<1x16x1024xf32, #tpu.memory_space<hbm>>
    %dma_start3A_883 = tpu.memref_squeeze %dma_start3A_882 : memref<1x16x1024xf32, #tpu.memory_space<hbm>> -> memref<16x1024xf32, #tpu.memory_space<hbm>>
    tpu.enqueue_dma source(%dma_start3A_883 : memref<16x1024xf32, #tpu.memory_space<hbm>>) target(%arg7 : memref<16x1024xf32, #tpu.memory_space<vmem>>) target_semaphore(%arg14 : memref<!tpu.dma_semaphore, #tpu.memory_space<semaphore_mem>>)
    %dma_wait3A_884 = arith.constant 3 : i32
    %dma_wait3A_885 = arith.constant 0 : i32
    %dma_wait3A_886 = tpu.memref_slice %arg2[%dma_wait3A_884, %add3A_806, %dma_wait3A_885] : memref<4x4096x1024xf32, #tpu.memory_space<hbm>> -> memref<1x16x1024xf32, #tpu.memory_space<hbm>>
    %dma_wait3A_887 = tpu.memref_squeeze %dma_wait3A_886 : memref<1x16x1024xf32, #tpu.memory_space<hbm>> -> memref<16x1024xf32, #tpu.memory_space<hbm>>
    %dma_wait3A_888 = arith.constant 0 : i32
    %dma_wait3A_889 = tpu.memref_slice %arg2[%dma_wait3A_884, %add3A_806, %dma_wait3A_888] : memref<4x4096x1024xf32, #tpu.memory_space<hbm>> -> memref<1x16x1024xf32, #tpu.memory_space<hbm>>
    %dma_wait3A_890 = tpu.memref_squeeze %dma_wait3A_889 : memref<1x16x1024xf32, #tpu.memory_space<hbm>> -> memref<16x1024xf32, #tpu.memory_space<hbm>>
    tpu.wait_dma2 semaphore(%arg17 : memref<!tpu.dma_semaphore, #tpu.memory_space<semaphore_mem>>) src(%dma_wait3A_890 : memref<16x1024xf32, #tpu.memory_space<hbm>>) dst(%arg10 : memref<16x1024xf32, #tpu.memory_space<vmem>>)
    %parallel_loop3A_891 = arith.constant 0 : i32
    %parallel_loop3A_892 = arith.constant 1024 : i32
    %parallel_loop3A_893 = arith.constant 1 : i32
    scf.for %parallel_loop3A_1200 = %parallel_loop3A_891 to %parallel_loop3A_892 step %parallel_loop3A_893  : i32 {
      %parallel_loop3A_1201 = arith.constant 64 : i32
      %parallel_loop3A_1202 = arith.divsi %parallel_loop3A_1200, %parallel_loop3A_1201 : i32
      %parallel_loop3A_1203 = arith.constant 0 : i32
      %parallel_loop3A_1204 = arith.cmpi sgt, %parallel_loop3A_1200, %parallel_loop3A_1203 : i32
      %parallel_loop3A_1205 = arith.extui %parallel_loop3A_1204 : i1 to i32
      %parallel_loop3A_1206 = arith.constant 0 : i32
      %parallel_loop3A_1207 = arith.cmpi slt, %parallel_loop3A_1200, %parallel_loop3A_1206 : i32
      %parallel_loop3A_1208 = arith.extui %parallel_loop3A_1207 : i1 to i32
      %parallel_loop3A_1209 = arith.subi %parallel_loop3A_1205, %parallel_loop3A_1208 : i32
      %parallel_loop3A_1210 = arith.constant 0 : i32
      %parallel_loop3A_1211 = arith.cmpi sgt, %parallel_loop3A_1201, %parallel_loop3A_1210 : i32
      %parallel_loop3A_1212 = arith.extui %parallel_loop3A_1211 : i1 to i32
      %parallel_loop3A_1213 = arith.constant 0 : i32
      %parallel_loop3A_1214 = arith.cmpi slt, %parallel_loop3A_1201, %parallel_loop3A_1213 : i32
      %parallel_loop3A_1215 = arith.extui %parallel_loop3A_1214 : i1 to i32
      %parallel_loop3A_1216 = arith.subi %parallel_loop3A_1212, %parallel_loop3A_1215 : i32
      %parallel_loop3A_1217 = arith.cmpi ne, %parallel_loop3A_1209, %parallel_loop3A_1216 : i32
      %parallel_loop3A_1218 = arith.remsi %parallel_loop3A_1200, %parallel_loop3A_1201 : i32
      %parallel_loop3A_1219 = arith.constant 0 : i32
      %parallel_loop3A_1220 = arith.cmpi ne, %parallel_loop3A_1218, %parallel_loop3A_1219 : i32
      %parallel_loop3A_1221 = arith.andi %parallel_loop3A_1217, %parallel_loop3A_1220 : i1
      %parallel_loop3A_1222 = arith.constant 1 : i32
      %parallel_loop3A_1223 = arith.subi %parallel_loop3A_1202, %parallel_loop3A_1222 : i32
      %parallel_loop3A_1224 = arith.select %parallel_loop3A_1221, %parallel_loop3A_1223, %parallel_loop3A_1202 : i32
      %parallel_loop3A_1225 = arith.constant 64 : i32
      %parallel_loop3A_1226 = arith.constant 0 : i32
      %parallel_loop3A_1227 = arith.cmpi eq, %parallel_loop3A_1225, %parallel_loop3A_1226 : i32
      %parallel_loop3A_1228 = arith.constant 1 : i32
      %parallel_loop3A_1229 = arith.select %parallel_loop3A_1227, %parallel_loop3A_1228, %parallel_loop3A_1225 : i32
      %parallel_loop3A_1230 = arith.remsi %parallel_loop3A_1200, %parallel_loop3A_1229 : i32
      %parallel_loop3A_1231 = arith.constant 0 : i32
      %parallel_loop3A_1232 = arith.cmpi ne, %parallel_loop3A_1230, %parallel_loop3A_1231 : i32
      %parallel_loop3A_1233 = arith.constant 0 : i32
      %parallel_loop3A_1234 = arith.cmpi slt, %parallel_loop3A_1230, %parallel_loop3A_1233 : i32
      %parallel_loop3A_1235 = arith.constant 0 : i32
      %parallel_loop3A_1236 = arith.cmpi slt, %parallel_loop3A_1229, %parallel_loop3A_1235 : i32
      %parallel_loop3A_1237 = arith.xori %parallel_loop3A_1234, %parallel_loop3A_1236 : i1
      %parallel_loop3A_1238 = arith.andi %parallel_loop3A_1237, %parallel_loop3A_1232 : i1
      %parallel_loop3A_1239 = arith.addi %parallel_loop3A_1230, %parallel_loop3A_1229 : i32
      %parallel_loop3A_1240 = arith.select %parallel_loop3A_1238, %parallel_loop3A_1239, %parallel_loop3A_1230 : i32
      %parallel_loop3A_1241 = arith.constant 16 : i32
      %parallel_loop3A_1242 = arith.muli %parallel_loop3A_1240, %parallel_loop3A_1241 : i32
      %parallel_loop3A_1243 = arith.index_cast %parallel_loop3A_1224 : i32 to index
      %parallel_loop3A_1244 = arith.index_cast %parallel_loop3A_1242 : i32 to index
      %parallel_loop3A_1245 = tpu.vector_load %arg6[%parallel_loop3A_1243, %parallel_loop3A_1244] {strides = array<i32>} : memref<16x1024xf32, #tpu.memory_space<vmem>>, vector<1x16xf32>,
      %parallel_loop3A_1246 = vector.shape_cast %parallel_loop3A_1245 : vector<1x16xf32> to vector<16xf32>
      %parallel_loop3A_1247 = arith.index_cast %parallel_loop3A_1224 : i32 to index
      %parallel_loop3A_1248 = arith.index_cast %parallel_loop3A_1242 : i32 to index
      %parallel_loop3A_1249 = tpu.vector_load %arg10[%parallel_loop3A_1247, %parallel_loop3A_1248] {strides = array<i32>} : memref<16x1024xf32, #tpu.memory_space<vmem>>, vector<1x16xf32>,
      %parallel_loop3A_1250 = vector.shape_cast %parallel_loop3A_1249 : vector<1x16xf32> to vector<16xf32>
      %parallel_loop3A_1251 = vector.shape_cast %parallel_loop3A_1246 : vector<16xf32> to vector<1x16xf32>
      tpu.vector_store %arg10[%parallel_loop3A_1247, %parallel_loop3A_1248], %parallel_loop3A_1251 {add = true, strides = array<i32>} : memref<16x1024xf32, #tpu.memory_space<vmem>>, vector<1x16xf32>,
    } {sc.loop_unroll_factor = 8 : i64, sc.parallel_access}
    %add3A_894 = arith.constant 80 : i32
    %add3A_895 = arith.addi %mul3A_2, %add3A_894 : i32
    %dma_start3A_896 = arith.constant 3 : i32
    %dma_start3A_897 = arith.constant 0 : i32
    %dma_start3A_898 = tpu.memref_slice %arg4[%dma_start3A_896, %add3A_895, %dma_start3A_897] : memref<4x4096x1024xf32, #tpu.memory_space<hbm>> -> memref<1x16x1024xf32, #tpu.memory_space<hbm>>
    %dma_start3A_899 = tpu.memref_squeeze %dma_start3A_898 : memref<1x16x1024xf32, #tpu.memory_space<hbm>> -> memref<16x1024xf32, #tpu.memory_space<hbm>>
    %dma_start3A_900 = arith.constant 0 : i32
    %dma_start3A_901 = tpu.memref_slice %arg4[%dma_start3A_896, %add3A_895, %dma_start3A_900] : memref<4x4096x1024xf32, #tpu.memory_space<hbm>> -> memref<1x16x1024xf32, #tpu.memory_space<hbm>>
    %dma_start3A_902 = tpu.memref_squeeze %dma_start3A_901 : memref<1x16x1024xf32, #tpu.memory_space<hbm>> -> memref<16x1024xf32, #tpu.memory_space<hbm>>
    tpu.enqueue_dma source(%arg10 : memref<16x1024xf32, #tpu.memory_space<vmem>>) target(%dma_start3A_902 : memref<16x1024xf32, #tpu.memory_space<hbm>>) target_semaphore(%arg22 : memref<!tpu.dma_semaphore, #tpu.memory_space<semaphore_mem>>)
    %dma_wait3A_903 = arith.constant 1 : i32
    %dma_wait3A_904 = arith.constant 0 : i32
    %dma_wait3A_905 = tpu.memref_slice %arg4[%dma_wait3A_903, %add3A_825, %dma_wait3A_904] : memref<4x4096x1024xf32, #tpu.memory_space<hbm>> -> memref<1x16x1024xf32, #tpu.memory_space<hbm>>
    %dma_wait3A_906 = tpu.memref_squeeze %dma_wait3A_905 : memref<1x16x1024xf32, #tpu.memory_space<hbm>> -> memref<16x1024xf32, #tpu.memory_space<hbm>>
    %dma_wait3A_907 = arith.constant 0 : i32
    %dma_wait3A_908 = tpu.memref_slice %arg4[%dma_wait3A_903, %add3A_825, %dma_wait3A_907] : memref<4x4096x1024xf32, #tpu.memory_space<hbm>> -> memref<1x16x1024xf32, #tpu.memory_space<hbm>>
    %dma_wait3A_909 = tpu.memref_squeeze %dma_wait3A_908 : memref<1x16x1024xf32, #tpu.memory_space<hbm>> -> memref<16x1024xf32, #tpu.memory_space<hbm>>
    tpu.wait_dma2 semaphore(%arg20 : memref<!tpu.dma_semaphore, #tpu.memory_space<semaphore_mem>>) src(%arg8 : memref<16x1024xf32, #tpu.memory_space<vmem>>) dst(%dma_wait3A_909 : memref<16x1024xf32, #tpu.memory_space<hbm>>)
    %add3A_910 = arith.constant 96 : i32
    %add3A_911 = arith.addi %mul3A_2, %add3A_910 : i32
    %dma_start3A_912 = arith.constant 2 : i32
    %dma_start3A_913 = arith.constant 0 : i32
    %dma_start3A_914 = tpu.memref_slice %arg2[%dma_start3A_912, %add3A_911, %dma_start3A_913] : memref<4x4096x1024xf32, #tpu.memory_space<hbm>> -> memref<1x16x1024xf32, #tpu.memory_space<hbm>>
    %dma_start3A_915 = tpu.memref_squeeze %dma_start3A_914 : memref<1x16x1024xf32, #tpu.memory_space<hbm>> -> memref<16x1024xf32, #tpu.memory_space<hbm>>
    %dma_start3A_916 = arith.constant 0 : i32
    %dma_start3A_917 = tpu.memref_slice %arg2[%dma_start3A_912, %add3A_911, %dma_start3A_916] : memref<4x4096x1024xf32, #tpu.memory_space<hbm>> -> memref<1x16x1024xf32, #tpu.memory_space<hbm>>
    %dma_start3A_918 = tpu.memref_squeeze %dma_start3A_917 : memref<1x16x1024xf32, #tpu.memory_space<hbm>> -> memref<16x1024xf32, #tpu.memory_space<hbm>>
    tpu.enqueue_dma source(%dma_start3A_918 : memref<16x1024xf32, #tpu.memory_space<hbm>>) target(%arg8 : memref<16x1024xf32, #tpu.memory_space<vmem>>) target_semaphore(%arg15 : memref<!tpu.dma_semaphore, #tpu.memory_space<semaphore_mem>>)
    %add3A_919 = arith.constant 112 : i32
    %add3A_920 = arith.addi %mul3A_2, %add3A_919 : i32
    %dma_start3A_921 = arith.constant 0 : i32
    %dma_start3A_922 = tpu.memref_slice %arg3[%add3A_920, %dma_start3A_921] : memref<4096x1024xf32, #tpu.memory_space<hbm>> -> memref<16x1024xf32, #tpu.memory_space<hbm>>
    %dma_start3A_923 = arith.constant 0 : i32
    %dma_start3A_924 = tpu.memref_slice %arg3[%add3A_920, %dma_start3A_923] : memref<4096x1024xf32, #tpu.memory_space<hbm>> -> memref<16x1024xf32, #tpu.memory_space<hbm>>
    tpu.enqueue_dma source(%dma_start3A_924 : memref<16x1024xf32, #tpu.memory_space<hbm>>) target(%arg6 : memref<16x1024xf32, #tpu.memory_space<vmem>>) target_semaphore(%arg13 : memref<!tpu.dma_semaphore, #tpu.memory_space<semaphore_mem>>)
    %dma_wait3A_925 = arith.constant 0 : i32
    %dma_wait3A_926 = tpu.memref_slice %arg3[%add3A_770, %dma_wait3A_925] : memref<4096x1024xf32, #tpu.memory_space<hbm>> -> memref<16x1024xf32, #tpu.memory_space<hbm>>
    %dma_wait3A_927 = arith.constant 0 : i32
    %dma_wait3A_928 = tpu.memref_slice %arg3[%add3A_770, %dma_wait3A_927] : memref<4096x1024xf32, #tpu.memory_space<hbm>> -> memref<16x1024xf32, #tpu.memory_space<hbm>>
    tpu.wait_dma2 semaphore(%arg12 : memref<!tpu.dma_semaphore, #tpu.memory_space<semaphore_mem>>) src(%dma_wait3A_928 : memref<16x1024xf32, #tpu.memory_space<hbm>>) dst(%arg5 : memref<16x1024xf32, #tpu.memory_space<vmem>>)
    %dma_wait3A_929 = arith.constant 0 : i32
    %dma_wait3A_930 = arith.constant 0 : i32
    %dma_wait3A_931 = tpu.memref_slice %arg2[%dma_wait3A_929, %add3A_841, %dma_wait3A_930] : memref<4x4096x1024xf32, #tpu.memory_space<hbm>> -> memref<1x16x1024xf32, #tpu.memory_space<hbm>>
    %dma_wait3A_932 = tpu.memref_squeeze %dma_wait3A_931 : memref<1x16x1024xf32, #tpu.memory_space<hbm>> -> memref<16x1024xf32, #tpu.memory_space<hbm>>
    %dma_wait3A_933 = arith.constant 0 : i32
    %dma_wait3A_934 = tpu.memref_slice %arg2[%dma_wait3A_929, %add3A_841, %dma_wait3A_933] : memref<4x4096x1024xf32, #tpu.memory_space<hbm>> -> memref<1x16x1024xf32, #tpu.memory_space<hbm>>
    %dma_wait3A_935 = tpu.memref_squeeze %dma_wait3A_934 : memref<1x16x1024xf32, #tpu.memory_space<hbm>> -> memref<16x1024xf32, #tpu.memory_space<hbm>>
    tpu.wait_dma2 semaphore(%arg18 : memref<!tpu.dma_semaphore, #tpu.memory_space<semaphore_mem>>) src(%dma_wait3A_935 : memref<16x1024xf32, #tpu.memory_space<hbm>>) dst(%arg11 : memref<16x1024xf32, #tpu.memory_space<vmem>>)
    %parallel_loop3A_936 = arith.constant 0 : i32
    %parallel_loop3A_937 = arith.constant 1024 : i32
    %parallel_loop3A_938 = arith.constant 1 : i32
    scf.for %parallel_loop3A_1200 = %parallel_loop3A_936 to %parallel_loop3A_937 step %parallel_loop3A_938  : i32 {
      %parallel_loop3A_1201 = arith.constant 64 : i32
      %parallel_loop3A_1202 = arith.divsi %parallel_loop3A_1200, %parallel_loop3A_1201 : i32
      %parallel_loop3A_1203 = arith.constant 0 : i32
      %parallel_loop3A_1204 = arith.cmpi sgt, %parallel_loop3A_1200, %parallel_loop3A_1203 : i32
      %parallel_loop3A_1205 = arith.extui %parallel_loop3A_1204 : i1 to i32
      %parallel_loop3A_1206 = arith.constant 0 : i32
      %parallel_loop3A_1207 = arith.cmpi slt, %parallel_loop3A_1200, %parallel_loop3A_1206 : i32
      %parallel_loop3A_1208 = arith.extui %parallel_loop3A_1207 : i1 to i32
      %parallel_loop3A_1209 = arith.subi %parallel_loop3A_1205, %parallel_loop3A_1208 : i32
      %parallel_loop3A_1210 = arith.constant 0 : i32
      %parallel_loop3A_1211 = arith.cmpi sgt, %parallel_loop3A_1201, %parallel_loop3A_1210 : i32
      %parallel_loop3A_1212 = arith.extui %parallel_loop3A_1211 : i1 to i32
      %parallel_loop3A_1213 = arith.constant 0 : i32
      %parallel_loop3A_1214 = arith.cmpi slt, %parallel_loop3A_1201, %parallel_loop3A_1213 : i32
      %parallel_loop3A_1215 = arith.extui %parallel_loop3A_1214 : i1 to i32
      %parallel_loop3A_1216 = arith.subi %parallel_loop3A_1212, %parallel_loop3A_1215 : i32
      %parallel_loop3A_1217 = arith.cmpi ne, %parallel_loop3A_1209, %parallel_loop3A_1216 : i32
      %parallel_loop3A_1218 = arith.remsi %parallel_loop3A_1200, %parallel_loop3A_1201 : i32
      %parallel_loop3A_1219 = arith.constant 0 : i32
      %parallel_loop3A_1220 = arith.cmpi ne, %parallel_loop3A_1218, %parallel_loop3A_1219 : i32
      %parallel_loop3A_1221 = arith.andi %parallel_loop3A_1217, %parallel_loop3A_1220 : i1
      %parallel_loop3A_1222 = arith.constant 1 : i32
      %parallel_loop3A_1223 = arith.subi %parallel_loop3A_1202, %parallel_loop3A_1222 : i32
      %parallel_loop3A_1224 = arith.select %parallel_loop3A_1221, %parallel_loop3A_1223, %parallel_loop3A_1202 : i32
      %parallel_loop3A_1225 = arith.constant 64 : i32
      %parallel_loop3A_1226 = arith.constant 0 : i32
      %parallel_loop3A_1227 = arith.cmpi eq, %parallel_loop3A_1225, %parallel_loop3A_1226 : i32
      %parallel_loop3A_1228 = arith.constant 1 : i32
      %parallel_loop3A_1229 = arith.select %parallel_loop3A_1227, %parallel_loop3A_1228, %parallel_loop3A_1225 : i32
      %parallel_loop3A_1230 = arith.remsi %parallel_loop3A_1200, %parallel_loop3A_1229 : i32
      %parallel_loop3A_1231 = arith.constant 0 : i32
      %parallel_loop3A_1232 = arith.cmpi ne, %parallel_loop3A_1230, %parallel_loop3A_1231 : i32
      %parallel_loop3A_1233 = arith.constant 0 : i32
      %parallel_loop3A_1234 = arith.cmpi slt, %parallel_loop3A_1230, %parallel_loop3A_1233 : i32
      %parallel_loop3A_1235 = arith.constant 0 : i32
      %parallel_loop3A_1236 = arith.cmpi slt, %parallel_loop3A_1229, %parallel_loop3A_1235 : i32
      %parallel_loop3A_1237 = arith.xori %parallel_loop3A_1234, %parallel_loop3A_1236 : i1
      %parallel_loop3A_1238 = arith.andi %parallel_loop3A_1237, %parallel_loop3A_1232 : i1
      %parallel_loop3A_1239 = arith.addi %parallel_loop3A_1230, %parallel_loop3A_1229 : i32
      %parallel_loop3A_1240 = arith.select %parallel_loop3A_1238, %parallel_loop3A_1239, %parallel_loop3A_1230 : i32
      %parallel_loop3A_1241 = arith.constant 16 : i32
      %parallel_loop3A_1242 = arith.muli %parallel_loop3A_1240, %parallel_loop3A_1241 : i32
      %parallel_loop3A_1243 = arith.index_cast %parallel_loop3A_1224 : i32 to index
      %parallel_loop3A_1244 = arith.index_cast %parallel_loop3A_1242 : i32 to index
      %parallel_loop3A_1245 = tpu.vector_load %arg5[%parallel_loop3A_1243, %parallel_loop3A_1244] {strides = array<i32>} : memref<16x1024xf32, #tpu.memory_space<vmem>>, vector<1x16xf32>,
      %parallel_loop3A_1246 = vector.shape_cast %parallel_loop3A_1245 : vector<1x16xf32> to vector<16xf32>
      %parallel_loop3A_1247 = arith.index_cast %parallel_loop3A_1224 : i32 to index
      %parallel_loop3A_1248 = arith.index_cast %parallel_loop3A_1242 : i32 to index
      %parallel_loop3A_1249 = tpu.vector_load %arg11[%parallel_loop3A_1247, %parallel_loop3A_1248] {strides = array<i32>} : memref<16x1024xf32, #tpu.memory_space<vmem>>, vector<1x16xf32>,
      %parallel_loop3A_1250 = vector.shape_cast %parallel_loop3A_1249 : vector<1x16xf32> to vector<16xf32>
      %parallel_loop3A_1251 = vector.shape_cast %parallel_loop3A_1246 : vector<16xf32> to vector<1x16xf32>
      tpu.vector_store %arg11[%parallel_loop3A_1247, %parallel_loop3A_1248], %parallel_loop3A_1251 {add = true, strides = array<i32>} : memref<16x1024xf32, #tpu.memory_space<vmem>>, vector<1x16xf32>,
    } {sc.loop_unroll_factor = 8 : i64, sc.parallel_access}
    %add3A_939 = arith.constant 96 : i32
    %add3A_940 = arith.addi %mul3A_2, %add3A_939 : i32
    %dma_start3A_941 = arith.constant 0 : i32
    %dma_start3A_942 = arith.constant 0 : i32
    %dma_start3A_943 = tpu.memref_slice %arg4[%dma_start3A_941, %add3A_940, %dma_start3A_942] : memref<4x4096x1024xf32, #tpu.memory_space<hbm>> -> memref<1x16x1024xf32, #tpu.memory_space<hbm>>
    %dma_start3A_944 = tpu.memref_squeeze %dma_start3A_943 : memref<1x16x1024xf32, #tpu.memory_space<hbm>> -> memref<16x1024xf32, #tpu.memory_space<hbm>>
    %dma_start3A_945 = arith.constant 0 : i32
    %dma_start3A_946 = tpu.memref_slice %arg4[%dma_start3A_941, %add3A_940, %dma_start3A_945] : memref<4x4096x1024xf32, #tpu.memory_space<hbm>> -> memref<1x16x1024xf32, #tpu.memory_space<hbm>>
    %dma_start3A_947 = tpu.memref_squeeze %dma_start3A_946 : memref<1x16x1024xf32, #tpu.memory_space<hbm>> -> memref<16x1024xf32, #tpu.memory_space<hbm>>
    tpu.enqueue_dma source(%arg11 : memref<16x1024xf32, #tpu.memory_space<vmem>>) target(%dma_start3A_947 : memref<16x1024xf32, #tpu.memory_space<hbm>>) target_semaphore(%arg23 : memref<!tpu.dma_semaphore, #tpu.memory_space<semaphore_mem>>)
    %dma_wait3A_948 = arith.constant 2 : i32
    %dma_wait3A_949 = arith.constant 0 : i32
    %dma_wait3A_950 = tpu.memref_slice %arg4[%dma_wait3A_948, %add3A_860, %dma_wait3A_949] : memref<4x4096x1024xf32, #tpu.memory_space<hbm>> -> memref<1x16x1024xf32, #tpu.memory_space<hbm>>
    %dma_wait3A_951 = tpu.memref_squeeze %dma_wait3A_950 : memref<1x16x1024xf32, #tpu.memory_space<hbm>> -> memref<16x1024xf32, #tpu.memory_space<hbm>>
    %dma_wait3A_952 = arith.constant 0 : i32
    %dma_wait3A_953 = tpu.memref_slice %arg4[%dma_wait3A_948, %add3A_860, %dma_wait3A_952] : memref<4x4096x1024xf32, #tpu.memory_space<hbm>> -> memref<1x16x1024xf32, #tpu.memory_space<hbm>>
    %dma_wait3A_954 = tpu.memref_squeeze %dma_wait3A_953 : memref<1x16x1024xf32, #tpu.memory_space<hbm>> -> memref<16x1024xf32, #tpu.memory_space<hbm>>
    tpu.wait_dma2 semaphore(%arg21 : memref<!tpu.dma_semaphore, #tpu.memory_space<semaphore_mem>>) src(%arg9 : memref<16x1024xf32, #tpu.memory_space<vmem>>) dst(%dma_wait3A_954 : memref<16x1024xf32, #tpu.memory_space<hbm>>)
    %add3A_955 = arith.constant 96 : i32
    %add3A_956 = arith.addi %mul3A_2, %add3A_955 : i32
    %dma_start3A_957 = arith.constant 3 : i32
    %dma_start3A_958 = arith.constant 0 : i32
    %dma_start3A_959 = tpu.memref_slice %arg2[%dma_start3A_957, %add3A_956, %dma_start3A_958] : memref<4x4096x1024xf32, #tpu.memory_space<hbm>> -> memref<1x16x1024xf32, #tpu.memory_space<hbm>>
    %dma_start3A_960 = tpu.memref_squeeze %dma_start3A_959 : memref<1x16x1024xf32, #tpu.memory_space<hbm>> -> memref<16x1024xf32, #tpu.memory_space<hbm>>
    %dma_start3A_961 = arith.constant 0 : i32
    %dma_start3A_962 = tpu.memref_slice %arg2[%dma_start3A_957, %add3A_956, %dma_start3A_961] : memref<4x4096x1024xf32, #tpu.memory_space<hbm>> -> memref<1x16x1024xf32, #tpu.memory_space<hbm>>
    %dma_start3A_963 = tpu.memref_squeeze %dma_start3A_962 : memref<1x16x1024xf32, #tpu.memory_space<hbm>> -> memref<16x1024xf32, #tpu.memory_space<hbm>>
    tpu.enqueue_dma source(%dma_start3A_963 : memref<16x1024xf32, #tpu.memory_space<hbm>>) target(%arg9 : memref<16x1024xf32, #tpu.memory_space<vmem>>) target_semaphore(%arg16 : memref<!tpu.dma_semaphore, #tpu.memory_space<semaphore_mem>>)
    %dma_wait3A_964 = arith.constant 1 : i32
    %dma_wait3A_965 = arith.constant 0 : i32
    %dma_wait3A_966 = tpu.memref_slice %arg2[%dma_wait3A_964, %add3A_876, %dma_wait3A_965] : memref<4x4096x1024xf32, #tpu.memory_space<hbm>> -> memref<1x16x1024xf32, #tpu.memory_space<hbm>>
    %dma_wait3A_967 = tpu.memref_squeeze %dma_wait3A_966 : memref<1x16x1024xf32, #tpu.memory_space<hbm>> -> memref<16x1024xf32, #tpu.memory_space<hbm>>
    %dma_wait3A_968 = arith.constant 0 : i32
    %dma_wait3A_969 = tpu.memref_slice %arg2[%dma_wait3A_964, %add3A_876, %dma_wait3A_968] : memref<4x4096x1024xf32, #tpu.memory_space<hbm>> -> memref<1x16x1024xf32, #tpu.memory_space<hbm>>
    %dma_wait3A_970 = tpu.memref_squeeze %dma_wait3A_969 : memref<1x16x1024xf32, #tpu.memory_space<hbm>> -> memref<16x1024xf32, #tpu.memory_space<hbm>>
    tpu.wait_dma2 semaphore(%arg14 : memref<!tpu.dma_semaphore, #tpu.memory_space<semaphore_mem>>) src(%dma_wait3A_970 : memref<16x1024xf32, #tpu.memory_space<hbm>>) dst(%arg7 : memref<16x1024xf32, #tpu.memory_space<vmem>>)
    %parallel_loop3A_971 = arith.constant 0 : i32
    %parallel_loop3A_972 = arith.constant 1024 : i32
    %parallel_loop3A_973 = arith.constant 1 : i32
    scf.for %parallel_loop3A_1200 = %parallel_loop3A_971 to %parallel_loop3A_972 step %parallel_loop3A_973  : i32 {
      %parallel_loop3A_1201 = arith.constant 64 : i32
      %parallel_loop3A_1202 = arith.divsi %parallel_loop3A_1200, %parallel_loop3A_1201 : i32
      %parallel_loop3A_1203 = arith.constant 0 : i32
      %parallel_loop3A_1204 = arith.cmpi sgt, %parallel_loop3A_1200, %parallel_loop3A_1203 : i32
      %parallel_loop3A_1205 = arith.extui %parallel_loop3A_1204 : i1 to i32
      %parallel_loop3A_1206 = arith.constant 0 : i32
      %parallel_loop3A_1207 = arith.cmpi slt, %parallel_loop3A_1200, %parallel_loop3A_1206 : i32
      %parallel_loop3A_1208 = arith.extui %parallel_loop3A_1207 : i1 to i32
      %parallel_loop3A_1209 = arith.subi %parallel_loop3A_1205, %parallel_loop3A_1208 : i32
      %parallel_loop3A_1210 = arith.constant 0 : i32
      %parallel_loop3A_1211 = arith.cmpi sgt, %parallel_loop3A_1201, %parallel_loop3A_1210 : i32
      %parallel_loop3A_1212 = arith.extui %parallel_loop3A_1211 : i1 to i32
      %parallel_loop3A_1213 = arith.constant 0 : i32
      %parallel_loop3A_1214 = arith.cmpi slt, %parallel_loop3A_1201, %parallel_loop3A_1213 : i32
      %parallel_loop3A_1215 = arith.extui %parallel_loop3A_1214 : i1 to i32
      %parallel_loop3A_1216 = arith.subi %parallel_loop3A_1212, %parallel_loop3A_1215 : i32
      %parallel_loop3A_1217 = arith.cmpi ne, %parallel_loop3A_1209, %parallel_loop3A_1216 : i32
      %parallel_loop3A_1218 = arith.remsi %parallel_loop3A_1200, %parallel_loop3A_1201 : i32
      %parallel_loop3A_1219 = arith.constant 0 : i32
      %parallel_loop3A_1220 = arith.cmpi ne, %parallel_loop3A_1218, %parallel_loop3A_1219 : i32
      %parallel_loop3A_1221 = arith.andi %parallel_loop3A_1217, %parallel_loop3A_1220 : i1
      %parallel_loop3A_1222 = arith.constant 1 : i32
      %parallel_loop3A_1223 = arith.subi %parallel_loop3A_1202, %parallel_loop3A_1222 : i32
      %parallel_loop3A_1224 = arith.select %parallel_loop3A_1221, %parallel_loop3A_1223, %parallel_loop3A_1202 : i32
      %parallel_loop3A_1225 = arith.constant 64 : i32
      %parallel_loop3A_1226 = arith.constant 0 : i32
      %parallel_loop3A_1227 = arith.cmpi eq, %parallel_loop3A_1225, %parallel_loop3A_1226 : i32
      %parallel_loop3A_1228 = arith.constant 1 : i32
      %parallel_loop3A_1229 = arith.select %parallel_loop3A_1227, %parallel_loop3A_1228, %parallel_loop3A_1225 : i32
      %parallel_loop3A_1230 = arith.remsi %parallel_loop3A_1200, %parallel_loop3A_1229 : i32
      %parallel_loop3A_1231 = arith.constant 0 : i32
      %parallel_loop3A_1232 = arith.cmpi ne, %parallel_loop3A_1230, %parallel_loop3A_1231 : i32
      %parallel_loop3A_1233 = arith.constant 0 : i32
      %parallel_loop3A_1234 = arith.cmpi slt, %parallel_loop3A_1230, %parallel_loop3A_1233 : i32
      %parallel_loop3A_1235 = arith.constant 0 : i32
      %parallel_loop3A_1236 = arith.cmpi slt, %parallel_loop3A_1229, %parallel_loop3A_1235 : i32
      %parallel_loop3A_1237 = arith.xori %parallel_loop3A_1234, %parallel_loop3A_1236 : i1
      %parallel_loop3A_1238 = arith.andi %parallel_loop3A_1237, %parallel_loop3A_1232 : i1
      %parallel_loop3A_1239 = arith.addi %parallel_loop3A_1230, %parallel_loop3A_1229 : i32
      %parallel_loop3A_1240 = arith.select %parallel_loop3A_1238, %parallel_loop3A_1239, %parallel_loop3A_1230 : i32
      %parallel_loop3A_1241 = arith.constant 16 : i32
      %parallel_loop3A_1242 = arith.muli %parallel_loop3A_1240, %parallel_loop3A_1241 : i32
      %parallel_loop3A_1243 = arith.index_cast %parallel_loop3A_1224 : i32 to index
      %parallel_loop3A_1244 = arith.index_cast %parallel_loop3A_1242 : i32 to index
      %parallel_loop3A_1245 = tpu.vector_load %arg5[%parallel_loop3A_1243, %parallel_loop3A_1244] {strides = array<i32>} : memref<16x1024xf32, #tpu.memory_space<vmem>>, vector<1x16xf32>,
      %parallel_loop3A_1246 = vector.shape_cast %parallel_loop3A_1245 : vector<1x16xf32> to vector<16xf32>
      %parallel_loop3A_1247 = arith.index_cast %parallel_loop3A_1224 : i32 to index
      %parallel_loop3A_1248 = arith.index_cast %parallel_loop3A_1242 : i32 to index
      %parallel_loop3A_1249 = tpu.vector_load %arg7[%parallel_loop3A_1247, %parallel_loop3A_1248] {strides = array<i32>} : memref<16x1024xf32, #tpu.memory_space<vmem>>, vector<1x16xf32>,
      %parallel_loop3A_1250 = vector.shape_cast %parallel_loop3A_1249 : vector<1x16xf32> to vector<16xf32>
      %parallel_loop3A_1251 = vector.shape_cast %parallel_loop3A_1246 : vector<16xf32> to vector<1x16xf32>
      tpu.vector_store %arg7[%parallel_loop3A_1247, %parallel_loop3A_1248], %parallel_loop3A_1251 {add = true, strides = array<i32>} : memref<16x1024xf32, #tpu.memory_space<vmem>>, vector<1x16xf32>,
    } {sc.loop_unroll_factor = 8 : i64, sc.parallel_access}
    %add3A_974 = arith.constant 96 : i32
    %add3A_975 = arith.addi %mul3A_2, %add3A_974 : i32
    %dma_start3A_976 = arith.constant 1 : i32
    %dma_start3A_977 = arith.constant 0 : i32
    %dma_start3A_978 = tpu.memref_slice %arg4[%dma_start3A_976, %add3A_975, %dma_start3A_977] : memref<4x4096x1024xf32, #tpu.memory_space<hbm>> -> memref<1x16x1024xf32, #tpu.memory_space<hbm>>
    %dma_start3A_979 = tpu.memref_squeeze %dma_start3A_978 : memref<1x16x1024xf32, #tpu.memory_space<hbm>> -> memref<16x1024xf32, #tpu.memory_space<hbm>>
    %dma_start3A_980 = arith.constant 0 : i32
    %dma_start3A_981 = tpu.memref_slice %arg4[%dma_start3A_976, %add3A_975, %dma_start3A_980] : memref<4x4096x1024xf32, #tpu.memory_space<hbm>> -> memref<1x16x1024xf32, #tpu.memory_space<hbm>>
    %dma_start3A_982 = tpu.memref_squeeze %dma_start3A_981 : memref<1x16x1024xf32, #tpu.memory_space<hbm>> -> memref<16x1024xf32, #tpu.memory_space<hbm>>
    tpu.enqueue_dma source(%arg7 : memref<16x1024xf32, #tpu.memory_space<vmem>>) target(%dma_start3A_982 : memref<16x1024xf32, #tpu.memory_space<hbm>>) target_semaphore(%arg19 : memref<!tpu.dma_semaphore, #tpu.memory_space<semaphore_mem>>)
    %dma_wait3A_983 = arith.constant 3 : i32
    %dma_wait3A_984 = arith.constant 0 : i32
    %dma_wait3A_985 = tpu.memref_slice %arg4[%dma_wait3A_983, %add3A_895, %dma_wait3A_984] : memref<4x4096x1024xf32, #tpu.memory_space<hbm>> -> memref<1x16x1024xf32, #tpu.memory_space<hbm>>
    %dma_wait3A_986 = tpu.memref_squeeze %dma_wait3A_985 : memref<1x16x1024xf32, #tpu.memory_space<hbm>> -> memref<16x1024xf32, #tpu.memory_space<hbm>>
    %dma_wait3A_987 = arith.constant 0 : i32
    %dma_wait3A_988 = tpu.memref_slice %arg4[%dma_wait3A_983, %add3A_895, %dma_wait3A_987] : memref<4x4096x1024xf32, #tpu.memory_space<hbm>> -> memref<1x16x1024xf32, #tpu.memory_space<hbm>>
    %dma_wait3A_989 = tpu.memref_squeeze %dma_wait3A_988 : memref<1x16x1024xf32, #tpu.memory_space<hbm>> -> memref<16x1024xf32, #tpu.memory_space<hbm>>
    tpu.wait_dma2 semaphore(%arg22 : memref<!tpu.dma_semaphore, #tpu.memory_space<semaphore_mem>>) src(%arg10 : memref<16x1024xf32, #tpu.memory_space<vmem>>) dst(%dma_wait3A_989 : memref<16x1024xf32, #tpu.memory_space<hbm>>)
    %add3A_990 = arith.constant 112 : i32
    %add3A_991 = arith.addi %mul3A_2, %add3A_990 : i32
    %dma_start3A_992 = arith.constant 0 : i32
    %dma_start3A_993 = arith.constant 0 : i32
    %dma_start3A_994 = tpu.memref_slice %arg2[%dma_start3A_992, %add3A_991, %dma_start3A_993] : memref<4x4096x1024xf32, #tpu.memory_space<hbm>> -> memref<1x16x1024xf32, #tpu.memory_space<hbm>>
    %dma_start3A_995 = tpu.memref_squeeze %dma_start3A_994 : memref<1x16x1024xf32, #tpu.memory_space<hbm>> -> memref<16x1024xf32, #tpu.memory_space<hbm>>
    %dma_start3A_996 = arith.constant 0 : i32
    %dma_start3A_997 = tpu.memref_slice %arg2[%dma_start3A_992, %add3A_991, %dma_start3A_996] : memref<4x4096x1024xf32, #tpu.memory_space<hbm>> -> memref<1x16x1024xf32, #tpu.memory_space<hbm>>
    %dma_start3A_998 = tpu.memref_squeeze %dma_start3A_997 : memref<1x16x1024xf32, #tpu.memory_space<hbm>> -> memref<16x1024xf32, #tpu.memory_space<hbm>>
    tpu.enqueue_dma source(%dma_start3A_998 : memref<16x1024xf32, #tpu.memory_space<hbm>>) target(%arg10 : memref<16x1024xf32, #tpu.memory_space<vmem>>) target_semaphore(%arg17 : memref<!tpu.dma_semaphore, #tpu.memory_space<semaphore_mem>>)
    %dma_wait3A_999 = arith.constant 2 : i32
    %dma_wait3A_1000 = arith.constant 0 : i32
    %dma_wait3A_1001 = tpu.memref_slice %arg2[%dma_wait3A_999, %add3A_911, %dma_wait3A_1000] : memref<4x4096x1024xf32, #tpu.memory_space<hbm>> -> memref<1x16x1024xf32, #tpu.memory_space<hbm>>
    %dma_wait3A_1002 = tpu.memref_squeeze %dma_wait3A_1001 : memref<1x16x1024xf32, #tpu.memory_space<hbm>> -> memref<16x1024xf32, #tpu.memory_space<hbm>>
    %dma_wait3A_1003 = arith.constant 0 : i32
    %dma_wait3A_1004 = tpu.memref_slice %arg2[%dma_wait3A_999, %add3A_911, %dma_wait3A_1003] : memref<4x4096x1024xf32, #tpu.memory_space<hbm>> -> memref<1x16x1024xf32, #tpu.memory_space<hbm>>
    %dma_wait3A_1005 = tpu.memref_squeeze %dma_wait3A_1004 : memref<1x16x1024xf32, #tpu.memory_space<hbm>> -> memref<16x1024xf32, #tpu.memory_space<hbm>>
    tpu.wait_dma2 semaphore(%arg15 : memref<!tpu.dma_semaphore, #tpu.memory_space<semaphore_mem>>) src(%dma_wait3A_1005 : memref<16x1024xf32, #tpu.memory_space<hbm>>) dst(%arg8 : memref<16x1024xf32, #tpu.memory_space<vmem>>)
    %parallel_loop3A_1006 = arith.constant 0 : i32
    %parallel_loop3A_1007 = arith.constant 1024 : i32
    %parallel_loop3A_1008 = arith.constant 1 : i32
    scf.for %parallel_loop3A_1200 = %parallel_loop3A_1006 to %parallel_loop3A_1007 step %parallel_loop3A_1008  : i32 {
      %parallel_loop3A_1201 = arith.constant 64 : i32
      %parallel_loop3A_1202 = arith.divsi %parallel_loop3A_1200, %parallel_loop3A_1201 : i32
      %parallel_loop3A_1203 = arith.constant 0 : i32
      %parallel_loop3A_1204 = arith.cmpi sgt, %parallel_loop3A_1200, %parallel_loop3A_1203 : i32
      %parallel_loop3A_1205 = arith.extui %parallel_loop3A_1204 : i1 to i32
      %parallel_loop3A_1206 = arith.constant 0 : i32
      %parallel_loop3A_1207 = arith.cmpi slt, %parallel_loop3A_1200, %parallel_loop3A_1206 : i32
      %parallel_loop3A_1208 = arith.extui %parallel_loop3A_1207 : i1 to i32
      %parallel_loop3A_1209 = arith.subi %parallel_loop3A_1205, %parallel_loop3A_1208 : i32
      %parallel_loop3A_1210 = arith.constant 0 : i32
      %parallel_loop3A_1211 = arith.cmpi sgt, %parallel_loop3A_1201, %parallel_loop3A_1210 : i32
      %parallel_loop3A_1212 = arith.extui %parallel_loop3A_1211 : i1 to i32
      %parallel_loop3A_1213 = arith.constant 0 : i32
      %parallel_loop3A_1214 = arith.cmpi slt, %parallel_loop3A_1201, %parallel_loop3A_1213 : i32
      %parallel_loop3A_1215 = arith.extui %parallel_loop3A_1214 : i1 to i32
      %parallel_loop3A_1216 = arith.subi %parallel_loop3A_1212, %parallel_loop3A_1215 : i32
      %parallel_loop3A_1217 = arith.cmpi ne, %parallel_loop3A_1209, %parallel_loop3A_1216 : i32
      %parallel_loop3A_1218 = arith.remsi %parallel_loop3A_1200, %parallel_loop3A_1201 : i32
      %parallel_loop3A_1219 = arith.constant 0 : i32
      %parallel_loop3A_1220 = arith.cmpi ne, %parallel_loop3A_1218, %parallel_loop3A_1219 : i32
      %parallel_loop3A_1221 = arith.andi %parallel_loop3A_1217, %parallel_loop3A_1220 : i1
      %parallel_loop3A_1222 = arith.constant 1 : i32
      %parallel_loop3A_1223 = arith.subi %parallel_loop3A_1202, %parallel_loop3A_1222 : i32
      %parallel_loop3A_1224 = arith.select %parallel_loop3A_1221, %parallel_loop3A_1223, %parallel_loop3A_1202 : i32
      %parallel_loop3A_1225 = arith.constant 64 : i32
      %parallel_loop3A_1226 = arith.constant 0 : i32
      %parallel_loop3A_1227 = arith.cmpi eq, %parallel_loop3A_1225, %parallel_loop3A_1226 : i32
      %parallel_loop3A_1228 = arith.constant 1 : i32
      %parallel_loop3A_1229 = arith.select %parallel_loop3A_1227, %parallel_loop3A_1228, %parallel_loop3A_1225 : i32
      %parallel_loop3A_1230 = arith.remsi %parallel_loop3A_1200, %parallel_loop3A_1229 : i32
      %parallel_loop3A_1231 = arith.constant 0 : i32
      %parallel_loop3A_1232 = arith.cmpi ne, %parallel_loop3A_1230, %parallel_loop3A_1231 : i32
      %parallel_loop3A_1233 = arith.constant 0 : i32
      %parallel_loop3A_1234 = arith.cmpi slt, %parallel_loop3A_1230, %parallel_loop3A_1233 : i32
      %parallel_loop3A_1235 = arith.constant 0 : i32
      %parallel_loop3A_1236 = arith.cmpi slt, %parallel_loop3A_1229, %parallel_loop3A_1235 : i32
      %parallel_loop3A_1237 = arith.xori %parallel_loop3A_1234, %parallel_loop3A_1236 : i1
      %parallel_loop3A_1238 = arith.andi %parallel_loop3A_1237, %parallel_loop3A_1232 : i1
      %parallel_loop3A_1239 = arith.addi %parallel_loop3A_1230, %parallel_loop3A_1229 : i32
      %parallel_loop3A_1240 = arith.select %parallel_loop3A_1238, %parallel_loop3A_1239, %parallel_loop3A_1230 : i32
      %parallel_loop3A_1241 = arith.constant 16 : i32
      %parallel_loop3A_1242 = arith.muli %parallel_loop3A_1240, %parallel_loop3A_1241 : i32
      %parallel_loop3A_1243 = arith.index_cast %parallel_loop3A_1224 : i32 to index
      %parallel_loop3A_1244 = arith.index_cast %parallel_loop3A_1242 : i32 to index
      %parallel_loop3A_1245 = tpu.vector_load %arg5[%parallel_loop3A_1243, %parallel_loop3A_1244] {strides = array<i32>} : memref<16x1024xf32, #tpu.memory_space<vmem>>, vector<1x16xf32>,
      %parallel_loop3A_1246 = vector.shape_cast %parallel_loop3A_1245 : vector<1x16xf32> to vector<16xf32>
      %parallel_loop3A_1247 = arith.index_cast %parallel_loop3A_1224 : i32 to index
      %parallel_loop3A_1248 = arith.index_cast %parallel_loop3A_1242 : i32 to index
      %parallel_loop3A_1249 = tpu.vector_load %arg8[%parallel_loop3A_1247, %parallel_loop3A_1248] {strides = array<i32>} : memref<16x1024xf32, #tpu.memory_space<vmem>>, vector<1x16xf32>,
      %parallel_loop3A_1250 = vector.shape_cast %parallel_loop3A_1249 : vector<1x16xf32> to vector<16xf32>
      %parallel_loop3A_1251 = vector.shape_cast %parallel_loop3A_1246 : vector<16xf32> to vector<1x16xf32>
      tpu.vector_store %arg8[%parallel_loop3A_1247, %parallel_loop3A_1248], %parallel_loop3A_1251 {add = true, strides = array<i32>} : memref<16x1024xf32, #tpu.memory_space<vmem>>, vector<1x16xf32>,
    } {sc.loop_unroll_factor = 8 : i64, sc.parallel_access}
    %add3A_1009 = arith.constant 96 : i32
    %add3A_1010 = arith.addi %mul3A_2, %add3A_1009 : i32
    %dma_start3A_1011 = arith.constant 2 : i32
    %dma_start3A_1012 = arith.constant 0 : i32
    %dma_start3A_1013 = tpu.memref_slice %arg4[%dma_start3A_1011, %add3A_1010, %dma_start3A_1012] : memref<4x4096x1024xf32, #tpu.memory_space<hbm>> -> memref<1x16x1024xf32, #tpu.memory_space<hbm>>
    %dma_start3A_1014 = tpu.memref_squeeze %dma_start3A_1013 : memref<1x16x1024xf32, #tpu.memory_space<hbm>> -> memref<16x1024xf32, #tpu.memory_space<hbm>>
    %dma_start3A_1015 = arith.constant 0 : i32
    %dma_start3A_1016 = tpu.memref_slice %arg4[%dma_start3A_1011, %add3A_1010, %dma_start3A_1015] : memref<4x4096x1024xf32, #tpu.memory_space<hbm>> -> memref<1x16x1024xf32, #tpu.memory_space<hbm>>
    %dma_start3A_1017 = tpu.memref_squeeze %dma_start3A_1016 : memref<1x16x1024xf32, #tpu.memory_space<hbm>> -> memref<16x1024xf32, #tpu.memory_space<hbm>>
    tpu.enqueue_dma source(%arg8 : memref<16x1024xf32, #tpu.memory_space<vmem>>) target(%dma_start3A_1017 : memref<16x1024xf32, #tpu.memory_space<hbm>>) target_semaphore(%arg20 : memref<!tpu.dma_semaphore, #tpu.memory_space<semaphore_mem>>)
    %dma_wait3A_1018 = arith.constant 0 : i32
    %dma_wait3A_1019 = arith.constant 0 : i32
    %dma_wait3A_1020 = tpu.memref_slice %arg4[%dma_wait3A_1018, %add3A_940, %dma_wait3A_1019] : memref<4x4096x1024xf32, #tpu.memory_space<hbm>> -> memref<1x16x1024xf32, #tpu.memory_space<hbm>>
    %dma_wait3A_1021 = tpu.memref_squeeze %dma_wait3A_1020 : memref<1x16x1024xf32, #tpu.memory_space<hbm>> -> memref<16x1024xf32, #tpu.memory_space<hbm>>
    %dma_wait3A_1022 = arith.constant 0 : i32
    %dma_wait3A_1023 = tpu.memref_slice %arg4[%dma_wait3A_1018, %add3A_940, %dma_wait3A_1022] : memref<4x4096x1024xf32, #tpu.memory_space<hbm>> -> memref<1x16x1024xf32, #tpu.memory_space<hbm>>
    %dma_wait3A_1024 = tpu.memref_squeeze %dma_wait3A_1023 : memref<1x16x1024xf32, #tpu.memory_space<hbm>> -> memref<16x1024xf32, #tpu.memory_space<hbm>>
    tpu.wait_dma2 semaphore(%arg23 : memref<!tpu.dma_semaphore, #tpu.memory_space<semaphore_mem>>) src(%arg11 : memref<16x1024xf32, #tpu.memory_space<vmem>>) dst(%dma_wait3A_1024 : memref<16x1024xf32, #tpu.memory_space<hbm>>)
    %add3A_1025 = arith.constant 112 : i32
    %add3A_1026 = arith.addi %mul3A_2, %add3A_1025 : i32
    %dma_start3A_1027 = arith.constant 1 : i32
    %dma_start3A_1028 = arith.constant 0 : i32
    %dma_start3A_1029 = tpu.memref_slice %arg2[%dma_start3A_1027, %add3A_1026, %dma_start3A_1028] : memref<4x4096x1024xf32, #tpu.memory_space<hbm>> -> memref<1x16x1024xf32, #tpu.memory_space<hbm>>
    %dma_start3A_1030 = tpu.memref_squeeze %dma_start3A_1029 : memref<1x16x1024xf32, #tpu.memory_space<hbm>> -> memref<16x1024xf32, #tpu.memory_space<hbm>>
    %dma_start3A_1031 = arith.constant 0 : i32
    %dma_start3A_1032 = tpu.memref_slice %arg2[%dma_start3A_1027, %add3A_1026, %dma_start3A_1031] : memref<4x4096x1024xf32, #tpu.memory_space<hbm>> -> memref<1x16x1024xf32, #tpu.memory_space<hbm>>
    %dma_start3A_1033 = tpu.memref_squeeze %dma_start3A_1032 : memref<1x16x1024xf32, #tpu.memory_space<hbm>> -> memref<16x1024xf32, #tpu.memory_space<hbm>>
    tpu.enqueue_dma source(%dma_start3A_1033 : memref<16x1024xf32, #tpu.memory_space<hbm>>) target(%arg11 : memref<16x1024xf32, #tpu.memory_space<vmem>>) target_semaphore(%arg18 : memref<!tpu.dma_semaphore, #tpu.memory_space<semaphore_mem>>)
    %dma_wait3A_1034 = arith.constant 3 : i32
    %dma_wait3A_1035 = arith.constant 0 : i32
    %dma_wait3A_1036 = tpu.memref_slice %arg2[%dma_wait3A_1034, %add3A_956, %dma_wait3A_1035] : memref<4x4096x1024xf32, #tpu.memory_space<hbm>> -> memref<1x16x1024xf32, #tpu.memory_space<hbm>>
    %dma_wait3A_1037 = tpu.memref_squeeze %dma_wait3A_1036 : memref<1x16x1024xf32, #tpu.memory_space<hbm>> -> memref<16x1024xf32, #tpu.memory_space<hbm>>
    %dma_wait3A_1038 = arith.constant 0 : i32
    %dma_wait3A_1039 = tpu.memref_slice %arg2[%dma_wait3A_1034, %add3A_956, %dma_wait3A_1038] : memref<4x4096x1024xf32, #tpu.memory_space<hbm>> -> memref<1x16x1024xf32, #tpu.memory_space<hbm>>
    %dma_wait3A_1040 = tpu.memref_squeeze %dma_wait3A_1039 : memref<1x16x1024xf32, #tpu.memory_space<hbm>> -> memref<16x1024xf32, #tpu.memory_space<hbm>>
    tpu.wait_dma2 semaphore(%arg16 : memref<!tpu.dma_semaphore, #tpu.memory_space<semaphore_mem>>) src(%dma_wait3A_1040 : memref<16x1024xf32, #tpu.memory_space<hbm>>) dst(%arg9 : memref<16x1024xf32, #tpu.memory_space<vmem>>)
    %parallel_loop3A_1041 = arith.constant 0 : i32
    %parallel_loop3A_1042 = arith.constant 1024 : i32
    %parallel_loop3A_1043 = arith.constant 1 : i32
    scf.for %parallel_loop3A_1200 = %parallel_loop3A_1041 to %parallel_loop3A_1042 step %parallel_loop3A_1043  : i32 {
      %parallel_loop3A_1201 = arith.constant 64 : i32
      %parallel_loop3A_1202 = arith.divsi %parallel_loop3A_1200, %parallel_loop3A_1201 : i32
      %parallel_loop3A_1203 = arith.constant 0 : i32
      %parallel_loop3A_1204 = arith.cmpi sgt, %parallel_loop3A_1200, %parallel_loop3A_1203 : i32
      %parallel_loop3A_1205 = arith.extui %parallel_loop3A_1204 : i1 to i32
      %parallel_loop3A_1206 = arith.constant 0 : i32
      %parallel_loop3A_1207 = arith.cmpi slt, %parallel_loop3A_1200, %parallel_loop3A_1206 : i32
      %parallel_loop3A_1208 = arith.extui %parallel_loop3A_1207 : i1 to i32
      %parallel_loop3A_1209 = arith.subi %parallel_loop3A_1205, %parallel_loop3A_1208 : i32
      %parallel_loop3A_1210 = arith.constant 0 : i32
      %parallel_loop3A_1211 = arith.cmpi sgt, %parallel_loop3A_1201, %parallel_loop3A_1210 : i32
      %parallel_loop3A_1212 = arith.extui %parallel_loop3A_1211 : i1 to i32
      %parallel_loop3A_1213 = arith.constant 0 : i32
      %parallel_loop3A_1214 = arith.cmpi slt, %parallel_loop3A_1201, %parallel_loop3A_1213 : i32
      %parallel_loop3A_1215 = arith.extui %parallel_loop3A_1214 : i1 to i32
      %parallel_loop3A_1216 = arith.subi %parallel_loop3A_1212, %parallel_loop3A_1215 : i32
      %parallel_loop3A_1217 = arith.cmpi ne, %parallel_loop3A_1209, %parallel_loop3A_1216 : i32
      %parallel_loop3A_1218 = arith.remsi %parallel_loop3A_1200, %parallel_loop3A_1201 : i32
      %parallel_loop3A_1219 = arith.constant 0 : i32
      %parallel_loop3A_1220 = arith.cmpi ne, %parallel_loop3A_1218, %parallel_loop3A_1219 : i32
      %parallel_loop3A_1221 = arith.andi %parallel_loop3A_1217, %parallel_loop3A_1220 : i1
      %parallel_loop3A_1222 = arith.constant 1 : i32
      %parallel_loop3A_1223 = arith.subi %parallel_loop3A_1202, %parallel_loop3A_1222 : i32
      %parallel_loop3A_1224 = arith.select %parallel_loop3A_1221, %parallel_loop3A_1223, %parallel_loop3A_1202 : i32
      %parallel_loop3A_1225 = arith.constant 64 : i32
      %parallel_loop3A_1226 = arith.constant 0 : i32
      %parallel_loop3A_1227 = arith.cmpi eq, %parallel_loop3A_1225, %parallel_loop3A_1226 : i32
      %parallel_loop3A_1228 = arith.constant 1 : i32
      %parallel_loop3A_1229 = arith.select %parallel_loop3A_1227, %parallel_loop3A_1228, %parallel_loop3A_1225 : i32
      %parallel_loop3A_1230 = arith.remsi %parallel_loop3A_1200, %parallel_loop3A_1229 : i32
      %parallel_loop3A_1231 = arith.constant 0 : i32
      %parallel_loop3A_1232 = arith.cmpi ne, %parallel_loop3A_1230, %parallel_loop3A_1231 : i32
      %parallel_loop3A_1233 = arith.constant 0 : i32
      %parallel_loop3A_1234 = arith.cmpi slt, %parallel_loop3A_1230, %parallel_loop3A_1233 : i32
      %parallel_loop3A_1235 = arith.constant 0 : i32
      %parallel_loop3A_1236 = arith.cmpi slt, %parallel_loop3A_1229, %parallel_loop3A_1235 : i32
      %parallel_loop3A_1237 = arith.xori %parallel_loop3A_1234, %parallel_loop3A_1236 : i1
      %parallel_loop3A_1238 = arith.andi %parallel_loop3A_1237, %parallel_loop3A_1232 : i1
      %parallel_loop3A_1239 = arith.addi %parallel_loop3A_1230, %parallel_loop3A_1229 : i32
      %parallel_loop3A_1240 = arith.select %parallel_loop3A_1238, %parallel_loop3A_1239, %parallel_loop3A_1230 : i32
      %parallel_loop3A_1241 = arith.constant 16 : i32
      %parallel_loop3A_1242 = arith.muli %parallel_loop3A_1240, %parallel_loop3A_1241 : i32
      %parallel_loop3A_1243 = arith.index_cast %parallel_loop3A_1224 : i32 to index
      %parallel_loop3A_1244 = arith.index_cast %parallel_loop3A_1242 : i32 to index
      %parallel_loop3A_1245 = tpu.vector_load %arg5[%parallel_loop3A_1243, %parallel_loop3A_1244] {strides = array<i32>} : memref<16x1024xf32, #tpu.memory_space<vmem>>, vector<1x16xf32>,
      %parallel_loop3A_1246 = vector.shape_cast %parallel_loop3A_1245 : vector<1x16xf32> to vector<16xf32>
      %parallel_loop3A_1247 = arith.index_cast %parallel_loop3A_1224 : i32 to index
      %parallel_loop3A_1248 = arith.index_cast %parallel_loop3A_1242 : i32 to index
      %parallel_loop3A_1249 = tpu.vector_load %arg9[%parallel_loop3A_1247, %parallel_loop3A_1248] {strides = array<i32>} : memref<16x1024xf32, #tpu.memory_space<vmem>>, vector<1x16xf32>,
      %parallel_loop3A_1250 = vector.shape_cast %parallel_loop3A_1249 : vector<1x16xf32> to vector<16xf32>
      %parallel_loop3A_1251 = vector.shape_cast %parallel_loop3A_1246 : vector<16xf32> to vector<1x16xf32>
      tpu.vector_store %arg9[%parallel_loop3A_1247, %parallel_loop3A_1248], %parallel_loop3A_1251 {add = true, strides = array<i32>} : memref<16x1024xf32, #tpu.memory_space<vmem>>, vector<1x16xf32>,
    } {sc.loop_unroll_factor = 8 : i64, sc.parallel_access}
    %add3A_1044 = arith.constant 96 : i32
    %add3A_1045 = arith.addi %mul3A_2, %add3A_1044 : i32
    %dma_start3A_1046 = arith.constant 3 : i32
    %dma_start3A_1047 = arith.constant 0 : i32
    %dma_start3A_1048 = tpu.memref_slice %arg4[%dma_start3A_1046, %add3A_1045, %dma_start3A_1047] : memref<4x4096x1024xf32, #tpu.memory_space<hbm>> -> memref<1x16x1024xf32, #tpu.memory_space<hbm>>
    %dma_start3A_1049 = tpu.memref_squeeze %dma_start3A_1048 : memref<1x16x1024xf32, #tpu.memory_space<hbm>> -> memref<16x1024xf32, #tpu.memory_space<hbm>>
    %dma_start3A_1050 = arith.constant 0 : i32
    %dma_start3A_1051 = tpu.memref_slice %arg4[%dma_start3A_1046, %add3A_1045, %dma_start3A_1050] : memref<4x4096x1024xf32, #tpu.memory_space<hbm>> -> memref<1x16x1024xf32, #tpu.memory_space<hbm>>
    %dma_start3A_1052 = tpu.memref_squeeze %dma_start3A_1051 : memref<1x16x1024xf32, #tpu.memory_space<hbm>> -> memref<16x1024xf32, #tpu.memory_space<hbm>>
    tpu.enqueue_dma source(%arg9 : memref<16x1024xf32, #tpu.memory_space<vmem>>) target(%dma_start3A_1052 : memref<16x1024xf32, #tpu.memory_space<hbm>>) target_semaphore(%arg21 : memref<!tpu.dma_semaphore, #tpu.memory_space<semaphore_mem>>)
    %dma_wait3A_1053 = arith.constant 1 : i32
    %dma_wait3A_1054 = arith.constant 0 : i32
    %dma_wait3A_1055 = tpu.memref_slice %arg4[%dma_wait3A_1053, %add3A_975, %dma_wait3A_1054] : memref<4x4096x1024xf32, #tpu.memory_space<hbm>> -> memref<1x16x1024xf32, #tpu.memory_space<hbm>>
    %dma_wait3A_1056 = tpu.memref_squeeze %dma_wait3A_1055 : memref<1x16x1024xf32, #tpu.memory_space<hbm>> -> memref<16x1024xf32, #tpu.memory_space<hbm>>
    %dma_wait3A_1057 = arith.constant 0 : i32
    %dma_wait3A_1058 = tpu.memref_slice %arg4[%dma_wait3A_1053, %add3A_975, %dma_wait3A_1057] : memref<4x4096x1024xf32, #tpu.memory_space<hbm>> -> memref<1x16x1024xf32, #tpu.memory_space<hbm>>
    %dma_wait3A_1059 = tpu.memref_squeeze %dma_wait3A_1058 : memref<1x16x1024xf32, #tpu.memory_space<hbm>> -> memref<16x1024xf32, #tpu.memory_space<hbm>>
    tpu.wait_dma2 semaphore(%arg19 : memref<!tpu.dma_semaphore, #tpu.memory_space<semaphore_mem>>) src(%arg7 : memref<16x1024xf32, #tpu.memory_space<vmem>>) dst(%dma_wait3A_1059 : memref<16x1024xf32, #tpu.memory_space<hbm>>)
    %add3A_1060 = arith.constant 112 : i32
    %add3A_1061 = arith.addi %mul3A_2, %add3A_1060 : i32
    %dma_start3A_1062 = arith.constant 2 : i32
    %dma_start3A_1063 = arith.constant 0 : i32
    %dma_start3A_1064 = tpu.memref_slice %arg2[%dma_start3A_1062, %add3A_1061, %dma_start3A_1063] : memref<4x4096x1024xf32, #tpu.memory_space<hbm>> -> memref<1x16x1024xf32, #tpu.memory_space<hbm>>
    %dma_start3A_1065 = tpu.memref_squeeze %dma_start3A_1064 : memref<1x16x1024xf32, #tpu.memory_space<hbm>> -> memref<16x1024xf32, #tpu.memory_space<hbm>>
    %dma_start3A_1066 = arith.constant 0 : i32
    %dma_start3A_1067 = tpu.memref_slice %arg2[%dma_start3A_1062, %add3A_1061, %dma_start3A_1066] : memref<4x4096x1024xf32, #tpu.memory_space<hbm>> -> memref<1x16x1024xf32, #tpu.memory_space<hbm>>
    %dma_start3A_1068 = tpu.memref_squeeze %dma_start3A_1067 : memref<1x16x1024xf32, #tpu.memory_space<hbm>> -> memref<16x1024xf32, #tpu.memory_space<hbm>>
    tpu.enqueue_dma source(%dma_start3A_1068 : memref<16x1024xf32, #tpu.memory_space<hbm>>) target(%arg7 : memref<16x1024xf32, #tpu.memory_space<vmem>>) target_semaphore(%arg14 : memref<!tpu.dma_semaphore, #tpu.memory_space<semaphore_mem>>)
    %dma_wait3A_1069 = arith.constant 0 : i32
    %dma_wait3A_1070 = tpu.memref_slice %arg3[%add3A_920, %dma_wait3A_1069] : memref<4096x1024xf32, #tpu.memory_space<hbm>> -> memref<16x1024xf32, #tpu.memory_space<hbm>>
    %dma_wait3A_1071 = arith.constant 0 : i32
    %dma_wait3A_1072 = tpu.memref_slice %arg3[%add3A_920, %dma_wait3A_1071] : memref<4096x1024xf32, #tpu.memory_space<hbm>> -> memref<16x1024xf32, #tpu.memory_space<hbm>>
    tpu.wait_dma2 semaphore(%arg13 : memref<!tpu.dma_semaphore, #tpu.memory_space<semaphore_mem>>) src(%dma_wait3A_1072 : memref<16x1024xf32, #tpu.memory_space<hbm>>) dst(%arg6 : memref<16x1024xf32, #tpu.memory_space<vmem>>)
    %dma_wait3A_1073 = arith.constant 0 : i32
    %dma_wait3A_1074 = arith.constant 0 : i32
    %dma_wait3A_1075 = tpu.memref_slice %arg2[%dma_wait3A_1073, %add3A_991, %dma_wait3A_1074] : memref<4x4096x1024xf32, #tpu.memory_space<hbm>> -> memref<1x16x1024xf32, #tpu.memory_space<hbm>>
    %dma_wait3A_1076 = tpu.memref_squeeze %dma_wait3A_1075 : memref<1x16x1024xf32, #tpu.memory_space<hbm>> -> memref<16x1024xf32, #tpu.memory_space<hbm>>
    %dma_wait3A_1077 = arith.constant 0 : i32
    %dma_wait3A_1078 = tpu.memref_slice %arg2[%dma_wait3A_1073, %add3A_991, %dma_wait3A_1077] : memref<4x4096x1024xf32, #tpu.memory_space<hbm>> -> memref<1x16x1024xf32, #tpu.memory_space<hbm>>
    %dma_wait3A_1079 = tpu.memref_squeeze %dma_wait3A_1078 : memref<1x16x1024xf32, #tpu.memory_space<hbm>> -> memref<16x1024xf32, #tpu.memory_space<hbm>>
    tpu.wait_dma2 semaphore(%arg17 : memref<!tpu.dma_semaphore, #tpu.memory_space<semaphore_mem>>) src(%dma_wait3A_1079 : memref<16x1024xf32, #tpu.memory_space<hbm>>) dst(%arg10 : memref<16x1024xf32, #tpu.memory_space<vmem>>)
    %parallel_loop3A_1080 = arith.constant 0 : i32
    %parallel_loop3A_1081 = arith.constant 1024 : i32
    %parallel_loop3A_1082 = arith.constant 1 : i32
    scf.for %parallel_loop3A_1200 = %parallel_loop3A_1080 to %parallel_loop3A_1081 step %parallel_loop3A_1082  : i32 {
      %parallel_loop3A_1201 = arith.constant 64 : i32
      %parallel_loop3A_1202 = arith.divsi %parallel_loop3A_1200, %parallel_loop3A_1201 : i32
      %parallel_loop3A_1203 = arith.constant 0 : i32
      %parallel_loop3A_1204 = arith.cmpi sgt, %parallel_loop3A_1200, %parallel_loop3A_1203 : i32
      %parallel_loop3A_1205 = arith.extui %parallel_loop3A_1204 : i1 to i32
      %parallel_loop3A_1206 = arith.constant 0 : i32
      %parallel_loop3A_1207 = arith.cmpi slt, %parallel_loop3A_1200, %parallel_loop3A_1206 : i32
      %parallel_loop3A_1208 = arith.extui %parallel_loop3A_1207 : i1 to i32
      %parallel_loop3A_1209 = arith.subi %parallel_loop3A_1205, %parallel_loop3A_1208 : i32
      %parallel_loop3A_1210 = arith.constant 0 : i32
      %parallel_loop3A_1211 = arith.cmpi sgt, %parallel_loop3A_1201, %parallel_loop3A_1210 : i32
      %parallel_loop3A_1212 = arith.extui %parallel_loop3A_1211 : i1 to i32
      %parallel_loop3A_1213 = arith.constant 0 : i32
      %parallel_loop3A_1214 = arith.cmpi slt, %parallel_loop3A_1201, %parallel_loop3A_1213 : i32
      %parallel_loop3A_1215 = arith.extui %parallel_loop3A_1214 : i1 to i32
      %parallel_loop3A_1216 = arith.subi %parallel_loop3A_1212, %parallel_loop3A_1215 : i32
      %parallel_loop3A_1217 = arith.cmpi ne, %parallel_loop3A_1209, %parallel_loop3A_1216 : i32
      %parallel_loop3A_1218 = arith.remsi %parallel_loop3A_1200, %parallel_loop3A_1201 : i32
      %parallel_loop3A_1219 = arith.constant 0 : i32
      %parallel_loop3A_1220 = arith.cmpi ne, %parallel_loop3A_1218, %parallel_loop3A_1219 : i32
      %parallel_loop3A_1221 = arith.andi %parallel_loop3A_1217, %parallel_loop3A_1220 : i1
      %parallel_loop3A_1222 = arith.constant 1 : i32
      %parallel_loop3A_1223 = arith.subi %parallel_loop3A_1202, %parallel_loop3A_1222 : i32
      %parallel_loop3A_1224 = arith.select %parallel_loop3A_1221, %parallel_loop3A_1223, %parallel_loop3A_1202 : i32
      %parallel_loop3A_1225 = arith.constant 64 : i32
      %parallel_loop3A_1226 = arith.constant 0 : i32
      %parallel_loop3A_1227 = arith.cmpi eq, %parallel_loop3A_1225, %parallel_loop3A_1226 : i32
      %parallel_loop3A_1228 = arith.constant 1 : i32
      %parallel_loop3A_1229 = arith.select %parallel_loop3A_1227, %parallel_loop3A_1228, %parallel_loop3A_1225 : i32
      %parallel_loop3A_1230 = arith.remsi %parallel_loop3A_1200, %parallel_loop3A_1229 : i32
      %parallel_loop3A_1231 = arith.constant 0 : i32
      %parallel_loop3A_1232 = arith.cmpi ne, %parallel_loop3A_1230, %parallel_loop3A_1231 : i32
      %parallel_loop3A_1233 = arith.constant 0 : i32
      %parallel_loop3A_1234 = arith.cmpi slt, %parallel_loop3A_1230, %parallel_loop3A_1233 : i32
      %parallel_loop3A_1235 = arith.constant 0 : i32
      %parallel_loop3A_1236 = arith.cmpi slt, %parallel_loop3A_1229, %parallel_loop3A_1235 : i32
      %parallel_loop3A_1237 = arith.xori %parallel_loop3A_1234, %parallel_loop3A_1236 : i1
      %parallel_loop3A_1238 = arith.andi %parallel_loop3A_1237, %parallel_loop3A_1232 : i1
      %parallel_loop3A_1239 = arith.addi %parallel_loop3A_1230, %parallel_loop3A_1229 : i32
      %parallel_loop3A_1240 = arith.select %parallel_loop3A_1238, %parallel_loop3A_1239, %parallel_loop3A_1230 : i32
      %parallel_loop3A_1241 = arith.constant 16 : i32
      %parallel_loop3A_1242 = arith.muli %parallel_loop3A_1240, %parallel_loop3A_1241 : i32
      %parallel_loop3A_1243 = arith.index_cast %parallel_loop3A_1224 : i32 to index
      %parallel_loop3A_1244 = arith.index_cast %parallel_loop3A_1242 : i32 to index
      %parallel_loop3A_1245 = tpu.vector_load %arg6[%parallel_loop3A_1243, %parallel_loop3A_1244] {strides = array<i32>} : memref<16x1024xf32, #tpu.memory_space<vmem>>, vector<1x16xf32>,
      %parallel_loop3A_1246 = vector.shape_cast %parallel_loop3A_1245 : vector<1x16xf32> to vector<16xf32>
      %parallel_loop3A_1247 = arith.index_cast %parallel_loop3A_1224 : i32 to index
      %parallel_loop3A_1248 = arith.index_cast %parallel_loop3A_1242 : i32 to index
      %parallel_loop3A_1249 = tpu.vector_load %arg10[%parallel_loop3A_1247, %parallel_loop3A_1248] {strides = array<i32>} : memref<16x1024xf32, #tpu.memory_space<vmem>>, vector<1x16xf32>,
      %parallel_loop3A_1250 = vector.shape_cast %parallel_loop3A_1249 : vector<1x16xf32> to vector<16xf32>
      %parallel_loop3A_1251 = vector.shape_cast %parallel_loop3A_1246 : vector<16xf32> to vector<1x16xf32>
      tpu.vector_store %arg10[%parallel_loop3A_1247, %parallel_loop3A_1248], %parallel_loop3A_1251 {add = true, strides = array<i32>} : memref<16x1024xf32, #tpu.memory_space<vmem>>, vector<1x16xf32>,
    } {sc.loop_unroll_factor = 8 : i64, sc.parallel_access}
    %add3A_1083 = arith.constant 112 : i32
    %add3A_1084 = arith.addi %mul3A_2, %add3A_1083 : i32
    %dma_start3A_1085 = arith.constant 0 : i32
    %dma_start3A_1086 = arith.constant 0 : i32
    %dma_start3A_1087 = tpu.memref_slice %arg4[%dma_start3A_1085, %add3A_1084, %dma_start3A_1086] : memref<4x4096x1024xf32, #tpu.memory_space<hbm>> -> memref<1x16x1024xf32, #tpu.memory_space<hbm>>
    %dma_start3A_1088 = tpu.memref_squeeze %dma_start3A_1087 : memref<1x16x1024xf32, #tpu.memory_space<hbm>> -> memref<16x1024xf32, #tpu.memory_space<hbm>>
    %dma_start3A_1089 = arith.constant 0 : i32
    %dma_start3A_1090 = tpu.memref_slice %arg4[%dma_start3A_1085, %add3A_1084, %dma_start3A_1089] : memref<4x4096x1024xf32, #tpu.memory_space<hbm>> -> memref<1x16x1024xf32, #tpu.memory_space<hbm>>
    %dma_start3A_1091 = tpu.memref_squeeze %dma_start3A_1090 : memref<1x16x1024xf32, #tpu.memory_space<hbm>> -> memref<16x1024xf32, #tpu.memory_space<hbm>>
    tpu.enqueue_dma source(%arg10 : memref<16x1024xf32, #tpu.memory_space<vmem>>) target(%dma_start3A_1091 : memref<16x1024xf32, #tpu.memory_space<hbm>>) target_semaphore(%arg22 : memref<!tpu.dma_semaphore, #tpu.memory_space<semaphore_mem>>)
    %dma_wait3A_1092 = arith.constant 2 : i32
    %dma_wait3A_1093 = arith.constant 0 : i32
    %dma_wait3A_1094 = tpu.memref_slice %arg4[%dma_wait3A_1092, %add3A_1010, %dma_wait3A_1093] : memref<4x4096x1024xf32, #tpu.memory_space<hbm>> -> memref<1x16x1024xf32, #tpu.memory_space<hbm>>
    %dma_wait3A_1095 = tpu.memref_squeeze %dma_wait3A_1094 : memref<1x16x1024xf32, #tpu.memory_space<hbm>> -> memref<16x1024xf32, #tpu.memory_space<hbm>>
    %dma_wait3A_1096 = arith.constant 0 : i32
    %dma_wait3A_1097 = tpu.memref_slice %arg4[%dma_wait3A_1092, %add3A_1010, %dma_wait3A_1096] : memref<4x4096x1024xf32, #tpu.memory_space<hbm>> -> memref<1x16x1024xf32, #tpu.memory_space<hbm>>
    %dma_wait3A_1098 = tpu.memref_squeeze %dma_wait3A_1097 : memref<1x16x1024xf32, #tpu.memory_space<hbm>> -> memref<16x1024xf32, #tpu.memory_space<hbm>>
    tpu.wait_dma2 semaphore(%arg20 : memref<!tpu.dma_semaphore, #tpu.memory_space<semaphore_mem>>) src(%arg8 : memref<16x1024xf32, #tpu.memory_space<vmem>>) dst(%dma_wait3A_1098 : memref<16x1024xf32, #tpu.memory_space<hbm>>)
    %add3A_1099 = arith.constant 112 : i32
    %add3A_1100 = arith.addi %mul3A_2, %add3A_1099 : i32
    %dma_start3A_1101 = arith.constant 3 : i32
    %dma_start3A_1102 = arith.constant 0 : i32
    %dma_start3A_1103 = tpu.memref_slice %arg2[%dma_start3A_1101, %add3A_1100, %dma_start3A_1102] : memref<4x4096x1024xf32, #tpu.memory_space<hbm>> -> memref<1x16x1024xf32, #tpu.memory_space<hbm>>
    %dma_start3A_1104 = tpu.memref_squeeze %dma_start3A_1103 : memref<1x16x1024xf32, #tpu.memory_space<hbm>> -> memref<16x1024xf32, #tpu.memory_space<hbm>>
    %dma_start3A_1105 = arith.constant 0 : i32
    %dma_start3A_1106 = tpu.memref_slice %arg2[%dma_start3A_1101, %add3A_1100, %dma_start3A_1105] : memref<4x4096x1024xf32, #tpu.memory_space<hbm>> -> memref<1x16x1024xf32, #tpu.memory_space<hbm>>
    %dma_start3A_1107 = tpu.memref_squeeze %dma_start3A_1106 : memref<1x16x1024xf32, #tpu.memory_space<hbm>> -> memref<16x1024xf32, #tpu.memory_space<hbm>>
    tpu.enqueue_dma source(%dma_start3A_1107 : memref<16x1024xf32, #tpu.memory_space<hbm>>) target(%arg8 : memref<16x1024xf32, #tpu.memory_space<vmem>>) target_semaphore(%arg15 : memref<!tpu.dma_semaphore, #tpu.memory_space<semaphore_mem>>)
    %dma_wait3A_1108 = arith.constant 1 : i32
    %dma_wait3A_1109 = arith.constant 0 : i32
    %dma_wait3A_1110 = tpu.memref_slice %arg2[%dma_wait3A_1108, %add3A_1026, %dma_wait3A_1109] : memref<4x4096x1024xf32, #tpu.memory_space<hbm>> -> memref<1x16x1024xf32, #tpu.memory_space<hbm>>
    %dma_wait3A_1111 = tpu.memref_squeeze %dma_wait3A_1110 : memref<1x16x1024xf32, #tpu.memory_space<hbm>> -> memref<16x1024xf32, #tpu.memory_space<hbm>>
    %dma_wait3A_1112 = arith.constant 0 : i32
    %dma_wait3A_1113 = tpu.memref_slice %arg2[%dma_wait3A_1108, %add3A_1026, %dma_wait3A_1112] : memref<4x4096x1024xf32, #tpu.memory_space<hbm>> -> memref<1x16x1024xf32, #tpu.memory_space<hbm>>
    %dma_wait3A_1114 = tpu.memref_squeeze %dma_wait3A_1113 : memref<1x16x1024xf32, #tpu.memory_space<hbm>> -> memref<16x1024xf32, #tpu.memory_space<hbm>>
    tpu.wait_dma2 semaphore(%arg18 : memref<!tpu.dma_semaphore, #tpu.memory_space<semaphore_mem>>) src(%dma_wait3A_1114 : memref<16x1024xf32, #tpu.memory_space<hbm>>) dst(%arg11 : memref<16x1024xf32, #tpu.memory_space<vmem>>)
    %parallel_loop3A_1115 = arith.constant 0 : i32
    %parallel_loop3A_1116 = arith.constant 1024 : i32
    %parallel_loop3A_1117 = arith.constant 1 : i32
    scf.for %parallel_loop3A_1200 = %parallel_loop3A_1115 to %parallel_loop3A_1116 step %parallel_loop3A_1117  : i32 {
      %parallel_loop3A_1201 = arith.constant 64 : i32
      %parallel_loop3A_1202 = arith.divsi %parallel_loop3A_1200, %parallel_loop3A_1201 : i32
      %parallel_loop3A_1203 = arith.constant 0 : i32
      %parallel_loop3A_1204 = arith.cmpi sgt, %parallel_loop3A_1200, %parallel_loop3A_1203 : i32
      %parallel_loop3A_1205 = arith.extui %parallel_loop3A_1204 : i1 to i32
      %parallel_loop3A_1206 = arith.constant 0 : i32
      %parallel_loop3A_1207 = arith.cmpi slt, %parallel_loop3A_1200, %parallel_loop3A_1206 : i32
      %parallel_loop3A_1208 = arith.extui %parallel_loop3A_1207 : i1 to i32
      %parallel_loop3A_1209 = arith.subi %parallel_loop3A_1205, %parallel_loop3A_1208 : i32
      %parallel_loop3A_1210 = arith.constant 0 : i32
      %parallel_loop3A_1211 = arith.cmpi sgt, %parallel_loop3A_1201, %parallel_loop3A_1210 : i32
      %parallel_loop3A_1212 = arith.extui %parallel_loop3A_1211 : i1 to i32
      %parallel_loop3A_1213 = arith.constant 0 : i32
      %parallel_loop3A_1214 = arith.cmpi slt, %parallel_loop3A_1201, %parallel_loop3A_1213 : i32
      %parallel_loop3A_1215 = arith.extui %parallel_loop3A_1214 : i1 to i32
      %parallel_loop3A_1216 = arith.subi %parallel_loop3A_1212, %parallel_loop3A_1215 : i32
      %parallel_loop3A_1217 = arith.cmpi ne, %parallel_loop3A_1209, %parallel_loop3A_1216 : i32
      %parallel_loop3A_1218 = arith.remsi %parallel_loop3A_1200, %parallel_loop3A_1201 : i32
      %parallel_loop3A_1219 = arith.constant 0 : i32
      %parallel_loop3A_1220 = arith.cmpi ne, %parallel_loop3A_1218, %parallel_loop3A_1219 : i32
      %parallel_loop3A_1221 = arith.andi %parallel_loop3A_1217, %parallel_loop3A_1220 : i1
      %parallel_loop3A_1222 = arith.constant 1 : i32
      %parallel_loop3A_1223 = arith.subi %parallel_loop3A_1202, %parallel_loop3A_1222 : i32
      %parallel_loop3A_1224 = arith.select %parallel_loop3A_1221, %parallel_loop3A_1223, %parallel_loop3A_1202 : i32
      %parallel_loop3A_1225 = arith.constant 64 : i32
      %parallel_loop3A_1226 = arith.constant 0 : i32
      %parallel_loop3A_1227 = arith.cmpi eq, %parallel_loop3A_1225, %parallel_loop3A_1226 : i32
      %parallel_loop3A_1228 = arith.constant 1 : i32
      %parallel_loop3A_1229 = arith.select %parallel_loop3A_1227, %parallel_loop3A_1228, %parallel_loop3A_1225 : i32
      %parallel_loop3A_1230 = arith.remsi %parallel_loop3A_1200, %parallel_loop3A_1229 : i32
      %parallel_loop3A_1231 = arith.constant 0 : i32
      %parallel_loop3A_1232 = arith.cmpi ne, %parallel_loop3A_1230, %parallel_loop3A_1231 : i32
      %parallel_loop3A_1233 = arith.constant 0 : i32
      %parallel_loop3A_1234 = arith.cmpi slt, %parallel_loop3A_1230, %parallel_loop3A_1233 : i32
      %parallel_loop3A_1235 = arith.constant 0 : i32
      %parallel_loop3A_1236 = arith.cmpi slt, %parallel_loop3A_1229, %parallel_loop3A_1235 : i32
      %parallel_loop3A_1237 = arith.xori %parallel_loop3A_1234, %parallel_loop3A_1236 : i1
      %parallel_loop3A_1238 = arith.andi %parallel_loop3A_1237, %parallel_loop3A_1232 : i1
      %parallel_loop3A_1239 = arith.addi %parallel_loop3A_1230, %parallel_loop3A_1229 : i32
      %parallel_loop3A_1240 = arith.select %parallel_loop3A_1238, %parallel_loop3A_1239, %parallel_loop3A_1230 : i32
      %parallel_loop3A_1241 = arith.constant 16 : i32
      %parallel_loop3A_1242 = arith.muli %parallel_loop3A_1240, %parallel_loop3A_1241 : i32
      %parallel_loop3A_1243 = arith.index_cast %parallel_loop3A_1224 : i32 to index
      %parallel_loop3A_1244 = arith.index_cast %parallel_loop3A_1242 : i32 to index
      %parallel_loop3A_1245 = tpu.vector_load %arg6[%parallel_loop3A_1243, %parallel_loop3A_1244] {strides = array<i32>} : memref<16x1024xf32, #tpu.memory_space<vmem>>, vector<1x16xf32>,
      %parallel_loop3A_1246 = vector.shape_cast %parallel_loop3A_1245 : vector<1x16xf32> to vector<16xf32>
      %parallel_loop3A_1247 = arith.index_cast %parallel_loop3A_1224 : i32 to index
      %parallel_loop3A_1248 = arith.index_cast %parallel_loop3A_1242 : i32 to index
      %parallel_loop3A_1249 = tpu.vector_load %arg11[%parallel_loop3A_1247, %parallel_loop3A_1248] {strides = array<i32>} : memref<16x1024xf32, #tpu.memory_space<vmem>>, vector<1x16xf32>,
      %parallel_loop3A_1250 = vector.shape_cast %parallel_loop3A_1249 : vector<1x16xf32> to vector<16xf32>
      %parallel_loop3A_1251 = vector.shape_cast %parallel_loop3A_1246 : vector<16xf32> to vector<1x16xf32>
      tpu.vector_store %arg11[%parallel_loop3A_1247, %parallel_loop3A_1248], %parallel_loop3A_1251 {add = true, strides = array<i32>} : memref<16x1024xf32, #tpu.memory_space<vmem>>, vector<1x16xf32>,
    } {sc.loop_unroll_factor = 8 : i64, sc.parallel_access}
    %add3A_1118 = arith.constant 112 : i32
    %add3A_1119 = arith.addi %mul3A_2, %add3A_1118 : i32
    %dma_start3A_1120 = arith.constant 1 : i32
    %dma_start3A_1121 = arith.constant 0 : i32
    %dma_start3A_1122 = tpu.memref_slice %arg4[%dma_start3A_1120, %add3A_1119, %dma_start3A_1121] : memref<4x4096x1024xf32, #tpu.memory_space<hbm>> -> memref<1x16x1024xf32, #tpu.memory_space<hbm>>
    %dma_start3A_1123 = tpu.memref_squeeze %dma_start3A_1122 : memref<1x16x1024xf32, #tpu.memory_space<hbm>> -> memref<16x1024xf32, #tpu.memory_space<hbm>>
    %dma_start3A_1124 = arith.constant 0 : i32
    %dma_start3A_1125 = tpu.memref_slice %arg4[%dma_start3A_1120, %add3A_1119, %dma_start3A_1124] : memref<4x4096x1024xf32, #tpu.memory_space<hbm>> -> memref<1x16x1024xf32, #tpu.memory_space<hbm>>
    %dma_start3A_1126 = tpu.memref_squeeze %dma_start3A_1125 : memref<1x16x1024xf32, #tpu.memory_space<hbm>> -> memref<16x1024xf32, #tpu.memory_space<hbm>>
    tpu.enqueue_dma source(%arg11 : memref<16x1024xf32, #tpu.memory_space<vmem>>) target(%dma_start3A_1126 : memref<16x1024xf32, #tpu.memory_space<hbm>>) target_semaphore(%arg23 : memref<!tpu.dma_semaphore, #tpu.memory_space<semaphore_mem>>)
    %dma_wait3A_1127 = arith.constant 2 : i32
    %dma_wait3A_1128 = arith.constant 0 : i32
    %dma_wait3A_1129 = tpu.memref_slice %arg2[%dma_wait3A_1127, %add3A_1061, %dma_wait3A_1128] : memref<4x4096x1024xf32, #tpu.memory_space<hbm>> -> memref<1x16x1024xf32, #tpu.memory_space<hbm>>
    %dma_wait3A_1130 = tpu.memref_squeeze %dma_wait3A_1129 : memref<1x16x1024xf32, #tpu.memory_space<hbm>> -> memref<16x1024xf32, #tpu.memory_space<hbm>>
    %dma_wait3A_1131 = arith.constant 0 : i32
    %dma_wait3A_1132 = tpu.memref_slice %arg2[%dma_wait3A_1127, %add3A_1061, %dma_wait3A_1131] : memref<4x4096x1024xf32, #tpu.memory_space<hbm>> -> memref<1x16x1024xf32, #tpu.memory_space<hbm>>
    %dma_wait3A_1133 = tpu.memref_squeeze %dma_wait3A_1132 : memref<1x16x1024xf32, #tpu.memory_space<hbm>> -> memref<16x1024xf32, #tpu.memory_space<hbm>>
    tpu.wait_dma2 semaphore(%arg14 : memref<!tpu.dma_semaphore, #tpu.memory_space<semaphore_mem>>) src(%dma_wait3A_1133 : memref<16x1024xf32, #tpu.memory_space<hbm>>) dst(%arg7 : memref<16x1024xf32, #tpu.memory_space<vmem>>)
    %parallel_loop3A_1134 = arith.constant 0 : i32
    %parallel_loop3A_1135 = arith.constant 1024 : i32
    %parallel_loop3A_1136 = arith.constant 1 : i32
    scf.for %parallel_loop3A_1200 = %parallel_loop3A_1134 to %parallel_loop3A_1135 step %parallel_loop3A_1136  : i32 {
      %parallel_loop3A_1201 = arith.constant 64 : i32
      %parallel_loop3A_1202 = arith.divsi %parallel_loop3A_1200, %parallel_loop3A_1201 : i32
      %parallel_loop3A_1203 = arith.constant 0 : i32
      %parallel_loop3A_1204 = arith.cmpi sgt, %parallel_loop3A_1200, %parallel_loop3A_1203 : i32
      %parallel_loop3A_1205 = arith.extui %parallel_loop3A_1204 : i1 to i32
      %parallel_loop3A_1206 = arith.constant 0 : i32
      %parallel_loop3A_1207 = arith.cmpi slt, %parallel_loop3A_1200, %parallel_loop3A_1206 : i32
      %parallel_loop3A_1208 = arith.extui %parallel_loop3A_1207 : i1 to i32
      %parallel_loop3A_1209 = arith.subi %parallel_loop3A_1205, %parallel_loop3A_1208 : i32
      %parallel_loop3A_1210 = arith.constant 0 : i32
      %parallel_loop3A_1211 = arith.cmpi sgt, %parallel_loop3A_1201, %parallel_loop3A_1210 : i32
      %parallel_loop3A_1212 = arith.extui %parallel_loop3A_1211 : i1 to i32
      %parallel_loop3A_1213 = arith.constant 0 : i32
      %parallel_loop3A_1214 = arith.cmpi slt, %parallel_loop3A_1201, %parallel_loop3A_1213 : i32
      %parallel_loop3A_1215 = arith.extui %parallel_loop3A_1214 : i1 to i32
      %parallel_loop3A_1216 = arith.subi %parallel_loop3A_1212, %parallel_loop3A_1215 : i32
      %parallel_loop3A_1217 = arith.cmpi ne, %parallel_loop3A_1209, %parallel_loop3A_1216 : i32
      %parallel_loop3A_1218 = arith.remsi %parallel_loop3A_1200, %parallel_loop3A_1201 : i32
      %parallel_loop3A_1219 = arith.constant 0 : i32
      %parallel_loop3A_1220 = arith.cmpi ne, %parallel_loop3A_1218, %parallel_loop3A_1219 : i32
      %parallel_loop3A_1221 = arith.andi %parallel_loop3A_1217, %parallel_loop3A_1220 : i1
      %parallel_loop3A_1222 = arith.constant 1 : i32
      %parallel_loop3A_1223 = arith.subi %parallel_loop3A_1202, %parallel_loop3A_1222 : i32
      %parallel_loop3A_1224 = arith.select %parallel_loop3A_1221, %parallel_loop3A_1223, %parallel_loop3A_1202 : i32
      %parallel_loop3A_1225 = arith.constant 64 : i32
      %parallel_loop3A_1226 = arith.constant 0 : i32
      %parallel_loop3A_1227 = arith.cmpi eq, %parallel_loop3A_1225, %parallel_loop3A_1226 : i32
      %parallel_loop3A_1228 = arith.constant 1 : i32
      %parallel_loop3A_1229 = arith.select %parallel_loop3A_1227, %parallel_loop3A_1228, %parallel_loop3A_1225 : i32
      %parallel_loop3A_1230 = arith.remsi %parallel_loop3A_1200, %parallel_loop3A_1229 : i32
      %parallel_loop3A_1231 = arith.constant 0 : i32
      %parallel_loop3A_1232 = arith.cmpi ne, %parallel_loop3A_1230, %parallel_loop3A_1231 : i32
      %parallel_loop3A_1233 = arith.constant 0 : i32
      %parallel_loop3A_1234 = arith.cmpi slt, %parallel_loop3A_1230, %parallel_loop3A_1233 : i32
      %parallel_loop3A_1235 = arith.constant 0 : i32
      %parallel_loop3A_1236 = arith.cmpi slt, %parallel_loop3A_1229, %parallel_loop3A_1235 : i32
      %parallel_loop3A_1237 = arith.xori %parallel_loop3A_1234, %parallel_loop3A_1236 : i1
      %parallel_loop3A_1238 = arith.andi %parallel_loop3A_1237, %parallel_loop3A_1232 : i1
      %parallel_loop3A_1239 = arith.addi %parallel_loop3A_1230, %parallel_loop3A_1229 : i32
      %parallel_loop3A_1240 = arith.select %parallel_loop3A_1238, %parallel_loop3A_1239, %parallel_loop3A_1230 : i32
      %parallel_loop3A_1241 = arith.constant 16 : i32
      %parallel_loop3A_1242 = arith.muli %parallel_loop3A_1240, %parallel_loop3A_1241 : i32
      %parallel_loop3A_1243 = arith.index_cast %parallel_loop3A_1224 : i32 to index
      %parallel_loop3A_1244 = arith.index_cast %parallel_loop3A_1242 : i32 to index
      %parallel_loop3A_1245 = tpu.vector_load %arg6[%parallel_loop3A_1243, %parallel_loop3A_1244] {strides = array<i32>} : memref<16x1024xf32, #tpu.memory_space<vmem>>, vector<1x16xf32>,
      %parallel_loop3A_1246 = vector.shape_cast %parallel_loop3A_1245 : vector<1x16xf32> to vector<16xf32>
      %parallel_loop3A_1247 = arith.index_cast %parallel_loop3A_1224 : i32 to index
      %parallel_loop3A_1248 = arith.index_cast %parallel_loop3A_1242 : i32 to index
      %parallel_loop3A_1249 = tpu.vector_load %arg7[%parallel_loop3A_1247, %parallel_loop3A_1248] {strides = array<i32>} : memref<16x1024xf32, #tpu.memory_space<vmem>>, vector<1x16xf32>,
      %parallel_loop3A_1250 = vector.shape_cast %parallel_loop3A_1249 : vector<1x16xf32> to vector<16xf32>
      %parallel_loop3A_1251 = vector.shape_cast %parallel_loop3A_1246 : vector<16xf32> to vector<1x16xf32>
      tpu.vector_store %arg7[%parallel_loop3A_1247, %parallel_loop3A_1248], %parallel_loop3A_1251 {add = true, strides = array<i32>} : memref<16x1024xf32, #tpu.memory_space<vmem>>, vector<1x16xf32>,
    } {sc.loop_unroll_factor = 8 : i64, sc.parallel_access}
    %add3A_1137 = arith.constant 112 : i32
    %add3A_1138 = arith.addi %mul3A_2, %add3A_1137 : i32
    %dma_start3A_1139 = arith.constant 2 : i32
    %dma_start3A_1140 = arith.constant 0 : i32
    %dma_start3A_1141 = tpu.memref_slice %arg4[%dma_start3A_1139, %add3A_1138, %dma_start3A_1140] : memref<4x4096x1024xf32, #tpu.memory_space<hbm>> -> memref<1x16x1024xf32, #tpu.memory_space<hbm>>
    %dma_start3A_1142 = tpu.memref_squeeze %dma_start3A_1141 : memref<1x16x1024xf32, #tpu.memory_space<hbm>> -> memref<16x1024xf32, #tpu.memory_space<hbm>>
    %dma_start3A_1143 = arith.constant 0 : i32
    %dma_start3A_1144 = tpu.memref_slice %arg4[%dma_start3A_1139, %add3A_1138, %dma_start3A_1143] : memref<4x4096x1024xf32, #tpu.memory_space<hbm>> -> memref<1x16x1024xf32, #tpu.memory_space<hbm>>
    %dma_start3A_1145 = tpu.memref_squeeze %dma_start3A_1144 : memref<1x16x1024xf32, #tpu.memory_space<hbm>> -> memref<16x1024xf32, #tpu.memory_space<hbm>>
    tpu.enqueue_dma source(%arg7 : memref<16x1024xf32, #tpu.memory_space<vmem>>) target(%dma_start3A_1145 : memref<16x1024xf32, #tpu.memory_space<hbm>>) target_semaphore(%arg19 : memref<!tpu.dma_semaphore, #tpu.memory_space<semaphore_mem>>)
    %dma_wait3A_1146 = arith.constant 3 : i32
    %dma_wait3A_1147 = arith.constant 0 : i32
    %dma_wait3A_1148 = tpu.memref_slice %arg2[%dma_wait3A_1146, %add3A_1100, %dma_wait3A_1147] : memref<4x4096x1024xf32, #tpu.memory_space<hbm>> -> memref<1x16x1024xf32, #tpu.memory_space<hbm>>
    %dma_wait3A_1149 = tpu.memref_squeeze %dma_wait3A_1148 : memref<1x16x1024xf32, #tpu.memory_space<hbm>> -> memref<16x1024xf32, #tpu.memory_space<hbm>>
    %dma_wait3A_1150 = arith.constant 0 : i32
    %dma_wait3A_1151 = tpu.memref_slice %arg2[%dma_wait3A_1146, %add3A_1100, %dma_wait3A_1150] : memref<4x4096x1024xf32, #tpu.memory_space<hbm>> -> memref<1x16x1024xf32, #tpu.memory_space<hbm>>
    %dma_wait3A_1152 = tpu.memref_squeeze %dma_wait3A_1151 : memref<1x16x1024xf32, #tpu.memory_space<hbm>> -> memref<16x1024xf32, #tpu.memory_space<hbm>>
    tpu.wait_dma2 semaphore(%arg15 : memref<!tpu.dma_semaphore, #tpu.memory_space<semaphore_mem>>) src(%dma_wait3A_1152 : memref<16x1024xf32, #tpu.memory_space<hbm>>) dst(%arg8 : memref<16x1024xf32, #tpu.memory_space<vmem>>)
    %parallel_loop3A_1153 = arith.constant 0 : i32
    %parallel_loop3A_1154 = arith.constant 1024 : i32
    %parallel_loop3A_1155 = arith.constant 1 : i32
    scf.for %parallel_loop3A_1200 = %parallel_loop3A_1153 to %parallel_loop3A_1154 step %parallel_loop3A_1155  : i32 {
      %parallel_loop3A_1201 = arith.constant 64 : i32
      %parallel_loop3A_1202 = arith.divsi %parallel_loop3A_1200, %parallel_loop3A_1201 : i32
      %parallel_loop3A_1203 = arith.constant 0 : i32
      %parallel_loop3A_1204 = arith.cmpi sgt, %parallel_loop3A_1200, %parallel_loop3A_1203 : i32
      %parallel_loop3A_1205 = arith.extui %parallel_loop3A_1204 : i1 to i32
      %parallel_loop3A_1206 = arith.constant 0 : i32
      %parallel_loop3A_1207 = arith.cmpi slt, %parallel_loop3A_1200, %parallel_loop3A_1206 : i32
      %parallel_loop3A_1208 = arith.extui %parallel_loop3A_1207 : i1 to i32
      %parallel_loop3A_1209 = arith.subi %parallel_loop3A_1205, %parallel_loop3A_1208 : i32
      %parallel_loop3A_1210 = arith.constant 0 : i32
      %parallel_loop3A_1211 = arith.cmpi sgt, %parallel_loop3A_1201, %parallel_loop3A_1210 : i32
      %parallel_loop3A_1212 = arith.extui %parallel_loop3A_1211 : i1 to i32
      %parallel_loop3A_1213 = arith.constant 0 : i32
      %parallel_loop3A_1214 = arith.cmpi slt, %parallel_loop3A_1201, %parallel_loop3A_1213 : i32
      %parallel_loop3A_1215 = arith.extui %parallel_loop3A_1214 : i1 to i32
      %parallel_loop3A_1216 = arith.subi %parallel_loop3A_1212, %parallel_loop3A_1215 : i32
      %parallel_loop3A_1217 = arith.cmpi ne, %parallel_loop3A_1209, %parallel_loop3A_1216 : i32
      %parallel_loop3A_1218 = arith.remsi %parallel_loop3A_1200, %parallel_loop3A_1201 : i32
      %parallel_loop3A_1219 = arith.constant 0 : i32
      %parallel_loop3A_1220 = arith.cmpi ne, %parallel_loop3A_1218, %parallel_loop3A_1219 : i32
      %parallel_loop3A_1221 = arith.andi %parallel_loop3A_1217, %parallel_loop3A_1220 : i1
      %parallel_loop3A_1222 = arith.constant 1 : i32
      %parallel_loop3A_1223 = arith.subi %parallel_loop3A_1202, %parallel_loop3A_1222 : i32
      %parallel_loop3A_1224 = arith.select %parallel_loop3A_1221, %parallel_loop3A_1223, %parallel_loop3A_1202 : i32
      %parallel_loop3A_1225 = arith.constant 64 : i32
      %parallel_loop3A_1226 = arith.constant 0 : i32
      %parallel_loop3A_1227 = arith.cmpi eq, %parallel_loop3A_1225, %parallel_loop3A_1226 : i32
      %parallel_loop3A_1228 = arith.constant 1 : i32
      %parallel_loop3A_1229 = arith.select %parallel_loop3A_1227, %parallel_loop3A_1228, %parallel_loop3A_1225 : i32
      %parallel_loop3A_1230 = arith.remsi %parallel_loop3A_1200, %parallel_loop3A_1229 : i32
      %parallel_loop3A_1231 = arith.constant 0 : i32
      %parallel_loop3A_1232 = arith.cmpi ne, %parallel_loop3A_1230, %parallel_loop3A_1231 : i32
      %parallel_loop3A_1233 = arith.constant 0 : i32
      %parallel_loop3A_1234 = arith.cmpi slt, %parallel_loop3A_1230, %parallel_loop3A_1233 : i32
      %parallel_loop3A_1235 = arith.constant 0 : i32
      %parallel_loop3A_1236 = arith.cmpi slt, %parallel_loop3A_1229, %parallel_loop3A_1235 : i32
      %parallel_loop3A_1237 = arith.xori %parallel_loop3A_1234, %parallel_loop3A_1236 : i1
      %parallel_loop3A_1238 = arith.andi %parallel_loop3A_1237, %parallel_loop3A_1232 : i1
      %parallel_loop3A_1239 = arith.addi %parallel_loop3A_1230, %parallel_loop3A_1229 : i32
      %parallel_loop3A_1240 = arith.select %parallel_loop3A_1238, %parallel_loop3A_1239, %parallel_loop3A_1230 : i32
      %parallel_loop3A_1241 = arith.constant 16 : i32
      %parallel_loop3A_1242 = arith.muli %parallel_loop3A_1240, %parallel_loop3A_1241 : i32
      %parallel_loop3A_1243 = arith.index_cast %parallel_loop3A_1224 : i32 to index
      %parallel_loop3A_1244 = arith.index_cast %parallel_loop3A_1242 : i32 to index
      %parallel_loop3A_1245 = tpu.vector_load %arg6[%parallel_loop3A_1243, %parallel_loop3A_1244] {strides = array<i32>} : memref<16x1024xf32, #tpu.memory_space<vmem>>, vector<1x16xf32>,
      %parallel_loop3A_1246 = vector.shape_cast %parallel_loop3A_1245 : vector<1x16xf32> to vector<16xf32>
      %parallel_loop3A_1247 = arith.index_cast %parallel_loop3A_1224 : i32 to index
      %parallel_loop3A_1248 = arith.index_cast %parallel_loop3A_1242 : i32 to index
      %parallel_loop3A_1249 = tpu.vector_load %arg8[%parallel_loop3A_1247, %parallel_loop3A_1248] {strides = array<i32>} : memref<16x1024xf32, #tpu.memory_space<vmem>>, vector<1x16xf32>,
      %parallel_loop3A_1250 = vector.shape_cast %parallel_loop3A_1249 : vector<1x16xf32> to vector<16xf32>
      %parallel_loop3A_1251 = vector.shape_cast %parallel_loop3A_1246 : vector<16xf32> to vector<1x16xf32>
      tpu.vector_store %arg8[%parallel_loop3A_1247, %parallel_loop3A_1248], %parallel_loop3A_1251 {add = true, strides = array<i32>} : memref<16x1024xf32, #tpu.memory_space<vmem>>, vector<1x16xf32>,
    } {sc.loop_unroll_factor = 8 : i64, sc.parallel_access}
    %add3A_1156 = arith.constant 112 : i32
    %add3A_1157 = arith.addi %mul3A_2, %add3A_1156 : i32
    %dma_start3A_1158 = arith.constant 3 : i32
    %dma_start3A_1159 = arith.constant 0 : i32
    %dma_start3A_1160 = tpu.memref_slice %arg4[%dma_start3A_1158, %add3A_1157, %dma_start3A_1159] : memref<4x4096x1024xf32, #tpu.memory_space<hbm>> -> memref<1x16x1024xf32, #tpu.memory_space<hbm>>
    %dma_start3A_1161 = tpu.memref_squeeze %dma_start3A_1160 : memref<1x16x1024xf32, #tpu.memory_space<hbm>> -> memref<16x1024xf32, #tpu.memory_space<hbm>>
    %dma_start3A_1162 = arith.constant 0 : i32
    %dma_start3A_1163 = tpu.memref_slice %arg4[%dma_start3A_1158, %add3A_1157, %dma_start3A_1162] : memref<4x4096x1024xf32, #tpu.memory_space<hbm>> -> memref<1x16x1024xf32, #tpu.memory_space<hbm>>
    %dma_start3A_1164 = tpu.memref_squeeze %dma_start3A_1163 : memref<1x16x1024xf32, #tpu.memory_space<hbm>> -> memref<16x1024xf32, #tpu.memory_space<hbm>>
    tpu.enqueue_dma source(%arg8 : memref<16x1024xf32, #tpu.memory_space<vmem>>) target(%dma_start3A_1164 : memref<16x1024xf32, #tpu.memory_space<hbm>>) target_semaphore(%arg20 : memref<!tpu.dma_semaphore, #tpu.memory_space<semaphore_mem>>)
    %dma_wait3A_1165 = arith.constant 3 : i32
    %dma_wait3A_1166 = arith.constant 0 : i32
    %dma_wait3A_1167 = tpu.memref_slice %arg4[%dma_wait3A_1165, %add3A_1045, %dma_wait3A_1166] : memref<4x4096x1024xf32, #tpu.memory_space<hbm>> -> memref<1x16x1024xf32, #tpu.memory_space<hbm>>
    %dma_wait3A_1168 = tpu.memref_squeeze %dma_wait3A_1167 : memref<1x16x1024xf32, #tpu.memory_space<hbm>> -> memref<16x1024xf32, #tpu.memory_space<hbm>>
    %dma_wait3A_1169 = arith.constant 0 : i32
    %dma_wait3A_1170 = tpu.memref_slice %arg4[%dma_wait3A_1165, %add3A_1045, %dma_wait3A_1169] : memref<4x4096x1024xf32, #tpu.memory_space<hbm>> -> memref<1x16x1024xf32, #tpu.memory_space<hbm>>
    %dma_wait3A_1171 = tpu.memref_squeeze %dma_wait3A_1170 : memref<1x16x1024xf32, #tpu.memory_space<hbm>> -> memref<16x1024xf32, #tpu.memory_space<hbm>>
    tpu.wait_dma2 semaphore(%arg21 : memref<!tpu.dma_semaphore, #tpu.memory_space<semaphore_mem>>) src(%arg9 : memref<16x1024xf32, #tpu.memory_space<vmem>>) dst(%dma_wait3A_1171 : memref<16x1024xf32, #tpu.memory_space<hbm>>)
    %dma_wait3A_1172 = arith.constant 0 : i32
    %dma_wait3A_1173 = arith.constant 0 : i32
    %dma_wait3A_1174 = tpu.memref_slice %arg4[%dma_wait3A_1172, %add3A_1084, %dma_wait3A_1173] : memref<4x4096x1024xf32, #tpu.memory_space<hbm>> -> memref<1x16x1024xf32, #tpu.memory_space<hbm>>
    %dma_wait3A_1175 = tpu.memref_squeeze %dma_wait3A_1174 : memref<1x16x1024xf32, #tpu.memory_space<hbm>> -> memref<16x1024xf32, #tpu.memory_space<hbm>>
    %dma_wait3A_1176 = arith.constant 0 : i32
    %dma_wait3A_1177 = tpu.memref_slice %arg4[%dma_wait3A_1172, %add3A_1084, %dma_wait3A_1176] : memref<4x4096x1024xf32, #tpu.memory_space<hbm>> -> memref<1x16x1024xf32, #tpu.memory_space<hbm>>
    %dma_wait3A_1178 = tpu.memref_squeeze %dma_wait3A_1177 : memref<1x16x1024xf32, #tpu.memory_space<hbm>> -> memref<16x1024xf32, #tpu.memory_space<hbm>>
    tpu.wait_dma2 semaphore(%arg22 : memref<!tpu.dma_semaphore, #tpu.memory_space<semaphore_mem>>) src(%arg10 : memref<16x1024xf32, #tpu.memory_space<vmem>>) dst(%dma_wait3A_1178 : memref<16x1024xf32, #tpu.memory_space<hbm>>)
    %dma_wait3A_1179 = arith.constant 1 : i32
    %dma_wait3A_1180 = arith.constant 0 : i32
    %dma_wait3A_1181 = tpu.memref_slice %arg4[%dma_wait3A_1179, %add3A_1119, %dma_wait3A_1180] : memref<4x4096x1024xf32, #tpu.memory_space<hbm>> -> memref<1x16x1024xf32, #tpu.memory_space<hbm>>
    %dma_wait3A_1182 = tpu.memref_squeeze %dma_wait3A_1181 : memref<1x16x1024xf32, #tpu.memory_space<hbm>> -> memref<16x1024xf32, #tpu.memory_space<hbm>>
    %dma_wait3A_1183 = arith.constant 0 : i32
    %dma_wait3A_1184 = tpu.memref_slice %arg4[%dma_wait3A_1179, %add3A_1119, %dma_wait3A_1183] : memref<4x4096x1024xf32, #tpu.memory_space<hbm>> -> memref<1x16x1024xf32, #tpu.memory_space<hbm>>
    %dma_wait3A_1185 = tpu.memref_squeeze %dma_wait3A_1184 : memref<1x16x1024xf32, #tpu.memory_space<hbm>> -> memref<16x1024xf32, #tpu.memory_space<hbm>>
    tpu.wait_dma2 semaphore(%arg23 : memref<!tpu.dma_semaphore, #tpu.memory_space<semaphore_mem>>) src(%arg11 : memref<16x1024xf32, #tpu.memory_space<vmem>>) dst(%dma_wait3A_1185 : memref<16x1024xf32, #tpu.memory_space<hbm>>)
    %dma_wait3A_1186 = arith.constant 2 : i32
    %dma_wait3A_1187 = arith.constant 0 : i32
    %dma_wait3A_1188 = tpu.memref_slice %arg4[%dma_wait3A_1186, %add3A_1138, %dma_wait3A_1187] : memref<4x4096x1024xf32, #tpu.memory_space<hbm>> -> memref<1x16x1024xf32, #tpu.memory_space<hbm>>
    %dma_wait3A_1189 = tpu.memref_squeeze %dma_wait3A_1188 : memref<1x16x1024xf32, #tpu.memory_space<hbm>> -> memref<16x1024xf32, #tpu.memory_space<hbm>>
    %dma_wait3A_1190 = arith.constant 0 : i32
    %dma_wait3A_1191 = tpu.memref_slice %arg4[%dma_wait3A_1186, %add3A_1138, %dma_wait3A_1190] : memref<4x4096x1024xf32, #tpu.memory_space<hbm>> -> memref<1x16x1024xf32, #tpu.memory_space<hbm>>
    %dma_wait3A_1192 = tpu.memref_squeeze %dma_wait3A_1191 : memref<1x16x1024xf32, #tpu.memory_space<hbm>> -> memref<16x1024xf32, #tpu.memory_space<hbm>>
    tpu.wait_dma2 semaphore(%arg19 : memref<!tpu.dma_semaphore, #tpu.memory_space<semaphore_mem>>) src(%arg7 : memref<16x1024xf32, #tpu.memory_space<vmem>>) dst(%dma_wait3A_1192 : memref<16x1024xf32, #tpu.memory_space<hbm>>)
    %dma_wait3A_1193 = arith.constant 3 : i32
    %dma_wait3A_1194 = arith.constant 0 : i32
    %dma_wait3A_1195 = tpu.memref_slice %arg4[%dma_wait3A_1193, %add3A_1157, %dma_wait3A_1194] : memref<4x4096x1024xf32, #tpu.memory_space<hbm>> -> memref<1x16x1024xf32, #tpu.memory_space<hbm>>
    %dma_wait3A_1196 = tpu.memref_squeeze %dma_wait3A_1195 : memref<1x16x1024xf32, #tpu.memory_space<hbm>> -> memref<16x1024xf32, #tpu.memory_space<hbm>>
    %dma_wait3A_1197 = arith.constant 0 : i32
    %dma_wait3A_1198 = tpu.memref_slice %arg4[%dma_wait3A_1193, %add3A_1157, %dma_wait3A_1197] : memref<4x4096x1024xf32, #tpu.memory_space<hbm>> -> memref<1x16x1024xf32, #tpu.memory_space<hbm>>
    %dma_wait3A_1199 = tpu.memref_squeeze %dma_wait3A_1198 : memref<1x16x1024xf32, #tpu.memory_space<hbm>> -> memref<16x1024xf32, #tpu.memory_space<hbm>>
    tpu.wait_dma2 semaphore(%arg20 : memref<!tpu.dma_semaphore, #tpu.memory_space<semaphore_mem>>) src(%arg8 : memref<16x1024xf32, #tpu.memory_space<vmem>>) dst(%dma_wait3A_1199 : memref<16x1024xf32, #tpu.memory_space<hbm>>)
    return
  }
}

</mosaic_0001>

<sc_bundles>
// kernel: kernel.3.cloned.1.call-start
scs
__scs_entry_jumppad:
0x0: {  	(pc) =	sbr.rel $0x88, $3  }
0x1: {  	(tag) =	ssettag $0x0;
	lr =	simm.s32 $0x1  }
0x2: {  	[smem:$0x3F9F] =	sst lr;
	_ =	strace $0xD0000000  }
0x3: {  	_ = 	snop  }
0x4: {  	_ = 	snop  }
0x5: {  	_ = 	snop  }
0x6: {  	_ = 	snop  }
0x7: {  	_ = 	snop  }
__scs_overlays_trampoline_lowered:
0x8: {  	[smem:$0x3FAE] =	sst s0  }
0x9: {  	[smem:$0x3FAF] =	sst s1  }
0xa: {  	[smem:$0x3FB0] =	sst s2  }
0xb: {  	[smem:$0x3FB1] =	sst s3  }
0xc: {  	[smem:$0x3FB2] =	sst s4  }
0xd: {  	[smem:$0x3FB3] =	sst s5  }
0xe: {  	[smem:$0x3FB4] =	sst s6  }
0xf: {  	[smem:$0x3FB5] =	sst s7  }
0x10: {  	[smem:$0x3FB6] =	sst s8  }
0x11: {  	[smem:$0x3FB7] =	sst s9;
	s0 =	simm.s32 @!p0 $0x0  }
0x12: {  	s1 =	sld [smem:$0x3F9D];
	s0 =	simm.s32 @p0 $0x1  }
0x13: {  	[smem:$0x3FB8] =	sst s0;
	s0 =	simm.s32 @!p1 $0x0  }
0x14: {  	s2 =	sld [smem:$0x3F9C];
	s0 =	simm.s32 @p1 $0x1  }
0x15: {  	[smem:$0x3FB9] =	sst s0;
	s0 =	simm.s32 @!p2 $0x0  }
0x16: {  	s3 =	sld [smem:$0x3FDB];
	s0 =	simm.s32 @p2 $0x1  }
0x17: {  	s4 =	simm.s32 $0x1BF5;
	[smem:$0x3FBB] =	sst s0  }
0x18: {  	s0 =	sld [smem:$0x3F9E];
	_ =	swait.ge [sflag:s4], $0x0  }
0x19: {  	s7 =	sld [smem:$0x3F9F]  }
0x1a: {  	s8 =	sadd.s32 $0xFFFFE003, lr  }
0x1b: {  	s9 =	sadd.s32 $0xFFFFFEF7, lr;
	s5 =	simm.s32 $0xFFFFFFFF;
	p2 =	slt.u32 s8, $0xFFFFF086  }
0x1c: {  	p1 =	slt.u32 s9, $0xF7A;
	s5 =	simm.s32 @!p2 $0x0  }
0x1d: {  	s5 =	simm.s32 @p1 $0x1;
	p0 =	seq.s32 s7, s2  }
0x1e: {  	s7 =	smul.u32 @!p0 $0xF7A, s2;
	p2 =	seq.s32 @!p0 s5, $0x0  }
0x1f: {  	s9 =	smul.u32 $0xF7A, s1;
	s8 =	simm.s32 @!p0 $0x1BF5;
	p2 =	por !p2, p0  }
0x20: {  	[sflag:s8] =	ssyncset.s32 @!p0 $0xFFFFF086;
	s6 =	sadd.s32 @!p0 s3, s7;
	s7 =	simm.s32 @!p0 $0x108  }
0x21: {  	s3 =	sadd.s32 s3, s9;
	s6 =	sadd.s32 @!p0 $0x88, s6;
	s7 =	simm.s32 @p2 $0x1082  }
0x22: {  	[simem:s7], [sflag:s8] =	dma.local @!p0 [hbm:s6], $0xF7A  }
0x23: {  	s9 =	sor.u32 $0xD0000000, s2;
	s6 =	simm.s32 $0x108;
	_ =	swait.ge @!p0 [sflag:s8], $0x0  }
0x24: {  	s3 =	sadd.s32 $0x88, s3;
	s6 =	simm.s32 @!p1 $0x1082;
	[sflag:s4] =	ssyncset.s32 $0xFFFFF086  }
0x25: {  	[simem:s6], [sflag:s4] =	dma.local [hbm:s3], $0xF7A  }
0x26: {  	[smem:$0x3F9F] =	sst s1;
	(tag) =	ssettag s2;
	_ =	strace s9  }
0x27: {  	s1 =	sld [smem:$0x3FAF]  }
0x28: {  	s2 =	sld [smem:$0x3FB0]  }
0x29: {  	s4 =	sld [smem:$0x3FB2]  }
0x2a: {  	p0 =	seq.s32 s5, $0x0;
	s5 =	sld [smem:$0x3FB3]  }
0x2b: {  	s6 =	sld [smem:$0x3FB4]  }
0x2c: {  	s7 =	sld [smem:$0x3FB5]  }
0x2d: {  	s3 =	simm.s32 $0x108;
	s8 =	sld [smem:$0x3FB6]  }
0x2e: {  	s3 =	simm.s32 @!p0 $0x1082;
	s9 =	sld [smem:$0x3FB7]  }
0x2f: {  	lr =	sadd.s32 s0, s3;
	s0 =	sld [smem:$0x3FAE]  }
0x30: {  	s3 =	sld [smem:$0x3FB1]  }
0x31: {  	[smem:$0x3FBA] =	sst s10  }
0x32: {  	s10 =	sld [smem:$0x3FB8];
	_ =	sdelay $0x3  }
0x33: {  	p0 =	seq.s32 s10, $0x1;
	s10 =	sld [smem:$0x3FBA];
	_ =	sdelay $0x3  }
0x34: {  	[smem:$0x3FBA] =	sst s10  }
0x35: {  	s10 =	sld [smem:$0x3FB9];
	_ =	sdelay $0x3  }
0x36: {  	p1 =	seq.s32 s10, $0x1;
	s10 =	sld [smem:$0x3FBA];
	_ =	sdelay $0x3  }
0x37: {  	[smem:$0x3FBA] =	sst s10  }
0x38: {  	s10 =	sld [smem:$0x3FBB]  }
0x39: {  	_ = 	snop;
	(pc) =	sbr.ind lr, $3  }
0x3a: {  	_ = 	snop  }
0x3b: {  	_ = 	snop  }
0x3c: {  	p2 =	seq.s32 s10, $0x1;
	s10 =	sld [smem:$0x3FBA]  }
0x3d: {  	_ =	shalt  }
0x3e: {  	_ =	shalt  }
0x3f: {  	_ =	shalt  }
0x40: {  	_ =	shalt  }
0x41: {  	_ =	shalt  }
0x42: {  	_ =	shalt  }
0x43: {  	_ =	shalt  }
0x44: {  	_ =	shalt  }
0x45: {  	_ =	shalt  }
0x46: {  	_ =	shalt  }
0x47: {  	_ =	shalt  }
0x48: {  	_ =	shalt  }
0x49: {  	_ =	shalt  }
0x4a: {  	_ =	shalt  }
0x4b: {  	_ =	shalt  }
0x4c: {  	_ =	shalt  }
0x4d: {  	_ =	shalt  }
0x4e: {  	_ =	shalt  }
0x4f: {  	_ =	shalt  }
0x50: {  	_ =	shalt  }
0x51: {  	_ =	shalt  }
0x52: {  	_ =	shalt  }
0x53: {  	_ =	shalt  }
0x54: {  	_ =	shalt  }
0x55: {  	_ =	shalt  }
0x56: {  	_ =	shalt  }
0x57: {  	_ =	shalt  }
0x58: {  	_ =	shalt  }
0x59: {  	_ =	shalt  }
0x5a: {  	_ =	shalt  }
0x5b: {  	_ =	shalt  }
0x5c: {  	_ =	shalt  }
0x5d: {  	_ =	shalt  }
0x5e: {  	_ =	shalt  }
0x5f: {  	_ =	shalt  }
0x60: {  	_ =	shalt  }
0x61: {  	_ =	shalt  }
0x62: {  	_ =	shalt  }
0x63: {  	_ =	shalt  }
0x64: {  	_ =	shalt  }
0x65: {  	_ =	shalt  }
0x66: {  	_ =	shalt  }
0x67: {  	_ =	shalt  }
0x68: {  	_ =	shalt  }
0x69: {  	_ =	shalt  }
0x6a: {  	_ =	shalt  }
0x6b: {  	_ =	shalt  }
0x6c: {  	_ =	shalt  }
0x6d: {  	_ =	shalt  }
0x6e: {  	_ =	shalt  }
0x6f: {  	_ =	shalt  }
0x70: {  	_ =	shalt  }
0x71: {  	_ =	shalt  }
0x72: {  	_ =	shalt  }
0x73: {  	_ =	shalt  }
0x74: {  	_ =	shalt  }
0x75: {  	_ =	shalt  }
0x76: {  	_ =	shalt  }
0x77: {  	_ =	shalt  }
0x78: {  	_ =	shalt  }
0x79: {  	_ =	shalt  }
0x7a: {  	_ =	shalt  }
0x7b: {  	_ =	shalt  }
0x7c: {  	_ =	shalt  }
0x7d: {  	_ =	shalt  }
0x7e: {  	_ =	shalt  }
0x7f: {  	_ =	shalt  }
0x80: {  	_ =	shalt  }
0x81: {  	_ =	shalt  }
0x82: {  	_ =	shalt  }
0x83: {  	_ =	shalt  }
0x84: {  	_ =	shalt  }
0x85: {  	_ =	shalt  }
0x86: {  	_ =	shalt  }
0x87: {  	_ =	shalt  }
.Lfunc_end0:
.L_simem_size_0:
called_computation_lowered:
.L_overlay_start_0:
0x88: {  	s2 =	sld [smem:$0x3FD9]  }
0x89: {  	s3 =	sld [smem:$0x3FFE];
	_ =	sdelay $0x1  }
0x8a: {  	s1 =	srdreg.scid  }
0x8b: {  	s0 =	sand.u32 $0x1, s1  }
0x8c: {  	s18 =	sshll.u32 s0, $0xA;
	s2 =	sadd.s32 s3, s2  }
0x8d: {  	s2 =	sadd.s32 s2, s18  }
0x8e: {  	[smem:$0x3FC6] =	sst s2  }
0x8f: {  	_ = 	snop  }
0x90: {  	s2 =	sld [smem:$0x3FC9]  }
0x91: {  	s19 =	sld [smem:$0x3FC8]  }
0x92: {  	s4 =	sld [smem:$0x3FD0];
	(tm) =	ssettm $0x1  }
0x93: {  	s5 =	sld [smem:$0x3FFB];
	_ =	sdelay $0x3  }
0x94: {  	_ =	strace s5  }
0x95: {  	s5 =	sld [smem:$0x3FFC];
	_ =	sdelay $0x3  }
0x96: {  	_ =	strace s5  }
0x97: {  	s5 =	sld [smem:$0x3FFD];
	_ =	sdelay $0x3  }
0x98: {  	_ =	strace s5  }
0x99: {  	_ =	strace $0x8FFFFFFF  }
0x9a: {  	s20 =	sld [smem:$0x3FDB];
	_ =	sdelay $0x1  }
0x9b: {  	s6 =	simm.s32 $_scs_section_size  }
0x9c: {  	s7 =	simm.s32 $_size__tile_overlayer_lowered;
	s8 =	simm.s32 $_tile_overlayer_lowered  }
0x9d: {  	s23 =	simm.s32 $0x1BFF;
	s22 =	sshll.u32 s8, $0x1;
	s5 =	sadd.s32 s6, s20  }
0x9e: {  	s9 =	simm.s32 $0x0;
	s21 =	sshll.u32 s7, $0x1;
	s7 =	sadd.s32 s22, s5  }
0x9f: {  	[timem:s9], [sflag:s23] =	dma.local [hbm:s7], s21  }
0xa0: {  	_ =	swait.ge [sflag:s23], s21  }
0xa1: {  	s6 =	ssub.s32 $0x0, s21;
	[sflag:s23] =	ssyncset.done $0x0  }
0xa2: {  	[sflag:s23] =	ssyncadd.s32 s6;
	_ =	sdelay $0x1  }
0xa3: {  	s24 =	simm.s32 $0x1B8B  }
0xa4: {  	_ =	swait.ge [sflag:s24], $0x1  }
0xa5: {  	[sflag:s24] =	ssyncset.done $0x0  }
0xa6: {  	s25 =	simm.s32 $0x1B8E;
	[sflag:s24] =	ssyncadd.s32 $0xFFFFFFFF  }
0xa7: {  	s26 =	simm.s32 $execute0_lowered;
	[smem:$0x3FD2] =	sst s25  }
0xa8: {  	s6 =	sshll.u32 s26, $0x1;
	_ =	strace $0x80000046;
	[dreg:$0x1] =	wrdreg $0xFFFFFFFF  }
0xa9: {  	s28 =	simm.s32 $_size_execute0_lowered;
	s5 =	sadd.s32 s5, s6;
	[dreg:$0x0] =	wrdreg $0x0  }
0xaa: {  	s6 =	sshll.u32 s28, $0x1;
	[dreg:$0x2] =	wrdreg s5  }
0xab: {  	[dreg:$0x3] =	wrdreg s6  }
0xac: {  	[dreg:$0x4] =	wrdreg $0xC0  }
0xad: {  	_ =	task [dreg:s9], $0x5FFFF  }
0xae: {  	[dreg:$0x1] =	wrdreg $0xFFFFFFFF  }
0xaf: {  	[dreg:$0x0] =	wrdreg $0x60  }
0xb0: {  	[dreg:$0x2] =	wrdreg s2  }
0xb1: {  	[dreg:$0x3] =	wrdreg s19  }
0xb2: {  	[dreg:$0x4] =	wrdreg s4  }
0xb3: {  	[dreg:$0x5] =	wrdreg $0x9  }
0xb4: {  	_ =	task.clear_ibuf [dreg:s9], $0x6FFFF;
	_ =	strace $0x90000046  }
0xb5: {  	s29 =	simm.s32 $0x9;
	_ =	strace $0x80000048  }
0xb6: {  	_ =	swait.ge [sflag:s29], $0x1  }
0xb7: {  	[sflag:s29] =	ssyncadd.s32 $0xFFFFFFFF  }
0xb8: {  	_ =	strace $0x90000048  }
0xb9: {  	_ =	sfence  }
0xba: {  	s30 =	sld [smem:$0x0];
	_ =	sdelay $0x2  }
0xbb: {  	s31 =	sshll.u32 s1, $0xD;
	s1 =	sshrl.u32 s1, $0x2  }
0xbc: {  	s3 =	sand.u32 $0x4000, s31;
	s1 =	sadd.s32 s1, s30  }
0xbd: {  	s0 =	sor.u32 s3, s0;
	s1 =	sshll.u32 s1, $0x11  }
0xbe: {  	s0 =	sor.u32 s1, s0  }
0xbf: {  	s0 =	sadd.s32 $0x8F2B, s0  }
0xc0: {  	[sflag:s0] =	ssyncadd.remote.s32 $0x1  }
0xc1: {  	_ =	sfence.sel $0xFFFF  }
0xc2: {  	[dreg:$0x0] =	wrdreg $0xFFFFFFFF;
	(pc) =	sbr.abs _section_cstart, $3  }
0xc3: {  	[dreg:$0x1] =	wrdreg $0xFFFFFFFF  }
0xc4: {  	_ =	task.clear_ibuf [dreg:s9], $0x2FFFF;
	_ =	strace $0x9FFFFFFF  }
0xc5: {  	(tm) =	ssettm $0x7FFFFFFF  }
tec
execute0_lowered:
.L_overlay_start_1:
0x0: {  	(tag) =	ssettag $0x1  }
0x1: {  	s1 =	srdreg.scid  }
0x2: {  	s0 =	rddreg [dreg:$0x0];
	s2 =	stileid.u32;
	s1 =	sand.u32 $0x1, s1  }
0x3: {  	s4 =	rddreg [dreg:$0x1];
	s3 =	sshll.u32 s2, $0xF;
	s5 =	sshll.u32 s1, $0xE  }
0x4: {  	s2 =	rddreg [dreg:$0x2];
	s8 =	sor.u32 s5, s3  }
0x5: {  	s6 =	ssub.s32 $0x2, s1;
	s1 =	simm.s32 $0x0;
	s5 =	sor.u32 $0x80000, s8  }
0x6: {  	[smem:$0x7FF] =	sst s1;
	s22 =	sor.u32 $0x100000, s8;
	s21 =	sadd.s32 s0, s5  }
0x7: {  	s7 =	sor.u32 $0x180000, s8;
	s10 =	sadd.s32 s0, s22;
	[dreg:$0x4] =	wrdreg s21  }
0x8: {  	s9 =	sor.u32 $0x800, s8;
	s23 =	sadd.s32 s0, s7;
	[dreg:$0x5] =	wrdreg s10  }
0x9: {  	s24 =	sadd.s32 s0, s9;
	[dreg:$0x6] =	wrdreg s23  }
0xa: {  	s20 =	sshrl.u32 s6, $0x1;
	s25 =	sadd.s32 s4, s9;
	[dreg:$0x7] =	wrdreg s24  }
0xb: {  	s3 =	ssub.s32 s6, s20;
	s5 =	sadd.s32 s2, s5;
	[dreg:$0x8] =	wrdreg s25  }
0xc: {  	s26 =	sor.u32 $0x80800, s8;
	s6 =	sadd.s32 s2, s22;
	[dreg:$0x9] =	wrdreg s5  }
0xd: {  	s11 =	sadd.s32 s0, s26;
	[dreg:$0xa] =	wrdreg s6  }
0xe: {  	s12 =	sor.u32 $0x100800, s8;
	s7 =	sadd.s32 s2, s7;
	[dreg:$0xb] =	wrdreg s11  }
0xf: {  	s14 =	sor.u32 $0x1000, s8;
	s13 =	sadd.s32 s0, s12;
	[dreg:$0xc] =	wrdreg s7  }
0x10: {  	s15 =	sadd.s32 s4, s14;
	[dreg:$0xd] =	wrdreg s13  }
0x11: {  	s16 =	sor.u32 $0x180800, s8;
	s9 =	sadd.s32 s2, s9;
	[dreg:$0xe] =	wrdreg s15  }
0x12: {  	s17 =	sadd.s32 s0, s16;
	[dreg:$0xf] =	wrdreg s9  }
0x13: {  	s18 =	sadd.s32 s0, s14;
	[dreg:$0x10] =	wrdreg s17  }
0x14: {  	s19 =	sadd.s32 s2, s12;
	[dreg:$0x12] =	wrdreg s18  }
0x15: {  	s22 =	sadd.s32 s2, s14;
	[dreg:$0x13] =	wrdreg s19  }
0x16: {  	s5 =	sadd.s32 s2, s26;
	[dreg:$0x15] =	wrdreg s22  }
0x17: {  	s20 =	sor.u32 $0x81000, s8;
	s21 =	sadd.s32 s2, s16;
	[dreg:$0x11] =	wrdreg s5  }
0x18: {  	s14 =	sor.u32 $0x81800, s8;
	s23 =	sadd.s32 s0, s20;
	[dreg:$0x14] =	wrdreg s21  }
0x19: {  	s16 =	sadd.s32 s0, s14;
	[dreg:$0x16] =	wrdreg s23  }
0x1a: {  	s24 =	sor.u32 $0x101000, s8;
	s5 =	sadd.s32 s2, s20;
	[dreg:$0x1f] =	wrdreg s16  }
0x1b: {  	s25 =	sadd.s32 s0, s24;
	[dreg:$0x17] =	wrdreg s5  }
0x1c: {  	s26 =	sor.u32 $0x181000, s8;
	s6 =	sadd.s32 s2, s24;
	[dreg:$0x18] =	wrdreg s25  }
0x1d: {  	s9 =	sor.u32 $0x1800, s8;
	s10 =	sadd.s32 s0, s26;
	[dreg:$0x19] =	wrdreg s6  }
0x1e: {  	s11 =	sadd.s32 s4, s9;
	[dreg:$0x1a] =	wrdreg s10  }
0x1f: {  	s12 =	sadd.s32 s0, s9;
	[dreg:$0x1c] =	wrdreg s11  }
0x20: {  	s15 =	sor.u32 $0x101800, s8;
	s13 =	sadd.s32 s2, s9;
	[dreg:$0x1d] =	wrdreg s12  }
0x21: {  	s17 =	sadd.s32 s0, s15;
	[dreg:$0x1e] =	wrdreg s13  }
0x22: {  	s19 =	sor.u32 $0x2000, s8;
	s18 =	sadd.s32 s2, s15;
	[smem:$0x7D2] =	sst s17  }
0x23: {  	s22 =	sadd.s32 s4, s19;
	[smem:$0x7D3] =	sst s18  }
0x24: {  	s23 =	sadd.s32 s0, s19;
	[smem:$0x7D6] =	sst s22  }
0x25: {  	s20 =	sor.u32 $0x181800, s8;
	s5 =	sadd.s32 s2, s26;
	[smem:$0x7D7] =	sst s23  }
0x26: {  	s21 =	sadd.s32 s0, s20;
	[dreg:$0x1b] =	wrdreg s5  }
0x27: {  	s24 =	sor.u32 $0x82000, s8;
	s6 =	sadd.s32 s2, s20;
	[smem:$0x7D4] =	sst s21  }
0x28: {  	s9 =	sor.u32 $0x182000, s8;
	s25 =	sadd.s32 s0, s24;
	[smem:$0x7D5] =	sst s6  }
0x29: {  	s16 =	sor.u32 $0x102800, s8;
	s10 =	sadd.s32 s0, s9;
	[smem:$0x7D9] =	sst s25  }
0x2a: {  	s17 =	sadd.s32 s0, s16;
	[smem:$0x7DD] =	sst s10  }
0x2b: {  	s26 =	sor.u32 $0x102000, s8;
	s5 =	sadd.s32 s2, s14;
	[smem:$0x7E4] =	sst s17  }
0x2c: {  	s11 =	sor.u32 $0x2800, s8;
	s7 =	sadd.s32 s0, s26;
	[smem:$0x7D1] =	sst s5  }
0x2d: {  	s12 =	sadd.s32 s4, s11;
	[smem:$0x7DB] =	sst s7  }
0x2e: {  	s18 =	sor.u32 $0x182800, s8;
	s13 =	sadd.s32 s0, s11;
	[smem:$0x7DF] =	sst s12  }
0x2f: {  	s20 =	sadd.s32 s2, s18;
	[smem:$0x7E0] =	sst s13  }
0x30: {  	s21 =	sadd.s32 s4, s8;
	[smem:$0x7E7] =	sst s20  }
0x31: {  	s17 =	sadd.s32 s2, s8;
	[smem:$0x7E8] =	sst s21  }
0x32: {  	s14 =	sor.u32 $0x82800, s8;
	s5 =	sadd.s32 s2, s19;
	[smem:$0x7F6] =	sst s17  }
0x33: {  	s15 =	sadd.s32 s0, s14;
	[smem:$0x7D8] =	sst s5  }
0x34: {  	s6 =	sadd.s32 s2, s14;
	[smem:$0x7E2] =	sst s15  }
0x35: {  	s25 =	sor.u32 $0x83000, s8;
	s19 =	sadd.s32 s0, s18;
	[smem:$0x7E3] =	sst s6  }
0x36: {  	s10 =	sor.u32 $0x183000, s8;
	s7 =	sadd.s32 s0, s25;
	[smem:$0x7E6] =	sst s19  }
0x37: {  	s28 =	simm.s32 $0x9;
	s12 =	sadd.s32 s0, s10;
	[smem:$0x7ED] =	sst s7  }
0x38: {  	s23 =	sor.u32 $0x3800, s8;
	s13 =	sadd.s32 s2, s10;
	[smem:$0x7F1] =	sst s12  }
0x39: {  	s29 =	simm.s32 $0x2;
	s14 =	sadd.s32 s0, s23;
	[smem:$0x7F2] =	sst s13  }
0x3a: {  	s22 =	sor.u32 $0x3000, s8;
	s5 =	sadd.s32 s2, s24;
	[smem:$0x7F3] =	sst s14  }
0x3b: {  	s30 =	simm.s32 $0x7;
	s24 =	sadd.s32 s4, s22;
	[smem:$0x7DA] =	sst s5  }
0x3c: {  	s31 =	simm.s32 $0xA;
	s4 =	sadd.s32 s4, s23;
	[smem:$0x7E9] =	sst s24  }
0x3d: {  	s18 =	sor.u32 $0x83800, s8;
	s15 =	sadd.s32 s2, s23;
	[smem:$0x7EA] =	sst s4  }
0x3e: {  	s20 =	sor.u32 $0x183800, s8;
	s21 =	sadd.s32 s0, s18;
	[smem:$0x7F4] =	sst s15  }
0x3f: {  	s17 =	simm.s32 $0x10000;
	s23 =	sadd.s32 s2, s18;
	[smem:$0x7F7] =	sst s21  }
0x40: {  	s19 =	sor.u32 $0x103800, s8;
	s5 =	sadd.s32 s2, s26;
	[smem:$0x7FA] =	sst s23  }
0x41: {  	s18 =	simm.s32 $0x14000;
	s26 =	sadd.s32 s0, s22;
	[smem:$0x7DC] =	sst s5  }
0x42: {  	s4 =	sadd.s32 s2, s25;
	s24 =	sadd.s32 s2, s19;
	[smem:$0x7EB] =	sst s26  }
0x43: {  	s25 =	sadd.s32 s2, s20;
	s15 =	simm.s32 $0x8000;
	[smem:$0x7EE] =	sst s4  }
0x44: {  	s21 =	simm.s32 $0x1;
	s23 =	simm.s32 $0x4;
	[smem:$0x7FB] =	sst s24  }
0x45: {  	s5 =	sadd.s32 s2, s9;
	s9 =	sor.u32 $0x103000, s8;
	[smem:$0x7FC] =	sst s25  }
0x46: {  	s26 =	smax.u32 s3, $0x1;
	[smem:$0x7DE] =	sst s5;
	s5 =	sadd.s32 s2, s11  }
0x47: {  	s24 =	simm.s32 $0x5;
	s11 =	sadd.s32 s0, s9;
	[smem:$0x7E1] =	sst s5  }
0x48: {  	s25 =	simm.s32 $0x8;
	s4 =	sadd.s32 s2, s9;
	[smem:$0x7EF] =	sst s11  }
0x49: {  	s3 =	simm.s32 $0x0;
	s5 =	sadd.s32 s2, s16;
	[smem:$0x7F0] =	sst s4  }
0x4a: {  	s16 =	sadd.s32 s0, s8;
	[smem:$0x7E5] =	sst s5;
	s5 =	sadd.s32 s2, s22  }
0x4b: {  	[smem:$0x7F5] =	sst s16;
	s22 =	sadd.s32 s0, s19;
	s0 =	sadd.s32 s0, s20  }
0x4c: {  	s16 =	simm.s32 $0xC000;
	s19 =	simm.s32 $0x18000;
	[smem:$0x7EC] =	sst s5  }
0x4d: {  	s20 =	simm.s32 $0x4000;
	s2 =	simm.s32 $0xC;
	[smem:$0x7F8] =	sst s22  }
0x4e: {  	[smem:$0x7F9] =	sst s0;
	s22 =	simm.s32 $0x3;
	s0 =	simm.s32 $0xB  }
0x4f: {  	_ =	strace $0x80000047;
	[smem:$0x7FD] =	sst s26;
	s26 =	simm.s32 $0x6  }
.LBB2_1:
0x50: {  	s4 =	sld [smem:$0x7E8];
	_ =	sdelay $0x1  }
0x51: {  	s6 =	sld [smem:$0x7F5]  }
0x52: {  	[tilespmem:s1], [sflag:$0x1] =	stream.linear.gather [hbm4b:s4+s1], $0x4000, $0x38;
	[tilespmem:$0x1C000] =	vst v63  }
0x53: {  	_ = 	snop  }
0x54: {  	[tilespmem:s15], [sflag:$0x3] =	stream.linear.gather [hbm4b:s6+s1], $0x4000, $0x38;
	[tilespmem:$0x1C000] =	vst v63  }
0x55: {  	s7 =	rddreg [dreg:$0x4]  }
0x56: {  	[tilespmem:s16], [sflag:$0x4] =	stream.linear.gather [hbm4b:s7+s1], $0x4000, $0x38;
	[tilespmem:$0x1C000] =	vst v63  }
0x57: {  	s8 =	rddreg [dreg:$0x5]  }
0x58: {  	[tilespmem:s17], [sflag:$0x5] =	stream.linear.gather [hbm4b:s8+s1], $0x4000, $0x38;
	[tilespmem:$0x1C000] =	vst v63  }
0x59: {  	s9 =	rddreg [dreg:$0x6]  }
0x5a: {  	[tilespmem:s18], [sflag:$0x6] =	stream.linear.gather [hbm4b:s9+s1], $0x4000, $0x38;
	[tilespmem:$0x1C000] =	vst v63  }
0x5b: {  	s10 =	rddreg [dreg:$0x7]  }
0x5c: {  	[tilespmem:s19], [sflag:$0x7] =	stream.linear.gather [hbm4b:s10+s1], $0x4000, $0x38;
	[tilespmem:$0x1C000] =	vst v63  }
0x5d: {  	s11 =	rddreg [dreg:$0x8]  }
0x5e: {  	[tilespmem:s20], [sflag:$0x2] =	stream.linear.gather [hbm4b:s11+s1], $0x4000, $0x38;
	[tilespmem:$0x1C000] =	vst v63  }
0x5f: {  	_ =	swait.ge [sflag:s21], $0x4000  }
0x60: {  	[sflag:s21] =	ssyncset.done $0x0  }
0x61: {  	s12 =	simm.s32 $0x0;
	s5 =	sand.u32 $0x1C00, s1;
	[sflag:s21] =	ssyncadd.s32 $0xFFFFC000  }
0x62: {  	s4 =	sand.u32 $0x2000, s12;
	s6 =	simm.s32 $0x0;
	_ =	swait.ge [sflag:s22], $0x4000  }
0x63: {  	s4 =	sor.u32 s5, s4;
	s13 =	sand.u32 $0x380, s6;
	[sflag:s22] =	ssyncset.done $0x0  }
0x64: {  	s5 =	sor.u32 s13, s4;
	[sflag:s22] =	ssyncadd.s32 $0xFFFFC000  }
0x65: {  	v0 =	vld [tilespmem:s5+$0x70]  }
0x66: {  	v5 =	vld [tilespmem:s5+$0x0]  }
0x67: {  	v6 =	vld [tilespmem:s5+$0x10]  }
0x68: {  	v4 =	vld [tilespmem:s5+$0x20]  }
0x69: {  	v1 =	vld [tilespmem:s5+$0x30]  }
0x6a: {  	v2 =	vld [tilespmem:s5+$0x40]  }
0x6b: {  	s4 =	sor.u32 $0x8070, s5;
	v3 =	vld [tilespmem:s5+$0x60]  }
0x6c: {  	[tilespmem:s4+$0x0] =	vst.add.f32.msk $0xffff, v0  }
0x6d: {  	s14 =	sor.u32 $0x8000, s5;
	s6 =	sor.u32 $0x8050, s5;
	s7 =	sor.u32 $0x8060, s5;
	v0 =	vld [tilespmem:s5+$0x50]  }
0x6e: {  	s8 =	sor.u32 $0x8040, s5;
	s9 =	sor.u32 $0x8020, s5;
	s11 =	sor.u32 $0x8010, s5;
	[tilespmem:s14+$0x0] =	vst.add.f32.msk $0xffff, v5  }
0x6f: {  	s10 =	sor.u32 $0x8030, s5;
	s4 =	simm.s32 $0x0;
	[tilespmem:s11+$0x0] =	vst.add.f32.msk $0xffff, v6;
	s5 =	simm.s32 $0x0  }
.LBB2_2:
0x70: {  	s4 =	sadd.s32 $0x8, s4;
	[tilespmem:s9+$0x0] =	vst.add.f32.msk $0xffff, v4  }
0x71: {  	s5 =	sadd.s32 $0x400, s5;
	s9 =	sshll.u32 s4, $0x4;
	p0 =	slt.u32 s4, $0x3F8;
	[tilespmem:s10+$0x0] =	vst.add.f32.msk $0xffff, v1  }
0x72: {  	s10 =	sand.u32 $0x1C00, s5;
	s11 =	sshll.u32 s4, $0x1;
	s9 =	sand.u32 $0x2000, s9;
	[tilespmem:s8+$0x0] =	vst.add.f32.msk $0xffff, v2  }
0x73: {  	s8 =	sor.u32 s10, s9;
	s9 =	sand.u32 $0x380, s11;
	[tilespmem:s6+$0x0] =	vst.add.f32.msk $0xffff, v0  }
0x74: {  	s11 =	sor.u32 s9, s8;
	[tilespmem:s7+$0x0] =	vst.add.f32.msk $0xffff, v3  }
0x75: {  	s12 =	sor.u32 $0x8000, s11;
	s13 =	sor.u32 $0x8010, s11;
	s9 =	sor.u32 $0x8020, s11;
	v0 =	vld [tilespmem:s11+$0x70]  }
0x76: {  	s10 =	sor.u32 $0x8030, s11;
	s8 =	sor.u32 $0x8040, s11;
	s6 =	sor.u32 $0x8050, s11;
	v5 =	vld [tilespmem:s11+$0x0]  }
0x77: {  	s7 =	sor.u32 $0x8060, s11;
	v6 =	vld [tilespmem:s11+$0x10]  }
0x78: {  	v4 =	vld [tilespmem:s11+$0x20]  }
0x79: {  	s14 =	sor.u32 $0x8070, s11;
	v1 =	vld [tilespmem:s11+$0x30]  }
0x7a: {  	[tilespmem:s14+$0x0] =	vst.add.f32.msk $0xffff, v0  }
.Ltmp0:
0x7b: {  	v2 =	vld [tilespmem:s11+$0x40];
	(pc) =	sbr.rel @p0 .LBB2_2-.Ltmp0, $4  }
0x7c: {  	v0 =	vld [tilespmem:s11+$0x50]  }
0x7d: {  	v3 =	vld [tilespmem:s11+$0x60]  }
0x7e: {  	[tilespmem:s12+$0x0] =	vst.add.f32.msk $0xffff, v5  }
0x7f: {  	[tilespmem:s13+$0x0] =	vst.add.f32.msk $0xffff, v6  }
0x80: {  	[tilespmem:s9+$0x0] =	vst.add.f32.msk $0xffff, v4  }
0x81: {  	[tilespmem:s10+$0x0] =	vst.add.f32.msk $0xffff, v1  }
0x82: {  	[tilespmem:s8+$0x0] =	vst.add.f32.msk $0xffff, v2  }
0x83: {  	[tilespmem:s6+$0x0] =	vst.add.f32.msk $0xffff, v0  }
0x84: {  	[tilespmem:s7+$0x0] =	vst.add.f32.msk $0xffff, v3  }
0x85: {  	s5 =	sld [smem:$0x7F6];
	_ =	sdelay $0x1  }
0x86: {  	s4 =	simm.s32 $0x0;
	s11 =	simm.s32 $0x0;
	s13 =	simm.s32 $0x0  }
0x87: {  	[hbm4b:s5+s4] =	stream.linear.scatter [tilespmem:s15], [sflag:$0x8], $0x4000, $0x38;
	[tilespmem:$0x1C000] =	vst v63  }
0x88: {  	s12 =	sand.u32 $0x1C00, s4;
	s5 =	sand.u32 $0x2000, s11;
	_ =	swait.ge [sflag:s23], $0x4000  }
0x89: {  	s14 =	sand.u32 $0x380, s13;
	s5 =	sor.u32 s12, s5;
	[sflag:s23] =	ssyncset.done $0x0  }
0x8a: {  	s7 =	sor.u32 s14, s5;
	[sflag:s23] =	ssyncadd.s32 $0xFFFFC000  }
0x8b: {  	v0 =	vld [tilespmem:s7+$0x70]  }
0x8c: {  	v5 =	vld [tilespmem:s7+$0x0]  }
0x8d: {  	v6 =	vld [tilespmem:s7+$0x10]  }
0x8e: {  	v4 =	vld [tilespmem:s7+$0x20]  }
0x8f: {  	v1 =	vld [tilespmem:s7+$0x30]  }
0x90: {  	v3 =	vld [tilespmem:s7+$0x40]  }
0x91: {  	s5 =	sor.u32 $0xC070, s7;
	v2 =	vld [tilespmem:s7+$0x60]  }
0x92: {  	[tilespmem:s5+$0x0] =	vst.add.f32.msk $0xffff, v0  }
0x93: {  	s6 =	sor.u32 $0xC000, s7;
	s11 =	sor.u32 $0xC010, s7;
	v0 =	vld [tilespmem:s7+$0x50]  }
0x94: {  	s9 =	sor.u32 $0xC020, s7;
	s10 =	sor.u32 $0xC030, s7;
	s8 =	sor.u32 $0xC040, s7;
	[tilespmem:s6+$0x0] =	vst.add.f32.msk $0xffff, v5  }
0x95: {  	s5 =	simm.s32 $0x0;
	s6 =	sor.u32 $0xC050, s7;
	s7 =	sor.u32 $0xC060, s7;
	[tilespmem:s11+$0x0] =	vst.add.f32.msk $0xffff, v6  }
.LBB2_4:
0x96: {  	s5 =	sadd.s32 $0x8, s5;
	[tilespmem:s9+$0x0] =	vst.add.f32.msk $0xffff, v4  }
0x97: {  	s4 =	sadd.s32 $0x400, s4;
	s9 =	sshll.u32 s5, $0x4;
	p0 =	slt.u32 s5, $0x3F8;
	[tilespmem:s10+$0x0] =	vst.add.f32.msk $0xffff, v1  }
0x98: {  	s10 =	sand.u32 $0x1C00, s4;
	s11 =	sshll.u32 s5, $0x1;
	s9 =	sand.u32 $0x2000, s9;
	[tilespmem:s8+$0x0] =	vst.add.f32.msk $0xffff, v3  }
0x99: {  	s8 =	sor.u32 s10, s9;
	s9 =	sand.u32 $0x380, s11;
	[tilespmem:s6+$0x0] =	vst.add.f32.msk $0xffff, v0  }
0x9a: {  	s11 =	sor.u32 s9, s8;
	[tilespmem:s7+$0x0] =	vst.add.f32.msk $0xffff, v2  }
0x9b: {  	s12 =	sor.u32 $0xC000, s11;
	s13 =	sor.u32 $0xC010, s11;
	s9 =	sor.u32 $0xC020, s11;
	v0 =	vld [tilespmem:s11+$0x70]  }
0x9c: {  	s10 =	sor.u32 $0xC030, s11;
	s8 =	sor.u32 $0xC040, s11;
	s6 =	sor.u32 $0xC050, s11;
	v5 =	vld [tilespmem:s11+$0x0]  }
0x9d: {  	s7 =	sor.u32 $0xC060, s11;
	v6 =	vld [tilespmem:s11+$0x10]  }
0x9e: {  	v4 =	vld [tilespmem:s11+$0x20]  }
0x9f: {  	s14 =	sor.u32 $0xC070, s11;
	v1 =	vld [tilespmem:s11+$0x30]  }
0xa0: {  	[tilespmem:s14+$0x0] =	vst.add.f32.msk $0xffff, v0  }
.Ltmp1:
0xa1: {  	v3 =	vld [tilespmem:s11+$0x40];
	(pc) =	sbr.rel @p0 .LBB2_4-.Ltmp1, $4  }
0xa2: {  	v0 =	vld [tilespmem:s11+$0x50]  }
0xa3: {  	v2 =	vld [tilespmem:s11+$0x60]  }
0xa4: {  	[tilespmem:s12+$0x0] =	vst.add.f32.msk $0xffff, v5  }
0xa5: {  	[tilespmem:s13+$0x0] =	vst.add.f32.msk $0xffff, v6  }
0xa6: {  	[tilespmem:s9+$0x0] =	vst.add.f32.msk $0xffff, v4  }
0xa7: {  	[tilespmem:s10+$0x0] =	vst.add.f32.msk $0xffff, v1  }
0xa8: {  	[tilespmem:s8+$0x0] =	vst.add.f32.msk $0xffff, v3  }
0xa9: {  	[tilespmem:s6+$0x0] =	vst.add.f32.msk $0xffff, v0  }
0xaa: {  	s4 =	simm.s32 $0x0;
	[tilespmem:s7+$0x0] =	vst.add.f32.msk $0xffff, v2  }
0xab: {  	s11 =	simm.s32 $0x0;
	s13 =	simm.s32 $0x0;
	s5 =	rddreg [dreg:$0x9]  }
0xac: {  	[hbm4b:s5+s4] =	stream.linear.scatter [tilespmem:s16], [sflag:$0x9], $0x4000, $0x38;
	[tilespmem:$0x1C000] =	vst v63  }
0xad: {  	s12 =	sand.u32 $0x1C00, s4;
	s5 =	sand.u32 $0x2000, s11;
	_ =	swait.ge [sflag:s24], $0x4000  }
0xae: {  	s14 =	sand.u32 $0x380, s13;
	s5 =	sor.u32 s12, s5;
	[sflag:s24] =	ssyncset.done $0x0  }
0xaf: {  	s7 =	sor.u32 s14, s5;
	[sflag:s24] =	ssyncadd.s32 $0xFFFFC000  }
0xb0: {  	v0 =	vld [tilespmem:s7+$0x70]  }
0xb1: {  	v5 =	vld [tilespmem:s7+$0x0]  }
0xb2: {  	v6 =	vld [tilespmem:s7+$0x10]  }
0xb3: {  	v4 =	vld [tilespmem:s7+$0x20]  }
0xb4: {  	v1 =	vld [tilespmem:s7+$0x30]  }
0xb5: {  	v3 =	vld [tilespmem:s7+$0x40]  }
0xb6: {  	s5 =	sor.u32 $0x10070, s7;
	v2 =	vld [tilespmem:s7+$0x60]  }
0xb7: {  	[tilespmem:s5+$0x0] =	vst.add.f32.msk $0xffff, v0  }
0xb8: {  	s6 =	sor.u32 $0x10000, s7;
	s11 =	sor.u32 $0x10010, s7;
	v0 =	vld [tilespmem:s7+$0x50]  }
0xb9: {  	s9 =	sor.u32 $0x10020, s7;
	s10 =	sor.u32 $0x10030, s7;
	s8 =	sor.u32 $0x10040, s7;
	[tilespmem:s6+$0x0] =	vst.add.f32.msk $0xffff, v5  }
0xba: {  	s5 =	simm.s32 $0x0;
	s6 =	sor.u32 $0x10050, s7;
	s7 =	sor.u32 $0x10060, s7;
	[tilespmem:s11+$0x0] =	vst.add.f32.msk $0xffff, v6  }
.LBB2_6:
0xbb: {  	s5 =	sadd.s32 $0x8, s5;
	[tilespmem:s9+$0x0] =	vst.add.f32.msk $0xffff, v4  }
0xbc: {  	s4 =	sadd.s32 $0x400, s4;
	s9 =	sshll.u32 s5, $0x4;
	p0 =	slt.u32 s5, $0x3F8;
	[tilespmem:s10+$0x0] =	vst.add.f32.msk $0xffff, v1  }
0xbd: {  	s10 =	sand.u32 $0x1C00, s4;
	s11 =	sshll.u32 s5, $0x1;
	s9 =	sand.u32 $0x2000, s9;
	[tilespmem:s8+$0x0] =	vst.add.f32.msk $0xffff, v3  }
0xbe: {  	s8 =	sor.u32 s10, s9;
	s9 =	sand.u32 $0x380, s11;
	[tilespmem:s6+$0x0] =	vst.add.f32.msk $0xffff, v0  }
0xbf: {  	s11 =	sor.u32 s9, s8;
	[tilespmem:s7+$0x0] =	vst.add.f32.msk $0xffff, v2  }
0xc0: {  	s12 =	sor.u32 $0x10000, s11;
	s13 =	sor.u32 $0x10010, s11;
	s9 =	sor.u32 $0x10020, s11;
	v0 =	vld [tilespmem:s11+$0x70]  }
0xc1: {  	s10 =	sor.u32 $0x10030, s11;
	s8 =	sor.u32 $0x10040, s11;
	s6 =	sor.u32 $0x10050, s11;
	v5 =	vld [tilespmem:s11+$0x0]  }
0xc2: {  	s7 =	sor.u32 $0x10060, s11;
	v6 =	vld [tilespmem:s11+$0x10]  }
0xc3: {  	v4 =	vld [tilespmem:s11+$0x20]  }
0xc4: {  	s14 =	sor.u32 $0x10070, s11;
	v1 =	vld [tilespmem:s11+$0x30]  }
0xc5: {  	[tilespmem:s14+$0x0] =	vst.add.f32.msk $0xffff, v0  }
.Ltmp2:
0xc6: {  	v3 =	vld [tilespmem:s11+$0x40];
	(pc) =	sbr.rel @p0 .LBB2_6-.Ltmp2, $4  }
0xc7: {  	v0 =	vld [tilespmem:s11+$0x50]  }
0xc8: {  	v2 =	vld [tilespmem:s11+$0x60]  }
0xc9: {  	[tilespmem:s12+$0x0] =	vst.add.f32.msk $0xffff, v5  }
0xca: {  	[tilespmem:s13+$0x0] =	vst.add.f32.msk $0xffff, v6  }
0xcb: {  	[tilespmem:s9+$0x0] =	vst.add.f32.msk $0xffff, v4  }
0xcc: {  	[tilespmem:s10+$0x0] =	vst.add.f32.msk $0xffff, v1  }
0xcd: {  	[tilespmem:s8+$0x0] =	vst.add.f32.msk $0xffff, v3  }
0xce: {  	[tilespmem:s6+$0x0] =	vst.add.f32.msk $0xffff, v0  }
0xcf: {  	[tilespmem:s7+$0x0] =	vst.add.f32.msk $0xffff, v2  }
0xd0: {  	s4 =	simm.s32 $0x0;
	s5 =	rddreg [dreg:$0xa]  }
0xd1: {  	[hbm4b:s5+s4] =	stream.linear.scatter [tilespmem:s17], [sflag:$0xA], $0x4000, $0x38;
	[tilespmem:$0x1C000] =	vst v63  }
0xd2: {  	_ =	swait.ge [sflag:s25], $0x4000  }
0xd3: {  	s11 =	simm.s32 $0x0;
	[sflag:s25] =	ssyncset.done $0x0  }
0xd4: {  	s13 =	simm.s32 $0x0;
	s10 =	rddreg [dreg:$0xb];
	[sflag:s25] =	ssyncadd.s32 $0xFFFFC000  }
0xd5: {  	[tilespmem:s15], [sflag:$0x3] =	stream.linear.gather [hbm4b:s10+s4], $0x4000, $0x38;
	[tilespmem:$0x1C000] =	vst v63  }
0xd6: {  	s12 =	sand.u32 $0x1C00, s4;
	s5 =	sand.u32 $0x2000, s11;
	_ =	swait.ge [sflag:s26], $0x4000  }
0xd7: {  	s14 =	sand.u32 $0x380, s13;
	s5 =	sor.u32 s12, s5;
	[sflag:s26] =	ssyncset.done $0x0  }
0xd8: {  	s7 =	sor.u32 s14, s5;
	[sflag:s26] =	ssyncadd.s32 $0xFFFFC000  }
0xd9: {  	v0 =	vld [tilespmem:s7+$0x70]  }
0xda: {  	v5 =	vld [tilespmem:s7+$0x0]  }
0xdb: {  	v6 =	vld [tilespmem:s7+$0x10]  }
0xdc: {  	v4 =	vld [tilespmem:s7+$0x20]  }
0xdd: {  	v1 =	vld [tilespmem:s7+$0x30]  }
0xde: {  	v3 =	vld [tilespmem:s7+$0x40]  }
0xdf: {  	s5 =	sor.u32 $0x14070, s7;
	v2 =	vld [tilespmem:s7+$0x60]  }
0xe0: {  	[tilespmem:s5+$0x0] =	vst.add.f32.msk $0xffff, v0  }
0xe1: {  	s6 =	sor.u32 $0x14000, s7;
	s11 =	sor.u32 $0x14010, s7;
	v0 =	vld [tilespmem:s7+$0x50]  }
0xe2: {  	s9 =	sor.u32 $0x14020, s7;
	s8 =	sor.u32 $0x14040, s7;
	s10 =	sor.u32 $0x14030, s7;
	[tilespmem:s6+$0x0] =	vst.add.f32.msk $0xffff, v5  }
0xe3: {  	s5 =	simm.s32 $0x0;
	s6 =	sor.u32 $0x14050, s7;
	s7 =	sor.u32 $0x14060, s7;
	[tilespmem:s11+$0x0] =	vst.add.f32.msk $0xffff, v6  }
.LBB2_8:
0xe4: {  	s5 =	sadd.s32 $0x8, s5;
	[tilespmem:s9+$0x0] =	vst.add.f32.msk $0xffff, v4  }
0xe5: {  	s4 =	sadd.s32 $0x400, s4;
	s9 =	sshll.u32 s5, $0x4;
	p0 =	slt.u32 s5, $0x3F8;
	[tilespmem:s10+$0x0] =	vst.add.f32.msk $0xffff, v1  }
0xe6: {  	s10 =	sand.u32 $0x1C00, s4;
	s11 =	sshll.u32 s5, $0x1;
	s9 =	sand.u32 $0x2000, s9;
	[tilespmem:s8+$0x0] =	vst.add.f32.msk $0xffff, v3  }
0xe7: {  	s8 =	sor.u32 s10, s9;
	s9 =	sand.u32 $0x380, s11;
	[tilespmem:s6+$0x0] =	vst.add.f32.msk $0xffff, v0  }
0xe8: {  	s11 =	sor.u32 s9, s8;
	[tilespmem:s7+$0x0] =	vst.add.f32.msk $0xffff, v2  }
0xe9: {  	s12 =	sor.u32 $0x14000, s11;
	s13 =	sor.u32 $0x14010, s11;
	s9 =	sor.u32 $0x14020, s11;
	v0 =	vld [tilespmem:s11+$0x70]  }
0xea: {  	s10 =	sor.u32 $0x14030, s11;
	s8 =	sor.u32 $0x14040, s11;
	s6 =	sor.u32 $0x14050, s11;
	v5 =	vld [tilespmem:s11+$0x0]  }
0xeb: {  	s7 =	sor.u32 $0x14060, s11;
	v6 =	vld [tilespmem:s11+$0x10]  }
0xec: {  	v4 =	vld [tilespmem:s11+$0x20]  }
0xed: {  	s14 =	sor.u32 $0x14070, s11;
	v1 =	vld [tilespmem:s11+$0x30]  }
0xee: {  	[tilespmem:s14+$0x0] =	vst.add.f32.msk $0xffff, v0  }
.Ltmp3:
0xef: {  	v3 =	vld [tilespmem:s11+$0x40];
	(pc) =	sbr.rel @p0 .LBB2_8-.Ltmp3, $4  }
0xf0: {  	v0 =	vld [tilespmem:s11+$0x50]  }
0xf1: {  	v2 =	vld [tilespmem:s11+$0x60]  }
0xf2: {  	[tilespmem:s12+$0x0] =	vst.add.f32.msk $0xffff, v5  }
0xf3: {  	[tilespmem:s13+$0x0] =	vst.add.f32.msk $0xffff, v6  }
0xf4: {  	[tilespmem:s9+$0x0] =	vst.add.f32.msk $0xffff, v4  }
0xf5: {  	[tilespmem:s10+$0x0] =	vst.add.f32.msk $0xffff, v1  }
0xf6: {  	[tilespmem:s8+$0x0] =	vst.add.f32.msk $0xffff, v3  }
0xf7: {  	[tilespmem:s6+$0x0] =	vst.add.f32.msk $0xffff, v0  }
0xf8: {  	[tilespmem:s7+$0x0] =	vst.add.f32.msk $0xffff, v2  }
0xf9: {  	s4 =	simm.s32 $0x0;
	s5 =	rddreg [dreg:$0xc]  }
0xfa: {  	[hbm4b:s5+s4] =	stream.linear.scatter [tilespmem:s18], [sflag:$0xB], $0x4000, $0x38;
	[tilespmem:$0x1C000] =	vst v63  }
0xfb: {  	_ =	swait.ge [sflag:s28], $0x4000  }
0xfc: {  	[sflag:s28] =	ssyncset.done $0x0  }
0xfd: {  	s9 =	rddreg [dreg:$0xd];
	[sflag:s28] =	ssyncadd.s32 $0xFFFFC000  }
0xfe: {  	[tilespmem:s16], [sflag:$0x4] =	stream.linear.gather [hbm4b:s9+s4], $0x4000, $0x38;
	[tilespmem:$0x1C000] =	vst v63  }
0xff: {  	s10 =	rddreg [dreg:$0xe]  }
0x100: {  	[tilespmem:s4], [sflag:$0x1] =	stream.linear.gather [hbm4b:s10+s4], $0x4000, $0x38;
	[tilespmem:$0x1C000] =	vst v63  }
0x101: {  	_ =	swait.ge [sflag:s29], $0x4000  }
0x102: {  	[sflag:s29] =	ssyncset.done $0x0  }
0x103: {  	s11 =	simm.s32 $0x0;
	s13 =	simm.s32 $0x0;
	[sflag:s29] =	ssyncadd.s32 $0xFFFFC000  }
0x104: {  	s12 =	sand.u32 $0x1C00, s4;
	s5 =	sand.u32 $0x2000, s11;
	_ =	swait.ge [sflag:s30], $0x4000  }
0x105: {  	s14 =	sand.u32 $0x380, s13;
	s5 =	sor.u32 s12, s5;
	[sflag:s30] =	ssyncset.done $0x0  }
0x106: {  	s7 =	sor.u32 s14, s5;
	[sflag:s30] =	ssyncadd.s32 $0xFFFFC000  }
0x107: {  	v0 =	vld [tilespmem:s7+$0x4070]  }
0x108: {  	v5 =	vld [tilespmem:s7+$0x4000]  }
0x109: {  	v6 =	vld [tilespmem:s7+$0x4010]  }
0x10a: {  	v4 =	vld [tilespmem:s7+$0x4020]  }
0x10b: {  	v1 =	vld [tilespmem:s7+$0x4030]  }
0x10c: {  	v3 =	vld [tilespmem:s7+$0x4040]  }
0x10d: {  	s5 =	sor.u32 $0x18070, s7;
	v2 =	vld [tilespmem:s7+$0x4060]  }
0x10e: {  	[tilespmem:s5+$0x0] =	vst.add.f32.msk $0xffff, v0  }
0x10f: {  	s6 =	sor.u32 $0x18000, s7;
	s11 =	sor.u32 $0x18010, s7;
	v0 =	vld [tilespmem:s7+$0x4050]  }
0x110: {  	s8 =	sor.u32 $0x18040, s7;
	s9 =	sor.u32 $0x18020, s7;
	s10 =	sor.u32 $0x18030, s7;
	[tilespmem:s6+$0x0] =	vst.add.f32.msk $0xffff, v5  }
0x111: {  	s5 =	simm.s32 $0x0;
	s6 =	sor.u32 $0x18050, s7;
	s7 =	sor.u32 $0x18060, s7;
	[tilespmem:s11+$0x0] =	vst.add.f32.msk $0xffff, v6  }
.LBB2_10:
0x112: {  	s5 =	sadd.s32 $0x8, s5;
	[tilespmem:s9+$0x0] =	vst.add.f32.msk $0xffff, v4  }
0x113: {  	s4 =	sadd.s32 $0x400, s4;
	s9 =	sshll.u32 s5, $0x4;
	p0 =	slt.u32 s5, $0x3F8;
	[tilespmem:s10+$0x0] =	vst.add.f32.msk $0xffff, v1  }
0x114: {  	s10 =	sand.u32 $0x1C00, s4;
	s11 =	sshll.u32 s5, $0x1;
	s9 =	sand.u32 $0x2000, s9;
	[tilespmem:s8+$0x0] =	vst.add.f32.msk $0xffff, v3  }
0x115: {  	s8 =	sor.u32 s10, s9;
	s9 =	sand.u32 $0x380, s11;
	[tilespmem:s6+$0x0] =	vst.add.f32.msk $0xffff, v0  }
0x116: {  	s11 =	sor.u32 s9, s8;
	[tilespmem:s7+$0x0] =	vst.add.f32.msk $0xffff, v2  }
0x117: {  	s12 =	sor.u32 $0x18000, s11;
	s13 =	sor.u32 $0x18010, s11;
	s9 =	sor.u32 $0x18020, s11;
	v0 =	vld [tilespmem:s11+$0x4070]  }
0x118: {  	s10 =	sor.u32 $0x18030, s11;
	s8 =	sor.u32 $0x18040, s11;
	s6 =	sor.u32 $0x18050, s11;
	v5 =	vld [tilespmem:s11+$0x4000]  }
0x119: {  	s7 =	sor.u32 $0x18060, s11;
	v6 =	vld [tilespmem:s11+$0x4010]  }
0x11a: {  	v4 =	vld [tilespmem:s11+$0x4020]  }
0x11b: {  	s14 =	sor.u32 $0x18070, s11;
	v1 =	vld [tilespmem:s11+$0x4030]  }
0x11c: {  	[tilespmem:s14+$0x0] =	vst.add.f32.msk $0xffff, v0  }
.Ltmp4:
0x11d: {  	v3 =	vld [tilespmem:s11+$0x4040];
	(pc) =	sbr.rel @p0 .LBB2_10-.Ltmp4, $4  }
0x11e: {  	v0 =	vld [tilespmem:s11+$0x4050]  }
0x11f: {  	v2 =	vld [tilespmem:s11+$0x4060]  }
0x120: {  	[tilespmem:s12+$0x0] =	vst.add.f32.msk $0xffff, v5  }
0x121: {  	[tilespmem:s13+$0x0] =	vst.add.f32.msk $0xffff, v6  }
0x122: {  	[tilespmem:s9+$0x0] =	vst.add.f32.msk $0xffff, v4  }
0x123: {  	[tilespmem:s10+$0x0] =	vst.add.f32.msk $0xffff, v1  }
0x124: {  	[tilespmem:s8+$0x0] =	vst.add.f32.msk $0xffff, v3  }
0x125: {  	[tilespmem:s6+$0x0] =	vst.add.f32.msk $0xffff, v0  }
0x126: {  	[tilespmem:s7+$0x0] =	vst.add.f32.msk $0xffff, v2  }
0x127: {  	s4 =	simm.s32 $0x0;
	s5 =	rddreg [dreg:$0xf]  }
0x128: {  	[hbm4b:s5+s4] =	stream.linear.scatter [tilespmem:s19], [sflag:$0xC], $0x4000, $0x38;
	[tilespmem:$0x1C000] =	vst v63  }
0x129: {  	_ =	swait.ge [sflag:s31], $0x4000  }
0x12a: {  	s11 =	simm.s32 $0x0;
	[sflag:s31] =	ssyncset.done $0x0  }
0x12b: {  	s13 =	simm.s32 $0x0;
	s10 =	rddreg [dreg:$0x10];
	[sflag:s31] =	ssyncadd.s32 $0xFFFFC000  }
0x12c: {  	[tilespmem:s17], [sflag:$0x5] =	stream.linear.gather [hbm4b:s10+s4], $0x4000, $0x38;
	[tilespmem:$0x1C000] =	vst v63  }
0x12d: {  	s12 =	sand.u32 $0x1C00, s4;
	s5 =	sand.u32 $0x2000, s11;
	_ =	swait.ge [sflag:s22], $0x4000  }
0x12e: {  	s14 =	sand.u32 $0x380, s13;
	s5 =	sor.u32 s12, s5;
	[sflag:s22] =	ssyncset.done $0x0  }
0x12f: {  	s7 =	sor.u32 s14, s5;
	[sflag:s22] =	ssyncadd.s32 $0xFFFFC000  }
0x130: {  	v0 =	vld [tilespmem:s7+$0x4070]  }
0x131: {  	v5 =	vld [tilespmem:s7+$0x4000]  }
0x132: {  	v6 =	vld [tilespmem:s7+$0x4010]  }
0x133: {  	v4 =	vld [tilespmem:s7+$0x4020]  }
0x134: {  	v1 =	vld [tilespmem:s7+$0x4030]  }
0x135: {  	v3 =	vld [tilespmem:s7+$0x4040]  }
0x136: {  	s5 =	sor.u32 $0x8070, s7;
	v2 =	vld [tilespmem:s7+$0x4060]  }
0x137: {  	[tilespmem:s5+$0x0] =	vst.add.f32.msk $0xffff, v0  }
0x138: {  	s6 =	sor.u32 $0x8000, s7;
	s11 =	sor.u32 $0x8010, s7;
	v0 =	vld [tilespmem:s7+$0x4050]  }
0x139: {  	s9 =	sor.u32 $0x8020, s7;
	s8 =	sor.u32 $0x8040, s7;
	s10 =	sor.u32 $0x8030, s7;
	[tilespmem:s6+$0x0] =	vst.add.f32.msk $0xffff, v5  }
0x13a: {  	s5 =	simm.s32 $0x0;
	s6 =	sor.u32 $0x8050, s7;
	s7 =	sor.u32 $0x8060, s7;
	[tilespmem:s11+$0x0] =	vst.add.f32.msk $0xffff, v6  }
.LBB2_12:
0x13b: {  	s5 =	sadd.s32 $0x8, s5;
	[tilespmem:s9+$0x0] =	vst.add.f32.msk $0xffff, v4  }
0x13c: {  	s4 =	sadd.s32 $0x400, s4;
	s9 =	sshll.u32 s5, $0x4;
	p0 =	slt.u32 s5, $0x3F8;
	[tilespmem:s10+$0x0] =	vst.add.f32.msk $0xffff, v1  }
0x13d: {  	s10 =	sand.u32 $0x1C00, s4;
	s11 =	sshll.u32 s5, $0x1;
	s9 =	sand.u32 $0x2000, s9;
	[tilespmem:s8+$0x0] =	vst.add.f32.msk $0xffff, v3  }
0x13e: {  	s8 =	sor.u32 s10, s9;
	s9 =	sand.u32 $0x380, s11;
	[tilespmem:s6+$0x0] =	vst.add.f32.msk $0xffff, v0  }
0x13f: {  	s11 =	sor.u32 s9, s8;
	[tilespmem:s7+$0x0] =	vst.add.f32.msk $0xffff, v2  }
0x140: {  	s12 =	sor.u32 $0x8000, s11;
	s13 =	sor.u32 $0x8010, s11;
	s9 =	sor.u32 $0x8020, s11;
	v0 =	vld [tilespmem:s11+$0x4070]  }
0x141: {  	s10 =	sor.u32 $0x8030, s11;
	s8 =	sor.u32 $0x8040, s11;
	s6 =	sor.u32 $0x8050, s11;
	v5 =	vld [tilespmem:s11+$0x4000]  }
0x142: {  	s7 =	sor.u32 $0x8060, s11;
	v6 =	vld [tilespmem:s11+$0x4010]  }
0x143: {  	v4 =	vld [tilespmem:s11+$0x4020]  }
0x144: {  	s14 =	sor.u32 $0x8070, s11;
	v1 =	vld [tilespmem:s11+$0x4030]  }
0x145: {  	[tilespmem:s14+$0x0] =	vst.add.f32.msk $0xffff, v0  }
.Ltmp5:
0x146: {  	v3 =	vld [tilespmem:s11+$0x4040];
	(pc) =	sbr.rel @p0 .LBB2_12-.Ltmp5, $4  }
0x147: {  	v0 =	vld [tilespmem:s11+$0x4050]  }
0x148: {  	v2 =	vld [tilespmem:s11+$0x4060]  }
0x149: {  	[tilespmem:s12+$0x0] =	vst.add.f32.msk $0xffff, v5  }
0x14a: {  	[tilespmem:s13+$0x0] =	vst.add.f32.msk $0xffff, v6  }
0x14b: {  	[tilespmem:s9+$0x0] =	vst.add.f32.msk $0xffff, v4  }
0x14c: {  	[tilespmem:s10+$0x0] =	vst.add.f32.msk $0xffff, v1  }
0x14d: {  	[tilespmem:s8+$0x0] =	vst.add.f32.msk $0xffff, v3  }
0x14e: {  	[tilespmem:s6+$0x0] =	vst.add.f32.msk $0xffff, v0  }
0x14f: {  	[tilespmem:s7+$0x0] =	vst.add.f32.msk $0xffff, v2  }
0x150: {  	s4 =	simm.s32 $0x0;
	s5 =	rddreg [dreg:$0x11]  }
0x151: {  	[hbm4b:s5+s4] =	stream.linear.scatter [tilespmem:s15], [sflag:$0x8], $0x4000, $0x38;
	[tilespmem:$0x1C000] =	vst v63  }
0x152: {  	_ =	swait.ge [sflag:s0], $0x4000  }
0x153: {  	s11 =	simm.s32 $0x0;
	[sflag:s0] =	ssyncset.done $0x0  }
0x154: {  	s13 =	simm.s32 $0x0;
	s10 =	rddreg [dreg:$0x12];
	[sflag:s0] =	ssyncadd.s32 $0xFFFFC000  }
0x155: {  	[tilespmem:s18], [sflag:$0x6] =	stream.linear.gather [hbm4b:s10+s4], $0x4000, $0x38;
	[tilespmem:$0x1C000] =	vst v63  }
0x156: {  	s12 =	sand.u32 $0x1C00, s4;
	s5 =	sand.u32 $0x2000, s11;
	_ =	swait.ge [sflag:s23], $0x4000  }
0x157: {  	s14 =	sand.u32 $0x380, s13;
	s5 =	sor.u32 s12, s5;
	[sflag:s23] =	ssyncset.done $0x0  }
0x158: {  	s7 =	sor.u32 s14, s5;
	[sflag:s23] =	ssyncadd.s32 $0xFFFFC000  }
0x159: {  	v0 =	vld [tilespmem:s7+$0x4070]  }
0x15a: {  	v5 =	vld [tilespmem:s7+$0x4000]  }
0x15b: {  	v6 =	vld [tilespmem:s7+$0x4010]  }
0x15c: {  	v4 =	vld [tilespmem:s7+$0x4020]  }
0x15d: {  	v1 =	vld [tilespmem:s7+$0x4030]  }
0x15e: {  	v3 =	vld [tilespmem:s7+$0x4040]  }
0x15f: {  	s5 =	sor.u32 $0xC070, s7;
	v2 =	vld [tilespmem:s7+$0x4060]  }
0x160: {  	[tilespmem:s5+$0x0] =	vst.add.f32.msk $0xffff, v0  }
0x161: {  	s6 =	sor.u32 $0xC000, s7;
	s11 =	sor.u32 $0xC010, s7;
	v0 =	vld [tilespmem:s7+$0x4050]  }
0x162: {  	s9 =	sor.u32 $0xC020, s7;
	s8 =	sor.u32 $0xC040, s7;
	s10 =	sor.u32 $0xC030, s7;
	[tilespmem:s6+$0x0] =	vst.add.f32.msk $0xffff, v5  }
0x163: {  	s5 =	simm.s32 $0x0;
	s6 =	sor.u32 $0xC050, s7;
	s7 =	sor.u32 $0xC060, s7;
	[tilespmem:s11+$0x0] =	vst.add.f32.msk $0xffff, v6  }
.LBB2_14:
0x164: {  	s5 =	sadd.s32 $0x8, s5;
	[tilespmem:s9+$0x0] =	vst.add.f32.msk $0xffff, v4  }
0x165: {  	s4 =	sadd.s32 $0x400, s4;
	s9 =	sshll.u32 s5, $0x4;
	p0 =	slt.u32 s5, $0x3F8;
	[tilespmem:s10+$0x0] =	vst.add.f32.msk $0xffff, v1  }
0x166: {  	s10 =	sand.u32 $0x1C00, s4;
	s11 =	sshll.u32 s5, $0x1;
	s9 =	sand.u32 $0x2000, s9;
	[tilespmem:s8+$0x0] =	vst.add.f32.msk $0xffff, v3  }
0x167: {  	s8 =	sor.u32 s10, s9;
	s9 =	sand.u32 $0x380, s11;
	[tilespmem:s6+$0x0] =	vst.add.f32.msk $0xffff, v0  }
0x168: {  	s11 =	sor.u32 s9, s8;
	[tilespmem:s7+$0x0] =	vst.add.f32.msk $0xffff, v2  }
0x169: {  	s12 =	sor.u32 $0xC000, s11;
	s13 =	sor.u32 $0xC010, s11;
	s9 =	sor.u32 $0xC020, s11;
	v0 =	vld [tilespmem:s11+$0x4070]  }
0x16a: {  	s10 =	sor.u32 $0xC030, s11;
	s8 =	sor.u32 $0xC040, s11;
	s6 =	sor.u32 $0xC050, s11;
	v5 =	vld [tilespmem:s11+$0x4000]  }
0x16b: {  	s7 =	sor.u32 $0xC060, s11;
	v6 =	vld [tilespmem:s11+$0x4010]  }
0x16c: {  	v4 =	vld [tilespmem:s11+$0x4020]  }
0x16d: {  	s14 =	sor.u32 $0xC070, s11;
	v1 =	vld [tilespmem:s11+$0x4030]  }
0x16e: {  	[tilespmem:s14+$0x0] =	vst.add.f32.msk $0xffff, v0  }
.Ltmp6:
0x16f: {  	v3 =	vld [tilespmem:s11+$0x4040];
	(pc) =	sbr.rel @p0 .LBB2_14-.Ltmp6, $4  }
0x170: {  	v0 =	vld [tilespmem:s11+$0x4050]  }
0x171: {  	v2 =	vld [tilespmem:s11+$0x4060]  }
0x172: {  	[tilespmem:s12+$0x0] =	vst.add.f32.msk $0xffff, v5  }
0x173: {  	[tilespmem:s13+$0x0] =	vst.add.f32.msk $0xffff, v6  }
0x174: {  	[tilespmem:s9+$0x0] =	vst.add.f32.msk $0xffff, v4  }
0x175: {  	[tilespmem:s10+$0x0] =	vst.add.f32.msk $0xffff, v1  }
0x176: {  	[tilespmem:s8+$0x0] =	vst.add.f32.msk $0xffff, v3  }
0x177: {  	[tilespmem:s6+$0x0] =	vst.add.f32.msk $0xffff, v0  }
0x178: {  	[tilespmem:s7+$0x0] =	vst.add.f32.msk $0xffff, v2  }
0x179: {  	s4 =	simm.s32 $0x0;
	s5 =	rddreg [dreg:$0x13]  }
0x17a: {  	[hbm4b:s5+s4] =	stream.linear.scatter [tilespmem:s16], [sflag:$0x9], $0x4000, $0x38;
	[tilespmem:$0x1C000] =	vst v63  }
0x17b: {  	_ =	swait.ge [sflag:s2], $0x4000  }
0x17c: {  	s11 =	simm.s32 $0x0;
	[sflag:s2] =	ssyncset.done $0x0  }
0x17d: {  	s13 =	simm.s32 $0x0;
	s10 =	rddreg [dreg:$0x16];
	[sflag:s2] =	ssyncadd.s32 $0xFFFFC000  }
0x17e: {  	[tilespmem:s19], [sflag:$0x7] =	stream.linear.gather [hbm4b:s10+s4], $0x4000, $0x38;
	[tilespmem:$0x1C000] =	vst v63  }
0x17f: {  	s12 =	sand.u32 $0x1C00, s4;
	s5 =	sand.u32 $0x2000, s11;
	_ =	swait.ge [sflag:s24], $0x4000  }
0x180: {  	s14 =	sand.u32 $0x380, s13;
	s5 =	sor.u32 s12, s5;
	[sflag:s24] =	ssyncset.done $0x0  }
0x181: {  	s7 =	sor.u32 s14, s5;
	[sflag:s24] =	ssyncadd.s32 $0xFFFFC000  }
0x182: {  	v0 =	vld [tilespmem:s7+$0x4070]  }
0x183: {  	v5 =	vld [tilespmem:s7+$0x4000]  }
0x184: {  	v6 =	vld [tilespmem:s7+$0x4010]  }
0x185: {  	v4 =	vld [tilespmem:s7+$0x4020]  }
0x186: {  	v1 =	vld [tilespmem:s7+$0x4030]  }
0x187: {  	v3 =	vld [tilespmem:s7+$0x4040]  }
0x188: {  	s5 =	sor.u32 $0x10070, s7;
	v2 =	vld [tilespmem:s7+$0x4060]  }
0x189: {  	[tilespmem:s5+$0x0] =	vst.add.f32.msk $0xffff, v0  }
0x18a: {  	s6 =	sor.u32 $0x10000, s7;
	s11 =	sor.u32 $0x10010, s7;
	v0 =	vld [tilespmem:s7+$0x4050]  }
0x18b: {  	s9 =	sor.u32 $0x10020, s7;
	s8 =	sor.u32 $0x10040, s7;
	s10 =	sor.u32 $0x10030, s7;
	[tilespmem:s6+$0x0] =	vst.add.f32.msk $0xffff, v5  }
0x18c: {  	s5 =	simm.s32 $0x0;
	s6 =	sor.u32 $0x10050, s7;
	s7 =	sor.u32 $0x10060, s7;
	[tilespmem:s11+$0x0] =	vst.add.f32.msk $0xffff, v6  }
.LBB2_16:
0x18d: {  	s5 =	sadd.s32 $0x8, s5;
	[tilespmem:s9+$0x0] =	vst.add.f32.msk $0xffff, v4  }
0x18e: {  	s4 =	sadd.s32 $0x400, s4;
	s9 =	sshll.u32 s5, $0x4;
	p0 =	slt.u32 s5, $0x3F8;
	[tilespmem:s10+$0x0] =	vst.add.f32.msk $0xffff, v1  }
0x18f: {  	s10 =	sand.u32 $0x1C00, s4;
	s11 =	sshll.u32 s5, $0x1;
	s9 =	sand.u32 $0x2000, s9;
	[tilespmem:s8+$0x0] =	vst.add.f32.msk $0xffff, v3  }
0x190: {  	s8 =	sor.u32 s10, s9;
	s9 =	sand.u32 $0x380, s11;
	[tilespmem:s6+$0x0] =	vst.add.f32.msk $0xffff, v0  }
0x191: {  	s11 =	sor.u32 s9, s8;
	[tilespmem:s7+$0x0] =	vst.add.f32.msk $0xffff, v2  }
0x192: {  	s12 =	sor.u32 $0x10000, s11;
	s13 =	sor.u32 $0x10010, s11;
	s9 =	sor.u32 $0x10020, s11;
	v0 =	vld [tilespmem:s11+$0x4070]  }
0x193: {  	s10 =	sor.u32 $0x10030, s11;
	s8 =	sor.u32 $0x10040, s11;
	s6 =	sor.u32 $0x10050, s11;
	v5 =	vld [tilespmem:s11+$0x4000]  }
0x194: {  	s7 =	sor.u32 $0x10060, s11;
	v6 =	vld [tilespmem:s11+$0x4010]  }
0x195: {  	v4 =	vld [tilespmem:s11+$0x4020]  }
0x196: {  	s14 =	sor.u32 $0x10070, s11;
	v1 =	vld [tilespmem:s11+$0x4030]  }
0x197: {  	[tilespmem:s14+$0x0] =	vst.add.f32.msk $0xffff, v0  }
.Ltmp7:
0x198: {  	v3 =	vld [tilespmem:s11+$0x4040];
	(pc) =	sbr.rel @p0 .LBB2_16-.Ltmp7, $4  }
0x199: {  	v0 =	vld [tilespmem:s11+$0x4050]  }
0x19a: {  	v2 =	vld [tilespmem:s11+$0x4060]  }
0x19b: {  	[tilespmem:s12+$0x0] =	vst.add.f32.msk $0xffff, v5  }
0x19c: {  	[tilespmem:s13+$0x0] =	vst.add.f32.msk $0xffff, v6  }
0x19d: {  	[tilespmem:s9+$0x0] =	vst.add.f32.msk $0xffff, v4  }
0x19e: {  	[tilespmem:s10+$0x0] =	vst.add.f32.msk $0xffff, v1  }
0x19f: {  	[tilespmem:s8+$0x0] =	vst.add.f32.msk $0xffff, v3  }
0x1a0: {  	[tilespmem:s6+$0x0] =	vst.add.f32.msk $0xffff, v0  }
0x1a1: {  	[tilespmem:s7+$0x0] =	vst.add.f32.msk $0xffff, v2  }
0x1a2: {  	s4 =	simm.s32 $0x0;
	s5 =	rddreg [dreg:$0x14]  }
0x1a3: {  	[hbm4b:s5+s4] =	stream.linear.scatter [tilespmem:s17], [sflag:$0xA], $0x4000, $0x38;
	[tilespmem:$0x1C000] =	vst v63  }
0x1a4: {  	_ =	swait.ge [sflag:s25], $0x4000  }
0x1a5: {  	[sflag:s25] =	ssyncset.done $0x0  }
0x1a6: {  	s9 =	rddreg [dreg:$0x18];
	[sflag:s25] =	ssyncadd.s32 $0xFFFFC000  }
0x1a7: {  	[tilespmem:s15], [sflag:$0x3] =	stream.linear.gather [hbm4b:s9+s4], $0x4000, $0x38;
	[tilespmem:$0x1C000] =	vst v63  }
0x1a8: {  	s10 =	rddreg [dreg:$0x1c]  }
0x1a9: {  	[tilespmem:s20], [sflag:$0x2] =	stream.linear.gather [hbm4b:s10+s4], $0x4000, $0x38;
	[tilespmem:$0x1C000] =	vst v63  }
0x1aa: {  	_ =	swait.ge [sflag:s21], $0x4000  }
0x1ab: {  	[sflag:s21] =	ssyncset.done $0x0  }
0x1ac: {  	s11 =	simm.s32 $0x0;
	s13 =	simm.s32 $0x0;
	[sflag:s21] =	ssyncadd.s32 $0xFFFFC000  }
0x1ad: {  	s12 =	sand.u32 $0x1C00, s4;
	s5 =	sand.u32 $0x2000, s11;
	_ =	swait.ge [sflag:s26], $0x4000  }
0x1ae: {  	s14 =	sand.u32 $0x380, s13;
	s5 =	sor.u32 s12, s5;
	[sflag:s26] =	ssyncset.done $0x0  }
0x1af: {  	s7 =	sor.u32 s14, s5;
	[sflag:s26] =	ssyncadd.s32 $0xFFFFC000  }
0x1b0: {  	v0 =	vld [tilespmem:s7+$0x70]  }
0x1b1: {  	v5 =	vld [tilespmem:s7+$0x0]  }
0x1b2: {  	v6 =	vld [tilespmem:s7+$0x10]  }
0x1b3: {  	v4 =	vld [tilespmem:s7+$0x20]  }
0x1b4: {  	v1 =	vld [tilespmem:s7+$0x30]  }
0x1b5: {  	v3 =	vld [tilespmem:s7+$0x40]  }
0x1b6: {  	s5 =	sor.u32 $0x14070, s7;
	v2 =	vld [tilespmem:s7+$0x60]  }
0x1b7: {  	[tilespmem:s5+$0x0] =	vst.add.f32.msk $0xffff, v0  }
0x1b8: {  	s6 =	sor.u32 $0x14000, s7;
	s11 =	sor.u32 $0x14010, s7;
	v0 =	vld [tilespmem:s7+$0x50]  }
0x1b9: {  	s8 =	sor.u32 $0x14040, s7;
	s9 =	sor.u32 $0x14020, s7;
	s10 =	sor.u32 $0x14030, s7;
	[tilespmem:s6+$0x0] =	vst.add.f32.msk $0xffff, v5  }
0x1ba: {  	s5 =	simm.s32 $0x0;
	s6 =	sor.u32 $0x14050, s7;
	s7 =	sor.u32 $0x14060, s7;
	[tilespmem:s11+$0x0] =	vst.add.f32.msk $0xffff, v6  }
.LBB2_18:
0x1bb: {  	s5 =	sadd.s32 $0x8, s5;
	[tilespmem:s9+$0x0] =	vst.add.f32.msk $0xffff, v4  }
0x1bc: {  	s4 =	sadd.s32 $0x400, s4;
	s9 =	sshll.u32 s5, $0x4;
	p0 =	slt.u32 s5, $0x3F8;
	[tilespmem:s10+$0x0] =	vst.add.f32.msk $0xffff, v1  }
0x1bd: {  	s10 =	sand.u32 $0x1C00, s4;
	s11 =	sshll.u32 s5, $0x1;
	s9 =	sand.u32 $0x2000, s9;
	[tilespmem:s8+$0x0] =	vst.add.f32.msk $0xffff, v3  }
0x1be: {  	s8 =	sor.u32 s10, s9;
	s9 =	sand.u32 $0x380, s11;
	[tilespmem:s6+$0x0] =	vst.add.f32.msk $0xffff, v0  }
0x1bf: {  	s11 =	sor.u32 s9, s8;
	[tilespmem:s7+$0x0] =	vst.add.f32.msk $0xffff, v2  }
0x1c0: {  	s12 =	sor.u32 $0x14000, s11;
	s13 =	sor.u32 $0x14010, s11;
	s9 =	sor.u32 $0x14020, s11;
	v0 =	vld [tilespmem:s11+$0x70]  }
0x1c1: {  	s10 =	sor.u32 $0x14030, s11;
	s8 =	sor.u32 $0x14040, s11;
	s6 =	sor.u32 $0x14050, s11;
	v5 =	vld [tilespmem:s11+$0x0]  }
0x1c2: {  	s7 =	sor.u32 $0x14060, s11;
	v6 =	vld [tilespmem:s11+$0x10]  }
0x1c3: {  	v4 =	vld [tilespmem:s11+$0x20]  }
0x1c4: {  	s14 =	sor.u32 $0x14070, s11;
	v1 =	vld [tilespmem:s11+$0x30]  }
0x1c5: {  	[tilespmem:s14+$0x0] =	vst.add.f32.msk $0xffff, v0  }
.Ltmp8:
0x1c6: {  	v3 =	vld [tilespmem:s11+$0x40];
	(pc) =	sbr.rel @p0 .LBB2_18-.Ltmp8, $4  }
0x1c7: {  	v0 =	vld [tilespmem:s11+$0x50]  }
0x1c8: {  	v2 =	vld [tilespmem:s11+$0x60]  }
0x1c9: {  	[tilespmem:s12+$0x0] =	vst.add.f32.msk $0xffff, v5  }
0x1ca: {  	[tilespmem:s13+$0x0] =	vst.add.f32.msk $0xffff, v6  }
0x1cb: {  	[tilespmem:s9+$0x0] =	vst.add.f32.msk $0xffff, v4  }
0x1cc: {  	[tilespmem:s10+$0x0] =	vst.add.f32.msk $0xffff, v1  }
0x1cd: {  	[tilespmem:s8+$0x0] =	vst.add.f32.msk $0xffff, v3  }
0x1ce: {  	[tilespmem:s6+$0x0] =	vst.add.f32.msk $0xffff, v0  }
0x1cf: {  	[tilespmem:s7+$0x0] =	vst.add.f32.msk $0xffff, v2  }
0x1d0: {  	s4 =	simm.s32 $0x0;
	s5 =	rddreg [dreg:$0x15]  }
0x1d1: {  	[hbm4b:s5+s4] =	stream.linear.scatter [tilespmem:s18], [sflag:$0xB], $0x4000, $0x38;
	[tilespmem:$0x1C000] =	vst v63  }
0x1d2: {  	_ =	swait.ge [sflag:s28], $0x4000  }
0x1d3: {  	s11 =	simm.s32 $0x0;
	[sflag:s28] =	ssyncset.done $0x0  }
0x1d4: {  	s13 =	simm.s32 $0x0;
	s10 =	rddreg [dreg:$0x1a];
	[sflag:s28] =	ssyncadd.s32 $0xFFFFC000  }
0x1d5: {  	[tilespmem:s16], [sflag:$0x4] =	stream.linear.gather [hbm4b:s10+s4], $0x4000, $0x38;
	[tilespmem:$0x1C000] =	vst v63  }
0x1d6: {  	s12 =	sand.u32 $0x1C00, s4;
	s5 =	sand.u32 $0x2000, s11;
	_ =	swait.ge [sflag:s30], $0x4000  }
0x1d7: {  	s14 =	sand.u32 $0x380, s13;
	s5 =	sor.u32 s12, s5;
	[sflag:s30] =	ssyncset.done $0x0  }
0x1d8: {  	s7 =	sor.u32 s14, s5;
	[sflag:s30] =	ssyncadd.s32 $0xFFFFC000  }
0x1d9: {  	v0 =	vld [tilespmem:s7+$0x70]  }
0x1da: {  	v5 =	vld [tilespmem:s7+$0x0]  }
0x1db: {  	v6 =	vld [tilespmem:s7+$0x10]  }
0x1dc: {  	v4 =	vld [tilespmem:s7+$0x20]  }
0x1dd: {  	v1 =	vld [tilespmem:s7+$0x30]  }
0x1de: {  	v3 =	vld [tilespmem:s7+$0x40]  }
0x1df: {  	s5 =	sor.u32 $0x18070, s7;
	v2 =	vld [tilespmem:s7+$0x60]  }
0x1e0: {  	[tilespmem:s5+$0x0] =	vst.add.f32.msk $0xffff, v0  }
0x1e1: {  	s6 =	sor.u32 $0x18000, s7;
	s11 =	sor.u32 $0x18010, s7;
	v0 =	vld [tilespmem:s7+$0x50]  }
0x1e2: {  	s9 =	sor.u32 $0x18020, s7;
	s8 =	sor.u32 $0x18040, s7;
	s10 =	sor.u32 $0x18030, s7;
	[tilespmem:s6+$0x0] =	vst.add.f32.msk $0xffff, v5  }
0x1e3: {  	s5 =	simm.s32 $0x0;
	s6 =	sor.u32 $0x18050, s7;
	s7 =	sor.u32 $0x18060, s7;
	[tilespmem:s11+$0x0] =	vst.add.f32.msk $0xffff, v6  }
.LBB2_20:
0x1e4: {  	s5 =	sadd.s32 $0x8, s5;
	[tilespmem:s9+$0x0] =	vst.add.f32.msk $0xffff, v4  }
0x1e5: {  	s4 =	sadd.s32 $0x400, s4;
	s9 =	sshll.u32 s5, $0x4;
	p0 =	slt.u32 s5, $0x3F8;
	[tilespmem:s10+$0x0] =	vst.add.f32.msk $0xffff, v1  }
0x1e6: {  	s10 =	sand.u32 $0x1C00, s4;
	s11 =	sshll.u32 s5, $0x1;
	s9 =	sand.u32 $0x2000, s9;
	[tilespmem:s8+$0x0] =	vst.add.f32.msk $0xffff, v3  }
0x1e7: {  	s8 =	sor.u32 s10, s9;
	s9 =	sand.u32 $0x380, s11;
	[tilespmem:s6+$0x0] =	vst.add.f32.msk $0xffff, v0  }
0x1e8: {  	s11 =	sor.u32 s9, s8;
	[tilespmem:s7+$0x0] =	vst.add.f32.msk $0xffff, v2  }
0x1e9: {  	s12 =	sor.u32 $0x18000, s11;
	s13 =	sor.u32 $0x18010, s11;
	s9 =	sor.u32 $0x18020, s11;
	v0 =	vld [tilespmem:s11+$0x70]  }
0x1ea: {  	s10 =	sor.u32 $0x18030, s11;
	s8 =	sor.u32 $0x18040, s11;
	s6 =	sor.u32 $0x18050, s11;
	v5 =	vld [tilespmem:s11+$0x0]  }
0x1eb: {  	s7 =	sor.u32 $0x18060, s11;
	v6 =	vld [tilespmem:s11+$0x10]  }
0x1ec: {  	v4 =	vld [tilespmem:s11+$0x20]  }
0x1ed: {  	s14 =	sor.u32 $0x18070, s11;
	v1 =	vld [tilespmem:s11+$0x30]  }
0x1ee: {  	[tilespmem:s14+$0x0] =	vst.add.f32.msk $0xffff, v0  }
.Ltmp9:
0x1ef: {  	v3 =	vld [tilespmem:s11+$0x40];
	(pc) =	sbr.rel @p0 .LBB2_20-.Ltmp9, $4  }
0x1f0: {  	v0 =	vld [tilespmem:s11+$0x50]  }
0x1f1: {  	v2 =	vld [tilespmem:s11+$0x60]  }
0x1f2: {  	[tilespmem:s12+$0x0] =	vst.add.f32.msk $0xffff, v5  }
0x1f3: {  	[tilespmem:s13+$0x0] =	vst.add.f32.msk $0xffff, v6  }
0x1f4: {  	[tilespmem:s9+$0x0] =	vst.add.f32.msk $0xffff, v4  }
0x1f5: {  	[tilespmem:s10+$0x0] =	vst.add.f32.msk $0xffff, v1  }
0x1f6: {  	[tilespmem:s8+$0x0] =	vst.add.f32.msk $0xffff, v3  }
0x1f7: {  	[tilespmem:s6+$0x0] =	vst.add.f32.msk $0xffff, v0  }
0x1f8: {  	[tilespmem:s7+$0x0] =	vst.add.f32.msk $0xffff, v2  }
0x1f9: {  	s4 =	simm.s32 $0x0;
	s5 =	rddreg [dreg:$0x17]  }
0x1fa: {  	[hbm4b:s5+s4] =	stream.linear.scatter [tilespmem:s19], [sflag:$0xC], $0x4000, $0x38;
	[tilespmem:$0x1C000] =	vst v63  }
0x1fb: {  	_ =	swait.ge [sflag:s31], $0x4000  }
0x1fc: {  	s11 =	simm.s32 $0x0;
	[sflag:s31] =	ssyncset.done $0x0  }
0x1fd: {  	s13 =	simm.s32 $0x0;
	s10 =	rddreg [dreg:$0x1d];
	[sflag:s31] =	ssyncadd.s32 $0xFFFFC000  }
0x1fe: {  	[tilespmem:s17], [sflag:$0x5] =	stream.linear.gather [hbm4b:s10+s4], $0x4000, $0x38;
	[tilespmem:$0x1C000] =	vst v63  }
0x1ff: {  	s12 =	sand.u32 $0x1C00, s4;
	s5 =	sand.u32 $0x2000, s11;
	_ =	swait.ge [sflag:s22], $0x4000  }
0x200: {  	s14 =	sand.u32 $0x380, s13;
	s5 =	sor.u32 s12, s5;
	[sflag:s22] =	ssyncset.done $0x0  }
0x201: {  	s7 =	sor.u32 s14, s5;
	[sflag:s22] =	ssyncadd.s32 $0xFFFFC000  }
0x202: {  	v0 =	vld [tilespmem:s7+$0x70]  }
0x203: {  	v5 =	vld [tilespmem:s7+$0x0]  }
0x204: {  	v6 =	vld [tilespmem:s7+$0x10]  }
0x205: {  	v4 =	vld [tilespmem:s7+$0x20]  }
0x206: {  	v1 =	vld [tilespmem:s7+$0x30]  }
0x207: {  	v3 =	vld [tilespmem:s7+$0x40]  }
0x208: {  	s5 =	sor.u32 $0x8070, s7;
	v2 =	vld [tilespmem:s7+$0x60]  }
0x209: {  	[tilespmem:s5+$0x0] =	vst.add.f32.msk $0xffff, v0  }
0x20a: {  	s6 =	sor.u32 $0x8000, s7;
	s11 =	sor.u32 $0x8010, s7;
	v0 =	vld [tilespmem:s7+$0x50]  }
0x20b: {  	s9 =	sor.u32 $0x8020, s7;
	s8 =	sor.u32 $0x8040, s7;
	s10 =	sor.u32 $0x8030, s7;
	[tilespmem:s6+$0x0] =	vst.add.f32.msk $0xffff, v5  }
0x20c: {  	s5 =	simm.s32 $0x0;
	s6 =	sor.u32 $0x8050, s7;
	s7 =	sor.u32 $0x8060, s7;
	[tilespmem:s11+$0x0] =	vst.add.f32.msk $0xffff, v6  }
.LBB2_22:
0x20d: {  	s5 =	sadd.s32 $0x8, s5;
	[tilespmem:s9+$0x0] =	vst.add.f32.msk $0xffff, v4  }
0x20e: {  	s4 =	sadd.s32 $0x400, s4;
	s9 =	sshll.u32 s5, $0x4;
	p0 =	slt.u32 s5, $0x3F8;
	[tilespmem:s10+$0x0] =	vst.add.f32.msk $0xffff, v1  }
0x20f: {  	s10 =	sand.u32 $0x1C00, s4;
	s11 =	sshll.u32 s5, $0x1;
	s9 =	sand.u32 $0x2000, s9;
	[tilespmem:s8+$0x0] =	vst.add.f32.msk $0xffff, v3  }
0x210: {  	s8 =	sor.u32 s10, s9;
	s9 =	sand.u32 $0x380, s11;
	[tilespmem:s6+$0x0] =	vst.add.f32.msk $0xffff, v0  }
0x211: {  	s11 =	sor.u32 s9, s8;
	[tilespmem:s7+$0x0] =	vst.add.f32.msk $0xffff, v2  }
0x212: {  	s12 =	sor.u32 $0x8000, s11;
	s13 =	sor.u32 $0x8010, s11;
	s9 =	sor.u32 $0x8020, s11;
	v0 =	vld [tilespmem:s11+$0x70]  }
0x213: {  	s10 =	sor.u32 $0x8030, s11;
	s8 =	sor.u32 $0x8040, s11;
	s6 =	sor.u32 $0x8050, s11;
	v5 =	vld [tilespmem:s11+$0x0]  }
0x214: {  	s7 =	sor.u32 $0x8060, s11;
	v6 =	vld [tilespmem:s11+$0x10]  }
0x215: {  	v4 =	vld [tilespmem:s11+$0x20]  }
0x216: {  	s14 =	sor.u32 $0x8070, s11;
	v1 =	vld [tilespmem:s11+$0x30]  }
0x217: {  	[tilespmem:s14+$0x0] =	vst.add.f32.msk $0xffff, v0  }
.Ltmp10:
0x218: {  	v3 =	vld [tilespmem:s11+$0x40];
	(pc) =	sbr.rel @p0 .LBB2_22-.Ltmp10, $4  }
0x219: {  	v0 =	vld [tilespmem:s11+$0x50]  }
0x21a: {  	v2 =	vld [tilespmem:s11+$0x60]  }
0x21b: {  	[tilespmem:s12+$0x0] =	vst.add.f32.msk $0xffff, v5  }
0x21c: {  	[tilespmem:s13+$0x0] =	vst.add.f32.msk $0xffff, v6  }
0x21d: {  	[tilespmem:s9+$0x0] =	vst.add.f32.msk $0xffff, v4  }
0x21e: {  	[tilespmem:s10+$0x0] =	vst.add.f32.msk $0xffff, v1  }
0x21f: {  	[tilespmem:s8+$0x0] =	vst.add.f32.msk $0xffff, v3  }
0x220: {  	[tilespmem:s6+$0x0] =	vst.add.f32.msk $0xffff, v0  }
0x221: {  	[tilespmem:s7+$0x0] =	vst.add.f32.msk $0xffff, v2  }
0x222: {  	s4 =	simm.s32 $0x0;
	s5 =	rddreg [dreg:$0x19]  }
0x223: {  	[hbm4b:s5+s4] =	stream.linear.scatter [tilespmem:s15], [sflag:$0x8], $0x4000, $0x38;
	[tilespmem:$0x1C000] =	vst v63  }
0x224: {  	_ =	swait.ge [sflag:s0], $0x4000  }
0x225: {  	s11 =	simm.s32 $0x0;
	[sflag:s0] =	ssyncset.done $0x0  }
0x226: {  	s13 =	simm.s32 $0x0;
	s10 =	rddreg [dreg:$0x1f];
	[sflag:s0] =	ssyncadd.s32 $0xFFFFC000  }
0x227: {  	[tilespmem:s18], [sflag:$0x6] =	stream.linear.gather [hbm4b:s10+s4], $0x4000, $0x38;
	[tilespmem:$0x1C000] =	vst v63  }
0x228: {  	s12 =	sand.u32 $0x1C00, s4;
	s5 =	sand.u32 $0x2000, s11;
	_ =	swait.ge [sflag:s23], $0x4000  }
0x229: {  	s14 =	sand.u32 $0x380, s13;
	s5 =	sor.u32 s12, s5;
	[sflag:s23] =	ssyncset.done $0x0  }
0x22a: {  	s7 =	sor.u32 s14, s5;
	[sflag:s23] =	ssyncadd.s32 $0xFFFFC000  }
0x22b: {  	v0 =	vld [tilespmem:s7+$0x70]  }
0x22c: {  	v5 =	vld [tilespmem:s7+$0x0]  }
0x22d: {  	v6 =	vld [tilespmem:s7+$0x10]  }
0x22e: {  	v4 =	vld [tilespmem:s7+$0x20]  }
0x22f: {  	v1 =	vld [tilespmem:s7+$0x30]  }
0x230: {  	v3 =	vld [tilespmem:s7+$0x40]  }
0x231: {  	s5 =	sor.u32 $0xC070, s7;
	v2 =	vld [tilespmem:s7+$0x60]  }
0x232: {  	[tilespmem:s5+$0x0] =	vst.add.f32.msk $0xffff, v0  }
0x233: {  	s6 =	sor.u32 $0xC000, s7;
	s11 =	sor.u32 $0xC010, s7;
	v0 =	vld [tilespmem:s7+$0x50]  }
0x234: {  	s9 =	sor.u32 $0xC020, s7;
	s8 =	sor.u32 $0xC040, s7;
	s10 =	sor.u32 $0xC030, s7;
	[tilespmem:s6+$0x0] =	vst.add.f32.msk $0xffff, v5  }
0x235: {  	s5 =	simm.s32 $0x0;
	s6 =	sor.u32 $0xC050, s7;
	s7 =	sor.u32 $0xC060, s7;
	[tilespmem:s11+$0x0] =	vst.add.f32.msk $0xffff, v6  }
.LBB2_24:
0x236: {  	s5 =	sadd.s32 $0x8, s5;
	[tilespmem:s9+$0x0] =	vst.add.f32.msk $0xffff, v4  }
0x237: {  	s4 =	sadd.s32 $0x400, s4;
	s9 =	sshll.u32 s5, $0x4;
	p0 =	slt.u32 s5, $0x3F8;
	[tilespmem:s10+$0x0] =	vst.add.f32.msk $0xffff, v1  }
0x238: {  	s10 =	sand.u32 $0x1C00, s4;
	s11 =	sshll.u32 s5, $0x1;
	s9 =	sand.u32 $0x2000, s9;
	[tilespmem:s8+$0x0] =	vst.add.f32.msk $0xffff, v3  }
0x239: {  	s8 =	sor.u32 s10, s9;
	s9 =	sand.u32 $0x380, s11;
	[tilespmem:s6+$0x0] =	vst.add.f32.msk $0xffff, v0  }
0x23a: {  	s11 =	sor.u32 s9, s8;
	[tilespmem:s7+$0x0] =	vst.add.f32.msk $0xffff, v2  }
0x23b: {  	s12 =	sor.u32 $0xC000, s11;
	s13 =	sor.u32 $0xC010, s11;
	s9 =	sor.u32 $0xC020, s11;
	v0 =	vld [tilespmem:s11+$0x70]  }
0x23c: {  	s10 =	sor.u32 $0xC030, s11;
	s8 =	sor.u32 $0xC040, s11;
	s6 =	sor.u32 $0xC050, s11;
	v5 =	vld [tilespmem:s11+$0x0]  }
0x23d: {  	s7 =	sor.u32 $0xC060, s11;
	v6 =	vld [tilespmem:s11+$0x10]  }
0x23e: {  	v4 =	vld [tilespmem:s11+$0x20]  }
0x23f: {  	s14 =	sor.u32 $0xC070, s11;
	v1 =	vld [tilespmem:s11+$0x30]  }
0x240: {  	[tilespmem:s14+$0x0] =	vst.add.f32.msk $0xffff, v0  }
.Ltmp11:
0x241: {  	v3 =	vld [tilespmem:s11+$0x40];
	(pc) =	sbr.rel @p0 .LBB2_24-.Ltmp11, $4  }
0x242: {  	v0 =	vld [tilespmem:s11+$0x50]  }
0x243: {  	v2 =	vld [tilespmem:s11+$0x60]  }
0x244: {  	[tilespmem:s12+$0x0] =	vst.add.f32.msk $0xffff, v5  }
0x245: {  	[tilespmem:s13+$0x0] =	vst.add.f32.msk $0xffff, v6  }
0x246: {  	[tilespmem:s9+$0x0] =	vst.add.f32.msk $0xffff, v4  }
0x247: {  	[tilespmem:s10+$0x0] =	vst.add.f32.msk $0xffff, v1  }
0x248: {  	[tilespmem:s8+$0x0] =	vst.add.f32.msk $0xffff, v3  }
0x249: {  	[tilespmem:s6+$0x0] =	vst.add.f32.msk $0xffff, v0  }
0x24a: {  	[tilespmem:s7+$0x0] =	vst.add.f32.msk $0xffff, v2  }
0x24b: {  	s4 =	simm.s32 $0x0;
	s5 =	rddreg [dreg:$0x1b]  }
0x24c: {  	[hbm4b:s5+s4] =	stream.linear.scatter [tilespmem:s16], [sflag:$0x9], $0x4000, $0x38;
	[tilespmem:$0x1C000] =	vst v63  }
0x24d: {  	_ =	swait.ge [sflag:s2], $0x4000  }
0x24e: {  	s9 =	sld [smem:$0x7D2]  }
0x24f: {  	[sflag:s2] =	ssyncset.done $0x0  }
0x250: {  	s10 =	sld [smem:$0x7D6];
	[sflag:s2] =	ssyncadd.s32 $0xFFFFC000  }
0x251: {  	[tilespmem:s19], [sflag:$0x7] =	stream.linear.gather [hbm4b:s9+s4], $0x4000, $0x38;
	[tilespmem:$0x1C000] =	vst v63  }
0x252: {  	_ = 	snop  }
0x253: {  	[tilespmem:s4], [sflag:$0x1] =	stream.linear.gather [hbm4b:s10+s4], $0x4000, $0x38;
	[tilespmem:$0x1C000] =	vst v63  }
0x254: {  	_ =	swait.ge [sflag:s29], $0x4000  }
0x255: {  	[sflag:s29] =	ssyncset.done $0x0  }
0x256: {  	s11 =	simm.s32 $0x0;
	s13 =	simm.s32 $0x0;
	[sflag:s29] =	ssyncadd.s32 $0xFFFFC000  }
0x257: {  	s12 =	sand.u32 $0x1C00, s4;
	s5 =	sand.u32 $0x2000, s11;
	_ =	swait.ge [sflag:s24], $0x4000  }
0x258: {  	s14 =	sand.u32 $0x380, s13;
	s5 =	sor.u32 s12, s5;
	[sflag:s24] =	ssyncset.done $0x0  }
0x259: {  	s7 =	sor.u32 s14, s5;
	[sflag:s24] =	ssyncadd.s32 $0xFFFFC000  }
0x25a: {  	v0 =	vld [tilespmem:s7+$0x4070]  }
0x25b: {  	v5 =	vld [tilespmem:s7+$0x4000]  }
0x25c: {  	v6 =	vld [tilespmem:s7+$0x4010]  }
0x25d: {  	v4 =	vld [tilespmem:s7+$0x4020]  }
0x25e: {  	v1 =	vld [tilespmem:s7+$0x4030]  }
0x25f: {  	v3 =	vld [tilespmem:s7+$0x4040]  }
0x260: {  	s5 =	sor.u32 $0x10070, s7;
	v2 =	vld [tilespmem:s7+$0x4060]  }
0x261: {  	[tilespmem:s5+$0x0] =	vst.add.f32.msk $0xffff, v0  }
0x262: {  	s6 =	sor.u32 $0x10000, s7;
	s11 =	sor.u32 $0x10010, s7;
	v0 =	vld [tilespmem:s7+$0x4050]  }
0x263: {  	s8 =	sor.u32 $0x10040, s7;
	s9 =	sor.u32 $0x10020, s7;
	s10 =	sor.u32 $0x10030, s7;
	[tilespmem:s6+$0x0] =	vst.add.f32.msk $0xffff, v5  }
0x264: {  	s5 =	simm.s32 $0x0;
	s6 =	sor.u32 $0x10050, s7;
	s7 =	sor.u32 $0x10060, s7;
	[tilespmem:s11+$0x0] =	vst.add.f32.msk $0xffff, v6  }
.LBB2_26:
0x265: {  	s5 =	sadd.s32 $0x8, s5;
	[tilespmem:s9+$0x0] =	vst.add.f32.msk $0xffff, v4  }
0x266: {  	s4 =	sadd.s32 $0x400, s4;
	s9 =	sshll.u32 s5, $0x4;
	p0 =	slt.u32 s5, $0x3F8;
	[tilespmem:s10+$0x0] =	vst.add.f32.msk $0xffff, v1  }
0x267: {  	s10 =	sand.u32 $0x1C00, s4;
	s11 =	sshll.u32 s5, $0x1;
	s9 =	sand.u32 $0x2000, s9;
	[tilespmem:s8+$0x0] =	vst.add.f32.msk $0xffff, v3  }
0x268: {  	s8 =	sor.u32 s10, s9;
	s9 =	sand.u32 $0x380, s11;
	[tilespmem:s6+$0x0] =	vst.add.f32.msk $0xffff, v0  }
0x269: {  	s11 =	sor.u32 s9, s8;
	[tilespmem:s7+$0x0] =	vst.add.f32.msk $0xffff, v2  }
0x26a: {  	s12 =	sor.u32 $0x10000, s11;
	s13 =	sor.u32 $0x10010, s11;
	s9 =	sor.u32 $0x10020, s11;
	v0 =	vld [tilespmem:s11+$0x4070]  }
0x26b: {  	s10 =	sor.u32 $0x10030, s11;
	s8 =	sor.u32 $0x10040, s11;
	s6 =	sor.u32 $0x10050, s11;
	v5 =	vld [tilespmem:s11+$0x4000]  }
0x26c: {  	s7 =	sor.u32 $0x10060, s11;
	v6 =	vld [tilespmem:s11+$0x4010]  }
0x26d: {  	v4 =	vld [tilespmem:s11+$0x4020]  }
0x26e: {  	s14 =	sor.u32 $0x10070, s11;
	v1 =	vld [tilespmem:s11+$0x4030]  }
0x26f: {  	[tilespmem:s14+$0x0] =	vst.add.f32.msk $0xffff, v0  }
.Ltmp12:
0x270: {  	v3 =	vld [tilespmem:s11+$0x4040];
	(pc) =	sbr.rel @p0 .LBB2_26-.Ltmp12, $4  }
0x271: {  	v0 =	vld [tilespmem:s11+$0x4050]  }
0x272: {  	v2 =	vld [tilespmem:s11+$0x4060]  }
0x273: {  	[tilespmem:s12+$0x0] =	vst.add.f32.msk $0xffff, v5  }
0x274: {  	[tilespmem:s13+$0x0] =	vst.add.f32.msk $0xffff, v6  }
0x275: {  	[tilespmem:s9+$0x0] =	vst.add.f32.msk $0xffff, v4  }
0x276: {  	[tilespmem:s10+$0x0] =	vst.add.f32.msk $0xffff, v1  }
0x277: {  	[tilespmem:s8+$0x0] =	vst.add.f32.msk $0xffff, v3  }
0x278: {  	[tilespmem:s6+$0x0] =	vst.add.f32.msk $0xffff, v0  }
0x279: {  	[tilespmem:s7+$0x0] =	vst.add.f32.msk $0xffff, v2  }
0x27a: {  	s4 =	simm.s32 $0x0;
	s5 =	rddreg [dreg:$0x1e]  }
0x27b: {  	[hbm4b:s5+s4] =	stream.linear.scatter [tilespmem:s17], [sflag:$0xA], $0x4000, $0x38;
	[tilespmem:$0x1C000] =	vst v63  }
0x27c: {  	_ =	swait.ge [sflag:s25], $0x4000  }
0x27d: {  	s10 =	sld [smem:$0x7D4]  }
0x27e: {  	[sflag:s25] =	ssyncset.done $0x0  }
0x27f: {  	s11 =	simm.s32 $0x0;
	s13 =	simm.s32 $0x0;
	[sflag:s25] =	ssyncadd.s32 $0xFFFFC000  }
0x280: {  	[tilespmem:s15], [sflag:$0x3] =	stream.linear.gather [hbm4b:s10+s4], $0x4000, $0x38;
	[tilespmem:$0x1C000] =	vst v63  }
0x281: {  	s12 =	sand.u32 $0x1C00, s4;
	s5 =	sand.u32 $0x2000, s11;
	_ =	swait.ge [sflag:s26], $0x4000  }
0x282: {  	s14 =	sand.u32 $0x380, s13;
	s5 =	sor.u32 s12, s5;
	[sflag:s26] =	ssyncset.done $0x0  }
0x283: {  	s7 =	sor.u32 s14, s5;
	[sflag:s26] =	ssyncadd.s32 $0xFFFFC000  }
0x284: {  	v0 =	vld [tilespmem:s7+$0x4070]  }
0x285: {  	v5 =	vld [tilespmem:s7+$0x4000]  }
0x286: {  	v6 =	vld [tilespmem:s7+$0x4010]  }
0x287: {  	v4 =	vld [tilespmem:s7+$0x4020]  }
0x288: {  	v1 =	vld [tilespmem:s7+$0x4030]  }
0x289: {  	v3 =	vld [tilespmem:s7+$0x4040]  }
0x28a: {  	s5 =	sor.u32 $0x14070, s7;
	v2 =	vld [tilespmem:s7+$0x4060]  }
0x28b: {  	[tilespmem:s5+$0x0] =	vst.add.f32.msk $0xffff, v0  }
0x28c: {  	s6 =	sor.u32 $0x14000, s7;
	s11 =	sor.u32 $0x14010, s7;
	v0 =	vld [tilespmem:s7+$0x4050]  }
0x28d: {  	s9 =	sor.u32 $0x14020, s7;
	s8 =	sor.u32 $0x14040, s7;
	s10 =	sor.u32 $0x14030, s7;
	[tilespmem:s6+$0x0] =	vst.add.f32.msk $0xffff, v5  }
0x28e: {  	s5 =	simm.s32 $0x0;
	s6 =	sor.u32 $0x14050, s7;
	s7 =	sor.u32 $0x14060, s7;
	[tilespmem:s11+$0x0] =	vst.add.f32.msk $0xffff, v6  }
.LBB2_28:
0x28f: {  	s5 =	sadd.s32 $0x8, s5;
	[tilespmem:s9+$0x0] =	vst.add.f32.msk $0xffff, v4  }
0x290: {  	s4 =	sadd.s32 $0x400, s4;
	s9 =	sshll.u32 s5, $0x4;
	p0 =	slt.u32 s5, $0x3F8;
	[tilespmem:s10+$0x0] =	vst.add.f32.msk $0xffff, v1  }
0x291: {  	s10 =	sand.u32 $0x1C00, s4;
	s11 =	sshll.u32 s5, $0x1;
	s9 =	sand.u32 $0x2000, s9;
	[tilespmem:s8+$0x0] =	vst.add.f32.msk $0xffff, v3  }
0x292: {  	s8 =	sor.u32 s10, s9;
	s9 =	sand.u32 $0x380, s11;
	[tilespmem:s6+$0x0] =	vst.add.f32.msk $0xffff, v0  }
0x293: {  	s11 =	sor.u32 s9, s8;
	[tilespmem:s7+$0x0] =	vst.add.f32.msk $0xffff, v2  }
0x294: {  	s12 =	sor.u32 $0x14000, s11;
	s13 =	sor.u32 $0x14010, s11;
	s9 =	sor.u32 $0x14020, s11;
	v0 =	vld [tilespmem:s11+$0x4070]  }
0x295: {  	s10 =	sor.u32 $0x14030, s11;
	s8 =	sor.u32 $0x14040, s11;
	s6 =	sor.u32 $0x14050, s11;
	v5 =	vld [tilespmem:s11+$0x4000]  }
0x296: {  	s7 =	sor.u32 $0x14060, s11;
	v6 =	vld [tilespmem:s11+$0x4010]  }
0x297: {  	v4 =	vld [tilespmem:s11+$0x4020]  }
0x298: {  	s14 =	sor.u32 $0x14070, s11;
	v1 =	vld [tilespmem:s11+$0x4030]  }
0x299: {  	[tilespmem:s14+$0x0] =	vst.add.f32.msk $0xffff, v0  }
.Ltmp13:
0x29a: {  	v3 =	vld [tilespmem:s11+$0x4040];
	(pc) =	sbr.rel @p0 .LBB2_28-.Ltmp13, $4  }
0x29b: {  	v0 =	vld [tilespmem:s11+$0x4050]  }
0x29c: {  	v2 =	vld [tilespmem:s11+$0x4060]  }
0x29d: {  	[tilespmem:s12+$0x0] =	vst.add.f32.msk $0xffff, v5  }
0x29e: {  	[tilespmem:s13+$0x0] =	vst.add.f32.msk $0xffff, v6  }
0x29f: {  	[tilespmem:s9+$0x0] =	vst.add.f32.msk $0xffff, v4  }
0x2a0: {  	[tilespmem:s10+$0x0] =	vst.add.f32.msk $0xffff, v1  }
0x2a1: {  	[tilespmem:s8+$0x0] =	vst.add.f32.msk $0xffff, v3  }
0x2a2: {  	[tilespmem:s6+$0x0] =	vst.add.f32.msk $0xffff, v0  }
0x2a3: {  	[tilespmem:s7+$0x0] =	vst.add.f32.msk $0xffff, v2  }
0x2a4: {  	s5 =	sld [smem:$0x7D1];
	_ =	sdelay $0x1  }
0x2a5: {  	s4 =	simm.s32 $0x0  }
0x2a6: {  	[hbm4b:s5+s4] =	stream.linear.scatter [tilespmem:s18], [sflag:$0xB], $0x4000, $0x38;
	[tilespmem:$0x1C000] =	vst v63  }
0x2a7: {  	_ =	swait.ge [sflag:s28], $0x4000  }
0x2a8: {  	s10 =	sld [smem:$0x7D7]  }
0x2a9: {  	[sflag:s28] =	ssyncset.done $0x0  }
0x2aa: {  	s11 =	simm.s32 $0x0;
	s13 =	simm.s32 $0x0;
	[sflag:s28] =	ssyncadd.s32 $0xFFFFC000  }
0x2ab: {  	[tilespmem:s16], [sflag:$0x4] =	stream.linear.gather [hbm4b:s10+s4], $0x4000, $0x38;
	[tilespmem:$0x1C000] =	vst v63  }
0x2ac: {  	s12 =	sand.u32 $0x1C00, s4;
	s5 =	sand.u32 $0x2000, s11;
	_ =	swait.ge [sflag:s30], $0x4000  }
0x2ad: {  	s14 =	sand.u32 $0x380, s13;
	s5 =	sor.u32 s12, s5;
	[sflag:s30] =	ssyncset.done $0x0  }
0x2ae: {  	s7 =	sor.u32 s14, s5;
	[sflag:s30] =	ssyncadd.s32 $0xFFFFC000  }
0x2af: {  	v0 =	vld [tilespmem:s7+$0x4070]  }
0x2b0: {  	v5 =	vld [tilespmem:s7+$0x4000]  }
0x2b1: {  	v6 =	vld [tilespmem:s7+$0x4010]  }
0x2b2: {  	v4 =	vld [tilespmem:s7+$0x4020]  }
0x2b3: {  	v1 =	vld [tilespmem:s7+$0x4030]  }
0x2b4: {  	v3 =	vld [tilespmem:s7+$0x4040]  }
0x2b5: {  	s5 =	sor.u32 $0x18070, s7;
	v2 =	vld [tilespmem:s7+$0x4060]  }
0x2b6: {  	[tilespmem:s5+$0x0] =	vst.add.f32.msk $0xffff, v0  }
0x2b7: {  	s6 =	sor.u32 $0x18000, s7;
	s11 =	sor.u32 $0x18010, s7;
	v0 =	vld [tilespmem:s7+$0x4050]  }
0x2b8: {  	s9 =	sor.u32 $0x18020, s7;
	s8 =	sor.u32 $0x18040, s7;
	s10 =	sor.u32 $0x18030, s7;
	[tilespmem:s6+$0x0] =	vst.add.f32.msk $0xffff, v5  }
0x2b9: {  	s5 =	simm.s32 $0x0;
	s6 =	sor.u32 $0x18050, s7;
	s7 =	sor.u32 $0x18060, s7;
	[tilespmem:s11+$0x0] =	vst.add.f32.msk $0xffff, v6  }
.LBB2_30:
0x2ba: {  	s5 =	sadd.s32 $0x8, s5;
	[tilespmem:s9+$0x0] =	vst.add.f32.msk $0xffff, v4  }
0x2bb: {  	s4 =	sadd.s32 $0x400, s4;
	s9 =	sshll.u32 s5, $0x4;
	p0 =	slt.u32 s5, $0x3F8;
	[tilespmem:s10+$0x0] =	vst.add.f32.msk $0xffff, v1  }
0x2bc: {  	s10 =	sand.u32 $0x1C00, s4;
	s11 =	sshll.u32 s5, $0x1;
	s9 =	sand.u32 $0x2000, s9;
	[tilespmem:s8+$0x0] =	vst.add.f32.msk $0xffff, v3  }
0x2bd: {  	s8 =	sor.u32 s10, s9;
	s9 =	sand.u32 $0x380, s11;
	[tilespmem:s6+$0x0] =	vst.add.f32.msk $0xffff, v0  }
0x2be: {  	s11 =	sor.u32 s9, s8;
	[tilespmem:s7+$0x0] =	vst.add.f32.msk $0xffff, v2  }
0x2bf: {  	s12 =	sor.u32 $0x18000, s11;
	s13 =	sor.u32 $0x18010, s11;
	s9 =	sor.u32 $0x18020, s11;
	v0 =	vld [tilespmem:s11+$0x4070]  }
0x2c0: {  	s10 =	sor.u32 $0x18030, s11;
	s8 =	sor.u32 $0x18040, s11;
	s6 =	sor.u32 $0x18050, s11;
	v5 =	vld [tilespmem:s11+$0x4000]  }
0x2c1: {  	s7 =	sor.u32 $0x18060, s11;
	v6 =	vld [tilespmem:s11+$0x4010]  }
0x2c2: {  	v4 =	vld [tilespmem:s11+$0x4020]  }
0x2c3: {  	s14 =	sor.u32 $0x18070, s11;
	v1 =	vld [tilespmem:s11+$0x4030]  }
0x2c4: {  	[tilespmem:s14+$0x0] =	vst.add.f32.msk $0xffff, v0  }
.Ltmp14:
0x2c5: {  	v3 =	vld [tilespmem:s11+$0x4040];
	(pc) =	sbr.rel @p0 .LBB2_30-.Ltmp14, $4  }
0x2c6: {  	v0 =	vld [tilespmem:s11+$0x4050]  }
0x2c7: {  	v2 =	vld [tilespmem:s11+$0x4060]  }
0x2c8: {  	[tilespmem:s12+$0x0] =	vst.add.f32.msk $0xffff, v5  }
0x2c9: {  	[tilespmem:s13+$0x0] =	vst.add.f32.msk $0xffff, v6  }
0x2ca: {  	[tilespmem:s9+$0x0] =	vst.add.f32.msk $0xffff, v4  }
0x2cb: {  	[tilespmem:s10+$0x0] =	vst.add.f32.msk $0xffff, v1  }
0x2cc: {  	[tilespmem:s8+$0x0] =	vst.add.f32.msk $0xffff, v3  }
0x2cd: {  	[tilespmem:s6+$0x0] =	vst.add.f32.msk $0xffff, v0  }
0x2ce: {  	[tilespmem:s7+$0x0] =	vst.add.f32.msk $0xffff, v2  }
0x2cf: {  	s5 =	sld [smem:$0x7D3];
	_ =	sdelay $0x1  }
0x2d0: {  	s4 =	simm.s32 $0x0  }
0x2d1: {  	[hbm4b:s5+s4] =	stream.linear.scatter [tilespmem:s19], [sflag:$0xC], $0x4000, $0x38;
	[tilespmem:$0x1C000] =	vst v63  }
0x2d2: {  	_ =	swait.ge [sflag:s31], $0x4000  }
0x2d3: {  	s10 =	sld [smem:$0x7D9]  }
0x2d4: {  	[sflag:s31] =	ssyncset.done $0x0  }
0x2d5: {  	s11 =	simm.s32 $0x0;
	s13 =	simm.s32 $0x0;
	[sflag:s31] =	ssyncadd.s32 $0xFFFFC000  }
0x2d6: {  	[tilespmem:s17], [sflag:$0x5] =	stream.linear.gather [hbm4b:s10+s4], $0x4000, $0x38;
	[tilespmem:$0x1C000] =	vst v63  }
0x2d7: {  	s12 =	sand.u32 $0x1C00, s4;
	s5 =	sand.u32 $0x2000, s11;
	_ =	swait.ge [sflag:s22], $0x4000  }
0x2d8: {  	s14 =	sand.u32 $0x380, s13;
	s5 =	sor.u32 s12, s5;
	[sflag:s22] =	ssyncset.done $0x0  }
0x2d9: {  	s7 =	sor.u32 s14, s5;
	[sflag:s22] =	ssyncadd.s32 $0xFFFFC000  }
0x2da: {  	v0 =	vld [tilespmem:s7+$0x4070]  }
0x2db: {  	v5 =	vld [tilespmem:s7+$0x4000]  }
0x2dc: {  	v6 =	vld [tilespmem:s7+$0x4010]  }
0x2dd: {  	v4 =	vld [tilespmem:s7+$0x4020]  }
0x2de: {  	v1 =	vld [tilespmem:s7+$0x4030]  }
0x2df: {  	v3 =	vld [tilespmem:s7+$0x4040]  }
0x2e0: {  	s5 =	sor.u32 $0x8070, s7;
	v2 =	vld [tilespmem:s7+$0x4060]  }
0x2e1: {  	[tilespmem:s5+$0x0] =	vst.add.f32.msk $0xffff, v0  }
0x2e2: {  	s6 =	sor.u32 $0x8000, s7;
	s11 =	sor.u32 $0x8010, s7;
	v0 =	vld [tilespmem:s7+$0x4050]  }
0x2e3: {  	s9 =	sor.u32 $0x8020, s7;
	s8 =	sor.u32 $0x8040, s7;
	s10 =	sor.u32 $0x8030, s7;
	[tilespmem:s6+$0x0] =	vst.add.f32.msk $0xffff, v5  }
0x2e4: {  	s5 =	simm.s32 $0x0;
	s6 =	sor.u32 $0x8050, s7;
	s7 =	sor.u32 $0x8060, s7;
	[tilespmem:s11+$0x0] =	vst.add.f32.msk $0xffff, v6  }
.LBB2_32:
0x2e5: {  	s5 =	sadd.s32 $0x8, s5;
	[tilespmem:s9+$0x0] =	vst.add.f32.msk $0xffff, v4  }
0x2e6: {  	s4 =	sadd.s32 $0x400, s4;
	s9 =	sshll.u32 s5, $0x4;
	p0 =	slt.u32 s5, $0x3F8;
	[tilespmem:s10+$0x0] =	vst.add.f32.msk $0xffff, v1  }
0x2e7: {  	s10 =	sand.u32 $0x1C00, s4;
	s11 =	sshll.u32 s5, $0x1;
	s9 =	sand.u32 $0x2000, s9;
	[tilespmem:s8+$0x0] =	vst.add.f32.msk $0xffff, v3  }
0x2e8: {  	s8 =	sor.u32 s10, s9;
	s9 =	sand.u32 $0x380, s11;
	[tilespmem:s6+$0x0] =	vst.add.f32.msk $0xffff, v0  }
0x2e9: {  	s11 =	sor.u32 s9, s8;
	[tilespmem:s7+$0x0] =	vst.add.f32.msk $0xffff, v2  }
0x2ea: {  	s12 =	sor.u32 $0x8000, s11;
	s13 =	sor.u32 $0x8010, s11;
	s9 =	sor.u32 $0x8020, s11;
	v0 =	vld [tilespmem:s11+$0x4070]  }
0x2eb: {  	s10 =	sor.u32 $0x8030, s11;
	s8 =	sor.u32 $0x8040, s11;
	s6 =	sor.u32 $0x8050, s11;
	v5 =	vld [tilespmem:s11+$0x4000]  }
0x2ec: {  	s7 =	sor.u32 $0x8060, s11;
	v6 =	vld [tilespmem:s11+$0x4010]  }
0x2ed: {  	v4 =	vld [tilespmem:s11+$0x4020]  }
0x2ee: {  	s14 =	sor.u32 $0x8070, s11;
	v1 =	vld [tilespmem:s11+$0x4030]  }
0x2ef: {  	[tilespmem:s14+$0x0] =	vst.add.f32.msk $0xffff, v0  }
.Ltmp15:
0x2f0: {  	v3 =	vld [tilespmem:s11+$0x4040];
	(pc) =	sbr.rel @p0 .LBB2_32-.Ltmp15, $4  }
0x2f1: {  	v0 =	vld [tilespmem:s11+$0x4050]  }
0x2f2: {  	v2 =	vld [tilespmem:s11+$0x4060]  }
0x2f3: {  	[tilespmem:s12+$0x0] =	vst.add.f32.msk $0xffff, v5  }
0x2f4: {  	[tilespmem:s13+$0x0] =	vst.add.f32.msk $0xffff, v6  }
0x2f5: {  	[tilespmem:s9+$0x0] =	vst.add.f32.msk $0xffff, v4  }
0x2f6: {  	[tilespmem:s10+$0x0] =	vst.add.f32.msk $0xffff, v1  }
0x2f7: {  	[tilespmem:s8+$0x0] =	vst.add.f32.msk $0xffff, v3  }
0x2f8: {  	[tilespmem:s6+$0x0] =	vst.add.f32.msk $0xffff, v0  }
0x2f9: {  	[tilespmem:s7+$0x0] =	vst.add.f32.msk $0xffff, v2  }
0x2fa: {  	s5 =	sld [smem:$0x7D5];
	_ =	sdelay $0x1  }
0x2fb: {  	s4 =	simm.s32 $0x0  }
0x2fc: {  	[hbm4b:s5+s4] =	stream.linear.scatter [tilespmem:s15], [sflag:$0x8], $0x4000, $0x38;
	[tilespmem:$0x1C000] =	vst v63  }
0x2fd: {  	_ =	swait.ge [sflag:s0], $0x4000  }
0x2fe: {  	s9 =	sld [smem:$0x7DB]  }
0x2ff: {  	[sflag:s0] =	ssyncset.done $0x0  }
0x300: {  	s10 =	sld [smem:$0x7DF];
	[sflag:s0] =	ssyncadd.s32 $0xFFFFC000  }
0x301: {  	[tilespmem:s18], [sflag:$0x6] =	stream.linear.gather [hbm4b:s9+s4], $0x4000, $0x38;
	[tilespmem:$0x1C000] =	vst v63  }
0x302: {  	_ = 	snop  }
0x303: {  	[tilespmem:s20], [sflag:$0x2] =	stream.linear.gather [hbm4b:s10+s4], $0x4000, $0x38;
	[tilespmem:$0x1C000] =	vst v63  }
0x304: {  	_ =	swait.ge [sflag:s21], $0x4000  }
0x305: {  	[sflag:s21] =	ssyncset.done $0x0  }
0x306: {  	s11 =	simm.s32 $0x0;
	s13 =	simm.s32 $0x0;
	[sflag:s21] =	ssyncadd.s32 $0xFFFFC000  }
0x307: {  	s12 =	sand.u32 $0x1C00, s4;
	s5 =	sand.u32 $0x2000, s11;
	_ =	swait.ge [sflag:s23], $0x4000  }
0x308: {  	s14 =	sand.u32 $0x380, s13;
	s5 =	sor.u32 s12, s5;
	[sflag:s23] =	ssyncset.done $0x0  }
0x309: {  	s7 =	sor.u32 s14, s5;
	[sflag:s23] =	ssyncadd.s32 $0xFFFFC000  }
0x30a: {  	v0 =	vld [tilespmem:s7+$0x70]  }
0x30b: {  	v5 =	vld [tilespmem:s7+$0x0]  }
0x30c: {  	v6 =	vld [tilespmem:s7+$0x10]  }
0x30d: {  	v4 =	vld [tilespmem:s7+$0x20]  }
0x30e: {  	v1 =	vld [tilespmem:s7+$0x30]  }
0x30f: {  	v3 =	vld [tilespmem:s7+$0x40]  }
0x310: {  	s5 =	sor.u32 $0xC070, s7;
	v2 =	vld [tilespmem:s7+$0x60]  }
0x311: {  	[tilespmem:s5+$0x0] =	vst.add.f32.msk $0xffff, v0  }
0x312: {  	s6 =	sor.u32 $0xC000, s7;
	s11 =	sor.u32 $0xC010, s7;
	v0 =	vld [tilespmem:s7+$0x50]  }
0x313: {  	s8 =	sor.u32 $0xC040, s7;
	s9 =	sor.u32 $0xC020, s7;
	s10 =	sor.u32 $0xC030, s7;
	[tilespmem:s6+$0x0] =	vst.add.f32.msk $0xffff, v5  }
0x314: {  	s5 =	simm.s32 $0x0;
	s6 =	sor.u32 $0xC050, s7;
	s7 =	sor.u32 $0xC060, s7;
	[tilespmem:s11+$0x0] =	vst.add.f32.msk $0xffff, v6  }
.LBB2_34:
0x315: {  	s5 =	sadd.s32 $0x8, s5;
	[tilespmem:s9+$0x0] =	vst.add.f32.msk $0xffff, v4  }
0x316: {  	s4 =	sadd.s32 $0x400, s4;
	s9 =	sshll.u32 s5, $0x4;
	p0 =	slt.u32 s5, $0x3F8;
	[tilespmem:s10+$0x0] =	vst.add.f32.msk $0xffff, v1  }
0x317: {  	s10 =	sand.u32 $0x1C00, s4;
	s11 =	sshll.u32 s5, $0x1;
	s9 =	sand.u32 $0x2000, s9;
	[tilespmem:s8+$0x0] =	vst.add.f32.msk $0xffff, v3  }
0x318: {  	s8 =	sor.u32 s10, s9;
	s9 =	sand.u32 $0x380, s11;
	[tilespmem:s6+$0x0] =	vst.add.f32.msk $0xffff, v0  }
0x319: {  	s11 =	sor.u32 s9, s8;
	[tilespmem:s7+$0x0] =	vst.add.f32.msk $0xffff, v2  }
0x31a: {  	s12 =	sor.u32 $0xC000, s11;
	s13 =	sor.u32 $0xC010, s11;
	s9 =	sor.u32 $0xC020, s11;
	v0 =	vld [tilespmem:s11+$0x70]  }
0x31b: {  	s10 =	sor.u32 $0xC030, s11;
	s8 =	sor.u32 $0xC040, s11;
	s6 =	sor.u32 $0xC050, s11;
	v5 =	vld [tilespmem:s11+$0x0]  }
0x31c: {  	s7 =	sor.u32 $0xC060, s11;
	v6 =	vld [tilespmem:s11+$0x10]  }
0x31d: {  	v4 =	vld [tilespmem:s11+$0x20]  }
0x31e: {  	s14 =	sor.u32 $0xC070, s11;
	v1 =	vld [tilespmem:s11+$0x30]  }
0x31f: {  	[tilespmem:s14+$0x0] =	vst.add.f32.msk $0xffff, v0  }
.Ltmp16:
0x320: {  	v3 =	vld [tilespmem:s11+$0x40];
	(pc) =	sbr.rel @p0 .LBB2_34-.Ltmp16, $4  }
0x321: {  	v0 =	vld [tilespmem:s11+$0x50]  }
0x322: {  	v2 =	vld [tilespmem:s11+$0x60]  }
0x323: {  	[tilespmem:s12+$0x0] =	vst.add.f32.msk $0xffff, v5  }
0x324: {  	[tilespmem:s13+$0x0] =	vst.add.f32.msk $0xffff, v6  }
0x325: {  	[tilespmem:s9+$0x0] =	vst.add.f32.msk $0xffff, v4  }
0x326: {  	[tilespmem:s10+$0x0] =	vst.add.f32.msk $0xffff, v1  }
0x327: {  	[tilespmem:s8+$0x0] =	vst.add.f32.msk $0xffff, v3  }
0x328: {  	[tilespmem:s6+$0x0] =	vst.add.f32.msk $0xffff, v0  }
0x329: {  	[tilespmem:s7+$0x0] =	vst.add.f32.msk $0xffff, v2  }
0x32a: {  	s5 =	sld [smem:$0x7D8];
	_ =	sdelay $0x1  }
0x32b: {  	s4 =	simm.s32 $0x0  }
0x32c: {  	[hbm4b:s5+s4] =	stream.linear.scatter [tilespmem:s16], [sflag:$0x9], $0x4000, $0x38;
	[tilespmem:$0x1C000] =	vst v63  }
0x32d: {  	_ =	swait.ge [sflag:s2], $0x4000  }
0x32e: {  	s10 =	sld [smem:$0x7DD]  }
0x32f: {  	[sflag:s2] =	ssyncset.done $0x0  }
0x330: {  	s11 =	simm.s32 $0x0;
	s13 =	simm.s32 $0x0;
	[sflag:s2] =	ssyncadd.s32 $0xFFFFC000  }
0x331: {  	[tilespmem:s19], [sflag:$0x7] =	stream.linear.gather [hbm4b:s10+s4], $0x4000, $0x38;
	[tilespmem:$0x1C000] =	vst v63  }
0x332: {  	s12 =	sand.u32 $0x1C00, s4;
	s5 =	sand.u32 $0x2000, s11;
	_ =	swait.ge [sflag:s24], $0x4000  }
0x333: {  	s14 =	sand.u32 $0x380, s13;
	s5 =	sor.u32 s12, s5;
	[sflag:s24] =	ssyncset.done $0x0  }
0x334: {  	s7 =	sor.u32 s14, s5;
	[sflag:s24] =	ssyncadd.s32 $0xFFFFC000  }
0x335: {  	v0 =	vld [tilespmem:s7+$0x70]  }
0x336: {  	v5 =	vld [tilespmem:s7+$0x0]  }
0x337: {  	v6 =	vld [tilespmem:s7+$0x10]  }
0x338: {  	v4 =	vld [tilespmem:s7+$0x20]  }
0x339: {  	v1 =	vld [tilespmem:s7+$0x30]  }
0x33a: {  	v3 =	vld [tilespmem:s7+$0x40]  }
0x33b: {  	s5 =	sor.u32 $0x10070, s7;
	v2 =	vld [tilespmem:s7+$0x60]  }
0x33c: {  	[tilespmem:s5+$0x0] =	vst.add.f32.msk $0xffff, v0  }
0x33d: {  	s6 =	sor.u32 $0x10000, s7;
	s11 =	sor.u32 $0x10010, s7;
	v0 =	vld [tilespmem:s7+$0x50]  }
0x33e: {  	s9 =	sor.u32 $0x10020, s7;
	s8 =	sor.u32 $0x10040, s7;
	s10 =	sor.u32 $0x10030, s7;
	[tilespmem:s6+$0x0] =	vst.add.f32.msk $0xffff, v5  }
0x33f: {  	s5 =	simm.s32 $0x0;
	s6 =	sor.u32 $0x10050, s7;
	s7 =	sor.u32 $0x10060, s7;
	[tilespmem:s11+$0x0] =	vst.add.f32.msk $0xffff, v6  }
.LBB2_36:
0x340: {  	s5 =	sadd.s32 $0x8, s5;
	[tilespmem:s9+$0x0] =	vst.add.f32.msk $0xffff, v4  }
0x341: {  	s4 =	sadd.s32 $0x400, s4;
	s9 =	sshll.u32 s5, $0x4;
	p0 =	slt.u32 s5, $0x3F8;
	[tilespmem:s10+$0x0] =	vst.add.f32.msk $0xffff, v1  }
0x342: {  	s10 =	sand.u32 $0x1C00, s4;
	s11 =	sshll.u32 s5, $0x1;
	s9 =	sand.u32 $0x2000, s9;
	[tilespmem:s8+$0x0] =	vst.add.f32.msk $0xffff, v3  }
0x343: {  	s8 =	sor.u32 s10, s9;
	s9 =	sand.u32 $0x380, s11;
	[tilespmem:s6+$0x0] =	vst.add.f32.msk $0xffff, v0  }
0x344: {  	s11 =	sor.u32 s9, s8;
	[tilespmem:s7+$0x0] =	vst.add.f32.msk $0xffff, v2  }
0x345: {  	s12 =	sor.u32 $0x10000, s11;
	s13 =	sor.u32 $0x10010, s11;
	s9 =	sor.u32 $0x10020, s11;
	v0 =	vld [tilespmem:s11+$0x70]  }
0x346: {  	s10 =	sor.u32 $0x10030, s11;
	s8 =	sor.u32 $0x10040, s11;
	s6 =	sor.u32 $0x10050, s11;
	v5 =	vld [tilespmem:s11+$0x0]  }
0x347: {  	s7 =	sor.u32 $0x10060, s11;
	v6 =	vld [tilespmem:s11+$0x10]  }
0x348: {  	v4 =	vld [tilespmem:s11+$0x20]  }
0x349: {  	s14 =	sor.u32 $0x10070, s11;
	v1 =	vld [tilespmem:s11+$0x30]  }
0x34a: {  	[tilespmem:s14+$0x0] =	vst.add.f32.msk $0xffff, v0  }
.Ltmp17:
0x34b: {  	v3 =	vld [tilespmem:s11+$0x40];
	(pc) =	sbr.rel @p0 .LBB2_36-.Ltmp17, $4  }
0x34c: {  	v0 =	vld [tilespmem:s11+$0x50]  }
0x34d: {  	v2 =	vld [tilespmem:s11+$0x60]  }
0x34e: {  	[tilespmem:s12+$0x0] =	vst.add.f32.msk $0xffff, v5  }
0x34f: {  	[tilespmem:s13+$0x0] =	vst.add.f32.msk $0xffff, v6  }
0x350: {  	[tilespmem:s9+$0x0] =	vst.add.f32.msk $0xffff, v4  }
0x351: {  	[tilespmem:s10+$0x0] =	vst.add.f32.msk $0xffff, v1  }
0x352: {  	[tilespmem:s8+$0x0] =	vst.add.f32.msk $0xffff, v3  }
0x353: {  	[tilespmem:s6+$0x0] =	vst.add.f32.msk $0xffff, v0  }
0x354: {  	[tilespmem:s7+$0x0] =	vst.add.f32.msk $0xffff, v2  }
0x355: {  	s5 =	sld [smem:$0x7DA];
	_ =	sdelay $0x1  }
0x356: {  	s4 =	simm.s32 $0x0  }
0x357: {  	[hbm4b:s5+s4] =	stream.linear.scatter [tilespmem:s17], [sflag:$0xA], $0x4000, $0x38;
	[tilespmem:$0x1C000] =	vst v63  }
0x358: {  	_ =	swait.ge [sflag:s25], $0x4000  }
0x359: {  	s10 =	sld [smem:$0x7E0]  }
0x35a: {  	[sflag:s25] =	ssyncset.done $0x0  }
0x35b: {  	s11 =	simm.s32 $0x0;
	s13 =	simm.s32 $0x0;
	[sflag:s25] =	ssyncadd.s32 $0xFFFFC000  }
0x35c: {  	[tilespmem:s15], [sflag:$0x3] =	stream.linear.gather [hbm4b:s10+s4], $0x4000, $0x38;
	[tilespmem:$0x1C000] =	vst v63  }
0x35d: {  	s12 =	sand.u32 $0x1C00, s4;
	s5 =	sand.u32 $0x2000, s11;
	_ =	swait.ge [sflag:s26], $0x4000  }
0x35e: {  	s14 =	sand.u32 $0x380, s13;
	s5 =	sor.u32 s12, s5;
	[sflag:s26] =	ssyncset.done $0x0  }
0x35f: {  	s7 =	sor.u32 s14, s5;
	[sflag:s26] =	ssyncadd.s32 $0xFFFFC000  }
0x360: {  	v0 =	vld [tilespmem:s7+$0x70]  }
0x361: {  	v5 =	vld [tilespmem:s7+$0x0]  }
0x362: {  	v6 =	vld [tilespmem:s7+$0x10]  }
0x363: {  	v4 =	vld [tilespmem:s7+$0x20]  }
0x364: {  	v1 =	vld [tilespmem:s7+$0x30]  }
0x365: {  	v3 =	vld [tilespmem:s7+$0x40]  }
0x366: {  	s5 =	sor.u32 $0x14070, s7;
	v2 =	vld [tilespmem:s7+$0x60]  }
0x367: {  	[tilespmem:s5+$0x0] =	vst.add.f32.msk $0xffff, v0  }
0x368: {  	s6 =	sor.u32 $0x14000, s7;
	s11 =	sor.u32 $0x14010, s7;
	v0 =	vld [tilespmem:s7+$0x50]  }
0x369: {  	s9 =	sor.u32 $0x14020, s7;
	s8 =	sor.u32 $0x14040, s7;
	s10 =	sor.u32 $0x14030, s7;
	[tilespmem:s6+$0x0] =	vst.add.f32.msk $0xffff, v5  }
0x36a: {  	s5 =	simm.s32 $0x0;
	s6 =	sor.u32 $0x14050, s7;
	s7 =	sor.u32 $0x14060, s7;
	[tilespmem:s11+$0x0] =	vst.add.f32.msk $0xffff, v6  }
.LBB2_38:
0x36b: {  	s5 =	sadd.s32 $0x8, s5;
	[tilespmem:s9+$0x0] =	vst.add.f32.msk $0xffff, v4  }
0x36c: {  	s4 =	sadd.s32 $0x400, s4;
	s9 =	sshll.u32 s5, $0x4;
	p0 =	slt.u32 s5, $0x3F8;
	[tilespmem:s10+$0x0] =	vst.add.f32.msk $0xffff, v1  }
0x36d: {  	s10 =	sand.u32 $0x1C00, s4;
	s11 =	sshll.u32 s5, $0x1;
	s9 =	sand.u32 $0x2000, s9;
	[tilespmem:s8+$0x0] =	vst.add.f32.msk $0xffff, v3  }
0x36e: {  	s8 =	sor.u32 s10, s9;
	s9 =	sand.u32 $0x380, s11;
	[tilespmem:s6+$0x0] =	vst.add.f32.msk $0xffff, v0  }
0x36f: {  	s11 =	sor.u32 s9, s8;
	[tilespmem:s7+$0x0] =	vst.add.f32.msk $0xffff, v2  }
0x370: {  	s12 =	sor.u32 $0x14000, s11;
	s13 =	sor.u32 $0x14010, s11;
	s9 =	sor.u32 $0x14020, s11;
	v0 =	vld [tilespmem:s11+$0x70]  }
0x371: {  	s10 =	sor.u32 $0x14030, s11;
	s8 =	sor.u32 $0x14040, s11;
	s6 =	sor.u32 $0x14050, s11;
	v5 =	vld [tilespmem:s11+$0x0]  }
0x372: {  	s7 =	sor.u32 $0x14060, s11;
	v6 =	vld [tilespmem:s11+$0x10]  }
0x373: {  	v4 =	vld [tilespmem:s11+$0x20]  }
0x374: {  	s14 =	sor.u32 $0x14070, s11;
	v1 =	vld [tilespmem:s11+$0x30]  }
0x375: {  	[tilespmem:s14+$0x0] =	vst.add.f32.msk $0xffff, v0  }
.Ltmp18:
0x376: {  	v3 =	vld [tilespmem:s11+$0x40];
	(pc) =	sbr.rel @p0 .LBB2_38-.Ltmp18, $4  }
0x377: {  	v0 =	vld [tilespmem:s11+$0x50]  }
0x378: {  	v2 =	vld [tilespmem:s11+$0x60]  }
0x379: {  	[tilespmem:s12+$0x0] =	vst.add.f32.msk $0xffff, v5  }
0x37a: {  	[tilespmem:s13+$0x0] =	vst.add.f32.msk $0xffff, v6  }
0x37b: {  	[tilespmem:s9+$0x0] =	vst.add.f32.msk $0xffff, v4  }
0x37c: {  	[tilespmem:s10+$0x0] =	vst.add.f32.msk $0xffff, v1  }
0x37d: {  	[tilespmem:s8+$0x0] =	vst.add.f32.msk $0xffff, v3  }
0x37e: {  	[tilespmem:s6+$0x0] =	vst.add.f32.msk $0xffff, v0  }
0x37f: {  	[tilespmem:s7+$0x0] =	vst.add.f32.msk $0xffff, v2  }
0x380: {  	s5 =	sld [smem:$0x7DC];
	_ =	sdelay $0x1  }
0x381: {  	s4 =	simm.s32 $0x0  }
0x382: {  	[hbm4b:s5+s4] =	stream.linear.scatter [tilespmem:s18], [sflag:$0xB], $0x4000, $0x38;
	[tilespmem:$0x1C000] =	vst v63  }
0x383: {  	_ =	swait.ge [sflag:s28], $0x4000  }
0x384: {  	s10 =	sld [smem:$0x7E2]  }
0x385: {  	[sflag:s28] =	ssyncset.done $0x0  }
0x386: {  	s11 =	simm.s32 $0x0;
	s13 =	simm.s32 $0x0;
	[sflag:s28] =	ssyncadd.s32 $0xFFFFC000  }
0x387: {  	[tilespmem:s16], [sflag:$0x4] =	stream.linear.gather [hbm4b:s10+s4], $0x4000, $0x38;
	[tilespmem:$0x1C000] =	vst v63  }
0x388: {  	s12 =	sand.u32 $0x1C00, s4;
	s5 =	sand.u32 $0x2000, s11;
	_ =	swait.ge [sflag:s30], $0x4000  }
0x389: {  	s14 =	sand.u32 $0x380, s13;
	s5 =	sor.u32 s12, s5;
	[sflag:s30] =	ssyncset.done $0x0  }
0x38a: {  	s7 =	sor.u32 s14, s5;
	[sflag:s30] =	ssyncadd.s32 $0xFFFFC000  }
0x38b: {  	v0 =	vld [tilespmem:s7+$0x70]  }
0x38c: {  	v5 =	vld [tilespmem:s7+$0x0]  }
0x38d: {  	v6 =	vld [tilespmem:s7+$0x10]  }
0x38e: {  	v4 =	vld [tilespmem:s7+$0x20]  }
0x38f: {  	v1 =	vld [tilespmem:s7+$0x30]  }
0x390: {  	v3 =	vld [tilespmem:s7+$0x40]  }
0x391: {  	s5 =	sor.u32 $0x18070, s7;
	v2 =	vld [tilespmem:s7+$0x60]  }
0x392: {  	[tilespmem:s5+$0x0] =	vst.add.f32.msk $0xffff, v0  }
0x393: {  	s6 =	sor.u32 $0x18000, s7;
	s11 =	sor.u32 $0x18010, s7;
	v0 =	vld [tilespmem:s7+$0x50]  }
0x394: {  	s9 =	sor.u32 $0x18020, s7;
	s8 =	sor.u32 $0x18040, s7;
	s10 =	sor.u32 $0x18030, s7;
	[tilespmem:s6+$0x0] =	vst.add.f32.msk $0xffff, v5  }
0x395: {  	s5 =	simm.s32 $0x0;
	s6 =	sor.u32 $0x18050, s7;
	s7 =	sor.u32 $0x18060, s7;
	[tilespmem:s11+$0x0] =	vst.add.f32.msk $0xffff, v6  }
.LBB2_40:
0x396: {  	s5 =	sadd.s32 $0x8, s5;
	[tilespmem:s9+$0x0] =	vst.add.f32.msk $0xffff, v4  }
0x397: {  	s4 =	sadd.s32 $0x400, s4;
	s9 =	sshll.u32 s5, $0x4;
	p0 =	slt.u32 s5, $0x3F8;
	[tilespmem:s10+$0x0] =	vst.add.f32.msk $0xffff, v1  }
0x398: {  	s10 =	sand.u32 $0x1C00, s4;
	s11 =	sshll.u32 s5, $0x1;
	s9 =	sand.u32 $0x2000, s9;
	[tilespmem:s8+$0x0] =	vst.add.f32.msk $0xffff, v3  }
0x399: {  	s8 =	sor.u32 s10, s9;
	s9 =	sand.u32 $0x380, s11;
	[tilespmem:s6+$0x0] =	vst.add.f32.msk $0xffff, v0  }
0x39a: {  	s11 =	sor.u32 s9, s8;
	[tilespmem:s7+$0x0] =	vst.add.f32.msk $0xffff, v2  }
0x39b: {  	s12 =	sor.u32 $0x18000, s11;
	s13 =	sor.u32 $0x18010, s11;
	s9 =	sor.u32 $0x18020, s11;
	v0 =	vld [tilespmem:s11+$0x70]  }
0x39c: {  	s10 =	sor.u32 $0x18030, s11;
	s8 =	sor.u32 $0x18040, s11;
	s6 =	sor.u32 $0x18050, s11;
	v5 =	vld [tilespmem:s11+$0x0]  }
0x39d: {  	s7 =	sor.u32 $0x18060, s11;
	v6 =	vld [tilespmem:s11+$0x10]  }
0x39e: {  	v4 =	vld [tilespmem:s11+$0x20]  }
0x39f: {  	s14 =	sor.u32 $0x18070, s11;
	v1 =	vld [tilespmem:s11+$0x30]  }
0x3a0: {  	[tilespmem:s14+$0x0] =	vst.add.f32.msk $0xffff, v0  }
.Ltmp19:
0x3a1: {  	v3 =	vld [tilespmem:s11+$0x40];
	(pc) =	sbr.rel @p0 .LBB2_40-.Ltmp19, $4  }
0x3a2: {  	v0 =	vld [tilespmem:s11+$0x50]  }
0x3a3: {  	v2 =	vld [tilespmem:s11+$0x60]  }
0x3a4: {  	[tilespmem:s12+$0x0] =	vst.add.f32.msk $0xffff, v5  }
0x3a5: {  	[tilespmem:s13+$0x0] =	vst.add.f32.msk $0xffff, v6  }
0x3a6: {  	[tilespmem:s9+$0x0] =	vst.add.f32.msk $0xffff, v4  }
0x3a7: {  	[tilespmem:s10+$0x0] =	vst.add.f32.msk $0xffff, v1  }
0x3a8: {  	[tilespmem:s8+$0x0] =	vst.add.f32.msk $0xffff, v3  }
0x3a9: {  	[tilespmem:s6+$0x0] =	vst.add.f32.msk $0xffff, v0  }
0x3aa: {  	[tilespmem:s7+$0x0] =	vst.add.f32.msk $0xffff, v2  }
0x3ab: {  	s5 =	sld [smem:$0x7DE];
	_ =	sdelay $0x1  }
0x3ac: {  	s4 =	simm.s32 $0x0  }
0x3ad: {  	[hbm4b:s5+s4] =	stream.linear.scatter [tilespmem:s19], [sflag:$0xC], $0x4000, $0x38;
	[tilespmem:$0x1C000] =	vst v63  }
0x3ae: {  	_ =	swait.ge [sflag:s31], $0x4000  }
0x3af: {  	s9 =	sld [smem:$0x7E4]  }
0x3b0: {  	[sflag:s31] =	ssyncset.done $0x0  }
0x3b1: {  	s10 =	sld [smem:$0x7E9];
	[sflag:s31] =	ssyncadd.s32 $0xFFFFC000  }
0x3b2: {  	[tilespmem:s17], [sflag:$0x5] =	stream.linear.gather [hbm4b:s9+s4], $0x4000, $0x38;
	[tilespmem:$0x1C000] =	vst v63  }
0x3b3: {  	_ = 	snop  }
0x3b4: {  	[tilespmem:s4], [sflag:$0x1] =	stream.linear.gather [hbm4b:s10+s4], $0x4000, $0x38;
	[tilespmem:$0x1C000] =	vst v63  }
0x3b5: {  	_ =	swait.ge [sflag:s29], $0x4000  }
0x3b6: {  	[sflag:s29] =	ssyncset.done $0x0  }
0x3b7: {  	s11 =	simm.s32 $0x0;
	s13 =	simm.s32 $0x0;
	[sflag:s29] =	ssyncadd.s32 $0xFFFFC000  }
0x3b8: {  	s12 =	sand.u32 $0x1C00, s4;
	s5 =	sand.u32 $0x2000, s11;
	_ =	swait.ge [sflag:s22], $0x4000  }
0x3b9: {  	s14 =	sand.u32 $0x380, s13;
	s5 =	sor.u32 s12, s5;
	[sflag:s22] =	ssyncset.done $0x0  }
0x3ba: {  	s7 =	sor.u32 s14, s5;
	[sflag:s22] =	ssyncadd.s32 $0xFFFFC000  }
0x3bb: {  	v0 =	vld [tilespmem:s7+$0x4070]  }
0x3bc: {  	v5 =	vld [tilespmem:s7+$0x4000]  }
0x3bd: {  	v6 =	vld [tilespmem:s7+$0x4010]  }
0x3be: {  	v4 =	vld [tilespmem:s7+$0x4020]  }
0x3bf: {  	v1 =	vld [tilespmem:s7+$0x4030]  }
0x3c0: {  	v3 =	vld [tilespmem:s7+$0x4040]  }
0x3c1: {  	s5 =	sor.u32 $0x8070, s7;
	v2 =	vld [tilespmem:s7+$0x4060]  }
0x3c2: {  	[tilespmem:s5+$0x0] =	vst.add.f32.msk $0xffff, v0  }
0x3c3: {  	s6 =	sor.u32 $0x8000, s7;
	s11 =	sor.u32 $0x8010, s7;
	v0 =	vld [tilespmem:s7+$0x4050]  }
0x3c4: {  	s8 =	sor.u32 $0x8040, s7;
	s9 =	sor.u32 $0x8020, s7;
	s10 =	sor.u32 $0x8030, s7;
	[tilespmem:s6+$0x0] =	vst.add.f32.msk $0xffff, v5  }
0x3c5: {  	s5 =	simm.s32 $0x0;
	s6 =	sor.u32 $0x8050, s7;
	s7 =	sor.u32 $0x8060, s7;
	[tilespmem:s11+$0x0] =	vst.add.f32.msk $0xffff, v6  }
.LBB2_42:
0x3c6: {  	s5 =	sadd.s32 $0x8, s5;
	[tilespmem:s9+$0x0] =	vst.add.f32.msk $0xffff, v4  }
0x3c7: {  	s4 =	sadd.s32 $0x400, s4;
	s9 =	sshll.u32 s5, $0x4;
	p0 =	slt.u32 s5, $0x3F8;
	[tilespmem:s10+$0x0] =	vst.add.f32.msk $0xffff, v1  }
0x3c8: {  	s10 =	sand.u32 $0x1C00, s4;
	s11 =	sshll.u32 s5, $0x1;
	s9 =	sand.u32 $0x2000, s9;
	[tilespmem:s8+$0x0] =	vst.add.f32.msk $0xffff, v3  }
0x3c9: {  	s8 =	sor.u32 s10, s9;
	s9 =	sand.u32 $0x380, s11;
	[tilespmem:s6+$0x0] =	vst.add.f32.msk $0xffff, v0  }
0x3ca: {  	s11 =	sor.u32 s9, s8;
	[tilespmem:s7+$0x0] =	vst.add.f32.msk $0xffff, v2  }
0x3cb: {  	s12 =	sor.u32 $0x8000, s11;
	s13 =	sor.u32 $0x8010, s11;
	s9 =	sor.u32 $0x8020, s11;
	v0 =	vld [tilespmem:s11+$0x4070]  }
0x3cc: {  	s10 =	sor.u32 $0x8030, s11;
	s8 =	sor.u32 $0x8040, s11;
	s6 =	sor.u32 $0x8050, s11;
	v5 =	vld [tilespmem:s11+$0x4000]  }
0x3cd: {  	s7 =	sor.u32 $0x8060, s11;
	v6 =	vld [tilespmem:s11+$0x4010]  }
0x3ce: {  	v4 =	vld [tilespmem:s11+$0x4020]  }
0x3cf: {  	s14 =	sor.u32 $0x8070, s11;
	v1 =	vld [tilespmem:s11+$0x4030]  }
0x3d0: {  	[tilespmem:s14+$0x0] =	vst.add.f32.msk $0xffff, v0  }
.Ltmp20:
0x3d1: {  	v3 =	vld [tilespmem:s11+$0x4040];
	(pc) =	sbr.rel @p0 .LBB2_42-.Ltmp20, $4  }
0x3d2: {  	v0 =	vld [tilespmem:s11+$0x4050]  }
0x3d3: {  	v2 =	vld [tilespmem:s11+$0x4060]  }
0x3d4: {  	[tilespmem:s12+$0x0] =	vst.add.f32.msk $0xffff, v5  }
0x3d5: {  	[tilespmem:s13+$0x0] =	vst.add.f32.msk $0xffff, v6  }
0x3d6: {  	[tilespmem:s9+$0x0] =	vst.add.f32.msk $0xffff, v4  }
0x3d7: {  	[tilespmem:s10+$0x0] =	vst.add.f32.msk $0xffff, v1  }
0x3d8: {  	[tilespmem:s8+$0x0] =	vst.add.f32.msk $0xffff, v3  }
0x3d9: {  	[tilespmem:s6+$0x0] =	vst.add.f32.msk $0xffff, v0  }
0x3da: {  	[tilespmem:s7+$0x0] =	vst.add.f32.msk $0xffff, v2  }
0x3db: {  	s5 =	sld [smem:$0x7E1];
	_ =	sdelay $0x1  }
0x3dc: {  	s4 =	simm.s32 $0x0  }
0x3dd: {  	[hbm4b:s5+s4] =	stream.linear.scatter [tilespmem:s15], [sflag:$0x8], $0x4000, $0x38;
	[tilespmem:$0x1C000] =	vst v63  }
0x3de: {  	_ =	swait.ge [sflag:s0], $0x4000  }
0x3df: {  	s10 =	sld [smem:$0x7E6]  }
0x3e0: {  	[sflag:s0] =	ssyncset.done $0x0  }
0x3e1: {  	s11 =	simm.s32 $0x0;
	s13 =	simm.s32 $0x0;
	[sflag:s0] =	ssyncadd.s32 $0xFFFFC000  }
0x3e2: {  	[tilespmem:s18], [sflag:$0x6] =	stream.linear.gather [hbm4b:s10+s4], $0x4000, $0x38;
	[tilespmem:$0x1C000] =	vst v63  }
0x3e3: {  	s12 =	sand.u32 $0x1C00, s4;
	s5 =	sand.u32 $0x2000, s11;
	_ =	swait.ge [sflag:s23], $0x4000  }
0x3e4: {  	s14 =	sand.u32 $0x380, s13;
	s5 =	sor.u32 s12, s5;
	[sflag:s23] =	ssyncset.done $0x0  }
0x3e5: {  	s7 =	sor.u32 s14, s5;
	[sflag:s23] =	ssyncadd.s32 $0xFFFFC000  }
0x3e6: {  	v0 =	vld [tilespmem:s7+$0x4070]  }
0x3e7: {  	v5 =	vld [tilespmem:s7+$0x4000]  }
0x3e8: {  	v6 =	vld [tilespmem:s7+$0x4010]  }
0x3e9: {  	v4 =	vld [tilespmem:s7+$0x4020]  }
0x3ea: {  	v1 =	vld [tilespmem:s7+$0x4030]  }
0x3eb: {  	v3 =	vld [tilespmem:s7+$0x4040]  }
0x3ec: {  	s5 =	sor.u32 $0xC070, s7;
	v2 =	vld [tilespmem:s7+$0x4060]  }
0x3ed: {  	[tilespmem:s5+$0x0] =	vst.add.f32.msk $0xffff, v0  }
0x3ee: {  	s6 =	sor.u32 $0xC000, s7;
	s11 =	sor.u32 $0xC010, s7;
	v0 =	vld [tilespmem:s7+$0x4050]  }
0x3ef: {  	s9 =	sor.u32 $0xC020, s7;
	s8 =	sor.u32 $0xC040, s7;
	s10 =	sor.u32 $0xC030, s7;
	[tilespmem:s6+$0x0] =	vst.add.f32.msk $0xffff, v5  }
0x3f0: {  	s5 =	simm.s32 $0x0;
	s6 =	sor.u32 $0xC050, s7;
	s7 =	sor.u32 $0xC060, s7;
	[tilespmem:s11+$0x0] =	vst.add.f32.msk $0xffff, v6  }
.LBB2_44:
0x3f1: {  	s5 =	sadd.s32 $0x8, s5;
	[tilespmem:s9+$0x0] =	vst.add.f32.msk $0xffff, v4  }
0x3f2: {  	s4 =	sadd.s32 $0x400, s4;
	s9 =	sshll.u32 s5, $0x4;
	p0 =	slt.u32 s5, $0x3F8;
	[tilespmem:s10+$0x0] =	vst.add.f32.msk $0xffff, v1  }
0x3f3: {  	s10 =	sand.u32 $0x1C00, s4;
	s11 =	sshll.u32 s5, $0x1;
	s9 =	sand.u32 $0x2000, s9;
	[tilespmem:s8+$0x0] =	vst.add.f32.msk $0xffff, v3  }
0x3f4: {  	s8 =	sor.u32 s10, s9;
	s9 =	sand.u32 $0x380, s11;
	[tilespmem:s6+$0x0] =	vst.add.f32.msk $0xffff, v0  }
0x3f5: {  	s11 =	sor.u32 s9, s8;
	[tilespmem:s7+$0x0] =	vst.add.f32.msk $0xffff, v2  }
0x3f6: {  	s12 =	sor.u32 $0xC000, s11;
	s13 =	sor.u32 $0xC010, s11;
	s9 =	sor.u32 $0xC020, s11;
	v0 =	vld [tilespmem:s11+$0x4070]  }
0x3f7: {  	s10 =	sor.u32 $0xC030, s11;
	s8 =	sor.u32 $0xC040, s11;
	s6 =	sor.u32 $0xC050, s11;
	v5 =	vld [tilespmem:s11+$0x4000]  }
0x3f8: {  	s7 =	sor.u32 $0xC060, s11;
	v6 =	vld [tilespmem:s11+$0x4010]  }
0x3f9: {  	v4 =	vld [tilespmem:s11+$0x4020]  }
0x3fa: {  	s14 =	sor.u32 $0xC070, s11;
	v1 =	vld [tilespmem:s11+$0x4030]  }
0x3fb: {  	[tilespmem:s14+$0x0] =	vst.add.f32.msk $0xffff, v0  }
.Ltmp21:
0x3fc: {  	v3 =	vld [tilespmem:s11+$0x4040];
	(pc) =	sbr.rel @p0 .LBB2_44-.Ltmp21, $4  }
0x3fd: {  	v0 =	vld [tilespmem:s11+$0x4050]  }
0x3fe: {  	v2 =	vld [tilespmem:s11+$0x4060]  }
0x3ff: {  	[tilespmem:s12+$0x0] =	vst.add.f32.msk $0xffff, v5  }
0x400: {  	[tilespmem:s13+$0x0] =	vst.add.f32.msk $0xffff, v6  }
0x401: {  	[tilespmem:s9+$0x0] =	vst.add.f32.msk $0xffff, v4  }
0x402: {  	[tilespmem:s10+$0x0] =	vst.add.f32.msk $0xffff, v1  }
0x403: {  	[tilespmem:s8+$0x0] =	vst.add.f32.msk $0xffff, v3  }
0x404: {  	[tilespmem:s6+$0x0] =	vst.add.f32.msk $0xffff, v0  }
0x405: {  	[tilespmem:s7+$0x0] =	vst.add.f32.msk $0xffff, v2  }
0x406: {  	s5 =	sld [smem:$0x7E3];
	_ =	sdelay $0x1  }
0x407: {  	s4 =	simm.s32 $0x0  }
0x408: {  	[hbm4b:s5+s4] =	stream.linear.scatter [tilespmem:s16], [sflag:$0x9], $0x4000, $0x38;
	[tilespmem:$0x1C000] =	vst v63  }
0x409: {  	_ =	swait.ge [sflag:s2], $0x4000  }
0x40a: {  	s10 =	sld [smem:$0x7EB]  }
0x40b: {  	[sflag:s2] =	ssyncset.done $0x0  }
0x40c: {  	s11 =	simm.s32 $0x0;
	s13 =	simm.s32 $0x0;
	[sflag:s2] =	ssyncadd.s32 $0xFFFFC000  }
0x40d: {  	[tilespmem:s19], [sflag:$0x7] =	stream.linear.gather [hbm4b:s10+s4], $0x4000, $0x38;
	[tilespmem:$0x1C000] =	vst v63  }
0x40e: {  	s12 =	sand.u32 $0x1C00, s4;
	s5 =	sand.u32 $0x2000, s11;
	_ =	swait.ge [sflag:s24], $0x4000  }
0x40f: {  	s14 =	sand.u32 $0x380, s13;
	s5 =	sor.u32 s12, s5;
	[sflag:s24] =	ssyncset.done $0x0  }
0x410: {  	s7 =	sor.u32 s14, s5;
	[sflag:s24] =	ssyncadd.s32 $0xFFFFC000  }
0x411: {  	v0 =	vld [tilespmem:s7+$0x4070]  }
0x412: {  	v5 =	vld [tilespmem:s7+$0x4000]  }
0x413: {  	v6 =	vld [tilespmem:s7+$0x4010]  }
0x414: {  	v4 =	vld [tilespmem:s7+$0x4020]  }
0x415: {  	v1 =	vld [tilespmem:s7+$0x4030]  }
0x416: {  	v3 =	vld [tilespmem:s7+$0x4040]  }
0x417: {  	s5 =	sor.u32 $0x10070, s7;
	v2 =	vld [tilespmem:s7+$0x4060]  }
0x418: {  	[tilespmem:s5+$0x0] =	vst.add.f32.msk $0xffff, v0  }
0x419: {  	s6 =	sor.u32 $0x10000, s7;
	s11 =	sor.u32 $0x10010, s7;
	v0 =	vld [tilespmem:s7+$0x4050]  }
0x41a: {  	s9 =	sor.u32 $0x10020, s7;
	s8 =	sor.u32 $0x10040, s7;
	s10 =	sor.u32 $0x10030, s7;
	[tilespmem:s6+$0x0] =	vst.add.f32.msk $0xffff, v5  }
0x41b: {  	s5 =	simm.s32 $0x0;
	s6 =	sor.u32 $0x10050, s7;
	s7 =	sor.u32 $0x10060, s7;
	[tilespmem:s11+$0x0] =	vst.add.f32.msk $0xffff, v6  }
.LBB2_46:
0x41c: {  	s5 =	sadd.s32 $0x8, s5;
	[tilespmem:s9+$0x0] =	vst.add.f32.msk $0xffff, v4  }
0x41d: {  	s4 =	sadd.s32 $0x400, s4;
	s9 =	sshll.u32 s5, $0x4;
	p0 =	slt.u32 s5, $0x3F8;
	[tilespmem:s10+$0x0] =	vst.add.f32.msk $0xffff, v1  }
0x41e: {  	s10 =	sand.u32 $0x1C00, s4;
	s11 =	sshll.u32 s5, $0x1;
	s9 =	sand.u32 $0x2000, s9;
	[tilespmem:s8+$0x0] =	vst.add.f32.msk $0xffff, v3  }
0x41f: {  	s8 =	sor.u32 s10, s9;
	s9 =	sand.u32 $0x380, s11;
	[tilespmem:s6+$0x0] =	vst.add.f32.msk $0xffff, v0  }
0x420: {  	s11 =	sor.u32 s9, s8;
	[tilespmem:s7+$0x0] =	vst.add.f32.msk $0xffff, v2  }
0x421: {  	s12 =	sor.u32 $0x10000, s11;
	s13 =	sor.u32 $0x10010, s11;
	s9 =	sor.u32 $0x10020, s11;
	v0 =	vld [tilespmem:s11+$0x4070]  }
0x422: {  	s10 =	sor.u32 $0x10030, s11;
	s8 =	sor.u32 $0x10040, s11;
	s6 =	sor.u32 $0x10050, s11;
	v5 =	vld [tilespmem:s11+$0x4000]  }
0x423: {  	s7 =	sor.u32 $0x10060, s11;
	v6 =	vld [tilespmem:s11+$0x4010]  }
0x424: {  	v4 =	vld [tilespmem:s11+$0x4020]  }
0x425: {  	s14 =	sor.u32 $0x10070, s11;
	v1 =	vld [tilespmem:s11+$0x4030]  }
0x426: {  	[tilespmem:s14+$0x0] =	vst.add.f32.msk $0xffff, v0  }
.Ltmp22:
0x427: {  	v3 =	vld [tilespmem:s11+$0x4040];
	(pc) =	sbr.rel @p0 .LBB2_46-.Ltmp22, $4  }
0x428: {  	v0 =	vld [tilespmem:s11+$0x4050]  }
0x429: {  	v2 =	vld [tilespmem:s11+$0x4060]  }
0x42a: {  	[tilespmem:s12+$0x0] =	vst.add.f32.msk $0xffff, v5  }
0x42b: {  	[tilespmem:s13+$0x0] =	vst.add.f32.msk $0xffff, v6  }
0x42c: {  	[tilespmem:s9+$0x0] =	vst.add.f32.msk $0xffff, v4  }
0x42d: {  	[tilespmem:s10+$0x0] =	vst.add.f32.msk $0xffff, v1  }
0x42e: {  	[tilespmem:s8+$0x0] =	vst.add.f32.msk $0xffff, v3  }
0x42f: {  	[tilespmem:s6+$0x0] =	vst.add.f32.msk $0xffff, v0  }
0x430: {  	[tilespmem:s7+$0x0] =	vst.add.f32.msk $0xffff, v2  }
0x431: {  	s5 =	sld [smem:$0x7E5];
	_ =	sdelay $0x1  }
0x432: {  	s4 =	simm.s32 $0x0  }
0x433: {  	[hbm4b:s5+s4] =	stream.linear.scatter [tilespmem:s17], [sflag:$0xA], $0x4000, $0x38;
	[tilespmem:$0x1C000] =	vst v63  }
0x434: {  	_ =	swait.ge [sflag:s25], $0x4000  }
0x435: {  	s10 =	sld [smem:$0x7ED]  }
0x436: {  	[sflag:s25] =	ssyncset.done $0x0  }
0x437: {  	s11 =	simm.s32 $0x0;
	s13 =	simm.s32 $0x0;
	[sflag:s25] =	ssyncadd.s32 $0xFFFFC000  }
0x438: {  	[tilespmem:s15], [sflag:$0x3] =	stream.linear.gather [hbm4b:s10+s4], $0x4000, $0x38;
	[tilespmem:$0x1C000] =	vst v63  }
0x439: {  	s12 =	sand.u32 $0x1C00, s4;
	s5 =	sand.u32 $0x2000, s11;
	_ =	swait.ge [sflag:s26], $0x4000  }
0x43a: {  	s14 =	sand.u32 $0x380, s13;
	s5 =	sor.u32 s12, s5;
	[sflag:s26] =	ssyncset.done $0x0  }
0x43b: {  	s7 =	sor.u32 s14, s5;
	[sflag:s26] =	ssyncadd.s32 $0xFFFFC000  }
0x43c: {  	v0 =	vld [tilespmem:s7+$0x4070]  }
0x43d: {  	v5 =	vld [tilespmem:s7+$0x4000]  }
0x43e: {  	v6 =	vld [tilespmem:s7+$0x4010]  }
0x43f: {  	v4 =	vld [tilespmem:s7+$0x4020]  }
0x440: {  	v1 =	vld [tilespmem:s7+$0x4030]  }
0x441: {  	v3 =	vld [tilespmem:s7+$0x4040]  }
0x442: {  	s5 =	sor.u32 $0x14070, s7;
	v2 =	vld [tilespmem:s7+$0x4060]  }
0x443: {  	[tilespmem:s5+$0x0] =	vst.add.f32.msk $0xffff, v0  }
0x444: {  	s6 =	sor.u32 $0x14000, s7;
	s11 =	sor.u32 $0x14010, s7;
	v0 =	vld [tilespmem:s7+$0x4050]  }
0x445: {  	s9 =	sor.u32 $0x14020, s7;
	s8 =	sor.u32 $0x14040, s7;
	s10 =	sor.u32 $0x14030, s7;
	[tilespmem:s6+$0x0] =	vst.add.f32.msk $0xffff, v5  }
0x446: {  	s5 =	simm.s32 $0x0;
	s6 =	sor.u32 $0x14050, s7;
	s7 =	sor.u32 $0x14060, s7;
	[tilespmem:s11+$0x0] =	vst.add.f32.msk $0xffff, v6  }
.LBB2_48:
0x447: {  	s5 =	sadd.s32 $0x8, s5;
	[tilespmem:s9+$0x0] =	vst.add.f32.msk $0xffff, v4  }
0x448: {  	s4 =	sadd.s32 $0x400, s4;
	s9 =	sshll.u32 s5, $0x4;
	p0 =	slt.u32 s5, $0x3F8;
	[tilespmem:s10+$0x0] =	vst.add.f32.msk $0xffff, v1  }
0x449: {  	s10 =	sand.u32 $0x1C00, s4;
	s11 =	sshll.u32 s5, $0x1;
	s9 =	sand.u32 $0x2000, s9;
	[tilespmem:s8+$0x0] =	vst.add.f32.msk $0xffff, v3  }
0x44a: {  	s8 =	sor.u32 s10, s9;
	s9 =	sand.u32 $0x380, s11;
	[tilespmem:s6+$0x0] =	vst.add.f32.msk $0xffff, v0  }
0x44b: {  	s11 =	sor.u32 s9, s8;
	[tilespmem:s7+$0x0] =	vst.add.f32.msk $0xffff, v2  }
0x44c: {  	s12 =	sor.u32 $0x14000, s11;
	s13 =	sor.u32 $0x14010, s11;
	s9 =	sor.u32 $0x14020, s11;
	v0 =	vld [tilespmem:s11+$0x4070]  }
0x44d: {  	s10 =	sor.u32 $0x14030, s11;
	s8 =	sor.u32 $0x14040, s11;
	s6 =	sor.u32 $0x14050, s11;
	v5 =	vld [tilespmem:s11+$0x4000]  }
0x44e: {  	s7 =	sor.u32 $0x14060, s11;
	v6 =	vld [tilespmem:s11+$0x4010]  }
0x44f: {  	v4 =	vld [tilespmem:s11+$0x4020]  }
0x450: {  	s14 =	sor.u32 $0x14070, s11;
	v1 =	vld [tilespmem:s11+$0x4030]  }
0x451: {  	[tilespmem:s14+$0x0] =	vst.add.f32.msk $0xffff, v0  }
.Ltmp23:
0x452: {  	v3 =	vld [tilespmem:s11+$0x4040];
	(pc) =	sbr.rel @p0 .LBB2_48-.Ltmp23, $4  }
0x453: {  	v0 =	vld [tilespmem:s11+$0x4050]  }
0x454: {  	v2 =	vld [tilespmem:s11+$0x4060]  }
0x455: {  	[tilespmem:s12+$0x0] =	vst.add.f32.msk $0xffff, v5  }
0x456: {  	[tilespmem:s13+$0x0] =	vst.add.f32.msk $0xffff, v6  }
0x457: {  	[tilespmem:s9+$0x0] =	vst.add.f32.msk $0xffff, v4  }
0x458: {  	[tilespmem:s10+$0x0] =	vst.add.f32.msk $0xffff, v1  }
0x459: {  	[tilespmem:s8+$0x0] =	vst.add.f32.msk $0xffff, v3  }
0x45a: {  	[tilespmem:s6+$0x0] =	vst.add.f32.msk $0xffff, v0  }
0x45b: {  	[tilespmem:s7+$0x0] =	vst.add.f32.msk $0xffff, v2  }
0x45c: {  	s5 =	sld [smem:$0x7E7];
	_ =	sdelay $0x1  }
0x45d: {  	s4 =	simm.s32 $0x0  }
0x45e: {  	[hbm4b:s5+s4] =	stream.linear.scatter [tilespmem:s18], [sflag:$0xB], $0x4000, $0x38;
	[tilespmem:$0x1C000] =	vst v63  }
0x45f: {  	_ =	swait.ge [sflag:s28], $0x4000  }
0x460: {  	s9 =	sld [smem:$0x7EF]  }
0x461: {  	[sflag:s28] =	ssyncset.done $0x0  }
0x462: {  	s10 =	sld [smem:$0x7EA];
	[sflag:s28] =	ssyncadd.s32 $0xFFFFC000  }
0x463: {  	[tilespmem:s16], [sflag:$0x4] =	stream.linear.gather [hbm4b:s9+s4], $0x4000, $0x38;
	[tilespmem:$0x1C000] =	vst v63  }
0x464: {  	_ = 	snop  }
0x465: {  	[tilespmem:s20], [sflag:$0x2] =	stream.linear.gather [hbm4b:s10+s4], $0x4000, $0x38;
	[tilespmem:$0x1C000] =	vst v63  }
0x466: {  	_ =	swait.ge [sflag:s21], $0x4000  }
0x467: {  	[sflag:s21] =	ssyncset.done $0x0  }
0x468: {  	s11 =	simm.s32 $0x0;
	s13 =	simm.s32 $0x0;
	[sflag:s21] =	ssyncadd.s32 $0xFFFFC000  }
0x469: {  	s12 =	sand.u32 $0x1C00, s4;
	s5 =	sand.u32 $0x2000, s11;
	_ =	swait.ge [sflag:s30], $0x4000  }
0x46a: {  	s14 =	sand.u32 $0x380, s13;
	s5 =	sor.u32 s12, s5;
	[sflag:s30] =	ssyncset.done $0x0  }
0x46b: {  	s7 =	sor.u32 s14, s5;
	[sflag:s30] =	ssyncadd.s32 $0xFFFFC000  }
0x46c: {  	v0 =	vld [tilespmem:s7+$0x70]  }
0x46d: {  	v5 =	vld [tilespmem:s7+$0x0]  }
0x46e: {  	v6 =	vld [tilespmem:s7+$0x10]  }
0x46f: {  	v4 =	vld [tilespmem:s7+$0x20]  }
0x470: {  	v1 =	vld [tilespmem:s7+$0x30]  }
0x471: {  	v3 =	vld [tilespmem:s7+$0x40]  }
0x472: {  	s5 =	sor.u32 $0x18070, s7;
	v2 =	vld [tilespmem:s7+$0x60]  }
0x473: {  	[tilespmem:s5+$0x0] =	vst.add.f32.msk $0xffff, v0  }
0x474: {  	s6 =	sor.u32 $0x18000, s7;
	s11 =	sor.u32 $0x18010, s7;
	v0 =	vld [tilespmem:s7+$0x50]  }
0x475: {  	s8 =	sor.u32 $0x18040, s7;
	s9 =	sor.u32 $0x18020, s7;
	s10 =	sor.u32 $0x18030, s7;
	[tilespmem:s6+$0x0] =	vst.add.f32.msk $0xffff, v5  }
0x476: {  	s5 =	simm.s32 $0x0;
	s6 =	sor.u32 $0x18050, s7;
	s7 =	sor.u32 $0x18060, s7;
	[tilespmem:s11+$0x0] =	vst.add.f32.msk $0xffff, v6  }
.LBB2_50:
0x477: {  	s5 =	sadd.s32 $0x8, s5;
	[tilespmem:s9+$0x0] =	vst.add.f32.msk $0xffff, v4  }
0x478: {  	s4 =	sadd.s32 $0x400, s4;
	s9 =	sshll.u32 s5, $0x4;
	p0 =	slt.u32 s5, $0x3F8;
	[tilespmem:s10+$0x0] =	vst.add.f32.msk $0xffff, v1  }
0x479: {  	s10 =	sand.u32 $0x1C00, s4;
	s11 =	sshll.u32 s5, $0x1;
	s9 =	sand.u32 $0x2000, s9;
	[tilespmem:s8+$0x0] =	vst.add.f32.msk $0xffff, v3  }
0x47a: {  	s8 =	sor.u32 s10, s9;
	s9 =	sand.u32 $0x380, s11;
	[tilespmem:s6+$0x0] =	vst.add.f32.msk $0xffff, v0  }
0x47b: {  	s11 =	sor.u32 s9, s8;
	[tilespmem:s7+$0x0] =	vst.add.f32.msk $0xffff, v2  }
0x47c: {  	s12 =	sor.u32 $0x18000, s11;
	s13 =	sor.u32 $0x18010, s11;
	s9 =	sor.u32 $0x18020, s11;
	v0 =	vld [tilespmem:s11+$0x70]  }
0x47d: {  	s10 =	sor.u32 $0x18030, s11;
	s8 =	sor.u32 $0x18040, s11;
	s6 =	sor.u32 $0x18050, s11;
	v5 =	vld [tilespmem:s11+$0x0]  }
0x47e: {  	s7 =	sor.u32 $0x18060, s11;
	v6 =	vld [tilespmem:s11+$0x10]  }
0x47f: {  	v4 =	vld [tilespmem:s11+$0x20]  }
0x480: {  	s14 =	sor.u32 $0x18070, s11;
	v1 =	vld [tilespmem:s11+$0x30]  }
0x481: {  	[tilespmem:s14+$0x0] =	vst.add.f32.msk $0xffff, v0  }
.Ltmp24:
0x482: {  	v3 =	vld [tilespmem:s11+$0x40];
	(pc) =	sbr.rel @p0 .LBB2_50-.Ltmp24, $4  }
0x483: {  	v0 =	vld [tilespmem:s11+$0x50]  }
0x484: {  	v2 =	vld [tilespmem:s11+$0x60]  }
0x485: {  	[tilespmem:s12+$0x0] =	vst.add.f32.msk $0xffff, v5  }
0x486: {  	[tilespmem:s13+$0x0] =	vst.add.f32.msk $0xffff, v6  }
0x487: {  	[tilespmem:s9+$0x0] =	vst.add.f32.msk $0xffff, v4  }
0x488: {  	[tilespmem:s10+$0x0] =	vst.add.f32.msk $0xffff, v1  }
0x489: {  	[tilespmem:s8+$0x0] =	vst.add.f32.msk $0xffff, v3  }
0x48a: {  	[tilespmem:s6+$0x0] =	vst.add.f32.msk $0xffff, v0  }
0x48b: {  	[tilespmem:s7+$0x0] =	vst.add.f32.msk $0xffff, v2  }
0x48c: {  	s5 =	sld [smem:$0x7EC];
	_ =	sdelay $0x1  }
0x48d: {  	s4 =	simm.s32 $0x0  }
0x48e: {  	[hbm4b:s5+s4] =	stream.linear.scatter [tilespmem:s19], [sflag:$0xC], $0x4000, $0x38;
	[tilespmem:$0x1C000] =	vst v63  }
0x48f: {  	_ =	swait.ge [sflag:s31], $0x4000  }
0x490: {  	s10 =	sld [smem:$0x7F1]  }
0x491: {  	[sflag:s31] =	ssyncset.done $0x0  }
0x492: {  	s11 =	simm.s32 $0x0;
	s13 =	simm.s32 $0x0;
	[sflag:s31] =	ssyncadd.s32 $0xFFFFC000  }
0x493: {  	[tilespmem:s17], [sflag:$0x5] =	stream.linear.gather [hbm4b:s10+s4], $0x4000, $0x38;
	[tilespmem:$0x1C000] =	vst v63  }
0x494: {  	s12 =	sand.u32 $0x1C00, s4;
	s5 =	sand.u32 $0x2000, s11;
	_ =	swait.ge [sflag:s22], $0x4000  }
0x495: {  	s14 =	sand.u32 $0x380, s13;
	s5 =	sor.u32 s12, s5;
	[sflag:s22] =	ssyncset.done $0x0  }
0x496: {  	s7 =	sor.u32 s14, s5;
	[sflag:s22] =	ssyncadd.s32 $0xFFFFC000  }
0x497: {  	v0 =	vld [tilespmem:s7+$0x70]  }
0x498: {  	v5 =	vld [tilespmem:s7+$0x0]  }
0x499: {  	v6 =	vld [tilespmem:s7+$0x10]  }
0x49a: {  	v4 =	vld [tilespmem:s7+$0x20]  }
0x49b: {  	v1 =	vld [tilespmem:s7+$0x30]  }
0x49c: {  	v3 =	vld [tilespmem:s7+$0x40]  }
0x49d: {  	s5 =	sor.u32 $0x8070, s7;
	v2 =	vld [tilespmem:s7+$0x60]  }
0x49e: {  	[tilespmem:s5+$0x0] =	vst.add.f32.msk $0xffff, v0  }
0x49f: {  	s6 =	sor.u32 $0x8000, s7;
	s11 =	sor.u32 $0x8010, s7;
	v0 =	vld [tilespmem:s7+$0x50]  }
0x4a0: {  	s9 =	sor.u32 $0x8020, s7;
	s8 =	sor.u32 $0x8040, s7;
	s10 =	sor.u32 $0x8030, s7;
	[tilespmem:s6+$0x0] =	vst.add.f32.msk $0xffff, v5  }
0x4a1: {  	s5 =	simm.s32 $0x0;
	s6 =	sor.u32 $0x8050, s7;
	s7 =	sor.u32 $0x8060, s7;
	[tilespmem:s11+$0x0] =	vst.add.f32.msk $0xffff, v6  }
.LBB2_52:
0x4a2: {  	s5 =	sadd.s32 $0x8, s5;
	[tilespmem:s9+$0x0] =	vst.add.f32.msk $0xffff, v4  }
0x4a3: {  	s4 =	sadd.s32 $0x400, s4;
	s9 =	sshll.u32 s5, $0x4;
	p0 =	slt.u32 s5, $0x3F8;
	[tilespmem:s10+$0x0] =	vst.add.f32.msk $0xffff, v1  }
0x4a4: {  	s10 =	sand.u32 $0x1C00, s4;
	s11 =	sshll.u32 s5, $0x1;
	s9 =	sand.u32 $0x2000, s9;
	[tilespmem:s8+$0x0] =	vst.add.f32.msk $0xffff, v3  }
0x4a5: {  	s8 =	sor.u32 s10, s9;
	s9 =	sand.u32 $0x380, s11;
	[tilespmem:s6+$0x0] =	vst.add.f32.msk $0xffff, v0  }
0x4a6: {  	s11 =	sor.u32 s9, s8;
	[tilespmem:s7+$0x0] =	vst.add.f32.msk $0xffff, v2  }
0x4a7: {  	s12 =	sor.u32 $0x8000, s11;
	s13 =	sor.u32 $0x8010, s11;
	s9 =	sor.u32 $0x8020, s11;
	v0 =	vld [tilespmem:s11+$0x70]  }
0x4a8: {  	s10 =	sor.u32 $0x8030, s11;
	s8 =	sor.u32 $0x8040, s11;
	s6 =	sor.u32 $0x8050, s11;
	v5 =	vld [tilespmem:s11+$0x0]  }
0x4a9: {  	s7 =	sor.u32 $0x8060, s11;
	v6 =	vld [tilespmem:s11+$0x10]  }
0x4aa: {  	v4 =	vld [tilespmem:s11+$0x20]  }
0x4ab: {  	s14 =	sor.u32 $0x8070, s11;
	v1 =	vld [tilespmem:s11+$0x30]  }
0x4ac: {  	[tilespmem:s14+$0x0] =	vst.add.f32.msk $0xffff, v0  }
.Ltmp25:
0x4ad: {  	v3 =	vld [tilespmem:s11+$0x40];
	(pc) =	sbr.rel @p0 .LBB2_52-.Ltmp25, $4  }
0x4ae: {  	v0 =	vld [tilespmem:s11+$0x50]  }
0x4af: {  	v2 =	vld [tilespmem:s11+$0x60]  }
0x4b0: {  	[tilespmem:s12+$0x0] =	vst.add.f32.msk $0xffff, v5  }
0x4b1: {  	[tilespmem:s13+$0x0] =	vst.add.f32.msk $0xffff, v6  }
0x4b2: {  	[tilespmem:s9+$0x0] =	vst.add.f32.msk $0xffff, v4  }
0x4b3: {  	[tilespmem:s10+$0x0] =	vst.add.f32.msk $0xffff, v1  }
0x4b4: {  	[tilespmem:s8+$0x0] =	vst.add.f32.msk $0xffff, v3  }
0x4b5: {  	[tilespmem:s6+$0x0] =	vst.add.f32.msk $0xffff, v0  }
0x4b6: {  	[tilespmem:s7+$0x0] =	vst.add.f32.msk $0xffff, v2  }
0x4b7: {  	s5 =	sld [smem:$0x7EE];
	_ =	sdelay $0x1  }
0x4b8: {  	s4 =	simm.s32 $0x0  }
0x4b9: {  	[hbm4b:s5+s4] =	stream.linear.scatter [tilespmem:s15], [sflag:$0x8], $0x4000, $0x38;
	[tilespmem:$0x1C000] =	vst v63  }
0x4ba: {  	_ =	swait.ge [sflag:s0], $0x4000  }
0x4bb: {  	s10 =	sld [smem:$0x7F3]  }
0x4bc: {  	[sflag:s0] =	ssyncset.done $0x0  }
0x4bd: {  	s11 =	simm.s32 $0x0;
	s13 =	simm.s32 $0x0;
	[sflag:s0] =	ssyncadd.s32 $0xFFFFC000  }
0x4be: {  	[tilespmem:s18], [sflag:$0x6] =	stream.linear.gather [hbm4b:s10+s4], $0x4000, $0x38;
	[tilespmem:$0x1C000] =	vst v63  }
0x4bf: {  	s12 =	sand.u32 $0x1C00, s4;
	s5 =	sand.u32 $0x2000, s11;
	_ =	swait.ge [sflag:s23], $0x4000  }
0x4c0: {  	s14 =	sand.u32 $0x380, s13;
	s5 =	sor.u32 s12, s5;
	[sflag:s23] =	ssyncset.done $0x0  }
0x4c1: {  	s7 =	sor.u32 s14, s5;
	[sflag:s23] =	ssyncadd.s32 $0xFFFFC000  }
0x4c2: {  	v0 =	vld [tilespmem:s7+$0x70]  }
0x4c3: {  	v5 =	vld [tilespmem:s7+$0x0]  }
0x4c4: {  	v6 =	vld [tilespmem:s7+$0x10]  }
0x4c5: {  	v4 =	vld [tilespmem:s7+$0x20]  }
0x4c6: {  	v1 =	vld [tilespmem:s7+$0x30]  }
0x4c7: {  	v3 =	vld [tilespmem:s7+$0x40]  }
0x4c8: {  	s5 =	sor.u32 $0xC070, s7;
	v2 =	vld [tilespmem:s7+$0x60]  }
0x4c9: {  	[tilespmem:s5+$0x0] =	vst.add.f32.msk $0xffff, v0  }
0x4ca: {  	s6 =	sor.u32 $0xC000, s7;
	s11 =	sor.u32 $0xC010, s7;
	v0 =	vld [tilespmem:s7+$0x50]  }
0x4cb: {  	s9 =	sor.u32 $0xC020, s7;
	s8 =	sor.u32 $0xC040, s7;
	s10 =	sor.u32 $0xC030, s7;
	[tilespmem:s6+$0x0] =	vst.add.f32.msk $0xffff, v5  }
0x4cc: {  	s5 =	simm.s32 $0x0;
	s6 =	sor.u32 $0xC050, s7;
	s7 =	sor.u32 $0xC060, s7;
	[tilespmem:s11+$0x0] =	vst.add.f32.msk $0xffff, v6  }
.LBB2_54:
0x4cd: {  	s5 =	sadd.s32 $0x8, s5;
	[tilespmem:s9+$0x0] =	vst.add.f32.msk $0xffff, v4  }
0x4ce: {  	s4 =	sadd.s32 $0x400, s4;
	s9 =	sshll.u32 s5, $0x4;
	p0 =	slt.u32 s5, $0x3F8;
	[tilespmem:s10+$0x0] =	vst.add.f32.msk $0xffff, v1  }
0x4cf: {  	s10 =	sand.u32 $0x1C00, s4;
	s11 =	sshll.u32 s5, $0x1;
	s9 =	sand.u32 $0x2000, s9;
	[tilespmem:s8+$0x0] =	vst.add.f32.msk $0xffff, v3  }
0x4d0: {  	s8 =	sor.u32 s10, s9;
	s9 =	sand.u32 $0x380, s11;
	[tilespmem:s6+$0x0] =	vst.add.f32.msk $0xffff, v0  }
0x4d1: {  	s11 =	sor.u32 s9, s8;
	[tilespmem:s7+$0x0] =	vst.add.f32.msk $0xffff, v2  }
0x4d2: {  	s12 =	sor.u32 $0xC000, s11;
	s13 =	sor.u32 $0xC010, s11;
	s9 =	sor.u32 $0xC020, s11;
	v0 =	vld [tilespmem:s11+$0x70]  }
0x4d3: {  	s10 =	sor.u32 $0xC030, s11;
	s8 =	sor.u32 $0xC040, s11;
	s6 =	sor.u32 $0xC050, s11;
	v5 =	vld [tilespmem:s11+$0x0]  }
0x4d4: {  	s7 =	sor.u32 $0xC060, s11;
	v6 =	vld [tilespmem:s11+$0x10]  }
0x4d5: {  	v4 =	vld [tilespmem:s11+$0x20]  }
0x4d6: {  	s14 =	sor.u32 $0xC070, s11;
	v1 =	vld [tilespmem:s11+$0x30]  }
0x4d7: {  	[tilespmem:s14+$0x0] =	vst.add.f32.msk $0xffff, v0  }
.Ltmp26:
0x4d8: {  	v3 =	vld [tilespmem:s11+$0x40];
	(pc) =	sbr.rel @p0 .LBB2_54-.Ltmp26, $4  }
0x4d9: {  	v0 =	vld [tilespmem:s11+$0x50]  }
0x4da: {  	v2 =	vld [tilespmem:s11+$0x60]  }
0x4db: {  	[tilespmem:s12+$0x0] =	vst.add.f32.msk $0xffff, v5  }
0x4dc: {  	[tilespmem:s13+$0x0] =	vst.add.f32.msk $0xffff, v6  }
0x4dd: {  	[tilespmem:s9+$0x0] =	vst.add.f32.msk $0xffff, v4  }
0x4de: {  	[tilespmem:s10+$0x0] =	vst.add.f32.msk $0xffff, v1  }
0x4df: {  	[tilespmem:s8+$0x0] =	vst.add.f32.msk $0xffff, v3  }
0x4e0: {  	[tilespmem:s6+$0x0] =	vst.add.f32.msk $0xffff, v0  }
0x4e1: {  	[tilespmem:s7+$0x0] =	vst.add.f32.msk $0xffff, v2  }
0x4e2: {  	s5 =	sld [smem:$0x7F0];
	_ =	sdelay $0x1  }
0x4e3: {  	s4 =	simm.s32 $0x0  }
0x4e4: {  	[hbm4b:s5+s4] =	stream.linear.scatter [tilespmem:s16], [sflag:$0x9], $0x4000, $0x38;
	[tilespmem:$0x1C000] =	vst v63  }
0x4e5: {  	_ =	swait.ge [sflag:s2], $0x4000  }
0x4e6: {  	s10 =	sld [smem:$0x7F7]  }
0x4e7: {  	[sflag:s2] =	ssyncset.done $0x0  }
0x4e8: {  	s11 =	simm.s32 $0x0;
	s13 =	simm.s32 $0x0;
	[sflag:s2] =	ssyncadd.s32 $0xFFFFC000  }
0x4e9: {  	[tilespmem:s19], [sflag:$0x7] =	stream.linear.gather [hbm4b:s10+s4], $0x4000, $0x38;
	[tilespmem:$0x1C000] =	vst v63  }
0x4ea: {  	s12 =	sand.u32 $0x1C00, s4;
	s5 =	sand.u32 $0x2000, s11;
	_ =	swait.ge [sflag:s24], $0x4000  }
0x4eb: {  	s14 =	sand.u32 $0x380, s13;
	s5 =	sor.u32 s12, s5;
	[sflag:s24] =	ssyncset.done $0x0  }
0x4ec: {  	s7 =	sor.u32 s14, s5;
	[sflag:s24] =	ssyncadd.s32 $0xFFFFC000  }
0x4ed: {  	v0 =	vld [tilespmem:s7+$0x70]  }
0x4ee: {  	v5 =	vld [tilespmem:s7+$0x0]  }
0x4ef: {  	v6 =	vld [tilespmem:s7+$0x10]  }
0x4f0: {  	v4 =	vld [tilespmem:s7+$0x20]  }
0x4f1: {  	v1 =	vld [tilespmem:s7+$0x30]  }
0x4f2: {  	v3 =	vld [tilespmem:s7+$0x40]  }
0x4f3: {  	s5 =	sor.u32 $0x10070, s7;
	v2 =	vld [tilespmem:s7+$0x60]  }
0x4f4: {  	[tilespmem:s5+$0x0] =	vst.add.f32.msk $0xffff, v0  }
0x4f5: {  	s6 =	sor.u32 $0x10000, s7;
	s11 =	sor.u32 $0x10010, s7;
	v0 =	vld [tilespmem:s7+$0x50]  }
0x4f6: {  	s9 =	sor.u32 $0x10020, s7;
	s8 =	sor.u32 $0x10040, s7;
	s10 =	sor.u32 $0x10030, s7;
	[tilespmem:s6+$0x0] =	vst.add.f32.msk $0xffff, v5  }
0x4f7: {  	s5 =	simm.s32 $0x0;
	s6 =	sor.u32 $0x10050, s7;
	s7 =	sor.u32 $0x10060, s7;
	[tilespmem:s11+$0x0] =	vst.add.f32.msk $0xffff, v6  }
.LBB2_56:
0x4f8: {  	s5 =	sadd.s32 $0x8, s5;
	[tilespmem:s9+$0x0] =	vst.add.f32.msk $0xffff, v4  }
0x4f9: {  	s4 =	sadd.s32 $0x400, s4;
	s9 =	sshll.u32 s5, $0x4;
	p0 =	slt.u32 s5, $0x3F8;
	[tilespmem:s10+$0x0] =	vst.add.f32.msk $0xffff, v1  }
0x4fa: {  	s10 =	sand.u32 $0x1C00, s4;
	s11 =	sshll.u32 s5, $0x1;
	s9 =	sand.u32 $0x2000, s9;
	[tilespmem:s8+$0x0] =	vst.add.f32.msk $0xffff, v3  }
0x4fb: {  	s8 =	sor.u32 s10, s9;
	s9 =	sand.u32 $0x380, s11;
	[tilespmem:s6+$0x0] =	vst.add.f32.msk $0xffff, v0  }
0x4fc: {  	s11 =	sor.u32 s9, s8;
	[tilespmem:s7+$0x0] =	vst.add.f32.msk $0xffff, v2  }
0x4fd: {  	s12 =	sor.u32 $0x10000, s11;
	s13 =	sor.u32 $0x10010, s11;
	s9 =	sor.u32 $0x10020, s11;
	v0 =	vld [tilespmem:s11+$0x70]  }
0x4fe: {  	s10 =	sor.u32 $0x10030, s11;
	s8 =	sor.u32 $0x10040, s11;
	s6 =	sor.u32 $0x10050, s11;
	v5 =	vld [tilespmem:s11+$0x0]  }
0x4ff: {  	s7 =	sor.u32 $0x10060, s11;
	v6 =	vld [tilespmem:s11+$0x10]  }
0x500: {  	v4 =	vld [tilespmem:s11+$0x20]  }
0x501: {  	s14 =	sor.u32 $0x10070, s11;
	v1 =	vld [tilespmem:s11+$0x30]  }
0x502: {  	[tilespmem:s14+$0x0] =	vst.add.f32.msk $0xffff, v0  }
.Ltmp27:
0x503: {  	v3 =	vld [tilespmem:s11+$0x40];
	(pc) =	sbr.rel @p0 .LBB2_56-.Ltmp27, $4  }
0x504: {  	v0 =	vld [tilespmem:s11+$0x50]  }
0x505: {  	v2 =	vld [tilespmem:s11+$0x60]  }
0x506: {  	[tilespmem:s12+$0x0] =	vst.add.f32.msk $0xffff, v5  }
0x507: {  	[tilespmem:s13+$0x0] =	vst.add.f32.msk $0xffff, v6  }
0x508: {  	[tilespmem:s9+$0x0] =	vst.add.f32.msk $0xffff, v4  }
0x509: {  	[tilespmem:s10+$0x0] =	vst.add.f32.msk $0xffff, v1  }
0x50a: {  	[tilespmem:s8+$0x0] =	vst.add.f32.msk $0xffff, v3  }
0x50b: {  	[tilespmem:s6+$0x0] =	vst.add.f32.msk $0xffff, v0  }
0x50c: {  	[tilespmem:s7+$0x0] =	vst.add.f32.msk $0xffff, v2  }
0x50d: {  	s5 =	sld [smem:$0x7F2];
	_ =	sdelay $0x1  }
0x50e: {  	s4 =	simm.s32 $0x0  }
0x50f: {  	[hbm4b:s5+s4] =	stream.linear.scatter [tilespmem:s17], [sflag:$0xA], $0x4000, $0x38;
	[tilespmem:$0x1C000] =	vst v63  }
0x510: {  	_ =	swait.ge [sflag:s25], $0x4000  }
0x511: {  	s10 =	sld [smem:$0x7F8]  }
0x512: {  	[sflag:s25] =	ssyncset.done $0x0  }
0x513: {  	[sflag:s25] =	ssyncadd.s32 $0xFFFFC000  }
0x514: {  	[tilespmem:s15], [sflag:$0x3] =	stream.linear.gather [hbm4b:s10+s4], $0x4000, $0x38;
	[tilespmem:$0x1C000] =	vst v63  }
0x515: {  	_ =	swait.ge [sflag:s29], $0x4000  }
0x516: {  	[sflag:s29] =	ssyncset.done $0x0  }
0x517: {  	s11 =	simm.s32 $0x0;
	s13 =	simm.s32 $0x0;
	[sflag:s29] =	ssyncadd.s32 $0xFFFFC000  }
0x518: {  	s12 =	sand.u32 $0x1C00, s4;
	s5 =	sand.u32 $0x2000, s11;
	_ =	swait.ge [sflag:s26], $0x4000  }
0x519: {  	s14 =	sand.u32 $0x380, s13;
	s5 =	sor.u32 s12, s5;
	[sflag:s26] =	ssyncset.done $0x0  }
0x51a: {  	s7 =	sor.u32 s14, s5;
	[sflag:s26] =	ssyncadd.s32 $0xFFFFC000  }
0x51b: {  	v0 =	vld [tilespmem:s7+$0x4070]  }
0x51c: {  	v5 =	vld [tilespmem:s7+$0x4000]  }
0x51d: {  	v6 =	vld [tilespmem:s7+$0x4010]  }
0x51e: {  	v4 =	vld [tilespmem:s7+$0x4020]  }
0x51f: {  	v1 =	vld [tilespmem:s7+$0x4030]  }
0x520: {  	v3 =	vld [tilespmem:s7+$0x4040]  }
0x521: {  	s5 =	sor.u32 $0x14070, s7;
	v2 =	vld [tilespmem:s7+$0x4060]  }
0x522: {  	[tilespmem:s5+$0x0] =	vst.add.f32.msk $0xffff, v0  }
0x523: {  	s6 =	sor.u32 $0x14000, s7;
	s11 =	sor.u32 $0x14010, s7;
	v0 =	vld [tilespmem:s7+$0x4050]  }
0x524: {  	s9 =	sor.u32 $0x14020, s7;
	s8 =	sor.u32 $0x14040, s7;
	s10 =	sor.u32 $0x14030, s7;
	[tilespmem:s6+$0x0] =	vst.add.f32.msk $0xffff, v5  }
0x525: {  	s5 =	simm.s32 $0x0;
	s6 =	sor.u32 $0x14050, s7;
	s7 =	sor.u32 $0x14060, s7;
	[tilespmem:s11+$0x0] =	vst.add.f32.msk $0xffff, v6  }
.LBB2_58:
0x526: {  	s5 =	sadd.s32 $0x8, s5;
	[tilespmem:s9+$0x0] =	vst.add.f32.msk $0xffff, v4  }
0x527: {  	s4 =	sadd.s32 $0x400, s4;
	s9 =	sshll.u32 s5, $0x4;
	p0 =	slt.u32 s5, $0x3F8;
	[tilespmem:s10+$0x0] =	vst.add.f32.msk $0xffff, v1  }
0x528: {  	s10 =	sand.u32 $0x1C00, s4;
	s11 =	sshll.u32 s5, $0x1;
	s9 =	sand.u32 $0x2000, s9;
	[tilespmem:s8+$0x0] =	vst.add.f32.msk $0xffff, v3  }
0x529: {  	s8 =	sor.u32 s10, s9;
	s9 =	sand.u32 $0x380, s11;
	[tilespmem:s6+$0x0] =	vst.add.f32.msk $0xffff, v0  }
0x52a: {  	s11 =	sor.u32 s9, s8;
	[tilespmem:s7+$0x0] =	vst.add.f32.msk $0xffff, v2  }
0x52b: {  	s12 =	sor.u32 $0x14000, s11;
	s13 =	sor.u32 $0x14010, s11;
	s9 =	sor.u32 $0x14020, s11;
	v0 =	vld [tilespmem:s11+$0x4070]  }
0x52c: {  	s10 =	sor.u32 $0x14030, s11;
	s8 =	sor.u32 $0x14040, s11;
	s6 =	sor.u32 $0x14050, s11;
	v5 =	vld [tilespmem:s11+$0x4000]  }
0x52d: {  	s7 =	sor.u32 $0x14060, s11;
	v6 =	vld [tilespmem:s11+$0x4010]  }
0x52e: {  	v4 =	vld [tilespmem:s11+$0x4020]  }
0x52f: {  	s14 =	sor.u32 $0x14070, s11;
	v1 =	vld [tilespmem:s11+$0x4030]  }
0x530: {  	[tilespmem:s14+$0x0] =	vst.add.f32.msk $0xffff, v0  }
.Ltmp28:
0x531: {  	v3 =	vld [tilespmem:s11+$0x4040];
	(pc) =	sbr.rel @p0 .LBB2_58-.Ltmp28, $4  }
0x532: {  	v0 =	vld [tilespmem:s11+$0x4050]  }
0x533: {  	v2 =	vld [tilespmem:s11+$0x4060]  }
0x534: {  	[tilespmem:s12+$0x0] =	vst.add.f32.msk $0xffff, v5  }
0x535: {  	[tilespmem:s13+$0x0] =	vst.add.f32.msk $0xffff, v6  }
0x536: {  	[tilespmem:s9+$0x0] =	vst.add.f32.msk $0xffff, v4  }
0x537: {  	[tilespmem:s10+$0x0] =	vst.add.f32.msk $0xffff, v1  }
0x538: {  	[tilespmem:s8+$0x0] =	vst.add.f32.msk $0xffff, v3  }
0x539: {  	[tilespmem:s6+$0x0] =	vst.add.f32.msk $0xffff, v0  }
0x53a: {  	[tilespmem:s7+$0x0] =	vst.add.f32.msk $0xffff, v2  }
0x53b: {  	s5 =	sld [smem:$0x7F4];
	_ =	sdelay $0x1  }
0x53c: {  	s4 =	simm.s32 $0x0  }
0x53d: {  	[hbm4b:s5+s4] =	stream.linear.scatter [tilespmem:s18], [sflag:$0xB], $0x4000, $0x38;
	[tilespmem:$0x1C000] =	vst v63  }
0x53e: {  	_ =	swait.ge [sflag:s28], $0x4000  }
0x53f: {  	s10 =	sld [smem:$0x7F9]  }
0x540: {  	[sflag:s28] =	ssyncset.done $0x0  }
0x541: {  	s11 =	simm.s32 $0x0;
	s13 =	simm.s32 $0x0;
	[sflag:s28] =	ssyncadd.s32 $0xFFFFC000  }
0x542: {  	[tilespmem:s16], [sflag:$0x4] =	stream.linear.gather [hbm4b:s10+s4], $0x4000, $0x38;
	[tilespmem:$0x1C000] =	vst v63  }
0x543: {  	s12 =	sand.u32 $0x1C00, s4;
	s5 =	sand.u32 $0x2000, s11;
	_ =	swait.ge [sflag:s30], $0x4000  }
0x544: {  	s14 =	sand.u32 $0x380, s13;
	s5 =	sor.u32 s12, s5;
	[sflag:s30] =	ssyncset.done $0x0  }
0x545: {  	s7 =	sor.u32 s14, s5;
	[sflag:s30] =	ssyncadd.s32 $0xFFFFC000  }
0x546: {  	v0 =	vld [tilespmem:s7+$0x4070]  }
0x547: {  	v5 =	vld [tilespmem:s7+$0x4000]  }
0x548: {  	v6 =	vld [tilespmem:s7+$0x4010]  }
0x549: {  	v4 =	vld [tilespmem:s7+$0x4020]  }
0x54a: {  	v1 =	vld [tilespmem:s7+$0x4030]  }
0x54b: {  	v3 =	vld [tilespmem:s7+$0x4040]  }
0x54c: {  	s5 =	sor.u32 $0x18070, s7;
	v2 =	vld [tilespmem:s7+$0x4060]  }
0x54d: {  	[tilespmem:s5+$0x0] =	vst.add.f32.msk $0xffff, v0  }
0x54e: {  	s6 =	sor.u32 $0x18000, s7;
	s11 =	sor.u32 $0x18010, s7;
	v0 =	vld [tilespmem:s7+$0x4050]  }
0x54f: {  	s9 =	sor.u32 $0x18020, s7;
	s8 =	sor.u32 $0x18040, s7;
	s10 =	sor.u32 $0x18030, s7;
	[tilespmem:s6+$0x0] =	vst.add.f32.msk $0xffff, v5  }
0x550: {  	s5 =	simm.s32 $0x0;
	s6 =	sor.u32 $0x18050, s7;
	s7 =	sor.u32 $0x18060, s7;
	[tilespmem:s11+$0x0] =	vst.add.f32.msk $0xffff, v6  }
.LBB2_60:
0x551: {  	s5 =	sadd.s32 $0x8, s5;
	[tilespmem:s9+$0x0] =	vst.add.f32.msk $0xffff, v4  }
0x552: {  	s4 =	sadd.s32 $0x400, s4;
	s9 =	sshll.u32 s5, $0x4;
	p0 =	slt.u32 s5, $0x3F8;
	[tilespmem:s10+$0x0] =	vst.add.f32.msk $0xffff, v1  }
0x553: {  	s10 =	sand.u32 $0x1C00, s4;
	s11 =	sshll.u32 s5, $0x1;
	s9 =	sand.u32 $0x2000, s9;
	[tilespmem:s8+$0x0] =	vst.add.f32.msk $0xffff, v3  }
0x554: {  	s8 =	sor.u32 s10, s9;
	s9 =	sand.u32 $0x380, s11;
	[tilespmem:s6+$0x0] =	vst.add.f32.msk $0xffff, v0  }
0x555: {  	s11 =	sor.u32 s9, s8;
	[tilespmem:s7+$0x0] =	vst.add.f32.msk $0xffff, v2  }
0x556: {  	s12 =	sor.u32 $0x18000, s11;
	s13 =	sor.u32 $0x18010, s11;
	s9 =	sor.u32 $0x18020, s11;
	v0 =	vld [tilespmem:s11+$0x4070]  }
0x557: {  	s10 =	sor.u32 $0x18030, s11;
	s8 =	sor.u32 $0x18040, s11;
	s6 =	sor.u32 $0x18050, s11;
	v5 =	vld [tilespmem:s11+$0x4000]  }
0x558: {  	s7 =	sor.u32 $0x18060, s11;
	v6 =	vld [tilespmem:s11+$0x4010]  }
0x559: {  	v4 =	vld [tilespmem:s11+$0x4020]  }
0x55a: {  	s14 =	sor.u32 $0x18070, s11;
	v1 =	vld [tilespmem:s11+$0x4030]  }
0x55b: {  	[tilespmem:s14+$0x0] =	vst.add.f32.msk $0xffff, v0  }
.Ltmp29:
0x55c: {  	v3 =	vld [tilespmem:s11+$0x4040];
	(pc) =	sbr.rel @p0 .LBB2_60-.Ltmp29, $4  }
0x55d: {  	v0 =	vld [tilespmem:s11+$0x4050]  }
0x55e: {  	v2 =	vld [tilespmem:s11+$0x4060]  }
0x55f: {  	[tilespmem:s12+$0x0] =	vst.add.f32.msk $0xffff, v5  }
0x560: {  	[tilespmem:s13+$0x0] =	vst.add.f32.msk $0xffff, v6  }
0x561: {  	[tilespmem:s9+$0x0] =	vst.add.f32.msk $0xffff, v4  }
0x562: {  	[tilespmem:s10+$0x0] =	vst.add.f32.msk $0xffff, v1  }
0x563: {  	[tilespmem:s8+$0x0] =	vst.add.f32.msk $0xffff, v3  }
0x564: {  	[tilespmem:s6+$0x0] =	vst.add.f32.msk $0xffff, v0  }
0x565: {  	[tilespmem:s7+$0x0] =	vst.add.f32.msk $0xffff, v2  }
0x566: {  	s5 =	sld [smem:$0x7FA];
	_ =	sdelay $0x1  }
0x567: {  	s4 =	simm.s32 $0x0;
	s11 =	simm.s32 $0x0;
	s13 =	simm.s32 $0x0  }
0x568: {  	[hbm4b:s5+s4] =	stream.linear.scatter [tilespmem:s19], [sflag:$0xC], $0x4000, $0x38;
	[tilespmem:$0x1C000] =	vst v63  }
0x569: {  	s12 =	sand.u32 $0x1C00, s4;
	s5 =	sand.u32 $0x2000, s11;
	_ =	swait.ge [sflag:s22], $0x4000  }
0x56a: {  	s14 =	sand.u32 $0x380, s13;
	s5 =	sor.u32 s12, s5;
	[sflag:s22] =	ssyncset.done $0x0  }
0x56b: {  	s7 =	sor.u32 s14, s5;
	[sflag:s22] =	ssyncadd.s32 $0xFFFFC000  }
0x56c: {  	v0 =	vld [tilespmem:s7+$0x4070]  }
0x56d: {  	v5 =	vld [tilespmem:s7+$0x4000]  }
0x56e: {  	v6 =	vld [tilespmem:s7+$0x4010]  }
0x56f: {  	v4 =	vld [tilespmem:s7+$0x4020]  }
0x570: {  	v1 =	vld [tilespmem:s7+$0x4030]  }
0x571: {  	v3 =	vld [tilespmem:s7+$0x4040]  }
0x572: {  	s5 =	sor.u32 $0x8070, s7;
	v2 =	vld [tilespmem:s7+$0x4060]  }
0x573: {  	[tilespmem:s5+$0x0] =	vst.add.f32.msk $0xffff, v0  }
0x574: {  	s6 =	sor.u32 $0x8000, s7;
	s11 =	sor.u32 $0x8010, s7;
	v0 =	vld [tilespmem:s7+$0x4050]  }
0x575: {  	s9 =	sor.u32 $0x8020, s7;
	s10 =	sor.u32 $0x8030, s7;
	s8 =	sor.u32 $0x8040, s7;
	[tilespmem:s6+$0x0] =	vst.add.f32.msk $0xffff, v5  }
0x576: {  	s5 =	simm.s32 $0x0;
	s6 =	sor.u32 $0x8050, s7;
	s7 =	sor.u32 $0x8060, s7;
	[tilespmem:s11+$0x0] =	vst.add.f32.msk $0xffff, v6  }
.LBB2_62:
0x577: {  	s5 =	sadd.s32 $0x8, s5;
	[tilespmem:s9+$0x0] =	vst.add.f32.msk $0xffff, v4  }
0x578: {  	s4 =	sadd.s32 $0x400, s4;
	s9 =	sshll.u32 s5, $0x4;
	p0 =	slt.u32 s5, $0x3F8;
	[tilespmem:s10+$0x0] =	vst.add.f32.msk $0xffff, v1  }
0x579: {  	s10 =	sand.u32 $0x1C00, s4;
	s11 =	sshll.u32 s5, $0x1;
	s9 =	sand.u32 $0x2000, s9;
	[tilespmem:s8+$0x0] =	vst.add.f32.msk $0xffff, v3  }
0x57a: {  	s8 =	sor.u32 s10, s9;
	s9 =	sand.u32 $0x380, s11;
	[tilespmem:s6+$0x0] =	vst.add.f32.msk $0xffff, v0  }
0x57b: {  	s11 =	sor.u32 s9, s8;
	[tilespmem:s7+$0x0] =	vst.add.f32.msk $0xffff, v2  }
0x57c: {  	s12 =	sor.u32 $0x8000, s11;
	s13 =	sor.u32 $0x8010, s11;
	s9 =	sor.u32 $0x8020, s11;
	v0 =	vld [tilespmem:s11+$0x4070]  }
0x57d: {  	s10 =	sor.u32 $0x8030, s11;
	s8 =	sor.u32 $0x8040, s11;
	s6 =	sor.u32 $0x8050, s11;
	v5 =	vld [tilespmem:s11+$0x4000]  }
0x57e: {  	s7 =	sor.u32 $0x8060, s11;
	v6 =	vld [tilespmem:s11+$0x4010]  }
0x57f: {  	v4 =	vld [tilespmem:s11+$0x4020]  }
0x580: {  	s14 =	sor.u32 $0x8070, s11;
	v1 =	vld [tilespmem:s11+$0x4030]  }
0x581: {  	[tilespmem:s14+$0x0] =	vst.add.f32.msk $0xffff, v0  }
.Ltmp30:
0x582: {  	v3 =	vld [tilespmem:s11+$0x4040];
	(pc) =	sbr.rel @p0 .LBB2_62-.Ltmp30, $4  }
0x583: {  	v0 =	vld [tilespmem:s11+$0x4050]  }
0x584: {  	v2 =	vld [tilespmem:s11+$0x4060]  }
0x585: {  	[tilespmem:s12+$0x0] =	vst.add.f32.msk $0xffff, v5  }
0x586: {  	[tilespmem:s13+$0x0] =	vst.add.f32.msk $0xffff, v6  }
0x587: {  	[tilespmem:s9+$0x0] =	vst.add.f32.msk $0xffff, v4  }
0x588: {  	[tilespmem:s10+$0x0] =	vst.add.f32.msk $0xffff, v1  }
0x589: {  	[tilespmem:s8+$0x0] =	vst.add.f32.msk $0xffff, v3  }
0x58a: {  	[tilespmem:s6+$0x0] =	vst.add.f32.msk $0xffff, v0  }
0x58b: {  	[tilespmem:s7+$0x0] =	vst.add.f32.msk $0xffff, v2  }
0x58c: {  	s5 =	sld [smem:$0x7FB];
	_ =	sdelay $0x1  }
0x58d: {  	s4 =	simm.s32 $0x0;
	s11 =	simm.s32 $0x0;
	s13 =	simm.s32 $0x0  }
0x58e: {  	[hbm4b:s5+s4] =	stream.linear.scatter [tilespmem:s15], [sflag:$0x8], $0x4000, $0x38;
	[tilespmem:$0x1C000] =	vst v63  }
0x58f: {  	s12 =	sand.u32 $0x1C00, s4;
	s5 =	sand.u32 $0x2000, s11;
	_ =	swait.ge [sflag:s23], $0x4000  }
0x590: {  	s14 =	sand.u32 $0x380, s13;
	s5 =	sor.u32 s12, s5;
	[sflag:s23] =	ssyncset.done $0x0  }
0x591: {  	s7 =	sor.u32 s14, s5;
	[sflag:s23] =	ssyncadd.s32 $0xFFFFC000  }
0x592: {  	v0 =	vld [tilespmem:s7+$0x4070]  }
0x593: {  	v5 =	vld [tilespmem:s7+$0x4000]  }
0x594: {  	v6 =	vld [tilespmem:s7+$0x4010]  }
0x595: {  	v4 =	vld [tilespmem:s7+$0x4020]  }
0x596: {  	v1 =	vld [tilespmem:s7+$0x4030]  }
0x597: {  	v3 =	vld [tilespmem:s7+$0x4040]  }
0x598: {  	s5 =	sor.u32 $0xC070, s7;
	v2 =	vld [tilespmem:s7+$0x4060]  }
0x599: {  	[tilespmem:s5+$0x0] =	vst.add.f32.msk $0xffff, v0  }
0x59a: {  	s6 =	sor.u32 $0xC000, s7;
	s11 =	sor.u32 $0xC010, s7;
	v0 =	vld [tilespmem:s7+$0x4050]  }
0x59b: {  	s9 =	sor.u32 $0xC020, s7;
	s10 =	sor.u32 $0xC030, s7;
	s8 =	sor.u32 $0xC040, s7;
	[tilespmem:s6+$0x0] =	vst.add.f32.msk $0xffff, v5  }
0x59c: {  	s5 =	simm.s32 $0x0;
	s6 =	sor.u32 $0xC050, s7;
	s7 =	sor.u32 $0xC060, s7;
	[tilespmem:s11+$0x0] =	vst.add.f32.msk $0xffff, v6  }
.LBB2_64:
0x59d: {  	s5 =	sadd.s32 $0x8, s5;
	[tilespmem:s9+$0x0] =	vst.add.f32.msk $0xffff, v4  }
0x59e: {  	s4 =	sadd.s32 $0x400, s4;
	s9 =	sshll.u32 s5, $0x4;
	p0 =	slt.u32 s5, $0x3F8;
	[tilespmem:s10+$0x0] =	vst.add.f32.msk $0xffff, v1  }
0x59f: {  	s10 =	sand.u32 $0x1C00, s4;
	s11 =	sshll.u32 s5, $0x1;
	s9 =	sand.u32 $0x2000, s9;
	[tilespmem:s8+$0x0] =	vst.add.f32.msk $0xffff, v3  }
0x5a0: {  	s8 =	sor.u32 s10, s9;
	s9 =	sand.u32 $0x380, s11;
	[tilespmem:s6+$0x0] =	vst.add.f32.msk $0xffff, v0  }
0x5a1: {  	s11 =	sor.u32 s9, s8;
	[tilespmem:s7+$0x0] =	vst.add.f32.msk $0xffff, v2  }
0x5a2: {  	s12 =	sor.u32 $0xC000, s11;
	s13 =	sor.u32 $0xC010, s11;
	s9 =	sor.u32 $0xC020, s11;
	v0 =	vld [tilespmem:s11+$0x4070]  }
0x5a3: {  	s10 =	sor.u32 $0xC030, s11;
	s8 =	sor.u32 $0xC040, s11;
	s6 =	sor.u32 $0xC050, s11;
	v5 =	vld [tilespmem:s11+$0x4000]  }
0x5a4: {  	s7 =	sor.u32 $0xC060, s11;
	v6 =	vld [tilespmem:s11+$0x4010]  }
0x5a5: {  	v4 =	vld [tilespmem:s11+$0x4020]  }
0x5a6: {  	s14 =	sor.u32 $0xC070, s11;
	v1 =	vld [tilespmem:s11+$0x4030]  }
0x5a7: {  	[tilespmem:s14+$0x0] =	vst.add.f32.msk $0xffff, v0  }
.Ltmp31:
0x5a8: {  	v3 =	vld [tilespmem:s11+$0x4040];
	(pc) =	sbr.rel @p0 .LBB2_64-.Ltmp31, $4  }
0x5a9: {  	v0 =	vld [tilespmem:s11+$0x4050]  }
0x5aa: {  	v2 =	vld [tilespmem:s11+$0x4060]  }
0x5ab: {  	[tilespmem:s12+$0x0] =	vst.add.f32.msk $0xffff, v5  }
0x5ac: {  	[tilespmem:s13+$0x0] =	vst.add.f32.msk $0xffff, v6  }
0x5ad: {  	[tilespmem:s9+$0x0] =	vst.add.f32.msk $0xffff, v4  }
0x5ae: {  	[tilespmem:s10+$0x0] =	vst.add.f32.msk $0xffff, v1  }
0x5af: {  	[tilespmem:s8+$0x0] =	vst.add.f32.msk $0xffff, v3  }
0x5b0: {  	[tilespmem:s6+$0x0] =	vst.add.f32.msk $0xffff, v0  }
0x5b1: {  	[tilespmem:s7+$0x0] =	vst.add.f32.msk $0xffff, v2  }
0x5b2: {  	s4 =	sld [smem:$0x7FC];
	_ =	sdelay $0x2  }
0x5b3: {  	[hbm4b:s4+s1] =	stream.linear.scatter [tilespmem:s16], [sflag:$0x9], $0x4000, $0x38;
	[tilespmem:$0x1C000] =	vst v63  }
0x5b4: {  	_ =	swait.ge [sflag:s31], $0x4000  }
0x5b5: {  	[sflag:s31] =	ssyncset.done $0x0  }
0x5b6: {  	[sflag:s31] =	ssyncadd.s32 $0xFFFFC000  }
0x5b7: {  	_ =	swait.ge [sflag:s0], $0x4000  }
0x5b8: {  	[sflag:s0] =	ssyncset.done $0x0  }
0x5b9: {  	[sflag:s0] =	ssyncadd.s32 $0xFFFFC000  }
0x5ba: {  	_ =	swait.ge [sflag:s2], $0x4000  }
0x5bb: {  	[sflag:s2] =	ssyncset.done $0x0  }
0x5bc: {  	[sflag:s2] =	ssyncadd.s32 $0xFFFFC000  }
0x5bd: {  	_ =	swait.ge [sflag:s25], $0x4000  }
0x5be: {  	[sflag:s25] =	ssyncset.done $0x0  }
0x5bf: {  	[sflag:s25] =	ssyncadd.s32 $0xFFFFC000  }
0x5c0: {  	_ =	swait.ge [sflag:s28], $0x4000  }
0x5c1: {  	s14 =	sld [smem:$0x7FD];
	_ =	sdelay $0x1  }
0x5c2: {  	s3 =	sadd.s32 $0x1, s3  }
0x5c3: {  	p0 =	sne.s32 s3, s14  }
.Ltmp32:
0x5c4: {  	_ = 	snop;
	(pc) =	sbr.rel @p0 .LBB2_1-.Ltmp32, $3  }
0x5c5: {  	_ =	sdelay $0x1  }
0x5c6: {  	[sflag:s28] =	ssyncset.done $0x0  }
0x5c7: {  	[sflag:s28] =	ssyncadd.s32 $0xFFFFC000  }
0x5c8: {  	_ =	sfence.sel $0x180000  }
0x5c9: {  	[bflag:$0x0] =	sbarrier.arrive $0xFFFF  }
0x5ca: {  	_ =	strace $0x90000047  }
0x5cb: {  	s0 =	stileid.u32;
	[bflag:$0x2] =	sbarrier.arrive $0xFFFF  }
0x5cc: {  	p0 =	sne.s32 s0, $0x0;
	s0 =	rddreg [dreg:$0x3]  }
0x5cd: {  	s0 =	sadd.s32 @!p0 $0x100000, s0  }
0x5ce: {  	[sflag:s0] =	ssyncadd.tile.s32 @!p0 $0x1;
	_ =	shalt  }
.Lfunc_end2:
_tile_overlayer_lowered:
.L_overlay_start_2:
0x5cf: {  	(tag) =	ssettag $0x2  }
0x5d0: {  	s0 =	rddreg [dreg:$0x0];
	s2 =	stileid.u32  }
0x5d1: {  	s1 =	rddreg [dreg:$0x1];
	p0 =	sne.s32 s2, $0x0  }
0x5d2: {  	s3 =	rddreg [dreg:$0x2];
	[bflag:$0x3] =	sbarrier.arrive $0xFFFF;
	s2 =	simm.s32 @!p0 $0x1C0D  }
0x5d3: {  	[timem:s3], [sflag:s2] =	dma.local @!p0 [hbm:s0], s1  }
0x5d4: {  	s0 =	simm.s32 @!p0 $0xD  }
0x5d5: {  	_ =	swait.ge @!p0 [sflag:s0], s1  }
0x5d6: {  	s1 =	ssub.s32 @!p0 $0x0, s1;
	[sflag:s0] =	ssyncset.done @!p0 $0x0  }
0x5d7: {  	[sflag:s0] =	ssyncadd.s32 @!p0 s1  }
0x5d8: {  	[bflag:$0x3] =	sbarrier.arrive $0xFFFF  }
0x5d9: {  	_ =	shalt  }

</sc_bundles>
